<compile_context>
chip_gen: v7x
topology: tpu7x:2x2x1
jax: 0.10.2.dev20260603
libtpu: 0.0.44.dev20260713+nightly
codegen_flags: <defaults>
</compile_context>

<pallas_src>
import functools

import jax
import jax.numpy as jnp
from jax import lax
from jax.experimental import pallas as pl
from jax.experimental.pallas import tpu as pltpu
from jax.experimental.pallas import tpu_sc as plsc

BATCH = 16384
DIM = 32
LANES = 16
NUM_USERS = 100000
NUM_MOVIES = 1000000


def _make_main_call():
    info = plsc.get_sparse_core_info()
    nc, ns = info.num_cores, info.num_subcores
    b_per_s = BATCH // ns
    n_feat = DIM // nc
    mesh = plsc.VectorSubcoreMesh(core_axis_name="c", subcore_axis_name="s")

    BLK = 128
    M_BLOCKS = NUM_MOVIES // BLK
    M_T = (M_BLOCKS // ns + 1) * BLK
    M_CL = M_BLOCKS * BLK - M_T
    M_TAIL = M_BLOCKS * BLK
    U_BLOCKS = NUM_USERS // BLK
    U_T = (U_BLOCKS // ns + 1) * BLK
    U_CL = U_BLOCKS * BLK - U_T
    U_TAIL = U_BLOCKS * BLK

    @functools.partial(
        pl.kernel,
        mesh=mesh,
        compiler_params=pltpu.CompilerParams(needs_layout_passes=False),
        out_type=jax.ShapeDtypeStruct((nc, BATCH), jnp.float32),
        scratch_types=[
            pltpu.VMEM_SHARED((NUM_MOVIES,), jnp.float32),
            pltpu.VMEM_SHARED((NUM_USERS,), jnp.float32),
            pltpu.VMEM((b_per_s,), jnp.int32),
            pltpu.VMEM((b_per_s,), jnp.int32),
            pltpu.VMEM((b_per_s,), jnp.float32),
            pltpu.VMEM((b_per_s,), jnp.float32),
            pltpu.VMEM((b_per_s,), jnp.float32),
            pltpu.VMEM((DIM,), jnp.float32),
            pltpu.VMEM((4 * 8 * 64,), jnp.float32),
            pltpu.VMEM((4 * 8 * 32,), jnp.float32),
            pltpu.SemaphoreType.DMA,
            pltpu.SemaphoreType.DMA,
        ],
    )
    def main_call(uidx_hbm, midx_hbm, utab_hbm, mtab_hbm, mtail_hbm,
                  utail_hbm, w_hbm, out_hbm, spm_m, spm_u, uidx_v, midx_v,
                  gu_v, gm_v, acc_v, w_v, mtail_v, utail_v, ssem, gsem):
        c = lax.axis_index("c")
        s = lax.axis_index("s")
        base = s * b_per_s

        pltpu.sync_copy(uidx_hbm.at[pl.ds(base, b_per_s)], uidx_v)
        pltpu.sync_copy(midx_hbm.at[pl.ds(base, b_per_s)], midx_v)
        pltpu.sync_copy(w_hbm, w_v)
        pltpu.sync_copy(mtail_hbm, mtail_v)
        pltpu.sync_copy(utail_hbm, utail_v)

        for k in range(b_per_s // LANES):
            sl = pl.ds(k * LANES, LANES)
            acc_v[sl] = jnp.zeros((LANES,), jnp.float32)

        w_half = lax.select(c == 0, w_v[pl.ds(0, LANES)],
                            w_v[pl.ds(LANES, LANES)])

        m_off = jnp.minimum(s * M_T, M_CL)
        u_off = jnp.minimum(s * U_T, U_CL)

        def stage(q):
            blk, f = divmod(q, 8)
            msrc = mtab_hbm.at[c * 2 + blk, f]
            usrc = utab_hbm.at[c * 2 + blk, f]
            return [
                pltpu.async_copy(msrc.at[pl.ds(m_off, M_T)],
                                 spm_m.at[pl.ds(m_off, M_T)], ssem),
                pltpu.async_copy(usrc.at[pl.ds(u_off, U_T)],
                                 spm_u.at[pl.ds(u_off, U_T)], ssem),
                pltpu.async_copy(
                    mtail_v.at[pl.ds((c * 2 + blk) * 8 * 64 + f * 64, 64)],
                    spm_m.at[pl.ds(M_TAIL, 64)], ssem),
                pltpu.async_copy(
                    utail_v.at[pl.ds((c * 2 + blk) * 8 * 32 + f * 32, 32)],
                    spm_u.at[pl.ds(U_TAIL, 32)], ssem),
            ]

        pend = stage(0)
        for q in range(n_feat):
            for cp in pend:
                cp.wait()
            plsc.subcore_barrier()

            gcps = [pltpu.async_copy(spm_m.at[midx_v], gm_v, gsem),
                    pltpu.async_copy(spm_u.at[uidx_v], gu_v, gsem)]
            for cp in gcps:
                cp.wait()
            plsc.subcore_barrier()

            pend = stage(q + 1) if q + 1 < n_feat else []

            wd = w_half[q]

            def body(k, _):
                sl = pl.ds(k * LANES, LANES)
                acc_v[sl] = acc_v[sl] + gu_v[sl] * gm_v[sl] * wd
                return 0

            lax.fori_loop(0, b_per_s // LANES, body, 0)

        pltpu.sync_copy(acc_v, out_hbm.at[c, pl.ds(base, b_per_s)])

    return main_call


def _make_combine_call():
    info = plsc.get_sparse_core_info()
    num_workers = info.num_cores * info.num_subcores
    b_per_w = BATCH // num_workers
    mesh = plsc.VectorSubcoreMesh(core_axis_name="c", subcore_axis_name="s")

    @functools.partial(
        pl.kernel,
        mesh=mesh,
        compiler_params=pltpu.CompilerParams(needs_layout_passes=False),
        out_type=jax.ShapeDtypeStruct((BATCH,), jnp.float32),
        scratch_types=[
            pltpu.VMEM((b_per_w,), jnp.float32),
            pltpu.VMEM((b_per_w,), jnp.float32),
            pltpu.VMEM((b_per_w,), jnp.float32),
            pltpu.VMEM((LANES,), jnp.float32),
        ],
    )
    def combine_call(part_hbm, b_hbm, out_hbm, p0_v, p1_v, o_v, b_v):
        wid = lax.axis_index("s") * info.num_cores + lax.axis_index("c")
        base = wid * b_per_w
        pltpu.sync_copy(part_hbm.at[0, pl.ds(base, b_per_w)], p0_v)
        pltpu.sync_copy(part_hbm.at[1, pl.ds(base, b_per_w)], p1_v)
        pltpu.sync_copy(b_hbm, b_v)
        bias = b_v[pl.ds(0, LANES)]
        for k in range(b_per_w // LANES):
            sl = pl.ds(k * LANES, LANES)
            o_v[sl] = p0_v[sl] + p1_v[sl] + bias
        pltpu.sync_copy(o_v, out_hbm.at[pl.ds(base, b_per_w)])

    return combine_call


_MAIN_CALL = None
_COMBINE_CALL = None


def kernel(user_indices, movie_indices, user_table, movie_table, W, b):
    global _MAIN_CALL, _COMBINE_CALL
    if _MAIN_CALL is None:
        _MAIN_CALL = _make_main_call()
        _COMBINE_CALL = _make_combine_call()
    uidx = user_indices.astype(jnp.int32)
    midx = movie_indices.astype(jnp.int32)
    ut3 = user_table.T.reshape(4, 8, NUM_USERS)
    mt3 = movie_table.T.reshape(4, 8, NUM_MOVIES)
    mtail = mt3[:, :, 999936:].reshape(-1)
    utail = ut3[:, :, 99968:].reshape(-1)
    w_flat = W.reshape(DIM)
    b_vec = jnp.broadcast_to(b.reshape(()), (LANES,))
    parts = _MAIN_CALL(uidx, midx, ut3, mt3, mtail, utail, w_flat)
    out = _COMBINE_CALL(parts, b_vec)
    return out.reshape(BATCH, 1)

# --- scband reference (transcript-rebuilt; emitter-appended) ---
"""Pipeline reference for scband-gmf-28209345200381 (READ-ONLY COPY).

The authoritative reference and input builder live on the scoring server;
editing this copy changes nothing except your own understanding.
"""

import jax, jax.numpy as jnp
import numpy as np

NUM_USERS = 100000
NUM_MOVIES = 1000000
LATENT_DIM = 32
BATCH = 16384

def setup_inputs(seed: int = 0) -> dict:
    key = jax.random.key(seed)
    k1, k2, k3, k4, k5, k6 = jax.random.split(key, 6)
    user_indices = jax.random.randint(k1, (BATCH,), 0, NUM_USERS, dtype=jnp.int64) if jax.config.jax_enable_x64 else jax.random.randint(k1, (BATCH,), 0, NUM_USERS, dtype=jnp.int32)
    movie_indices = jax.random.randint(k2, (BATCH,), 0, NUM_MOVIES, dtype=jnp.int64) if jax.config.jax_enable_x64 else jax.random.randint(k2, (BATCH,), 0, NUM_MOVIES, dtype=jnp.int32)
    user_table = jax.random.normal(k3, (NUM_USERS, LATENT_DIM), dtype=jnp.float32)
    movie_table = jax.random.normal(k4, (NUM_MOVIES, LATENT_DIM), dtype=jnp.float32)
    W = jax.random.normal(k5, (LATENT_DIM, 1), dtype=jnp.float32) * (1.0 / np.sqrt(LATENT_DIM))
    b = jax.random.normal(k6, (1,), dtype=jnp.float32) * 0.01
    return {"user_indices": user_indices, "movie_indices": movie_indices, "user_table": user_table, "movie_table": movie_table, "W": W, "b": b}

def reference(user_indices, movie_indices, user_table, movie_table, W, b):
    user_embedding = jnp.take(user_table, user_indices, axis=0)
    movie_embedding = jnp.take(movie_table, movie_indices, axis=0)
    element_product = user_embedding * movie_embedding
    rating = element_product @ W + b
    return rating

if __name__ == "__main__":
    import jax
    _d = setup_inputs()
    print(jax.jit(kernel)(*tuple(_d.values())))

</pallas_src>

<mosaic_0001>
#map = affine_map<(d0, d1) -> (0)>
#map1 = affine_map<(d0, d1) -> (0, 0, 0)>
#map2 = affine_map<(d0, d1) -> (0, 0)>
module attributes {stable_mosaic.version = 14 : i64} {
  func.func @main_call(%arg0: i32, %arg1: i32, %arg2: memref<16384xi32, #tpu.memory_space<hbm>>, %arg3: memref<16384xi32, #tpu.memory_space<hbm>>, %arg4: memref<4x8x100000xf32, #tpu.memory_space<hbm>>, %arg5: memref<4x8x1000000xf32, #tpu.memory_space<hbm>>, %arg6: memref<2048xf32, #tpu.memory_space<hbm>>, %arg7: memref<1024xf32, #tpu.memory_space<hbm>>, %arg8: memref<32xf32, #tpu.memory_space<hbm>>, %arg9: memref<2x16384xf32, #tpu.memory_space<hbm>>, %arg10: memref<1000000xf32, #tpu.memory_space<vmem_shared>>, %arg11: memref<100000xf32, #tpu.memory_space<vmem_shared>>, %arg12: memref<1024xi32, #tpu.memory_space<vmem>>, %arg13: memref<1024xi32, #tpu.memory_space<vmem>>, %arg14: memref<1024xf32, #tpu.memory_space<vmem>>, %arg15: memref<1024xf32, #tpu.memory_space<vmem>>, %arg16: memref<1024xf32, #tpu.memory_space<vmem>>, %arg17: memref<32xf32, #tpu.memory_space<vmem>>, %arg18: memref<2048xf32, #tpu.memory_space<vmem>>, %arg19: memref<1024xf32, #tpu.memory_space<vmem>>, %arg20: memref<!tpu.dma_semaphore, #tpu.memory_space<semaphore_mem>>, %arg21: memref<!tpu.dma_semaphore, #tpu.memory_space<semaphore_mem>>) attributes {dimension_semantics = [#tpu.dimension_semantics<core_parallel>, #tpu.dimension_semantics<subcore_parallel>], iteration_bounds = array<i64: 2, 16>, scalar_prefetch = 0 : i64, scratch_operands = 12 : i64, tpu.core_type = #tpu.core_type<sc_vector_subcore>, window_params = [{transform_indices = #map}, {transform_indices = #map}, {transform_indices = #map1}, {transform_indices = #map1}, {transform_indices = #map}, {transform_indices = #map}, {transform_indices = #map}, {transform_indices = #map2}]} {
    %mul3A = arith.constant 1024 : i32
    %mul3A_0 = arith.muli %arg1, %mul3A : i32
    "tpu.region"() ({
      %run_scoped3A = tpu.sem_alloc : memref<!tpu.dma_semaphore, #tpu.memory_space<semaphore_mem>>
      %dma_start3A_1779 = tpu.memref_slice %arg2[%mul3A_0] : memref<16384xi32, #tpu.memory_space<hbm>> -> memref<1024xi32, #tpu.memory_space<hbm>>
      %dma_start3A_1780 = tpu.memref_slice %arg2[%mul3A_0] : memref<16384xi32, #tpu.memory_space<hbm>> -> memref<1024xi32, #tpu.memory_space<hbm>>
      tpu.enqueue_dma source(%dma_start3A_1780 : memref<1024xi32, #tpu.memory_space<hbm>>) target(%arg12 : memref<1024xi32, #tpu.memory_space<vmem>>) target_semaphore(%run_scoped3A : memref<!tpu.dma_semaphore, #tpu.memory_space<semaphore_mem>>)
      %dma_wait3A_1781 = tpu.memref_slice %arg2[%mul3A_0] : memref<16384xi32, #tpu.memory_space<hbm>> -> memref<1024xi32, #tpu.memory_space<hbm>>
      %dma_wait3A_1782 = tpu.memref_slice %arg2[%mul3A_0] : memref<16384xi32, #tpu.memory_space<hbm>> -> memref<1024xi32, #tpu.memory_space<hbm>>
      tpu.wait_dma2 semaphore(%run_scoped3A : memref<!tpu.dma_semaphore, #tpu.memory_space<semaphore_mem>>) src(%dma_wait3A_1782 : memref<1024xi32, #tpu.memory_space<hbm>>) dst(%arg12 : memref<1024xi32, #tpu.memory_space<vmem>>)
      tpu.yield
    }) : () -> ()
    "tpu.region"() ({
      %run_scoped3A = tpu.sem_alloc : memref<!tpu.dma_semaphore, #tpu.memory_space<semaphore_mem>>
      %dma_start3A_1779 = tpu.memref_slice %arg3[%mul3A_0] : memref<16384xi32, #tpu.memory_space<hbm>> -> memref<1024xi32, #tpu.memory_space<hbm>>
      %dma_start3A_1780 = tpu.memref_slice %arg3[%mul3A_0] : memref<16384xi32, #tpu.memory_space<hbm>> -> memref<1024xi32, #tpu.memory_space<hbm>>
      tpu.enqueue_dma source(%dma_start3A_1780 : memref<1024xi32, #tpu.memory_space<hbm>>) target(%arg13 : memref<1024xi32, #tpu.memory_space<vmem>>) target_semaphore(%run_scoped3A : memref<!tpu.dma_semaphore, #tpu.memory_space<semaphore_mem>>)
      %dma_wait3A_1781 = tpu.memref_slice %arg3[%mul3A_0] : memref<16384xi32, #tpu.memory_space<hbm>> -> memref<1024xi32, #tpu.memory_space<hbm>>
      %dma_wait3A_1782 = tpu.memref_slice %arg3[%mul3A_0] : memref<16384xi32, #tpu.memory_space<hbm>> -> memref<1024xi32, #tpu.memory_space<hbm>>
      tpu.wait_dma2 semaphore(%run_scoped3A : memref<!tpu.dma_semaphore, #tpu.memory_space<semaphore_mem>>) src(%dma_wait3A_1782 : memref<1024xi32, #tpu.memory_space<hbm>>) dst(%arg13 : memref<1024xi32, #tpu.memory_space<vmem>>)
      tpu.yield
    }) : () -> ()
    "tpu.region"() ({
      %run_scoped3A = tpu.sem_alloc : memref<!tpu.dma_semaphore, #tpu.memory_space<semaphore_mem>>
      tpu.enqueue_dma source(%arg8 : memref<32xf32, #tpu.memory_space<hbm>>) target(%arg17 : memref<32xf32, #tpu.memory_space<vmem>>) target_semaphore(%run_scoped3A : memref<!tpu.dma_semaphore, #tpu.memory_space<semaphore_mem>>)
      tpu.wait_dma2 semaphore(%run_scoped3A : memref<!tpu.dma_semaphore, #tpu.memory_space<semaphore_mem>>) src(%arg8 : memref<32xf32, #tpu.memory_space<hbm>>) dst(%arg17 : memref<32xf32, #tpu.memory_space<vmem>>)
      tpu.yield
    }) : () -> ()
    "tpu.region"() ({
      %run_scoped3A = tpu.sem_alloc : memref<!tpu.dma_semaphore, #tpu.memory_space<semaphore_mem>>
      tpu.enqueue_dma source(%arg6 : memref<2048xf32, #tpu.memory_space<hbm>>) target(%arg18 : memref<2048xf32, #tpu.memory_space<vmem>>) target_semaphore(%run_scoped3A : memref<!tpu.dma_semaphore, #tpu.memory_space<semaphore_mem>>)
      tpu.wait_dma2 semaphore(%run_scoped3A : memref<!tpu.dma_semaphore, #tpu.memory_space<semaphore_mem>>) src(%arg6 : memref<2048xf32, #tpu.memory_space<hbm>>) dst(%arg18 : memref<2048xf32, #tpu.memory_space<vmem>>)
      tpu.yield
    }) : () -> ()
    "tpu.region"() ({
      %run_scoped3A = tpu.sem_alloc : memref<!tpu.dma_semaphore, #tpu.memory_space<semaphore_mem>>
      tpu.enqueue_dma source(%arg7 : memref<1024xf32, #tpu.memory_space<hbm>>) target(%arg19 : memref<1024xf32, #tpu.memory_space<vmem>>) target_semaphore(%run_scoped3A : memref<!tpu.dma_semaphore, #tpu.memory_space<semaphore_mem>>)
      tpu.wait_dma2 semaphore(%run_scoped3A : memref<!tpu.dma_semaphore, #tpu.memory_space<semaphore_mem>>) src(%arg7 : memref<1024xf32, #tpu.memory_space<hbm>>) dst(%arg19 : memref<1024xf32, #tpu.memory_space<vmem>>)
      tpu.yield
    }) : () -> ()
    %broadcast_in_dim3A = arith.constant 0.000000e+00 : f32
    %broadcast_in_dim3A_1 = vector.broadcast %broadcast_in_dim3A : f32 to vector<16xf32>
    %swap3A = arith.constant 0 : index
    %swap3A_2 = tpu.vector_load %arg16[%swap3A] {strides = array<i32>} : memref<1024xf32, #tpu.memory_space<vmem>>, vector<16xf32>,
    tpu.vector_store %arg16[%swap3A], %broadcast_in_dim3A_1 {strides = array<i32>} : memref<1024xf32, #tpu.memory_space<vmem>>, vector<16xf32>,
    %broadcast_in_dim3A_3 = arith.constant 0.000000e+00 : f32
    %broadcast_in_dim3A_4 = vector.broadcast %broadcast_in_dim3A_3 : f32 to vector<16xf32>
    %swap3A_5 = arith.constant 16 : index
    %swap3A_6 = tpu.vector_load %arg16[%swap3A_5] {strides = array<i32>} : memref<1024xf32, #tpu.memory_space<vmem>>, vector<16xf32>,
    tpu.vector_store %arg16[%swap3A_5], %broadcast_in_dim3A_4 {strides = array<i32>} : memref<1024xf32, #tpu.memory_space<vmem>>, vector<16xf32>,
    %broadcast_in_dim3A_7 = arith.constant 0.000000e+00 : f32
    %broadcast_in_dim3A_8 = vector.broadcast %broadcast_in_dim3A_7 : f32 to vector<16xf32>
    %swap3A_9 = arith.constant 32 : index
    %swap3A_10 = tpu.vector_load %arg16[%swap3A_9] {strides = array<i32>} : memref<1024xf32, #tpu.memory_space<vmem>>, vector<16xf32>,
    tpu.vector_store %arg16[%swap3A_9], %broadcast_in_dim3A_8 {strides = array<i32>} : memref<1024xf32, #tpu.memory_space<vmem>>, vector<16xf32>,
    %broadcast_in_dim3A_11 = arith.constant 0.000000e+00 : f32
    %broadcast_in_dim3A_12 = vector.broadcast %broadcast_in_dim3A_11 : f32 to vector<16xf32>
    %swap3A_13 = arith.constant 48 : index
    %swap3A_14 = tpu.vector_load %arg16[%swap3A_13] {strides = array<i32>} : memref<1024xf32, #tpu.memory_space<vmem>>, vector<16xf32>,
    tpu.vector_store %arg16[%swap3A_13], %broadcast_in_dim3A_12 {strides = array<i32>} : memref<1024xf32, #tpu.memory_space<vmem>>, vector<16xf32>,
    %broadcast_in_dim3A_15 = arith.constant 0.000000e+00 : f32
    %broadcast_in_dim3A_16 = vector.broadcast %broadcast_in_dim3A_15 : f32 to vector<16xf32>
    %swap3A_17 = arith.constant 64 : index
    %swap3A_18 = tpu.vector_load %arg16[%swap3A_17] {strides = array<i32>} : memref<1024xf32, #tpu.memory_space<vmem>>, vector<16xf32>,
    tpu.vector_store %arg16[%swap3A_17], %broadcast_in_dim3A_16 {strides = array<i32>} : memref<1024xf32, #tpu.memory_space<vmem>>, vector<16xf32>,
    %broadcast_in_dim3A_19 = arith.constant 0.000000e+00 : f32
    %broadcast_in_dim3A_20 = vector.broadcast %broadcast_in_dim3A_19 : f32 to vector<16xf32>
    %swap3A_21 = arith.constant 80 : index
    %swap3A_22 = tpu.vector_load %arg16[%swap3A_21] {strides = array<i32>} : memref<1024xf32, #tpu.memory_space<vmem>>, vector<16xf32>,
    tpu.vector_store %arg16[%swap3A_21], %broadcast_in_dim3A_20 {strides = array<i32>} : memref<1024xf32, #tpu.memory_space<vmem>>, vector<16xf32>,
    %broadcast_in_dim3A_23 = arith.constant 0.000000e+00 : f32
    %broadcast_in_dim3A_24 = vector.broadcast %broadcast_in_dim3A_23 : f32 to vector<16xf32>
    %swap3A_25 = arith.constant 96 : index
    %swap3A_26 = tpu.vector_load %arg16[%swap3A_25] {strides = array<i32>} : memref<1024xf32, #tpu.memory_space<vmem>>, vector<16xf32>,
    tpu.vector_store %arg16[%swap3A_25], %broadcast_in_dim3A_24 {strides = array<i32>} : memref<1024xf32, #tpu.memory_space<vmem>>, vector<16xf32>,
    %broadcast_in_dim3A_27 = arith.constant 0.000000e+00 : f32
    %broadcast_in_dim3A_28 = vector.broadcast %broadcast_in_dim3A_27 : f32 to vector<16xf32>
    %swap3A_29 = arith.constant 112 : index
    %swap3A_30 = tpu.vector_load %arg16[%swap3A_29] {strides = array<i32>} : memref<1024xf32, #tpu.memory_space<vmem>>, vector<16xf32>,
    tpu.vector_store %arg16[%swap3A_29], %broadcast_in_dim3A_28 {strides = array<i32>} : memref<1024xf32, #tpu.memory_space<vmem>>, vector<16xf32>,
    %broadcast_in_dim3A_31 = arith.constant 0.000000e+00 : f32
    %broadcast_in_dim3A_32 = vector.broadcast %broadcast_in_dim3A_31 : f32 to vector<16xf32>
    %swap3A_33 = arith.constant 128 : index
    %swap3A_34 = tpu.vector_load %arg16[%swap3A_33] {strides = array<i32>} : memref<1024xf32, #tpu.memory_space<vmem>>, vector<16xf32>,
    tpu.vector_store %arg16[%swap3A_33], %broadcast_in_dim3A_32 {strides = array<i32>} : memref<1024xf32, #tpu.memory_space<vmem>>, vector<16xf32>,
    %broadcast_in_dim3A_35 = arith.constant 0.000000e+00 : f32
    %broadcast_in_dim3A_36 = vector.broadcast %broadcast_in_dim3A_35 : f32 to vector<16xf32>
    %swap3A_37 = arith.constant 144 : index
    %swap3A_38 = tpu.vector_load %arg16[%swap3A_37] {strides = array<i32>} : memref<1024xf32, #tpu.memory_space<vmem>>, vector<16xf32>,
    tpu.vector_store %arg16[%swap3A_37], %broadcast_in_dim3A_36 {strides = array<i32>} : memref<1024xf32, #tpu.memory_space<vmem>>, vector<16xf32>,
    %broadcast_in_dim3A_39 = arith.constant 0.000000e+00 : f32
    %broadcast_in_dim3A_40 = vector.broadcast %broadcast_in_dim3A_39 : f32 to vector<16xf32>
    %swap3A_41 = arith.constant 160 : index
    %swap3A_42 = tpu.vector_load %arg16[%swap3A_41] {strides = array<i32>} : memref<1024xf32, #tpu.memory_space<vmem>>, vector<16xf32>,
    tpu.vector_store %arg16[%swap3A_41], %broadcast_in_dim3A_40 {strides = array<i32>} : memref<1024xf32, #tpu.memory_space<vmem>>, vector<16xf32>,
    %broadcast_in_dim3A_43 = arith.constant 0.000000e+00 : f32
    %broadcast_in_dim3A_44 = vector.broadcast %broadcast_in_dim3A_43 : f32 to vector<16xf32>
    %swap3A_45 = arith.constant 176 : index
    %swap3A_46 = tpu.vector_load %arg16[%swap3A_45] {strides = array<i32>} : memref<1024xf32, #tpu.memory_space<vmem>>, vector<16xf32>,
    tpu.vector_store %arg16[%swap3A_45], %broadcast_in_dim3A_44 {strides = array<i32>} : memref<1024xf32, #tpu.memory_space<vmem>>, vector<16xf32>,
    %broadcast_in_dim3A_47 = arith.constant 0.000000e+00 : f32
    %broadcast_in_dim3A_48 = vector.broadcast %broadcast_in_dim3A_47 : f32 to vector<16xf32>
    %swap3A_49 = arith.constant 192 : index
    %swap3A_50 = tpu.vector_load %arg16[%swap3A_49] {strides = array<i32>} : memref<1024xf32, #tpu.memory_space<vmem>>, vector<16xf32>,
    tpu.vector_store %arg16[%swap3A_49], %broadcast_in_dim3A_48 {strides = array<i32>} : memref<1024xf32, #tpu.memory_space<vmem>>, vector<16xf32>,
    %broadcast_in_dim3A_51 = arith.constant 0.000000e+00 : f32
    %broadcast_in_dim3A_52 = vector.broadcast %broadcast_in_dim3A_51 : f32 to vector<16xf32>
    %swap3A_53 = arith.constant 208 : index
    %swap3A_54 = tpu.vector_load %arg16[%swap3A_53] {strides = array<i32>} : memref<1024xf32, #tpu.memory_space<vmem>>, vector<16xf32>,
    tpu.vector_store %arg16[%swap3A_53], %broadcast_in_dim3A_52 {strides = array<i32>} : memref<1024xf32, #tpu.memory_space<vmem>>, vector<16xf32>,
    %broadcast_in_dim3A_55 = arith.constant 0.000000e+00 : f32
    %broadcast_in_dim3A_56 = vector.broadcast %broadcast_in_dim3A_55 : f32 to vector<16xf32>
    %swap3A_57 = arith.constant 224 : index
    %swap3A_58 = tpu.vector_load %arg16[%swap3A_57] {strides = array<i32>} : memref<1024xf32, #tpu.memory_space<vmem>>, vector<16xf32>,
    tpu.vector_store %arg16[%swap3A_57], %broadcast_in_dim3A_56 {strides = array<i32>} : memref<1024xf32, #tpu.memory_space<vmem>>, vector<16xf32>,
    %broadcast_in_dim3A_59 = arith.constant 0.000000e+00 : f32
    %broadcast_in_dim3A_60 = vector.broadcast %broadcast_in_dim3A_59 : f32 to vector<16xf32>
    %swap3A_61 = arith.constant 240 : index
    %swap3A_62 = tpu.vector_load %arg16[%swap3A_61] {strides = array<i32>} : memref<1024xf32, #tpu.memory_space<vmem>>, vector<16xf32>,
    tpu.vector_store %arg16[%swap3A_61], %broadcast_in_dim3A_60 {strides = array<i32>} : memref<1024xf32, #tpu.memory_space<vmem>>, vector<16xf32>,
    %broadcast_in_dim3A_63 = arith.constant 0.000000e+00 : f32
    %broadcast_in_dim3A_64 = vector.broadcast %broadcast_in_dim3A_63 : f32 to vector<16xf32>
    %swap3A_65 = arith.constant 256 : index
    %swap3A_66 = tpu.vector_load %arg16[%swap3A_65] {strides = array<i32>} : memref<1024xf32, #tpu.memory_space<vmem>>, vector<16xf32>,
    tpu.vector_store %arg16[%swap3A_65], %broadcast_in_dim3A_64 {strides = array<i32>} : memref<1024xf32, #tpu.memory_space<vmem>>, vector<16xf32>,
    %broadcast_in_dim3A_67 = arith.constant 0.000000e+00 : f32
    %broadcast_in_dim3A_68 = vector.broadcast %broadcast_in_dim3A_67 : f32 to vector<16xf32>
    %swap3A_69 = arith.constant 272 : index
    %swap3A_70 = tpu.vector_load %arg16[%swap3A_69] {strides = array<i32>} : memref<1024xf32, #tpu.memory_space<vmem>>, vector<16xf32>,
    tpu.vector_store %arg16[%swap3A_69], %broadcast_in_dim3A_68 {strides = array<i32>} : memref<1024xf32, #tpu.memory_space<vmem>>, vector<16xf32>,
    %broadcast_in_dim3A_71 = arith.constant 0.000000e+00 : f32
    %broadcast_in_dim3A_72 = vector.broadcast %broadcast_in_dim3A_71 : f32 to vector<16xf32>
    %swap3A_73 = arith.constant 288 : index
    %swap3A_74 = tpu.vector_load %arg16[%swap3A_73] {strides = array<i32>} : memref<1024xf32, #tpu.memory_space<vmem>>, vector<16xf32>,
    tpu.vector_store %arg16[%swap3A_73], %broadcast_in_dim3A_72 {strides = array<i32>} : memref<1024xf32, #tpu.memory_space<vmem>>, vector<16xf32>,
    %broadcast_in_dim3A_75 = arith.constant 0.000000e+00 : f32
    %broadcast_in_dim3A_76 = vector.broadcast %broadcast_in_dim3A_75 : f32 to vector<16xf32>
    %swap3A_77 = arith.constant 304 : index
    %swap3A_78 = tpu.vector_load %arg16[%swap3A_77] {strides = array<i32>} : memref<1024xf32, #tpu.memory_space<vmem>>, vector<16xf32>,
    tpu.vector_store %arg16[%swap3A_77], %broadcast_in_dim3A_76 {strides = array<i32>} : memref<1024xf32, #tpu.memory_space<vmem>>, vector<16xf32>,
    %broadcast_in_dim3A_79 = arith.constant 0.000000e+00 : f32
    %broadcast_in_dim3A_80 = vector.broadcast %broadcast_in_dim3A_79 : f32 to vector<16xf32>
    %swap3A_81 = arith.constant 320 : index
    %swap3A_82 = tpu.vector_load %arg16[%swap3A_81] {strides = array<i32>} : memref<1024xf32, #tpu.memory_space<vmem>>, vector<16xf32>,
    tpu.vector_store %arg16[%swap3A_81], %broadcast_in_dim3A_80 {strides = array<i32>} : memref<1024xf32, #tpu.memory_space<vmem>>, vector<16xf32>,
    %broadcast_in_dim3A_83 = arith.constant 0.000000e+00 : f32
    %broadcast_in_dim3A_84 = vector.broadcast %broadcast_in_dim3A_83 : f32 to vector<16xf32>
    %swap3A_85 = arith.constant 336 : index
    %swap3A_86 = tpu.vector_load %arg16[%swap3A_85] {strides = array<i32>} : memref<1024xf32, #tpu.memory_space<vmem>>, vector<16xf32>,
    tpu.vector_store %arg16[%swap3A_85], %broadcast_in_dim3A_84 {strides = array<i32>} : memref<1024xf32, #tpu.memory_space<vmem>>, vector<16xf32>,
    %broadcast_in_dim3A_87 = arith.constant 0.000000e+00 : f32
    %broadcast_in_dim3A_88 = vector.broadcast %broadcast_in_dim3A_87 : f32 to vector<16xf32>
    %swap3A_89 = arith.constant 352 : index
    %swap3A_90 = tpu.vector_load %arg16[%swap3A_89] {strides = array<i32>} : memref<1024xf32, #tpu.memory_space<vmem>>, vector<16xf32>,
    tpu.vector_store %arg16[%swap3A_89], %broadcast_in_dim3A_88 {strides = array<i32>} : memref<1024xf32, #tpu.memory_space<vmem>>, vector<16xf32>,
    %broadcast_in_dim3A_91 = arith.constant 0.000000e+00 : f32
    %broadcast_in_dim3A_92 = vector.broadcast %broadcast_in_dim3A_91 : f32 to vector<16xf32>
    %swap3A_93 = arith.constant 368 : index
    %swap3A_94 = tpu.vector_load %arg16[%swap3A_93] {strides = array<i32>} : memref<1024xf32, #tpu.memory_space<vmem>>, vector<16xf32>,
    tpu.vector_store %arg16[%swap3A_93], %broadcast_in_dim3A_92 {strides = array<i32>} : memref<1024xf32, #tpu.memory_space<vmem>>, vector<16xf32>,
    %broadcast_in_dim3A_95 = arith.constant 0.000000e+00 : f32
    %broadcast_in_dim3A_96 = vector.broadcast %broadcast_in_dim3A_95 : f32 to vector<16xf32>
    %swap3A_97 = arith.constant 384 : index
    %swap3A_98 = tpu.vector_load %arg16[%swap3A_97] {strides = array<i32>} : memref<1024xf32, #tpu.memory_space<vmem>>, vector<16xf32>,
    tpu.vector_store %arg16[%swap3A_97], %broadcast_in_dim3A_96 {strides = array<i32>} : memref<1024xf32, #tpu.memory_space<vmem>>, vector<16xf32>,
    %broadcast_in_dim3A_99 = arith.constant 0.000000e+00 : f32
    %broadcast_in_dim3A_100 = vector.broadcast %broadcast_in_dim3A_99 : f32 to vector<16xf32>
    %swap3A_101 = arith.constant 400 : index
    %swap3A_102 = tpu.vector_load %arg16[%swap3A_101] {strides = array<i32>} : memref<1024xf32, #tpu.memory_space<vmem>>, vector<16xf32>,
    tpu.vector_store %arg16[%swap3A_101], %broadcast_in_dim3A_100 {strides = array<i32>} : memref<1024xf32, #tpu.memory_space<vmem>>, vector<16xf32>,
    %broadcast_in_dim3A_103 = arith.constant 0.000000e+00 : f32
    %broadcast_in_dim3A_104 = vector.broadcast %broadcast_in_dim3A_103 : f32 to vector<16xf32>
    %swap3A_105 = arith.constant 416 : index
    %swap3A_106 = tpu.vector_load %arg16[%swap3A_105] {strides = array<i32>} : memref<1024xf32, #tpu.memory_space<vmem>>, vector<16xf32>,
    tpu.vector_store %arg16[%swap3A_105], %broadcast_in_dim3A_104 {strides = array<i32>} : memref<1024xf32, #tpu.memory_space<vmem>>, vector<16xf32>,
    %broadcast_in_dim3A_107 = arith.constant 0.000000e+00 : f32
    %broadcast_in_dim3A_108 = vector.broadcast %broadcast_in_dim3A_107 : f32 to vector<16xf32>
    %swap3A_109 = arith.constant 432 : index
    %swap3A_110 = tpu.vector_load %arg16[%swap3A_109] {strides = array<i32>} : memref<1024xf32, #tpu.memory_space<vmem>>, vector<16xf32>,
    tpu.vector_store %arg16[%swap3A_109], %broadcast_in_dim3A_108 {strides = array<i32>} : memref<1024xf32, #tpu.memory_space<vmem>>, vector<16xf32>,
    %broadcast_in_dim3A_111 = arith.constant 0.000000e+00 : f32
    %broadcast_in_dim3A_112 = vector.broadcast %broadcast_in_dim3A_111 : f32 to vector<16xf32>
    %swap3A_113 = arith.constant 448 : index
    %swap3A_114 = tpu.vector_load %arg16[%swap3A_113] {strides = array<i32>} : memref<1024xf32, #tpu.memory_space<vmem>>, vector<16xf32>,
    tpu.vector_store %arg16[%swap3A_113], %broadcast_in_dim3A_112 {strides = array<i32>} : memref<1024xf32, #tpu.memory_space<vmem>>, vector<16xf32>,
    %broadcast_in_dim3A_115 = arith.constant 0.000000e+00 : f32
    %broadcast_in_dim3A_116 = vector.broadcast %broadcast_in_dim3A_115 : f32 to vector<16xf32>
    %swap3A_117 = arith.constant 464 : index
    %swap3A_118 = tpu.vector_load %arg16[%swap3A_117] {strides = array<i32>} : memref<1024xf32, #tpu.memory_space<vmem>>, vector<16xf32>,
    tpu.vector_store %arg16[%swap3A_117], %broadcast_in_dim3A_116 {strides = array<i32>} : memref<1024xf32, #tpu.memory_space<vmem>>, vector<16xf32>,
    %broadcast_in_dim3A_119 = arith.constant 0.000000e+00 : f32
    %broadcast_in_dim3A_120 = vector.broadcast %broadcast_in_dim3A_119 : f32 to vector<16xf32>
    %swap3A_121 = arith.constant 480 : index
    %swap3A_122 = tpu.vector_load %arg16[%swap3A_121] {strides = array<i32>} : memref<1024xf32, #tpu.memory_space<vmem>>, vector<16xf32>,
    tpu.vector_store %arg16[%swap3A_121], %broadcast_in_dim3A_120 {strides = array<i32>} : memref<1024xf32, #tpu.memory_space<vmem>>, vector<16xf32>,
    %broadcast_in_dim3A_123 = arith.constant 0.000000e+00 : f32
    %broadcast_in_dim3A_124 = vector.broadcast %broadcast_in_dim3A_123 : f32 to vector<16xf32>
    %swap3A_125 = arith.constant 496 : index
    %swap3A_126 = tpu.vector_load %arg16[%swap3A_125] {strides = array<i32>} : memref<1024xf32, #tpu.memory_space<vmem>>, vector<16xf32>,
    tpu.vector_store %arg16[%swap3A_125], %broadcast_in_dim3A_124 {strides = array<i32>} : memref<1024xf32, #tpu.memory_space<vmem>>, vector<16xf32>,
    %broadcast_in_dim3A_127 = arith.constant 0.000000e+00 : f32
    %broadcast_in_dim3A_128 = vector.broadcast %broadcast_in_dim3A_127 : f32 to vector<16xf32>
    %swap3A_129 = arith.constant 512 : index
    %swap3A_130 = tpu.vector_load %arg16[%swap3A_129] {strides = array<i32>} : memref<1024xf32, #tpu.memory_space<vmem>>, vector<16xf32>,
    tpu.vector_store %arg16[%swap3A_129], %broadcast_in_dim3A_128 {strides = array<i32>} : memref<1024xf32, #tpu.memory_space<vmem>>, vector<16xf32>,
    %broadcast_in_dim3A_131 = arith.constant 0.000000e+00 : f32
    %broadcast_in_dim3A_132 = vector.broadcast %broadcast_in_dim3A_131 : f32 to vector<16xf32>
    %swap3A_133 = arith.constant 528 : index
    %swap3A_134 = tpu.vector_load %arg16[%swap3A_133] {strides = array<i32>} : memref<1024xf32, #tpu.memory_space<vmem>>, vector<16xf32>,
    tpu.vector_store %arg16[%swap3A_133], %broadcast_in_dim3A_132 {strides = array<i32>} : memref<1024xf32, #tpu.memory_space<vmem>>, vector<16xf32>,
    %broadcast_in_dim3A_135 = arith.constant 0.000000e+00 : f32
    %broadcast_in_dim3A_136 = vector.broadcast %broadcast_in_dim3A_135 : f32 to vector<16xf32>
    %swap3A_137 = arith.constant 544 : index
    %swap3A_138 = tpu.vector_load %arg16[%swap3A_137] {strides = array<i32>} : memref<1024xf32, #tpu.memory_space<vmem>>, vector<16xf32>,
    tpu.vector_store %arg16[%swap3A_137], %broadcast_in_dim3A_136 {strides = array<i32>} : memref<1024xf32, #tpu.memory_space<vmem>>, vector<16xf32>,
    %broadcast_in_dim3A_139 = arith.constant 0.000000e+00 : f32
    %broadcast_in_dim3A_140 = vector.broadcast %broadcast_in_dim3A_139 : f32 to vector<16xf32>
    %swap3A_141 = arith.constant 560 : index
    %swap3A_142 = tpu.vector_load %arg16[%swap3A_141] {strides = array<i32>} : memref<1024xf32, #tpu.memory_space<vmem>>, vector<16xf32>,
    tpu.vector_store %arg16[%swap3A_141], %broadcast_in_dim3A_140 {strides = array<i32>} : memref<1024xf32, #tpu.memory_space<vmem>>, vector<16xf32>,
    %broadcast_in_dim3A_143 = arith.constant 0.000000e+00 : f32
    %broadcast_in_dim3A_144 = vector.broadcast %broadcast_in_dim3A_143 : f32 to vector<16xf32>
    %swap3A_145 = arith.constant 576 : index
    %swap3A_146 = tpu.vector_load %arg16[%swap3A_145] {strides = array<i32>} : memref<1024xf32, #tpu.memory_space<vmem>>, vector<16xf32>,
    tpu.vector_store %arg16[%swap3A_145], %broadcast_in_dim3A_144 {strides = array<i32>} : memref<1024xf32, #tpu.memory_space<vmem>>, vector<16xf32>,
    %broadcast_in_dim3A_147 = arith.constant 0.000000e+00 : f32
    %broadcast_in_dim3A_148 = vector.broadcast %broadcast_in_dim3A_147 : f32 to vector<16xf32>
    %swap3A_149 = arith.constant 592 : index
    %swap3A_150 = tpu.vector_load %arg16[%swap3A_149] {strides = array<i32>} : memref<1024xf32, #tpu.memory_space<vmem>>, vector<16xf32>,
    tpu.vector_store %arg16[%swap3A_149], %broadcast_in_dim3A_148 {strides = array<i32>} : memref<1024xf32, #tpu.memory_space<vmem>>, vector<16xf32>,
    %broadcast_in_dim3A_151 = arith.constant 0.000000e+00 : f32
    %broadcast_in_dim3A_152 = vector.broadcast %broadcast_in_dim3A_151 : f32 to vector<16xf32>
    %swap3A_153 = arith.constant 608 : index
    %swap3A_154 = tpu.vector_load %arg16[%swap3A_153] {strides = array<i32>} : memref<1024xf32, #tpu.memory_space<vmem>>, vector<16xf32>,
    tpu.vector_store %arg16[%swap3A_153], %broadcast_in_dim3A_152 {strides = array<i32>} : memref<1024xf32, #tpu.memory_space<vmem>>, vector<16xf32>,
    %broadcast_in_dim3A_155 = arith.constant 0.000000e+00 : f32
    %broadcast_in_dim3A_156 = vector.broadcast %broadcast_in_dim3A_155 : f32 to vector<16xf32>
    %swap3A_157 = arith.constant 624 : index
    %swap3A_158 = tpu.vector_load %arg16[%swap3A_157] {strides = array<i32>} : memref<1024xf32, #tpu.memory_space<vmem>>, vector<16xf32>,
    tpu.vector_store %arg16[%swap3A_157], %broadcast_in_dim3A_156 {strides = array<i32>} : memref<1024xf32, #tpu.memory_space<vmem>>, vector<16xf32>,
    %broadcast_in_dim3A_159 = arith.constant 0.000000e+00 : f32
    %broadcast_in_dim3A_160 = vector.broadcast %broadcast_in_dim3A_159 : f32 to vector<16xf32>
    %swap3A_161 = arith.constant 640 : index
    %swap3A_162 = tpu.vector_load %arg16[%swap3A_161] {strides = array<i32>} : memref<1024xf32, #tpu.memory_space<vmem>>, vector<16xf32>,
    tpu.vector_store %arg16[%swap3A_161], %broadcast_in_dim3A_160 {strides = array<i32>} : memref<1024xf32, #tpu.memory_space<vmem>>, vector<16xf32>,
    %broadcast_in_dim3A_163 = arith.constant 0.000000e+00 : f32
    %broadcast_in_dim3A_164 = vector.broadcast %broadcast_in_dim3A_163 : f32 to vector<16xf32>
    %swap3A_165 = arith.constant 656 : index
    %swap3A_166 = tpu.vector_load %arg16[%swap3A_165] {strides = array<i32>} : memref<1024xf32, #tpu.memory_space<vmem>>, vector<16xf32>,
    tpu.vector_store %arg16[%swap3A_165], %broadcast_in_dim3A_164 {strides = array<i32>} : memref<1024xf32, #tpu.memory_space<vmem>>, vector<16xf32>,
    %broadcast_in_dim3A_167 = arith.constant 0.000000e+00 : f32
    %broadcast_in_dim3A_168 = vector.broadcast %broadcast_in_dim3A_167 : f32 to vector<16xf32>
    %swap3A_169 = arith.constant 672 : index
    %swap3A_170 = tpu.vector_load %arg16[%swap3A_169] {strides = array<i32>} : memref<1024xf32, #tpu.memory_space<vmem>>, vector<16xf32>,
    tpu.vector_store %arg16[%swap3A_169], %broadcast_in_dim3A_168 {strides = array<i32>} : memref<1024xf32, #tpu.memory_space<vmem>>, vector<16xf32>,
    %broadcast_in_dim3A_171 = arith.constant 0.000000e+00 : f32
    %broadcast_in_dim3A_172 = vector.broadcast %broadcast_in_dim3A_171 : f32 to vector<16xf32>
    %swap3A_173 = arith.constant 688 : index
    %swap3A_174 = tpu.vector_load %arg16[%swap3A_173] {strides = array<i32>} : memref<1024xf32, #tpu.memory_space<vmem>>, vector<16xf32>,
    tpu.vector_store %arg16[%swap3A_173], %broadcast_in_dim3A_172 {strides = array<i32>} : memref<1024xf32, #tpu.memory_space<vmem>>, vector<16xf32>,
    %broadcast_in_dim3A_175 = arith.constant 0.000000e+00 : f32
    %broadcast_in_dim3A_176 = vector.broadcast %broadcast_in_dim3A_175 : f32 to vector<16xf32>
    %swap3A_177 = arith.constant 704 : index
    %swap3A_178 = tpu.vector_load %arg16[%swap3A_177] {strides = array<i32>} : memref<1024xf32, #tpu.memory_space<vmem>>, vector<16xf32>,
    tpu.vector_store %arg16[%swap3A_177], %broadcast_in_dim3A_176 {strides = array<i32>} : memref<1024xf32, #tpu.memory_space<vmem>>, vector<16xf32>,
    %broadcast_in_dim3A_179 = arith.constant 0.000000e+00 : f32
    %broadcast_in_dim3A_180 = vector.broadcast %broadcast_in_dim3A_179 : f32 to vector<16xf32>
    %swap3A_181 = arith.constant 720 : index
    %swap3A_182 = tpu.vector_load %arg16[%swap3A_181] {strides = array<i32>} : memref<1024xf32, #tpu.memory_space<vmem>>, vector<16xf32>,
    tpu.vector_store %arg16[%swap3A_181], %broadcast_in_dim3A_180 {strides = array<i32>} : memref<1024xf32, #tpu.memory_space<vmem>>, vector<16xf32>,
    %broadcast_in_dim3A_183 = arith.constant 0.000000e+00 : f32
    %broadcast_in_dim3A_184 = vector.broadcast %broadcast_in_dim3A_183 : f32 to vector<16xf32>
    %swap3A_185 = arith.constant 736 : index
    %swap3A_186 = tpu.vector_load %arg16[%swap3A_185] {strides = array<i32>} : memref<1024xf32, #tpu.memory_space<vmem>>, vector<16xf32>,
    tpu.vector_store %arg16[%swap3A_185], %broadcast_in_dim3A_184 {strides = array<i32>} : memref<1024xf32, #tpu.memory_space<vmem>>, vector<16xf32>,
    %broadcast_in_dim3A_187 = arith.constant 0.000000e+00 : f32
    %broadcast_in_dim3A_188 = vector.broadcast %broadcast_in_dim3A_187 : f32 to vector<16xf32>
    %swap3A_189 = arith.constant 752 : index
    %swap3A_190 = tpu.vector_load %arg16[%swap3A_189] {strides = array<i32>} : memref<1024xf32, #tpu.memory_space<vmem>>, vector<16xf32>,
    tpu.vector_store %arg16[%swap3A_189], %broadcast_in_dim3A_188 {strides = array<i32>} : memref<1024xf32, #tpu.memory_space<vmem>>, vector<16xf32>,
    %broadcast_in_dim3A_191 = arith.constant 0.000000e+00 : f32
    %broadcast_in_dim3A_192 = vector.broadcast %broadcast_in_dim3A_191 : f32 to vector<16xf32>
    %swap3A_193 = arith.constant 768 : index
    %swap3A_194 = tpu.vector_load %arg16[%swap3A_193] {strides = array<i32>} : memref<1024xf32, #tpu.memory_space<vmem>>, vector<16xf32>,
    tpu.vector_store %arg16[%swap3A_193], %broadcast_in_dim3A_192 {strides = array<i32>} : memref<1024xf32, #tpu.memory_space<vmem>>, vector<16xf32>,
    %broadcast_in_dim3A_195 = arith.constant 0.000000e+00 : f32
    %broadcast_in_dim3A_196 = vector.broadcast %broadcast_in_dim3A_195 : f32 to vector<16xf32>
    %swap3A_197 = arith.constant 784 : index
    %swap3A_198 = tpu.vector_load %arg16[%swap3A_197] {strides = array<i32>} : memref<1024xf32, #tpu.memory_space<vmem>>, vector<16xf32>,
    tpu.vector_store %arg16[%swap3A_197], %broadcast_in_dim3A_196 {strides = array<i32>} : memref<1024xf32, #tpu.memory_space<vmem>>, vector<16xf32>,
    %broadcast_in_dim3A_199 = arith.constant 0.000000e+00 : f32
    %broadcast_in_dim3A_200 = vector.broadcast %broadcast_in_dim3A_199 : f32 to vector<16xf32>
    %swap3A_201 = arith.constant 800 : index
    %swap3A_202 = tpu.vector_load %arg16[%swap3A_201] {strides = array<i32>} : memref<1024xf32, #tpu.memory_space<vmem>>, vector<16xf32>,
    tpu.vector_store %arg16[%swap3A_201], %broadcast_in_dim3A_200 {strides = array<i32>} : memref<1024xf32, #tpu.memory_space<vmem>>, vector<16xf32>,
    %broadcast_in_dim3A_203 = arith.constant 0.000000e+00 : f32
    %broadcast_in_dim3A_204 = vector.broadcast %broadcast_in_dim3A_203 : f32 to vector<16xf32>
    %swap3A_205 = arith.constant 816 : index
    %swap3A_206 = tpu.vector_load %arg16[%swap3A_205] {strides = array<i32>} : memref<1024xf32, #tpu.memory_space<vmem>>, vector<16xf32>,
    tpu.vector_store %arg16[%swap3A_205], %broadcast_in_dim3A_204 {strides = array<i32>} : memref<1024xf32, #tpu.memory_space<vmem>>, vector<16xf32>,
    %broadcast_in_dim3A_207 = arith.constant 0.000000e+00 : f32
    %broadcast_in_dim3A_208 = vector.broadcast %broadcast_in_dim3A_207 : f32 to vector<16xf32>
    %swap3A_209 = arith.constant 832 : index
    %swap3A_210 = tpu.vector_load %arg16[%swap3A_209] {strides = array<i32>} : memref<1024xf32, #tpu.memory_space<vmem>>, vector<16xf32>,
    tpu.vector_store %arg16[%swap3A_209], %broadcast_in_dim3A_208 {strides = array<i32>} : memref<1024xf32, #tpu.memory_space<vmem>>, vector<16xf32>,
    %broadcast_in_dim3A_211 = arith.constant 0.000000e+00 : f32
    %broadcast_in_dim3A_212 = vector.broadcast %broadcast_in_dim3A_211 : f32 to vector<16xf32>
    %swap3A_213 = arith.constant 848 : index
    %swap3A_214 = tpu.vector_load %arg16[%swap3A_213] {strides = array<i32>} : memref<1024xf32, #tpu.memory_space<vmem>>, vector<16xf32>,
    tpu.vector_store %arg16[%swap3A_213], %broadcast_in_dim3A_212 {strides = array<i32>} : memref<1024xf32, #tpu.memory_space<vmem>>, vector<16xf32>,
    %broadcast_in_dim3A_215 = arith.constant 0.000000e+00 : f32
    %broadcast_in_dim3A_216 = vector.broadcast %broadcast_in_dim3A_215 : f32 to vector<16xf32>
    %swap3A_217 = arith.constant 864 : index
    %swap3A_218 = tpu.vector_load %arg16[%swap3A_217] {strides = array<i32>} : memref<1024xf32, #tpu.memory_space<vmem>>, vector<16xf32>,
    tpu.vector_store %arg16[%swap3A_217], %broadcast_in_dim3A_216 {strides = array<i32>} : memref<1024xf32, #tpu.memory_space<vmem>>, vector<16xf32>,
    %broadcast_in_dim3A_219 = arith.constant 0.000000e+00 : f32
    %broadcast_in_dim3A_220 = vector.broadcast %broadcast_in_dim3A_219 : f32 to vector<16xf32>
    %swap3A_221 = arith.constant 880 : index
    %swap3A_222 = tpu.vector_load %arg16[%swap3A_221] {strides = array<i32>} : memref<1024xf32, #tpu.memory_space<vmem>>, vector<16xf32>,
    tpu.vector_store %arg16[%swap3A_221], %broadcast_in_dim3A_220 {strides = array<i32>} : memref<1024xf32, #tpu.memory_space<vmem>>, vector<16xf32>,
    %broadcast_in_dim3A_223 = arith.constant 0.000000e+00 : f32
    %broadcast_in_dim3A_224 = vector.broadcast %broadcast_in_dim3A_223 : f32 to vector<16xf32>
    %swap3A_225 = arith.constant 896 : index
    %swap3A_226 = tpu.vector_load %arg16[%swap3A_225] {strides = array<i32>} : memref<1024xf32, #tpu.memory_space<vmem>>, vector<16xf32>,
    tpu.vector_store %arg16[%swap3A_225], %broadcast_in_dim3A_224 {strides = array<i32>} : memref<1024xf32, #tpu.memory_space<vmem>>, vector<16xf32>,
    %broadcast_in_dim3A_227 = arith.constant 0.000000e+00 : f32
    %broadcast_in_dim3A_228 = vector.broadcast %broadcast_in_dim3A_227 : f32 to vector<16xf32>
    %swap3A_229 = arith.constant 912 : index
    %swap3A_230 = tpu.vector_load %arg16[%swap3A_229] {strides = array<i32>} : memref<1024xf32, #tpu.memory_space<vmem>>, vector<16xf32>,
    tpu.vector_store %arg16[%swap3A_229], %broadcast_in_dim3A_228 {strides = array<i32>} : memref<1024xf32, #tpu.memory_space<vmem>>, vector<16xf32>,
    %broadcast_in_dim3A_231 = arith.constant 0.000000e+00 : f32
    %broadcast_in_dim3A_232 = vector.broadcast %broadcast_in_dim3A_231 : f32 to vector<16xf32>
    %swap3A_233 = arith.constant 928 : index
    %swap3A_234 = tpu.vector_load %arg16[%swap3A_233] {strides = array<i32>} : memref<1024xf32, #tpu.memory_space<vmem>>, vector<16xf32>,
    tpu.vector_store %arg16[%swap3A_233], %broadcast_in_dim3A_232 {strides = array<i32>} : memref<1024xf32, #tpu.memory_space<vmem>>, vector<16xf32>,
    %broadcast_in_dim3A_235 = arith.constant 0.000000e+00 : f32
    %broadcast_in_dim3A_236 = vector.broadcast %broadcast_in_dim3A_235 : f32 to vector<16xf32>
    %swap3A_237 = arith.constant 944 : index
    %swap3A_238 = tpu.vector_load %arg16[%swap3A_237] {strides = array<i32>} : memref<1024xf32, #tpu.memory_space<vmem>>, vector<16xf32>,
    tpu.vector_store %arg16[%swap3A_237], %broadcast_in_dim3A_236 {strides = array<i32>} : memref<1024xf32, #tpu.memory_space<vmem>>, vector<16xf32>,
    %broadcast_in_dim3A_239 = arith.constant 0.000000e+00 : f32
    %broadcast_in_dim3A_240 = vector.broadcast %broadcast_in_dim3A_239 : f32 to vector<16xf32>
    %swap3A_241 = arith.constant 960 : index
    %swap3A_242 = tpu.vector_load %arg16[%swap3A_241] {strides = array<i32>} : memref<1024xf32, #tpu.memory_space<vmem>>, vector<16xf32>,
    tpu.vector_store %arg16[%swap3A_241], %broadcast_in_dim3A_240 {strides = array<i32>} : memref<1024xf32, #tpu.memory_space<vmem>>, vector<16xf32>,
    %broadcast_in_dim3A_243 = arith.constant 0.000000e+00 : f32
    %broadcast_in_dim3A_244 = vector.broadcast %broadcast_in_dim3A_243 : f32 to vector<16xf32>
    %swap3A_245 = arith.constant 976 : index
    %swap3A_246 = tpu.vector_load %arg16[%swap3A_245] {strides = array<i32>} : memref<1024xf32, #tpu.memory_space<vmem>>, vector<16xf32>,
    tpu.vector_store %arg16[%swap3A_245], %broadcast_in_dim3A_244 {strides = array<i32>} : memref<1024xf32, #tpu.memory_space<vmem>>, vector<16xf32>,
    %broadcast_in_dim3A_247 = arith.constant 0.000000e+00 : f32
    %broadcast_in_dim3A_248 = vector.broadcast %broadcast_in_dim3A_247 : f32 to vector<16xf32>
    %swap3A_249 = arith.constant 992 : index
    %swap3A_250 = tpu.vector_load %arg16[%swap3A_249] {strides = array<i32>} : memref<1024xf32, #tpu.memory_space<vmem>>, vector<16xf32>,
    tpu.vector_store %arg16[%swap3A_249], %broadcast_in_dim3A_248 {strides = array<i32>} : memref<1024xf32, #tpu.memory_space<vmem>>, vector<16xf32>,
    %broadcast_in_dim3A_251 = arith.constant 0.000000e+00 : f32
    %broadcast_in_dim3A_252 = vector.broadcast %broadcast_in_dim3A_251 : f32 to vector<16xf32>
    %swap3A_253 = arith.constant 1008 : index
    %swap3A_254 = tpu.vector_load %arg16[%swap3A_253] {strides = array<i32>} : memref<1024xf32, #tpu.memory_space<vmem>>, vector<16xf32>,
    tpu.vector_store %arg16[%swap3A_253], %broadcast_in_dim3A_252 {strides = array<i32>} : memref<1024xf32, #tpu.memory_space<vmem>>, vector<16xf32>,
    %eq3A = arith.constant 0 : i32
    %eq3A_255 = arith.cmpi eq, %arg0, %eq3A : i32
    %get3A = arith.constant 0 : index
    %get3A_256 = tpu.vector_load %arg17[%get3A] {strides = array<i32>} : memref<32xf32, #tpu.memory_space<vmem>>, vector<16xf32>,
    %get3A_257 = arith.constant 16 : index
    %get3A_258 = tpu.vector_load %arg17[%get3A_257] {strides = array<i32>} : memref<32xf32, #tpu.memory_space<vmem>>, vector<16xf32>,
    %select_n3A = arith.select %eq3A_255, %get3A_256, %get3A_258 : vector<16xf32>
    %mul3A_259 = arith.constant 62592 : i32
    %mul3A_260 = arith.muli %arg1, %mul3A_259 : i32
    %min3A = arith.constant 937344 : i32
    %min3A_261 = arith.minsi %mul3A_260, %min3A : i32
    %mul3A_262 = arith.constant 6272 : i32
    %mul3A_263 = arith.muli %arg1, %mul3A_262 : i32
    %min3A_264 = arith.constant 93696 : i32
    %min3A_265 = arith.minsi %mul3A_263, %min3A_264 : i32
    %mul3A_266 = arith.constant 2 : i32
    %mul3A_267 = arith.muli %arg0, %mul3A_266 : i32
    %add3A = arith.constant 0 : i32
    %add3A_268 = arith.addi %mul3A_267, %add3A : i32
    %mul3A_269 = arith.constant 2 : i32
    %mul3A_270 = arith.muli %arg0, %mul3A_269 : i32
    %add3A_271 = arith.constant 0 : i32
    %add3A_272 = arith.addi %mul3A_270, %add3A_271 : i32
    %dma_start3A = arith.constant 0 : i32
    %dma_start3A_273 = tpu.memref_slice %arg10[%min3A_261] : memref<1000000xf32, #tpu.memory_space<vmem_shared>> -> memref<62592xf32, #tpu.memory_space<vmem_shared>>
    %dma_start3A_274 = arith.constant 0 : i32
    %dma_start3A_275 = tpu.memref_slice %arg5[%add3A_268, %dma_start3A, %dma_start3A_274] : memref<4x8x1000000xf32, #tpu.memory_space<hbm>> -> memref<1x1x1000000xf32, #tpu.memory_space<hbm>>
    %dma_start3A_276 = tpu.memref_squeeze %dma_start3A_275 : memref<1x1x1000000xf32, #tpu.memory_space<hbm>> -> memref<1000000xf32, #tpu.memory_space<hbm>>
    %dma_start3A_277 = tpu.memref_slice %dma_start3A_276[%min3A_261] : memref<1000000xf32, #tpu.memory_space<hbm>> -> memref<62592xf32, #tpu.memory_space<hbm>>
    tpu.enqueue_dma source(%dma_start3A_277 : memref<62592xf32, #tpu.memory_space<hbm>>) target(%dma_start3A_273 : memref<62592xf32, #tpu.memory_space<vmem_shared>>) target_semaphore(%arg20 : memref<!tpu.dma_semaphore, #tpu.memory_space<semaphore_mem>>)
    %dma_start3A_278 = arith.constant 0 : i32
    %dma_start3A_279 = tpu.memref_slice %arg11[%min3A_265] : memref<100000xf32, #tpu.memory_space<vmem_shared>> -> memref<6272xf32, #tpu.memory_space<vmem_shared>>
    %dma_start3A_280 = arith.constant 0 : i32
    %dma_start3A_281 = tpu.memref_slice %arg4[%add3A_272, %dma_start3A_278, %dma_start3A_280] : memref<4x8x100000xf32, #tpu.memory_space<hbm>> -> memref<1x1x100000xf32, #tpu.memory_space<hbm>>
    %dma_start3A_282 = tpu.memref_squeeze %dma_start3A_281 : memref<1x1x100000xf32, #tpu.memory_space<hbm>> -> memref<100000xf32, #tpu.memory_space<hbm>>
    %dma_start3A_283 = tpu.memref_slice %dma_start3A_282[%min3A_265] : memref<100000xf32, #tpu.memory_space<hbm>> -> memref<6272xf32, #tpu.memory_space<hbm>>
    tpu.enqueue_dma source(%dma_start3A_283 : memref<6272xf32, #tpu.memory_space<hbm>>) target(%dma_start3A_279 : memref<6272xf32, #tpu.memory_space<vmem_shared>>) target_semaphore(%arg20 : memref<!tpu.dma_semaphore, #tpu.memory_space<semaphore_mem>>)
    %mul3A_284 = arith.constant 2 : i32
    %mul3A_285 = arith.muli %arg0, %mul3A_284 : i32
    %add3A_286 = arith.constant 0 : i32
    %add3A_287 = arith.addi %mul3A_285, %add3A_286 : i32
    %mul3A_288 = arith.constant 8 : i32
    %mul3A_289 = arith.muli %add3A_287, %mul3A_288 : i32
    %mul3A_290 = arith.constant 64 : i32
    %mul3A_291 = arith.muli %mul3A_289, %mul3A_290 : i32
    %add3A_292 = arith.constant 0 : i32
    %add3A_293 = arith.addi %mul3A_291, %add3A_292 : i32
    %dma_start3A_294 = tpu.memref_slice %arg18[%add3A_293] : memref<2048xf32, #tpu.memory_space<vmem>> -> memref<64xf32, #tpu.memory_space<vmem>>
    %dma_start3A_295 = arith.constant 999936 : i32
    %dma_start3A_296 = tpu.memref_slice %arg10[%dma_start3A_295] : memref<1000000xf32, #tpu.memory_space<vmem_shared>> -> memref<64xf32, #tpu.memory_space<vmem_shared>>
    %dma_start3A_297 = arith.constant 999936 : i32
    %dma_start3A_298 = tpu.memref_slice %arg10[%dma_start3A_297] : memref<1000000xf32, #tpu.memory_space<vmem_shared>> -> memref<64xf32, #tpu.memory_space<vmem_shared>>
    %dma_start3A_299 = tpu.memref_slice %arg18[%add3A_293] : memref<2048xf32, #tpu.memory_space<vmem>> -> memref<64xf32, #tpu.memory_space<vmem>>
    tpu.enqueue_dma source(%dma_start3A_299 : memref<64xf32, #tpu.memory_space<vmem>>) target(%dma_start3A_298 : memref<64xf32, #tpu.memory_space<vmem_shared>>) target_semaphore(%arg20 : memref<!tpu.dma_semaphore, #tpu.memory_space<semaphore_mem>>)
    %mul3A_300 = arith.constant 2 : i32
    %mul3A_301 = arith.muli %arg0, %mul3A_300 : i32
    %add3A_302 = arith.constant 0 : i32
    %add3A_303 = arith.addi %mul3A_301, %add3A_302 : i32
    %mul3A_304 = arith.constant 8 : i32
    %mul3A_305 = arith.muli %add3A_303, %mul3A_304 : i32
    %mul3A_306 = arith.constant 32 : i32
    %mul3A_307 = arith.muli %mul3A_305, %mul3A_306 : i32
    %add3A_308 = arith.constant 0 : i32
    %add3A_309 = arith.addi %mul3A_307, %add3A_308 : i32
    %dma_start3A_310 = tpu.memref_slice %arg19[%add3A_309] : memref<1024xf32, #tpu.memory_space<vmem>> -> memref<32xf32, #tpu.memory_space<vmem>>
    %dma_start3A_311 = arith.constant 99968 : i32
    %dma_start3A_312 = tpu.memref_slice %arg11[%dma_start3A_311] : memref<100000xf32, #tpu.memory_space<vmem_shared>> -> memref<32xf32, #tpu.memory_space<vmem_shared>>
    %dma_start3A_313 = arith.constant 99968 : i32
    %dma_start3A_314 = tpu.memref_slice %arg11[%dma_start3A_313] : memref<100000xf32, #tpu.memory_space<vmem_shared>> -> memref<32xf32, #tpu.memory_space<vmem_shared>>
    %dma_start3A_315 = tpu.memref_slice %arg19[%add3A_309] : memref<1024xf32, #tpu.memory_space<vmem>> -> memref<32xf32, #tpu.memory_space<vmem>>
    tpu.enqueue_dma source(%dma_start3A_315 : memref<32xf32, #tpu.memory_space<vmem>>) target(%dma_start3A_314 : memref<32xf32, #tpu.memory_space<vmem_shared>>) target_semaphore(%arg20 : memref<!tpu.dma_semaphore, #tpu.memory_space<semaphore_mem>>)
    %dma_wait3A = arith.constant 0 : i32
    %dma_wait3A_316 = tpu.memref_slice %arg10[%min3A_261] : memref<1000000xf32, #tpu.memory_space<vmem_shared>> -> memref<62592xf32, #tpu.memory_space<vmem_shared>>
    %dma_wait3A_317 = arith.constant 0 : i32
    %dma_wait3A_318 = tpu.memref_slice %arg5[%add3A_268, %dma_wait3A, %dma_wait3A_317] : memref<4x8x1000000xf32, #tpu.memory_space<hbm>> -> memref<1x1x1000000xf32, #tpu.memory_space<hbm>>
    %dma_wait3A_319 = tpu.memref_squeeze %dma_wait3A_318 : memref<1x1x1000000xf32, #tpu.memory_space<hbm>> -> memref<1000000xf32, #tpu.memory_space<hbm>>
    %dma_wait3A_320 = tpu.memref_slice %dma_wait3A_319[%min3A_261] : memref<1000000xf32, #tpu.memory_space<hbm>> -> memref<62592xf32, #tpu.memory_space<hbm>>
    tpu.wait_dma2 semaphore(%arg20 : memref<!tpu.dma_semaphore, #tpu.memory_space<semaphore_mem>>) src(%dma_wait3A_320 : memref<62592xf32, #tpu.memory_space<hbm>>) dst(%dma_wait3A_316 : memref<62592xf32, #tpu.memory_space<vmem_shared>>)
    %dma_wait3A_321 = arith.constant 0 : i32
    %dma_wait3A_322 = tpu.memref_slice %arg11[%min3A_265] : memref<100000xf32, #tpu.memory_space<vmem_shared>> -> memref<6272xf32, #tpu.memory_space<vmem_shared>>
    %dma_wait3A_323 = arith.constant 0 : i32
    %dma_wait3A_324 = tpu.memref_slice %arg4[%add3A_272, %dma_wait3A_321, %dma_wait3A_323] : memref<4x8x100000xf32, #tpu.memory_space<hbm>> -> memref<1x1x100000xf32, #tpu.memory_space<hbm>>
    %dma_wait3A_325 = tpu.memref_squeeze %dma_wait3A_324 : memref<1x1x100000xf32, #tpu.memory_space<hbm>> -> memref<100000xf32, #tpu.memory_space<hbm>>
    %dma_wait3A_326 = tpu.memref_slice %dma_wait3A_325[%min3A_265] : memref<100000xf32, #tpu.memory_space<hbm>> -> memref<6272xf32, #tpu.memory_space<hbm>>
    tpu.wait_dma2 semaphore(%arg20 : memref<!tpu.dma_semaphore, #tpu.memory_space<semaphore_mem>>) src(%dma_wait3A_326 : memref<6272xf32, #tpu.memory_space<hbm>>) dst(%dma_wait3A_322 : memref<6272xf32, #tpu.memory_space<vmem_shared>>)
    %dma_wait3A_327 = tpu.memref_slice %arg18[%add3A_293] : memref<2048xf32, #tpu.memory_space<vmem>> -> memref<64xf32, #tpu.memory_space<vmem>>
    %dma_wait3A_328 = arith.constant 999936 : i32
    %dma_wait3A_329 = tpu.memref_slice %arg10[%dma_wait3A_328] : memref<1000000xf32, #tpu.memory_space<vmem_shared>> -> memref<64xf32, #tpu.memory_space<vmem_shared>>
    %dma_wait3A_330 = arith.constant 999936 : i32
    %dma_wait3A_331 = tpu.memref_slice %arg10[%dma_wait3A_330] : memref<1000000xf32, #tpu.memory_space<vmem_shared>> -> memref<64xf32, #tpu.memory_space<vmem_shared>>
    %dma_wait3A_332 = tpu.memref_slice %arg18[%add3A_293] : memref<2048xf32, #tpu.memory_space<vmem>> -> memref<64xf32, #tpu.memory_space<vmem>>
    tpu.wait_dma2 semaphore(%arg20 : memref<!tpu.dma_semaphore, #tpu.memory_space<semaphore_mem>>) src(%dma_wait3A_332 : memref<64xf32, #tpu.memory_space<vmem>>) dst(%dma_wait3A_331 : memref<64xf32, #tpu.memory_space<vmem_shared>>)
    %dma_wait3A_333 = tpu.memref_slice %arg19[%add3A_309] : memref<1024xf32, #tpu.memory_space<vmem>> -> memref<32xf32, #tpu.memory_space<vmem>>
    %dma_wait3A_334 = arith.constant 99968 : i32
    %dma_wait3A_335 = tpu.memref_slice %arg11[%dma_wait3A_334] : memref<100000xf32, #tpu.memory_space<vmem_shared>> -> memref<32xf32, #tpu.memory_space<vmem_shared>>
    %dma_wait3A_336 = arith.constant 99968 : i32
    %dma_wait3A_337 = tpu.memref_slice %arg11[%dma_wait3A_336] : memref<100000xf32, #tpu.memory_space<vmem_shared>> -> memref<32xf32, #tpu.memory_space<vmem_shared>>
    %dma_wait3A_338 = tpu.memref_slice %arg19[%add3A_309] : memref<1024xf32, #tpu.memory_space<vmem>> -> memref<32xf32, #tpu.memory_space<vmem>>
    tpu.wait_dma2 semaphore(%arg20 : memref<!tpu.dma_semaphore, #tpu.memory_space<semaphore_mem>>) src(%dma_wait3A_338 : memref<32xf32, #tpu.memory_space<vmem>>) dst(%dma_wait3A_337 : memref<32xf32, #tpu.memory_space<vmem_shared>>)
    %barrier3A = arith.constant 0 : index
    tpu.barrier barrier_id(%barrier3A)
    %dma_start3A_339 = arith.constant 0 : i32
    %dma_start3A_340 = tpu.memref_slice %arg10[%dma_start3A_339] : memref<1000000xf32, #tpu.memory_space<vmem_shared>> -> memref<1000000xf32, #tpu.memory_space<vmem_shared>>
    tpu.enqueue_indirect_dma source(%dma_start3A_340 : memref<1000000xf32, #tpu.memory_space<vmem_shared>>) target(%arg15 : memref<1024xf32, #tpu.memory_space<vmem>>) offsets(%arg13 : memref<1024xi32, #tpu.memory_space<vmem>>) semaphore(%arg21 : memref<!tpu.dma_semaphore, #tpu.memory_space<semaphore_mem>>)
    %dma_start3A_341 = arith.constant 0 : i32
    %dma_start3A_342 = tpu.memref_slice %arg11[%dma_start3A_341] : memref<100000xf32, #tpu.memory_space<vmem_shared>> -> memref<100000xf32, #tpu.memory_space<vmem_shared>>
    tpu.enqueue_indirect_dma source(%dma_start3A_342 : memref<100000xf32, #tpu.memory_space<vmem_shared>>) target(%arg14 : memref<1024xf32, #tpu.memory_space<vmem>>) offsets(%arg12 : memref<1024xi32, #tpu.memory_space<vmem>>) semaphore(%arg21 : memref<!tpu.dma_semaphore, #tpu.memory_space<semaphore_mem>>)
    %dma_wait3A_343 = arith.constant 0 : i32
    %dma_wait3A_344 = tpu.memref_slice %arg10[%dma_wait3A_343] : memref<1000000xf32, #tpu.memory_space<vmem_shared>> -> memref<1000000xf32, #tpu.memory_space<vmem_shared>>
    tpu.wait_indirect_dma semaphore(%arg21 : memref<!tpu.dma_semaphore, #tpu.memory_space<semaphore_mem>>) src(%dma_wait3A_344 : memref<1000000xf32, #tpu.memory_space<vmem_shared>>) dst(%arg15 : memref<1024xf32, #tpu.memory_space<vmem>>)
    %dma_wait3A_345 = arith.constant 0 : i32
    %dma_wait3A_346 = tpu.memref_slice %arg11[%dma_wait3A_345] : memref<100000xf32, #tpu.memory_space<vmem_shared>> -> memref<100000xf32, #tpu.memory_space<vmem_shared>>
    tpu.wait_indirect_dma semaphore(%arg21 : memref<!tpu.dma_semaphore, #tpu.memory_space<semaphore_mem>>) src(%dma_wait3A_346 : memref<100000xf32, #tpu.memory_space<vmem_shared>>) dst(%arg14 : memref<1024xf32, #tpu.memory_space<vmem>>)
    %barrier3A_347 = arith.constant 0 : index
    tpu.barrier barrier_id(%barrier3A_347)
    %mul3A_348 = arith.constant 2 : i32
    %mul3A_349 = arith.muli %arg0, %mul3A_348 : i32
    %add3A_350 = arith.constant 0 : i32
    %add3A_351 = arith.addi %mul3A_349, %add3A_350 : i32
    %mul3A_352 = arith.constant 2 : i32
    %mul3A_353 = arith.muli %arg0, %mul3A_352 : i32
    %add3A_354 = arith.constant 0 : i32
    %add3A_355 = arith.addi %mul3A_353, %add3A_354 : i32
    %dma_start3A_356 = arith.constant 1 : i32
    %dma_start3A_357 = tpu.memref_slice %arg10[%min3A_261] : memref<1000000xf32, #tpu.memory_space<vmem_shared>> -> memref<62592xf32, #tpu.memory_space<vmem_shared>>
    %dma_start3A_358 = arith.constant 0 : i32
    %dma_start3A_359 = tpu.memref_slice %arg5[%add3A_351, %dma_start3A_356, %dma_start3A_358] : memref<4x8x1000000xf32, #tpu.memory_space<hbm>> -> memref<1x1x1000000xf32, #tpu.memory_space<hbm>>
    %dma_start3A_360 = tpu.memref_squeeze %dma_start3A_359 : memref<1x1x1000000xf32, #tpu.memory_space<hbm>> -> memref<1000000xf32, #tpu.memory_space<hbm>>
    %dma_start3A_361 = tpu.memref_slice %dma_start3A_360[%min3A_261] : memref<1000000xf32, #tpu.memory_space<hbm>> -> memref<62592xf32, #tpu.memory_space<hbm>>
    tpu.enqueue_dma source(%dma_start3A_361 : memref<62592xf32, #tpu.memory_space<hbm>>) target(%dma_start3A_357 : memref<62592xf32, #tpu.memory_space<vmem_shared>>) target_semaphore(%arg20 : memref<!tpu.dma_semaphore, #tpu.memory_space<semaphore_mem>>)
    %dma_start3A_362 = arith.constant 1 : i32
    %dma_start3A_363 = tpu.memref_slice %arg11[%min3A_265] : memref<100000xf32, #tpu.memory_space<vmem_shared>> -> memref<6272xf32, #tpu.memory_space<vmem_shared>>
    %dma_start3A_364 = arith.constant 0 : i32
    %dma_start3A_365 = tpu.memref_slice %arg4[%add3A_355, %dma_start3A_362, %dma_start3A_364] : memref<4x8x100000xf32, #tpu.memory_space<hbm>> -> memref<1x1x100000xf32, #tpu.memory_space<hbm>>
    %dma_start3A_366 = tpu.memref_squeeze %dma_start3A_365 : memref<1x1x100000xf32, #tpu.memory_space<hbm>> -> memref<100000xf32, #tpu.memory_space<hbm>>
    %dma_start3A_367 = tpu.memref_slice %dma_start3A_366[%min3A_265] : memref<100000xf32, #tpu.memory_space<hbm>> -> memref<6272xf32, #tpu.memory_space<hbm>>
    tpu.enqueue_dma source(%dma_start3A_367 : memref<6272xf32, #tpu.memory_space<hbm>>) target(%dma_start3A_363 : memref<6272xf32, #tpu.memory_space<vmem_shared>>) target_semaphore(%arg20 : memref<!tpu.dma_semaphore, #tpu.memory_space<semaphore_mem>>)
    %mul3A_368 = arith.constant 2 : i32
    %mul3A_369 = arith.muli %arg0, %mul3A_368 : i32
    %add3A_370 = arith.constant 0 : i32
    %add3A_371 = arith.addi %mul3A_369, %add3A_370 : i32
    %mul3A_372 = arith.constant 8 : i32
    %mul3A_373 = arith.muli %add3A_371, %mul3A_372 : i32
    %mul3A_374 = arith.constant 64 : i32
    %mul3A_375 = arith.muli %mul3A_373, %mul3A_374 : i32
    %add3A_376 = arith.constant 64 : i32
    %add3A_377 = arith.addi %mul3A_375, %add3A_376 : i32
    %dma_start3A_378 = tpu.memref_slice %arg18[%add3A_377] : memref<2048xf32, #tpu.memory_space<vmem>> -> memref<64xf32, #tpu.memory_space<vmem>>
    %dma_start3A_379 = arith.constant 999936 : i32
    %dma_start3A_380 = tpu.memref_slice %arg10[%dma_start3A_379] : memref<1000000xf32, #tpu.memory_space<vmem_shared>> -> memref<64xf32, #tpu.memory_space<vmem_shared>>
    %dma_start3A_381 = arith.constant 999936 : i32
    %dma_start3A_382 = tpu.memref_slice %arg10[%dma_start3A_381] : memref<1000000xf32, #tpu.memory_space<vmem_shared>> -> memref<64xf32, #tpu.memory_space<vmem_shared>>
    %dma_start3A_383 = tpu.memref_slice %arg18[%add3A_377] : memref<2048xf32, #tpu.memory_space<vmem>> -> memref<64xf32, #tpu.memory_space<vmem>>
    tpu.enqueue_dma source(%dma_start3A_383 : memref<64xf32, #tpu.memory_space<vmem>>) target(%dma_start3A_382 : memref<64xf32, #tpu.memory_space<vmem_shared>>) target_semaphore(%arg20 : memref<!tpu.dma_semaphore, #tpu.memory_space<semaphore_mem>>)
    %mul3A_384 = arith.constant 2 : i32
    %mul3A_385 = arith.muli %arg0, %mul3A_384 : i32
    %add3A_386 = arith.constant 0 : i32
    %add3A_387 = arith.addi %mul3A_385, %add3A_386 : i32
    %mul3A_388 = arith.constant 8 : i32
    %mul3A_389 = arith.muli %add3A_387, %mul3A_388 : i32
    %mul3A_390 = arith.constant 32 : i32
    %mul3A_391 = arith.muli %mul3A_389, %mul3A_390 : i32
    %add3A_392 = arith.constant 32 : i32
    %add3A_393 = arith.addi %mul3A_391, %add3A_392 : i32
    %dma_start3A_394 = tpu.memref_slice %arg19[%add3A_393] : memref<1024xf32, #tpu.memory_space<vmem>> -> memref<32xf32, #tpu.memory_space<vmem>>
    %dma_start3A_395 = arith.constant 99968 : i32
    %dma_start3A_396 = tpu.memref_slice %arg11[%dma_start3A_395] : memref<100000xf32, #tpu.memory_space<vmem_shared>> -> memref<32xf32, #tpu.memory_space<vmem_shared>>
    %dma_start3A_397 = arith.constant 99968 : i32
    %dma_start3A_398 = tpu.memref_slice %arg11[%dma_start3A_397] : memref<100000xf32, #tpu.memory_space<vmem_shared>> -> memref<32xf32, #tpu.memory_space<vmem_shared>>
    %dma_start3A_399 = tpu.memref_slice %arg19[%add3A_393] : memref<1024xf32, #tpu.memory_space<vmem>> -> memref<32xf32, #tpu.memory_space<vmem>>
    tpu.enqueue_dma source(%dma_start3A_399 : memref<32xf32, #tpu.memory_space<vmem>>) target(%dma_start3A_398 : memref<32xf32, #tpu.memory_space<vmem_shared>>) target_semaphore(%arg20 : memref<!tpu.dma_semaphore, #tpu.memory_space<semaphore_mem>>)
    %slice3A = vector.extract_strided_slice %select_n3A {offsets = [0], sizes = [1], strides = [1]} : vector<16xf32> to vector<1xf32>
    %squeeze3A = vector.extract %slice3A[0] : f32 from vector<1xf32>
    %scan3A = arith.constant 0 : i32
    %scan3A_400 = arith.constant 0 : i32
    %scan3A_401 = arith.constant 64 : i32
    %scan3A_402 = arith.addi %scan3A_400, %scan3A_401 : i32
    %scan3A_403 = arith.constant 1 : i32
    %scan3A_404 = scf.for %scan3A_1779 = %scan3A_400 to %scan3A_402 step %scan3A_403 iter_args(%scan3A_1780 = %scan3A) -> (i32)  : i32 {
      %mul3A_1781 = arith.constant 16 : i32
      %mul3A_1782 = arith.muli %scan3A_1779, %mul3A_1781 : i32
      %get3A_1783 = arith.index_cast %mul3A_1782 : i32 to index
      %get3A_1784 = tpu.vector_load %arg16[%get3A_1783] {strides = array<i32>} : memref<1024xf32, #tpu.memory_space<vmem>>, vector<16xf32>,
      %get3A_1785 = arith.index_cast %mul3A_1782 : i32 to index
      %get3A_1786 = tpu.vector_load %arg14[%get3A_1785] {strides = array<i32>} : memref<1024xf32, #tpu.memory_space<vmem>>, vector<16xf32>,
      %get3A_1787 = arith.index_cast %mul3A_1782 : i32 to index
      %get3A_1788 = tpu.vector_load %arg15[%get3A_1787] {strides = array<i32>} : memref<1024xf32, #tpu.memory_space<vmem>>, vector<16xf32>,
      %mul3A_1789 = arith.mulf %get3A_1786, %get3A_1788 : vector<16xf32>
      %mul3A_1790 = vector.broadcast %squeeze3A : f32 to vector<16xf32>
      %mul3A_1791 = arith.mulf %mul3A_1789, %mul3A_1790 : vector<16xf32>
      %add3A_1792 = arith.addf %get3A_1784, %mul3A_1791 : vector<16xf32>
      %swap3A_1793 = arith.index_cast %mul3A_1782 : i32 to index
      %swap3A_1794 = tpu.vector_load %arg16[%swap3A_1793] {strides = array<i32>} : memref<1024xf32, #tpu.memory_space<vmem>>, vector<16xf32>,
      tpu.vector_store %arg16[%swap3A_1793], %add3A_1792 {strides = array<i32>} : memref<1024xf32, #tpu.memory_space<vmem>>, vector<16xf32>,
      %scan3A_1795 = arith.constant 0 : i32
      scf.yield %scan3A_1795 : i32
    }
    %scan3A_405 = arith.constant 64 : i32
    %dma_wait3A_406 = arith.constant 1 : i32
    %dma_wait3A_407 = tpu.memref_slice %arg10[%min3A_261] : memref<1000000xf32, #tpu.memory_space<vmem_shared>> -> memref<62592xf32, #tpu.memory_space<vmem_shared>>
    %dma_wait3A_408 = arith.constant 0 : i32
    %dma_wait3A_409 = tpu.memref_slice %arg5[%add3A_351, %dma_wait3A_406, %dma_wait3A_408] : memref<4x8x1000000xf32, #tpu.memory_space<hbm>> -> memref<1x1x1000000xf32, #tpu.memory_space<hbm>>
    %dma_wait3A_410 = tpu.memref_squeeze %dma_wait3A_409 : memref<1x1x1000000xf32, #tpu.memory_space<hbm>> -> memref<1000000xf32, #tpu.memory_space<hbm>>
    %dma_wait3A_411 = tpu.memref_slice %dma_wait3A_410[%min3A_261] : memref<1000000xf32, #tpu.memory_space<hbm>> -> memref<62592xf32, #tpu.memory_space<hbm>>
    tpu.wait_dma2 semaphore(%arg20 : memref<!tpu.dma_semaphore, #tpu.memory_space<semaphore_mem>>) src(%dma_wait3A_411 : memref<62592xf32, #tpu.memory_space<hbm>>) dst(%dma_wait3A_407 : memref<62592xf32, #tpu.memory_space<vmem_shared>>)
    %dma_wait3A_412 = arith.constant 1 : i32
    %dma_wait3A_413 = tpu.memref_slice %arg11[%min3A_265] : memref<100000xf32, #tpu.memory_space<vmem_shared>> -> memref<6272xf32, #tpu.memory_space<vmem_shared>>
    %dma_wait3A_414 = arith.constant 0 : i32
    %dma_wait3A_415 = tpu.memref_slice %arg4[%add3A_355, %dma_wait3A_412, %dma_wait3A_414] : memref<4x8x100000xf32, #tpu.memory_space<hbm>> -> memref<1x1x100000xf32, #tpu.memory_space<hbm>>
    %dma_wait3A_416 = tpu.memref_squeeze %dma_wait3A_415 : memref<1x1x100000xf32, #tpu.memory_space<hbm>> -> memref<100000xf32, #tpu.memory_space<hbm>>
    %dma_wait3A_417 = tpu.memref_slice %dma_wait3A_416[%min3A_265] : memref<100000xf32, #tpu.memory_space<hbm>> -> memref<6272xf32, #tpu.memory_space<hbm>>
    tpu.wait_dma2 semaphore(%arg20 : memref<!tpu.dma_semaphore, #tpu.memory_space<semaphore_mem>>) src(%dma_wait3A_417 : memref<6272xf32, #tpu.memory_space<hbm>>) dst(%dma_wait3A_413 : memref<6272xf32, #tpu.memory_space<vmem_shared>>)
    %dma_wait3A_418 = tpu.memref_slice %arg18[%add3A_377] : memref<2048xf32, #tpu.memory_space<vmem>> -> memref<64xf32, #tpu.memory_space<vmem>>
    %dma_wait3A_419 = arith.constant 999936 : i32
    %dma_wait3A_420 = tpu.memref_slice %arg10[%dma_wait3A_419] : memref<1000000xf32, #tpu.memory_space<vmem_shared>> -> memref<64xf32, #tpu.memory_space<vmem_shared>>
    %dma_wait3A_421 = arith.constant 999936 : i32
    %dma_wait3A_422 = tpu.memref_slice %arg10[%dma_wait3A_421] : memref<1000000xf32, #tpu.memory_space<vmem_shared>> -> memref<64xf32, #tpu.memory_space<vmem_shared>>
    %dma_wait3A_423 = tpu.memref_slice %arg18[%add3A_377] : memref<2048xf32, #tpu.memory_space<vmem>> -> memref<64xf32, #tpu.memory_space<vmem>>
    tpu.wait_dma2 semaphore(%arg20 : memref<!tpu.dma_semaphore, #tpu.memory_space<semaphore_mem>>) src(%dma_wait3A_423 : memref<64xf32, #tpu.memory_space<vmem>>) dst(%dma_wait3A_422 : memref<64xf32, #tpu.memory_space<vmem_shared>>)
    %dma_wait3A_424 = tpu.memref_slice %arg19[%add3A_393] : memref<1024xf32, #tpu.memory_space<vmem>> -> memref<32xf32, #tpu.memory_space<vmem>>
    %dma_wait3A_425 = arith.constant 99968 : i32
    %dma_wait3A_426 = tpu.memref_slice %arg11[%dma_wait3A_425] : memref<100000xf32, #tpu.memory_space<vmem_shared>> -> memref<32xf32, #tpu.memory_space<vmem_shared>>
    %dma_wait3A_427 = arith.constant 99968 : i32
    %dma_wait3A_428 = tpu.memref_slice %arg11[%dma_wait3A_427] : memref<100000xf32, #tpu.memory_space<vmem_shared>> -> memref<32xf32, #tpu.memory_space<vmem_shared>>
    %dma_wait3A_429 = tpu.memref_slice %arg19[%add3A_393] : memref<1024xf32, #tpu.memory_space<vmem>> -> memref<32xf32, #tpu.memory_space<vmem>>
    tpu.wait_dma2 semaphore(%arg20 : memref<!tpu.dma_semaphore, #tpu.memory_space<semaphore_mem>>) src(%dma_wait3A_429 : memref<32xf32, #tpu.memory_space<vmem>>) dst(%dma_wait3A_428 : memref<32xf32, #tpu.memory_space<vmem_shared>>)
    %barrier3A_430 = arith.constant 0 : index
    tpu.barrier barrier_id(%barrier3A_430)
    %dma_start3A_431 = arith.constant 0 : i32
    %dma_start3A_432 = tpu.memref_slice %arg10[%dma_start3A_431] : memref<1000000xf32, #tpu.memory_space<vmem_shared>> -> memref<1000000xf32, #tpu.memory_space<vmem_shared>>
    tpu.enqueue_indirect_dma source(%dma_start3A_432 : memref<1000000xf32, #tpu.memory_space<vmem_shared>>) target(%arg15 : memref<1024xf32, #tpu.memory_space<vmem>>) offsets(%arg13 : memref<1024xi32, #tpu.memory_space<vmem>>) semaphore(%arg21 : memref<!tpu.dma_semaphore, #tpu.memory_space<semaphore_mem>>)
    %dma_start3A_433 = arith.constant 0 : i32
    %dma_start3A_434 = tpu.memref_slice %arg11[%dma_start3A_433] : memref<100000xf32, #tpu.memory_space<vmem_shared>> -> memref<100000xf32, #tpu.memory_space<vmem_shared>>
    tpu.enqueue_indirect_dma source(%dma_start3A_434 : memref<100000xf32, #tpu.memory_space<vmem_shared>>) target(%arg14 : memref<1024xf32, #tpu.memory_space<vmem>>) offsets(%arg12 : memref<1024xi32, #tpu.memory_space<vmem>>) semaphore(%arg21 : memref<!tpu.dma_semaphore, #tpu.memory_space<semaphore_mem>>)
    %dma_wait3A_435 = arith.constant 0 : i32
    %dma_wait3A_436 = tpu.memref_slice %arg10[%dma_wait3A_435] : memref<1000000xf32, #tpu.memory_space<vmem_shared>> -> memref<1000000xf32, #tpu.memory_space<vmem_shared>>
    tpu.wait_indirect_dma semaphore(%arg21 : memref<!tpu.dma_semaphore, #tpu.memory_space<semaphore_mem>>) src(%dma_wait3A_436 : memref<1000000xf32, #tpu.memory_space<vmem_shared>>) dst(%arg15 : memref<1024xf32, #tpu.memory_space<vmem>>)
    %dma_wait3A_437 = arith.constant 0 : i32
    %dma_wait3A_438 = tpu.memref_slice %arg11[%dma_wait3A_437] : memref<100000xf32, #tpu.memory_space<vmem_shared>> -> memref<100000xf32, #tpu.memory_space<vmem_shared>>
    tpu.wait_indirect_dma semaphore(%arg21 : memref<!tpu.dma_semaphore, #tpu.memory_space<semaphore_mem>>) src(%dma_wait3A_438 : memref<100000xf32, #tpu.memory_space<vmem_shared>>) dst(%arg14 : memref<1024xf32, #tpu.memory_space<vmem>>)
    %barrier3A_439 = arith.constant 0 : index
    tpu.barrier barrier_id(%barrier3A_439)
    %mul3A_440 = arith.constant 2 : i32
    %mul3A_441 = arith.muli %arg0, %mul3A_440 : i32
    %add3A_442 = arith.constant 0 : i32
    %add3A_443 = arith.addi %mul3A_441, %add3A_442 : i32
    %mul3A_444 = arith.constant 2 : i32
    %mul3A_445 = arith.muli %arg0, %mul3A_444 : i32
    %add3A_446 = arith.constant 0 : i32
    %add3A_447 = arith.addi %mul3A_445, %add3A_446 : i32
    %dma_start3A_448 = arith.constant 2 : i32
    %dma_start3A_449 = tpu.memref_slice %arg10[%min3A_261] : memref<1000000xf32, #tpu.memory_space<vmem_shared>> -> memref<62592xf32, #tpu.memory_space<vmem_shared>>
    %dma_start3A_450 = arith.constant 0 : i32
    %dma_start3A_451 = tpu.memref_slice %arg5[%add3A_443, %dma_start3A_448, %dma_start3A_450] : memref<4x8x1000000xf32, #tpu.memory_space<hbm>> -> memref<1x1x1000000xf32, #tpu.memory_space<hbm>>
    %dma_start3A_452 = tpu.memref_squeeze %dma_start3A_451 : memref<1x1x1000000xf32, #tpu.memory_space<hbm>> -> memref<1000000xf32, #tpu.memory_space<hbm>>
    %dma_start3A_453 = tpu.memref_slice %dma_start3A_452[%min3A_261] : memref<1000000xf32, #tpu.memory_space<hbm>> -> memref<62592xf32, #tpu.memory_space<hbm>>
    tpu.enqueue_dma source(%dma_start3A_453 : memref<62592xf32, #tpu.memory_space<hbm>>) target(%dma_start3A_449 : memref<62592xf32, #tpu.memory_space<vmem_shared>>) target_semaphore(%arg20 : memref<!tpu.dma_semaphore, #tpu.memory_space<semaphore_mem>>)
    %dma_start3A_454 = arith.constant 2 : i32
    %dma_start3A_455 = tpu.memref_slice %arg11[%min3A_265] : memref<100000xf32, #tpu.memory_space<vmem_shared>> -> memref<6272xf32, #tpu.memory_space<vmem_shared>>
    %dma_start3A_456 = arith.constant 0 : i32
    %dma_start3A_457 = tpu.memref_slice %arg4[%add3A_447, %dma_start3A_454, %dma_start3A_456] : memref<4x8x100000xf32, #tpu.memory_space<hbm>> -> memref<1x1x100000xf32, #tpu.memory_space<hbm>>
    %dma_start3A_458 = tpu.memref_squeeze %dma_start3A_457 : memref<1x1x100000xf32, #tpu.memory_space<hbm>> -> memref<100000xf32, #tpu.memory_space<hbm>>
    %dma_start3A_459 = tpu.memref_slice %dma_start3A_458[%min3A_265] : memref<100000xf32, #tpu.memory_space<hbm>> -> memref<6272xf32, #tpu.memory_space<hbm>>
    tpu.enqueue_dma source(%dma_start3A_459 : memref<6272xf32, #tpu.memory_space<hbm>>) target(%dma_start3A_455 : memref<6272xf32, #tpu.memory_space<vmem_shared>>) target_semaphore(%arg20 : memref<!tpu.dma_semaphore, #tpu.memory_space<semaphore_mem>>)
    %mul3A_460 = arith.constant 2 : i32
    %mul3A_461 = arith.muli %arg0, %mul3A_460 : i32
    %add3A_462 = arith.constant 0 : i32
    %add3A_463 = arith.addi %mul3A_461, %add3A_462 : i32
    %mul3A_464 = arith.constant 8 : i32
    %mul3A_465 = arith.muli %add3A_463, %mul3A_464 : i32
    %mul3A_466 = arith.constant 64 : i32
    %mul3A_467 = arith.muli %mul3A_465, %mul3A_466 : i32
    %add3A_468 = arith.constant 128 : i32
    %add3A_469 = arith.addi %mul3A_467, %add3A_468 : i32
    %dma_start3A_470 = tpu.memref_slice %arg18[%add3A_469] : memref<2048xf32, #tpu.memory_space<vmem>> -> memref<64xf32, #tpu.memory_space<vmem>>
    %dma_start3A_471 = arith.constant 999936 : i32
    %dma_start3A_472 = tpu.memref_slice %arg10[%dma_start3A_471] : memref<1000000xf32, #tpu.memory_space<vmem_shared>> -> memref<64xf32, #tpu.memory_space<vmem_shared>>
    %dma_start3A_473 = arith.constant 999936 : i32
    %dma_start3A_474 = tpu.memref_slice %arg10[%dma_start3A_473] : memref<1000000xf32, #tpu.memory_space<vmem_shared>> -> memref<64xf32, #tpu.memory_space<vmem_shared>>
    %dma_start3A_475 = tpu.memref_slice %arg18[%add3A_469] : memref<2048xf32, #tpu.memory_space<vmem>> -> memref<64xf32, #tpu.memory_space<vmem>>
    tpu.enqueue_dma source(%dma_start3A_475 : memref<64xf32, #tpu.memory_space<vmem>>) target(%dma_start3A_474 : memref<64xf32, #tpu.memory_space<vmem_shared>>) target_semaphore(%arg20 : memref<!tpu.dma_semaphore, #tpu.memory_space<semaphore_mem>>)
    %mul3A_476 = arith.constant 2 : i32
    %mul3A_477 = arith.muli %arg0, %mul3A_476 : i32
    %add3A_478 = arith.constant 0 : i32
    %add3A_479 = arith.addi %mul3A_477, %add3A_478 : i32
    %mul3A_480 = arith.constant 8 : i32
    %mul3A_481 = arith.muli %add3A_479, %mul3A_480 : i32
    %mul3A_482 = arith.constant 32 : i32
    %mul3A_483 = arith.muli %mul3A_481, %mul3A_482 : i32
    %add3A_484 = arith.constant 64 : i32
    %add3A_485 = arith.addi %mul3A_483, %add3A_484 : i32
    %dma_start3A_486 = tpu.memref_slice %arg19[%add3A_485] : memref<1024xf32, #tpu.memory_space<vmem>> -> memref<32xf32, #tpu.memory_space<vmem>>
    %dma_start3A_487 = arith.constant 99968 : i32
    %dma_start3A_488 = tpu.memref_slice %arg11[%dma_start3A_487] : memref<100000xf32, #tpu.memory_space<vmem_shared>> -> memref<32xf32, #tpu.memory_space<vmem_shared>>
    %dma_start3A_489 = arith.constant 99968 : i32
    %dma_start3A_490 = tpu.memref_slice %arg11[%dma_start3A_489] : memref<100000xf32, #tpu.memory_space<vmem_shared>> -> memref<32xf32, #tpu.memory_space<vmem_shared>>
    %dma_start3A_491 = tpu.memref_slice %arg19[%add3A_485] : memref<1024xf32, #tpu.memory_space<vmem>> -> memref<32xf32, #tpu.memory_space<vmem>>
    tpu.enqueue_dma source(%dma_start3A_491 : memref<32xf32, #tpu.memory_space<vmem>>) target(%dma_start3A_490 : memref<32xf32, #tpu.memory_space<vmem_shared>>) target_semaphore(%arg20 : memref<!tpu.dma_semaphore, #tpu.memory_space<semaphore_mem>>)
    %slice3A_492 = vector.extract_strided_slice %select_n3A {offsets = [1], sizes = [1], strides = [1]} : vector<16xf32> to vector<1xf32>
    %squeeze3A_493 = vector.extract %slice3A_492[0] : f32 from vector<1xf32>
    %scan3A_494 = arith.constant 0 : i32
    %scan3A_495 = arith.constant 0 : i32
    %scan3A_496 = arith.constant 64 : i32
    %scan3A_497 = arith.addi %scan3A_495, %scan3A_496 : i32
    %scan3A_498 = arith.constant 1 : i32
    %scan3A_499 = scf.for %scan3A_1779 = %scan3A_495 to %scan3A_497 step %scan3A_498 iter_args(%scan3A_1780 = %scan3A_494) -> (i32)  : i32 {
      %mul3A_1781 = arith.constant 16 : i32
      %mul3A_1782 = arith.muli %scan3A_1779, %mul3A_1781 : i32
      %get3A_1783 = arith.index_cast %mul3A_1782 : i32 to index
      %get3A_1784 = tpu.vector_load %arg16[%get3A_1783] {strides = array<i32>} : memref<1024xf32, #tpu.memory_space<vmem>>, vector<16xf32>,
      %get3A_1785 = arith.index_cast %mul3A_1782 : i32 to index
      %get3A_1786 = tpu.vector_load %arg14[%get3A_1785] {strides = array<i32>} : memref<1024xf32, #tpu.memory_space<vmem>>, vector<16xf32>,
      %get3A_1787 = arith.index_cast %mul3A_1782 : i32 to index
      %get3A_1788 = tpu.vector_load %arg15[%get3A_1787] {strides = array<i32>} : memref<1024xf32, #tpu.memory_space<vmem>>, vector<16xf32>,
      %mul3A_1789 = arith.mulf %get3A_1786, %get3A_1788 : vector<16xf32>
      %mul3A_1790 = vector.broadcast %squeeze3A_493 : f32 to vector<16xf32>
      %mul3A_1791 = arith.mulf %mul3A_1789, %mul3A_1790 : vector<16xf32>
      %add3A_1792 = arith.addf %get3A_1784, %mul3A_1791 : vector<16xf32>
      %swap3A_1793 = arith.index_cast %mul3A_1782 : i32 to index
      %swap3A_1794 = tpu.vector_load %arg16[%swap3A_1793] {strides = array<i32>} : memref<1024xf32, #tpu.memory_space<vmem>>, vector<16xf32>,
      tpu.vector_store %arg16[%swap3A_1793], %add3A_1792 {strides = array<i32>} : memref<1024xf32, #tpu.memory_space<vmem>>, vector<16xf32>,
      %scan3A_1795 = arith.constant 0 : i32
      scf.yield %scan3A_1795 : i32
    }
    %scan3A_500 = arith.constant 64 : i32
    %dma_wait3A_501 = arith.constant 2 : i32
    %dma_wait3A_502 = tpu.memref_slice %arg10[%min3A_261] : memref<1000000xf32, #tpu.memory_space<vmem_shared>> -> memref<62592xf32, #tpu.memory_space<vmem_shared>>
    %dma_wait3A_503 = arith.constant 0 : i32
    %dma_wait3A_504 = tpu.memref_slice %arg5[%add3A_443, %dma_wait3A_501, %dma_wait3A_503] : memref<4x8x1000000xf32, #tpu.memory_space<hbm>> -> memref<1x1x1000000xf32, #tpu.memory_space<hbm>>
    %dma_wait3A_505 = tpu.memref_squeeze %dma_wait3A_504 : memref<1x1x1000000xf32, #tpu.memory_space<hbm>> -> memref<1000000xf32, #tpu.memory_space<hbm>>
    %dma_wait3A_506 = tpu.memref_slice %dma_wait3A_505[%min3A_261] : memref<1000000xf32, #tpu.memory_space<hbm>> -> memref<62592xf32, #tpu.memory_space<hbm>>
    tpu.wait_dma2 semaphore(%arg20 : memref<!tpu.dma_semaphore, #tpu.memory_space<semaphore_mem>>) src(%dma_wait3A_506 : memref<62592xf32, #tpu.memory_space<hbm>>) dst(%dma_wait3A_502 : memref<62592xf32, #tpu.memory_space<vmem_shared>>)
    %dma_wait3A_507 = arith.constant 2 : i32
    %dma_wait3A_508 = tpu.memref_slice %arg11[%min3A_265] : memref<100000xf32, #tpu.memory_space<vmem_shared>> -> memref<6272xf32, #tpu.memory_space<vmem_shared>>
    %dma_wait3A_509 = arith.constant 0 : i32
    %dma_wait3A_510 = tpu.memref_slice %arg4[%add3A_447, %dma_wait3A_507, %dma_wait3A_509] : memref<4x8x100000xf32, #tpu.memory_space<hbm>> -> memref<1x1x100000xf32, #tpu.memory_space<hbm>>
    %dma_wait3A_511 = tpu.memref_squeeze %dma_wait3A_510 : memref<1x1x100000xf32, #tpu.memory_space<hbm>> -> memref<100000xf32, #tpu.memory_space<hbm>>
    %dma_wait3A_512 = tpu.memref_slice %dma_wait3A_511[%min3A_265] : memref<100000xf32, #tpu.memory_space<hbm>> -> memref<6272xf32, #tpu.memory_space<hbm>>
    tpu.wait_dma2 semaphore(%arg20 : memref<!tpu.dma_semaphore, #tpu.memory_space<semaphore_mem>>) src(%dma_wait3A_512 : memref<6272xf32, #tpu.memory_space<hbm>>) dst(%dma_wait3A_508 : memref<6272xf32, #tpu.memory_space<vmem_shared>>)
    %dma_wait3A_513 = tpu.memref_slice %arg18[%add3A_469] : memref<2048xf32, #tpu.memory_space<vmem>> -> memref<64xf32, #tpu.memory_space<vmem>>
    %dma_wait3A_514 = arith.constant 999936 : i32
    %dma_wait3A_515 = tpu.memref_slice %arg10[%dma_wait3A_514] : memref<1000000xf32, #tpu.memory_space<vmem_shared>> -> memref<64xf32, #tpu.memory_space<vmem_shared>>
    %dma_wait3A_516 = arith.constant 999936 : i32
    %dma_wait3A_517 = tpu.memref_slice %arg10[%dma_wait3A_516] : memref<1000000xf32, #tpu.memory_space<vmem_shared>> -> memref<64xf32, #tpu.memory_space<vmem_shared>>
    %dma_wait3A_518 = tpu.memref_slice %arg18[%add3A_469] : memref<2048xf32, #tpu.memory_space<vmem>> -> memref<64xf32, #tpu.memory_space<vmem>>
    tpu.wait_dma2 semaphore(%arg20 : memref<!tpu.dma_semaphore, #tpu.memory_space<semaphore_mem>>) src(%dma_wait3A_518 : memref<64xf32, #tpu.memory_space<vmem>>) dst(%dma_wait3A_517 : memref<64xf32, #tpu.memory_space<vmem_shared>>)
    %dma_wait3A_519 = tpu.memref_slice %arg19[%add3A_485] : memref<1024xf32, #tpu.memory_space<vmem>> -> memref<32xf32, #tpu.memory_space<vmem>>
    %dma_wait3A_520 = arith.constant 99968 : i32
    %dma_wait3A_521 = tpu.memref_slice %arg11[%dma_wait3A_520] : memref<100000xf32, #tpu.memory_space<vmem_shared>> -> memref<32xf32, #tpu.memory_space<vmem_shared>>
    %dma_wait3A_522 = arith.constant 99968 : i32
    %dma_wait3A_523 = tpu.memref_slice %arg11[%dma_wait3A_522] : memref<100000xf32, #tpu.memory_space<vmem_shared>> -> memref<32xf32, #tpu.memory_space<vmem_shared>>
    %dma_wait3A_524 = tpu.memref_slice %arg19[%add3A_485] : memref<1024xf32, #tpu.memory_space<vmem>> -> memref<32xf32, #tpu.memory_space<vmem>>
    tpu.wait_dma2 semaphore(%arg20 : memref<!tpu.dma_semaphore, #tpu.memory_space<semaphore_mem>>) src(%dma_wait3A_524 : memref<32xf32, #tpu.memory_space<vmem>>) dst(%dma_wait3A_523 : memref<32xf32, #tpu.memory_space<vmem_shared>>)
    %barrier3A_525 = arith.constant 0 : index
    tpu.barrier barrier_id(%barrier3A_525)
    %dma_start3A_526 = arith.constant 0 : i32
    %dma_start3A_527 = tpu.memref_slice %arg10[%dma_start3A_526] : memref<1000000xf32, #tpu.memory_space<vmem_shared>> -> memref<1000000xf32, #tpu.memory_space<vmem_shared>>
    tpu.enqueue_indirect_dma source(%dma_start3A_527 : memref<1000000xf32, #tpu.memory_space<vmem_shared>>) target(%arg15 : memref<1024xf32, #tpu.memory_space<vmem>>) offsets(%arg13 : memref<1024xi32, #tpu.memory_space<vmem>>) semaphore(%arg21 : memref<!tpu.dma_semaphore, #tpu.memory_space<semaphore_mem>>)
    %dma_start3A_528 = arith.constant 0 : i32
    %dma_start3A_529 = tpu.memref_slice %arg11[%dma_start3A_528] : memref<100000xf32, #tpu.memory_space<vmem_shared>> -> memref<100000xf32, #tpu.memory_space<vmem_shared>>
    tpu.enqueue_indirect_dma source(%dma_start3A_529 : memref<100000xf32, #tpu.memory_space<vmem_shared>>) target(%arg14 : memref<1024xf32, #tpu.memory_space<vmem>>) offsets(%arg12 : memref<1024xi32, #tpu.memory_space<vmem>>) semaphore(%arg21 : memref<!tpu.dma_semaphore, #tpu.memory_space<semaphore_mem>>)
    %dma_wait3A_530 = arith.constant 0 : i32
    %dma_wait3A_531 = tpu.memref_slice %arg10[%dma_wait3A_530] : memref<1000000xf32, #tpu.memory_space<vmem_shared>> -> memref<1000000xf32, #tpu.memory_space<vmem_shared>>
    tpu.wait_indirect_dma semaphore(%arg21 : memref<!tpu.dma_semaphore, #tpu.memory_space<semaphore_mem>>) src(%dma_wait3A_531 : memref<1000000xf32, #tpu.memory_space<vmem_shared>>) dst(%arg15 : memref<1024xf32, #tpu.memory_space<vmem>>)
    %dma_wait3A_532 = arith.constant 0 : i32
    %dma_wait3A_533 = tpu.memref_slice %arg11[%dma_wait3A_532] : memref<100000xf32, #tpu.memory_space<vmem_shared>> -> memref<100000xf32, #tpu.memory_space<vmem_shared>>
    tpu.wait_indirect_dma semaphore(%arg21 : memref<!tpu.dma_semaphore, #tpu.memory_space<semaphore_mem>>) src(%dma_wait3A_533 : memref<100000xf32, #tpu.memory_space<vmem_shared>>) dst(%arg14 : memref<1024xf32, #tpu.memory_space<vmem>>)
    %barrier3A_534 = arith.constant 0 : index
    tpu.barrier barrier_id(%barrier3A_534)
    %mul3A_535 = arith.constant 2 : i32
    %mul3A_536 = arith.muli %arg0, %mul3A_535 : i32
    %add3A_537 = arith.constant 0 : i32
    %add3A_538 = arith.addi %mul3A_536, %add3A_537 : i32
    %mul3A_539 = arith.constant 2 : i32
    %mul3A_540 = arith.muli %arg0, %mul3A_539 : i32
    %add3A_541 = arith.constant 0 : i32
    %add3A_542 = arith.addi %mul3A_540, %add3A_541 : i32
    %dma_start3A_543 = arith.constant 3 : i32
    %dma_start3A_544 = tpu.memref_slice %arg10[%min3A_261] : memref<1000000xf32, #tpu.memory_space<vmem_shared>> -> memref<62592xf32, #tpu.memory_space<vmem_shared>>
    %dma_start3A_545 = arith.constant 0 : i32
    %dma_start3A_546 = tpu.memref_slice %arg5[%add3A_538, %dma_start3A_543, %dma_start3A_545] : memref<4x8x1000000xf32, #tpu.memory_space<hbm>> -> memref<1x1x1000000xf32, #tpu.memory_space<hbm>>
    %dma_start3A_547 = tpu.memref_squeeze %dma_start3A_546 : memref<1x1x1000000xf32, #tpu.memory_space<hbm>> -> memref<1000000xf32, #tpu.memory_space<hbm>>
    %dma_start3A_548 = tpu.memref_slice %dma_start3A_547[%min3A_261] : memref<1000000xf32, #tpu.memory_space<hbm>> -> memref<62592xf32, #tpu.memory_space<hbm>>
    tpu.enqueue_dma source(%dma_start3A_548 : memref<62592xf32, #tpu.memory_space<hbm>>) target(%dma_start3A_544 : memref<62592xf32, #tpu.memory_space<vmem_shared>>) target_semaphore(%arg20 : memref<!tpu.dma_semaphore, #tpu.memory_space<semaphore_mem>>)
    %dma_start3A_549 = arith.constant 3 : i32
    %dma_start3A_550 = tpu.memref_slice %arg11[%min3A_265] : memref<100000xf32, #tpu.memory_space<vmem_shared>> -> memref<6272xf32, #tpu.memory_space<vmem_shared>>
    %dma_start3A_551 = arith.constant 0 : i32
    %dma_start3A_552 = tpu.memref_slice %arg4[%add3A_542, %dma_start3A_549, %dma_start3A_551] : memref<4x8x100000xf32, #tpu.memory_space<hbm>> -> memref<1x1x100000xf32, #tpu.memory_space<hbm>>
    %dma_start3A_553 = tpu.memref_squeeze %dma_start3A_552 : memref<1x1x100000xf32, #tpu.memory_space<hbm>> -> memref<100000xf32, #tpu.memory_space<hbm>>
    %dma_start3A_554 = tpu.memref_slice %dma_start3A_553[%min3A_265] : memref<100000xf32, #tpu.memory_space<hbm>> -> memref<6272xf32, #tpu.memory_space<hbm>>
    tpu.enqueue_dma source(%dma_start3A_554 : memref<6272xf32, #tpu.memory_space<hbm>>) target(%dma_start3A_550 : memref<6272xf32, #tpu.memory_space<vmem_shared>>) target_semaphore(%arg20 : memref<!tpu.dma_semaphore, #tpu.memory_space<semaphore_mem>>)
    %mul3A_555 = arith.constant 2 : i32
    %mul3A_556 = arith.muli %arg0, %mul3A_555 : i32
    %add3A_557 = arith.constant 0 : i32
    %add3A_558 = arith.addi %mul3A_556, %add3A_557 : i32
    %mul3A_559 = arith.constant 8 : i32
    %mul3A_560 = arith.muli %add3A_558, %mul3A_559 : i32
    %mul3A_561 = arith.constant 64 : i32
    %mul3A_562 = arith.muli %mul3A_560, %mul3A_561 : i32
    %add3A_563 = arith.constant 192 : i32
    %add3A_564 = arith.addi %mul3A_562, %add3A_563 : i32
    %dma_start3A_565 = tpu.memref_slice %arg18[%add3A_564] : memref<2048xf32, #tpu.memory_space<vmem>> -> memref<64xf32, #tpu.memory_space<vmem>>
    %dma_start3A_566 = arith.constant 999936 : i32
    %dma_start3A_567 = tpu.memref_slice %arg10[%dma_start3A_566] : memref<1000000xf32, #tpu.memory_space<vmem_shared>> -> memref<64xf32, #tpu.memory_space<vmem_shared>>
    %dma_start3A_568 = arith.constant 999936 : i32
    %dma_start3A_569 = tpu.memref_slice %arg10[%dma_start3A_568] : memref<1000000xf32, #tpu.memory_space<vmem_shared>> -> memref<64xf32, #tpu.memory_space<vmem_shared>>
    %dma_start3A_570 = tpu.memref_slice %arg18[%add3A_564] : memref<2048xf32, #tpu.memory_space<vmem>> -> memref<64xf32, #tpu.memory_space<vmem>>
    tpu.enqueue_dma source(%dma_start3A_570 : memref<64xf32, #tpu.memory_space<vmem>>) target(%dma_start3A_569 : memref<64xf32, #tpu.memory_space<vmem_shared>>) target_semaphore(%arg20 : memref<!tpu.dma_semaphore, #tpu.memory_space<semaphore_mem>>)
    %mul3A_571 = arith.constant 2 : i32
    %mul3A_572 = arith.muli %arg0, %mul3A_571 : i32
    %add3A_573 = arith.constant 0 : i32
    %add3A_574 = arith.addi %mul3A_572, %add3A_573 : i32
    %mul3A_575 = arith.constant 8 : i32
    %mul3A_576 = arith.muli %add3A_574, %mul3A_575 : i32
    %mul3A_577 = arith.constant 32 : i32
    %mul3A_578 = arith.muli %mul3A_576, %mul3A_577 : i32
    %add3A_579 = arith.constant 96 : i32
    %add3A_580 = arith.addi %mul3A_578, %add3A_579 : i32
    %dma_start3A_581 = tpu.memref_slice %arg19[%add3A_580] : memref<1024xf32, #tpu.memory_space<vmem>> -> memref<32xf32, #tpu.memory_space<vmem>>
    %dma_start3A_582 = arith.constant 99968 : i32
    %dma_start3A_583 = tpu.memref_slice %arg11[%dma_start3A_582] : memref<100000xf32, #tpu.memory_space<vmem_shared>> -> memref<32xf32, #tpu.memory_space<vmem_shared>>
    %dma_start3A_584 = arith.constant 99968 : i32
    %dma_start3A_585 = tpu.memref_slice %arg11[%dma_start3A_584] : memref<100000xf32, #tpu.memory_space<vmem_shared>> -> memref<32xf32, #tpu.memory_space<vmem_shared>>
    %dma_start3A_586 = tpu.memref_slice %arg19[%add3A_580] : memref<1024xf32, #tpu.memory_space<vmem>> -> memref<32xf32, #tpu.memory_space<vmem>>
    tpu.enqueue_dma source(%dma_start3A_586 : memref<32xf32, #tpu.memory_space<vmem>>) target(%dma_start3A_585 : memref<32xf32, #tpu.memory_space<vmem_shared>>) target_semaphore(%arg20 : memref<!tpu.dma_semaphore, #tpu.memory_space<semaphore_mem>>)
    %slice3A_587 = vector.extract_strided_slice %select_n3A {offsets = [2], sizes = [1], strides = [1]} : vector<16xf32> to vector<1xf32>
    %squeeze3A_588 = vector.extract %slice3A_587[0] : f32 from vector<1xf32>
    %scan3A_589 = arith.constant 0 : i32
    %scan3A_590 = arith.constant 0 : i32
    %scan3A_591 = arith.constant 64 : i32
    %scan3A_592 = arith.addi %scan3A_590, %scan3A_591 : i32
    %scan3A_593 = arith.constant 1 : i32
    %scan3A_594 = scf.for %scan3A_1779 = %scan3A_590 to %scan3A_592 step %scan3A_593 iter_args(%scan3A_1780 = %scan3A_589) -> (i32)  : i32 {
      %mul3A_1781 = arith.constant 16 : i32
      %mul3A_1782 = arith.muli %scan3A_1779, %mul3A_1781 : i32
      %get3A_1783 = arith.index_cast %mul3A_1782 : i32 to index
      %get3A_1784 = tpu.vector_load %arg16[%get3A_1783] {strides = array<i32>} : memref<1024xf32, #tpu.memory_space<vmem>>, vector<16xf32>,
      %get3A_1785 = arith.index_cast %mul3A_1782 : i32 to index
      %get3A_1786 = tpu.vector_load %arg14[%get3A_1785] {strides = array<i32>} : memref<1024xf32, #tpu.memory_space<vmem>>, vector<16xf32>,
      %get3A_1787 = arith.index_cast %mul3A_1782 : i32 to index
      %get3A_1788 = tpu.vector_load %arg15[%get3A_1787] {strides = array<i32>} : memref<1024xf32, #tpu.memory_space<vmem>>, vector<16xf32>,
      %mul3A_1789 = arith.mulf %get3A_1786, %get3A_1788 : vector<16xf32>
      %mul3A_1790 = vector.broadcast %squeeze3A_588 : f32 to vector<16xf32>
      %mul3A_1791 = arith.mulf %mul3A_1789, %mul3A_1790 : vector<16xf32>
      %add3A_1792 = arith.addf %get3A_1784, %mul3A_1791 : vector<16xf32>
      %swap3A_1793 = arith.index_cast %mul3A_1782 : i32 to index
      %swap3A_1794 = tpu.vector_load %arg16[%swap3A_1793] {strides = array<i32>} : memref<1024xf32, #tpu.memory_space<vmem>>, vector<16xf32>,
      tpu.vector_store %arg16[%swap3A_1793], %add3A_1792 {strides = array<i32>} : memref<1024xf32, #tpu.memory_space<vmem>>, vector<16xf32>,
      %scan3A_1795 = arith.constant 0 : i32
      scf.yield %scan3A_1795 : i32
    }
    %scan3A_595 = arith.constant 64 : i32
    %dma_wait3A_596 = arith.constant 3 : i32
    %dma_wait3A_597 = tpu.memref_slice %arg10[%min3A_261] : memref<1000000xf32, #tpu.memory_space<vmem_shared>> -> memref<62592xf32, #tpu.memory_space<vmem_shared>>
    %dma_wait3A_598 = arith.constant 0 : i32
    %dma_wait3A_599 = tpu.memref_slice %arg5[%add3A_538, %dma_wait3A_596, %dma_wait3A_598] : memref<4x8x1000000xf32, #tpu.memory_space<hbm>> -> memref<1x1x1000000xf32, #tpu.memory_space<hbm>>
    %dma_wait3A_600 = tpu.memref_squeeze %dma_wait3A_599 : memref<1x1x1000000xf32, #tpu.memory_space<hbm>> -> memref<1000000xf32, #tpu.memory_space<hbm>>
    %dma_wait3A_601 = tpu.memref_slice %dma_wait3A_600[%min3A_261] : memref<1000000xf32, #tpu.memory_space<hbm>> -> memref<62592xf32, #tpu.memory_space<hbm>>
    tpu.wait_dma2 semaphore(%arg20 : memref<!tpu.dma_semaphore, #tpu.memory_space<semaphore_mem>>) src(%dma_wait3A_601 : memref<62592xf32, #tpu.memory_space<hbm>>) dst(%dma_wait3A_597 : memref<62592xf32, #tpu.memory_space<vmem_shared>>)
    %dma_wait3A_602 = arith.constant 3 : i32
    %dma_wait3A_603 = tpu.memref_slice %arg11[%min3A_265] : memref<100000xf32, #tpu.memory_space<vmem_shared>> -> memref<6272xf32, #tpu.memory_space<vmem_shared>>
    %dma_wait3A_604 = arith.constant 0 : i32
    %dma_wait3A_605 = tpu.memref_slice %arg4[%add3A_542, %dma_wait3A_602, %dma_wait3A_604] : memref<4x8x100000xf32, #tpu.memory_space<hbm>> -> memref<1x1x100000xf32, #tpu.memory_space<hbm>>
    %dma_wait3A_606 = tpu.memref_squeeze %dma_wait3A_605 : memref<1x1x100000xf32, #tpu.memory_space<hbm>> -> memref<100000xf32, #tpu.memory_space<hbm>>
    %dma_wait3A_607 = tpu.memref_slice %dma_wait3A_606[%min3A_265] : memref<100000xf32, #tpu.memory_space<hbm>> -> memref<6272xf32, #tpu.memory_space<hbm>>
    tpu.wait_dma2 semaphore(%arg20 : memref<!tpu.dma_semaphore, #tpu.memory_space<semaphore_mem>>) src(%dma_wait3A_607 : memref<6272xf32, #tpu.memory_space<hbm>>) dst(%dma_wait3A_603 : memref<6272xf32, #tpu.memory_space<vmem_shared>>)
    %dma_wait3A_608 = tpu.memref_slice %arg18[%add3A_564] : memref<2048xf32, #tpu.memory_space<vmem>> -> memref<64xf32, #tpu.memory_space<vmem>>
    %dma_wait3A_609 = arith.constant 999936 : i32
    %dma_wait3A_610 = tpu.memref_slice %arg10[%dma_wait3A_609] : memref<1000000xf32, #tpu.memory_space<vmem_shared>> -> memref<64xf32, #tpu.memory_space<vmem_shared>>
    %dma_wait3A_611 = arith.constant 999936 : i32
    %dma_wait3A_612 = tpu.memref_slice %arg10[%dma_wait3A_611] : memref<1000000xf32, #tpu.memory_space<vmem_shared>> -> memref<64xf32, #tpu.memory_space<vmem_shared>>
    %dma_wait3A_613 = tpu.memref_slice %arg18[%add3A_564] : memref<2048xf32, #tpu.memory_space<vmem>> -> memref<64xf32, #tpu.memory_space<vmem>>
    tpu.wait_dma2 semaphore(%arg20 : memref<!tpu.dma_semaphore, #tpu.memory_space<semaphore_mem>>) src(%dma_wait3A_613 : memref<64xf32, #tpu.memory_space<vmem>>) dst(%dma_wait3A_612 : memref<64xf32, #tpu.memory_space<vmem_shared>>)
    %dma_wait3A_614 = tpu.memref_slice %arg19[%add3A_580] : memref<1024xf32, #tpu.memory_space<vmem>> -> memref<32xf32, #tpu.memory_space<vmem>>
    %dma_wait3A_615 = arith.constant 99968 : i32
    %dma_wait3A_616 = tpu.memref_slice %arg11[%dma_wait3A_615] : memref<100000xf32, #tpu.memory_space<vmem_shared>> -> memref<32xf32, #tpu.memory_space<vmem_shared>>
    %dma_wait3A_617 = arith.constant 99968 : i32
    %dma_wait3A_618 = tpu.memref_slice %arg11[%dma_wait3A_617] : memref<100000xf32, #tpu.memory_space<vmem_shared>> -> memref<32xf32, #tpu.memory_space<vmem_shared>>
    %dma_wait3A_619 = tpu.memref_slice %arg19[%add3A_580] : memref<1024xf32, #tpu.memory_space<vmem>> -> memref<32xf32, #tpu.memory_space<vmem>>
    tpu.wait_dma2 semaphore(%arg20 : memref<!tpu.dma_semaphore, #tpu.memory_space<semaphore_mem>>) src(%dma_wait3A_619 : memref<32xf32, #tpu.memory_space<vmem>>) dst(%dma_wait3A_618 : memref<32xf32, #tpu.memory_space<vmem_shared>>)
    %barrier3A_620 = arith.constant 0 : index
    tpu.barrier barrier_id(%barrier3A_620)
    %dma_start3A_621 = arith.constant 0 : i32
    %dma_start3A_622 = tpu.memref_slice %arg10[%dma_start3A_621] : memref<1000000xf32, #tpu.memory_space<vmem_shared>> -> memref<1000000xf32, #tpu.memory_space<vmem_shared>>
    tpu.enqueue_indirect_dma source(%dma_start3A_622 : memref<1000000xf32, #tpu.memory_space<vmem_shared>>) target(%arg15 : memref<1024xf32, #tpu.memory_space<vmem>>) offsets(%arg13 : memref<1024xi32, #tpu.memory_space<vmem>>) semaphore(%arg21 : memref<!tpu.dma_semaphore, #tpu.memory_space<semaphore_mem>>)
    %dma_start3A_623 = arith.constant 0 : i32
    %dma_start3A_624 = tpu.memref_slice %arg11[%dma_start3A_623] : memref<100000xf32, #tpu.memory_space<vmem_shared>> -> memref<100000xf32, #tpu.memory_space<vmem_shared>>
    tpu.enqueue_indirect_dma source(%dma_start3A_624 : memref<100000xf32, #tpu.memory_space<vmem_shared>>) target(%arg14 : memref<1024xf32, #tpu.memory_space<vmem>>) offsets(%arg12 : memref<1024xi32, #tpu.memory_space<vmem>>) semaphore(%arg21 : memref<!tpu.dma_semaphore, #tpu.memory_space<semaphore_mem>>)
    %dma_wait3A_625 = arith.constant 0 : i32
    %dma_wait3A_626 = tpu.memref_slice %arg10[%dma_wait3A_625] : memref<1000000xf32, #tpu.memory_space<vmem_shared>> -> memref<1000000xf32, #tpu.memory_space<vmem_shared>>
    tpu.wait_indirect_dma semaphore(%arg21 : memref<!tpu.dma_semaphore, #tpu.memory_space<semaphore_mem>>) src(%dma_wait3A_626 : memref<1000000xf32, #tpu.memory_space<vmem_shared>>) dst(%arg15 : memref<1024xf32, #tpu.memory_space<vmem>>)
    %dma_wait3A_627 = arith.constant 0 : i32
    %dma_wait3A_628 = tpu.memref_slice %arg11[%dma_wait3A_627] : memref<100000xf32, #tpu.memory_space<vmem_shared>> -> memref<100000xf32, #tpu.memory_space<vmem_shared>>
    tpu.wait_indirect_dma semaphore(%arg21 : memref<!tpu.dma_semaphore, #tpu.memory_space<semaphore_mem>>) src(%dma_wait3A_628 : memref<100000xf32, #tpu.memory_space<vmem_shared>>) dst(%arg14 : memref<1024xf32, #tpu.memory_space<vmem>>)
    %barrier3A_629 = arith.constant 0 : index
    tpu.barrier barrier_id(%barrier3A_629)
    %mul3A_630 = arith.constant 2 : i32
    %mul3A_631 = arith.muli %arg0, %mul3A_630 : i32
    %add3A_632 = arith.constant 0 : i32
    %add3A_633 = arith.addi %mul3A_631, %add3A_632 : i32
    %mul3A_634 = arith.constant 2 : i32
    %mul3A_635 = arith.muli %arg0, %mul3A_634 : i32
    %add3A_636 = arith.constant 0 : i32
    %add3A_637 = arith.addi %mul3A_635, %add3A_636 : i32
    %dma_start3A_638 = arith.constant 4 : i32
    %dma_start3A_639 = tpu.memref_slice %arg10[%min3A_261] : memref<1000000xf32, #tpu.memory_space<vmem_shared>> -> memref<62592xf32, #tpu.memory_space<vmem_shared>>
    %dma_start3A_640 = arith.constant 0 : i32
    %dma_start3A_641 = tpu.memref_slice %arg5[%add3A_633, %dma_start3A_638, %dma_start3A_640] : memref<4x8x1000000xf32, #tpu.memory_space<hbm>> -> memref<1x1x1000000xf32, #tpu.memory_space<hbm>>
    %dma_start3A_642 = tpu.memref_squeeze %dma_start3A_641 : memref<1x1x1000000xf32, #tpu.memory_space<hbm>> -> memref<1000000xf32, #tpu.memory_space<hbm>>
    %dma_start3A_643 = tpu.memref_slice %dma_start3A_642[%min3A_261] : memref<1000000xf32, #tpu.memory_space<hbm>> -> memref<62592xf32, #tpu.memory_space<hbm>>
    tpu.enqueue_dma source(%dma_start3A_643 : memref<62592xf32, #tpu.memory_space<hbm>>) target(%dma_start3A_639 : memref<62592xf32, #tpu.memory_space<vmem_shared>>) target_semaphore(%arg20 : memref<!tpu.dma_semaphore, #tpu.memory_space<semaphore_mem>>)
    %dma_start3A_644 = arith.constant 4 : i32
    %dma_start3A_645 = tpu.memref_slice %arg11[%min3A_265] : memref<100000xf32, #tpu.memory_space<vmem_shared>> -> memref<6272xf32, #tpu.memory_space<vmem_shared>>
    %dma_start3A_646 = arith.constant 0 : i32
    %dma_start3A_647 = tpu.memref_slice %arg4[%add3A_637, %dma_start3A_644, %dma_start3A_646] : memref<4x8x100000xf32, #tpu.memory_space<hbm>> -> memref<1x1x100000xf32, #tpu.memory_space<hbm>>
    %dma_start3A_648 = tpu.memref_squeeze %dma_start3A_647 : memref<1x1x100000xf32, #tpu.memory_space<hbm>> -> memref<100000xf32, #tpu.memory_space<hbm>>
    %dma_start3A_649 = tpu.memref_slice %dma_start3A_648[%min3A_265] : memref<100000xf32, #tpu.memory_space<hbm>> -> memref<6272xf32, #tpu.memory_space<hbm>>
    tpu.enqueue_dma source(%dma_start3A_649 : memref<6272xf32, #tpu.memory_space<hbm>>) target(%dma_start3A_645 : memref<6272xf32, #tpu.memory_space<vmem_shared>>) target_semaphore(%arg20 : memref<!tpu.dma_semaphore, #tpu.memory_space<semaphore_mem>>)
    %mul3A_650 = arith.constant 2 : i32
    %mul3A_651 = arith.muli %arg0, %mul3A_650 : i32
    %add3A_652 = arith.constant 0 : i32
    %add3A_653 = arith.addi %mul3A_651, %add3A_652 : i32
    %mul3A_654 = arith.constant 8 : i32
    %mul3A_655 = arith.muli %add3A_653, %mul3A_654 : i32
    %mul3A_656 = arith.constant 64 : i32
    %mul3A_657 = arith.muli %mul3A_655, %mul3A_656 : i32
    %add3A_658 = arith.constant 256 : i32
    %add3A_659 = arith.addi %mul3A_657, %add3A_658 : i32
    %dma_start3A_660 = tpu.memref_slice %arg18[%add3A_659] : memref<2048xf32, #tpu.memory_space<vmem>> -> memref<64xf32, #tpu.memory_space<vmem>>
    %dma_start3A_661 = arith.constant 999936 : i32
    %dma_start3A_662 = tpu.memref_slice %arg10[%dma_start3A_661] : memref<1000000xf32, #tpu.memory_space<vmem_shared>> -> memref<64xf32, #tpu.memory_space<vmem_shared>>
    %dma_start3A_663 = arith.constant 999936 : i32
    %dma_start3A_664 = tpu.memref_slice %arg10[%dma_start3A_663] : memref<1000000xf32, #tpu.memory_space<vmem_shared>> -> memref<64xf32, #tpu.memory_space<vmem_shared>>
    %dma_start3A_665 = tpu.memref_slice %arg18[%add3A_659] : memref<2048xf32, #tpu.memory_space<vmem>> -> memref<64xf32, #tpu.memory_space<vmem>>
    tpu.enqueue_dma source(%dma_start3A_665 : memref<64xf32, #tpu.memory_space<vmem>>) target(%dma_start3A_664 : memref<64xf32, #tpu.memory_space<vmem_shared>>) target_semaphore(%arg20 : memref<!tpu.dma_semaphore, #tpu.memory_space<semaphore_mem>>)
    %mul3A_666 = arith.constant 2 : i32
    %mul3A_667 = arith.muli %arg0, %mul3A_666 : i32
    %add3A_668 = arith.constant 0 : i32
    %add3A_669 = arith.addi %mul3A_667, %add3A_668 : i32
    %mul3A_670 = arith.constant 8 : i32
    %mul3A_671 = arith.muli %add3A_669, %mul3A_670 : i32
    %mul3A_672 = arith.constant 32 : i32
    %mul3A_673 = arith.muli %mul3A_671, %mul3A_672 : i32
    %add3A_674 = arith.constant 128 : i32
    %add3A_675 = arith.addi %mul3A_673, %add3A_674 : i32
    %dma_start3A_676 = tpu.memref_slice %arg19[%add3A_675] : memref<1024xf32, #tpu.memory_space<vmem>> -> memref<32xf32, #tpu.memory_space<vmem>>
    %dma_start3A_677 = arith.constant 99968 : i32
    %dma_start3A_678 = tpu.memref_slice %arg11[%dma_start3A_677] : memref<100000xf32, #tpu.memory_space<vmem_shared>> -> memref<32xf32, #tpu.memory_space<vmem_shared>>
    %dma_start3A_679 = arith.constant 99968 : i32
    %dma_start3A_680 = tpu.memref_slice %arg11[%dma_start3A_679] : memref<100000xf32, #tpu.memory_space<vmem_shared>> -> memref<32xf32, #tpu.memory_space<vmem_shared>>
    %dma_start3A_681 = tpu.memref_slice %arg19[%add3A_675] : memref<1024xf32, #tpu.memory_space<vmem>> -> memref<32xf32, #tpu.memory_space<vmem>>
    tpu.enqueue_dma source(%dma_start3A_681 : memref<32xf32, #tpu.memory_space<vmem>>) target(%dma_start3A_680 : memref<32xf32, #tpu.memory_space<vmem_shared>>) target_semaphore(%arg20 : memref<!tpu.dma_semaphore, #tpu.memory_space<semaphore_mem>>)
    %slice3A_682 = vector.extract_strided_slice %select_n3A {offsets = [3], sizes = [1], strides = [1]} : vector<16xf32> to vector<1xf32>
    %squeeze3A_683 = vector.extract %slice3A_682[0] : f32 from vector<1xf32>
    %scan3A_684 = arith.constant 0 : i32
    %scan3A_685 = arith.constant 0 : i32
    %scan3A_686 = arith.constant 64 : i32
    %scan3A_687 = arith.addi %scan3A_685, %scan3A_686 : i32
    %scan3A_688 = arith.constant 1 : i32
    %scan3A_689 = scf.for %scan3A_1779 = %scan3A_685 to %scan3A_687 step %scan3A_688 iter_args(%scan3A_1780 = %scan3A_684) -> (i32)  : i32 {
      %mul3A_1781 = arith.constant 16 : i32
      %mul3A_1782 = arith.muli %scan3A_1779, %mul3A_1781 : i32
      %get3A_1783 = arith.index_cast %mul3A_1782 : i32 to index
      %get3A_1784 = tpu.vector_load %arg16[%get3A_1783] {strides = array<i32>} : memref<1024xf32, #tpu.memory_space<vmem>>, vector<16xf32>,
      %get3A_1785 = arith.index_cast %mul3A_1782 : i32 to index
      %get3A_1786 = tpu.vector_load %arg14[%get3A_1785] {strides = array<i32>} : memref<1024xf32, #tpu.memory_space<vmem>>, vector<16xf32>,
      %get3A_1787 = arith.index_cast %mul3A_1782 : i32 to index
      %get3A_1788 = tpu.vector_load %arg15[%get3A_1787] {strides = array<i32>} : memref<1024xf32, #tpu.memory_space<vmem>>, vector<16xf32>,
      %mul3A_1789 = arith.mulf %get3A_1786, %get3A_1788 : vector<16xf32>
      %mul3A_1790 = vector.broadcast %squeeze3A_683 : f32 to vector<16xf32>
      %mul3A_1791 = arith.mulf %mul3A_1789, %mul3A_1790 : vector<16xf32>
      %add3A_1792 = arith.addf %get3A_1784, %mul3A_1791 : vector<16xf32>
      %swap3A_1793 = arith.index_cast %mul3A_1782 : i32 to index
      %swap3A_1794 = tpu.vector_load %arg16[%swap3A_1793] {strides = array<i32>} : memref<1024xf32, #tpu.memory_space<vmem>>, vector<16xf32>,
      tpu.vector_store %arg16[%swap3A_1793], %add3A_1792 {strides = array<i32>} : memref<1024xf32, #tpu.memory_space<vmem>>, vector<16xf32>,
      %scan3A_1795 = arith.constant 0 : i32
      scf.yield %scan3A_1795 : i32
    }
    %scan3A_690 = arith.constant 64 : i32
    %dma_wait3A_691 = arith.constant 4 : i32
    %dma_wait3A_692 = tpu.memref_slice %arg10[%min3A_261] : memref<1000000xf32, #tpu.memory_space<vmem_shared>> -> memref<62592xf32, #tpu.memory_space<vmem_shared>>
    %dma_wait3A_693 = arith.constant 0 : i32
    %dma_wait3A_694 = tpu.memref_slice %arg5[%add3A_633, %dma_wait3A_691, %dma_wait3A_693] : memref<4x8x1000000xf32, #tpu.memory_space<hbm>> -> memref<1x1x1000000xf32, #tpu.memory_space<hbm>>
    %dma_wait3A_695 = tpu.memref_squeeze %dma_wait3A_694 : memref<1x1x1000000xf32, #tpu.memory_space<hbm>> -> memref<1000000xf32, #tpu.memory_space<hbm>>
    %dma_wait3A_696 = tpu.memref_slice %dma_wait3A_695[%min3A_261] : memref<1000000xf32, #tpu.memory_space<hbm>> -> memref<62592xf32, #tpu.memory_space<hbm>>
    tpu.wait_dma2 semaphore(%arg20 : memref<!tpu.dma_semaphore, #tpu.memory_space<semaphore_mem>>) src(%dma_wait3A_696 : memref<62592xf32, #tpu.memory_space<hbm>>) dst(%dma_wait3A_692 : memref<62592xf32, #tpu.memory_space<vmem_shared>>)
    %dma_wait3A_697 = arith.constant 4 : i32
    %dma_wait3A_698 = tpu.memref_slice %arg11[%min3A_265] : memref<100000xf32, #tpu.memory_space<vmem_shared>> -> memref<6272xf32, #tpu.memory_space<vmem_shared>>
    %dma_wait3A_699 = arith.constant 0 : i32
    %dma_wait3A_700 = tpu.memref_slice %arg4[%add3A_637, %dma_wait3A_697, %dma_wait3A_699] : memref<4x8x100000xf32, #tpu.memory_space<hbm>> -> memref<1x1x100000xf32, #tpu.memory_space<hbm>>
    %dma_wait3A_701 = tpu.memref_squeeze %dma_wait3A_700 : memref<1x1x100000xf32, #tpu.memory_space<hbm>> -> memref<100000xf32, #tpu.memory_space<hbm>>
    %dma_wait3A_702 = tpu.memref_slice %dma_wait3A_701[%min3A_265] : memref<100000xf32, #tpu.memory_space<hbm>> -> memref<6272xf32, #tpu.memory_space<hbm>>
    tpu.wait_dma2 semaphore(%arg20 : memref<!tpu.dma_semaphore, #tpu.memory_space<semaphore_mem>>) src(%dma_wait3A_702 : memref<6272xf32, #tpu.memory_space<hbm>>) dst(%dma_wait3A_698 : memref<6272xf32, #tpu.memory_space<vmem_shared>>)
    %dma_wait3A_703 = tpu.memref_slice %arg18[%add3A_659] : memref<2048xf32, #tpu.memory_space<vmem>> -> memref<64xf32, #tpu.memory_space<vmem>>
    %dma_wait3A_704 = arith.constant 999936 : i32
    %dma_wait3A_705 = tpu.memref_slice %arg10[%dma_wait3A_704] : memref<1000000xf32, #tpu.memory_space<vmem_shared>> -> memref<64xf32, #tpu.memory_space<vmem_shared>>
    %dma_wait3A_706 = arith.constant 999936 : i32
    %dma_wait3A_707 = tpu.memref_slice %arg10[%dma_wait3A_706] : memref<1000000xf32, #tpu.memory_space<vmem_shared>> -> memref<64xf32, #tpu.memory_space<vmem_shared>>
    %dma_wait3A_708 = tpu.memref_slice %arg18[%add3A_659] : memref<2048xf32, #tpu.memory_space<vmem>> -> memref<64xf32, #tpu.memory_space<vmem>>
    tpu.wait_dma2 semaphore(%arg20 : memref<!tpu.dma_semaphore, #tpu.memory_space<semaphore_mem>>) src(%dma_wait3A_708 : memref<64xf32, #tpu.memory_space<vmem>>) dst(%dma_wait3A_707 : memref<64xf32, #tpu.memory_space<vmem_shared>>)
    %dma_wait3A_709 = tpu.memref_slice %arg19[%add3A_675] : memref<1024xf32, #tpu.memory_space<vmem>> -> memref<32xf32, #tpu.memory_space<vmem>>
    %dma_wait3A_710 = arith.constant 99968 : i32
    %dma_wait3A_711 = tpu.memref_slice %arg11[%dma_wait3A_710] : memref<100000xf32, #tpu.memory_space<vmem_shared>> -> memref<32xf32, #tpu.memory_space<vmem_shared>>
    %dma_wait3A_712 = arith.constant 99968 : i32
    %dma_wait3A_713 = tpu.memref_slice %arg11[%dma_wait3A_712] : memref<100000xf32, #tpu.memory_space<vmem_shared>> -> memref<32xf32, #tpu.memory_space<vmem_shared>>
    %dma_wait3A_714 = tpu.memref_slice %arg19[%add3A_675] : memref<1024xf32, #tpu.memory_space<vmem>> -> memref<32xf32, #tpu.memory_space<vmem>>
    tpu.wait_dma2 semaphore(%arg20 : memref<!tpu.dma_semaphore, #tpu.memory_space<semaphore_mem>>) src(%dma_wait3A_714 : memref<32xf32, #tpu.memory_space<vmem>>) dst(%dma_wait3A_713 : memref<32xf32, #tpu.memory_space<vmem_shared>>)
    %barrier3A_715 = arith.constant 0 : index
    tpu.barrier barrier_id(%barrier3A_715)
    %dma_start3A_716 = arith.constant 0 : i32
    %dma_start3A_717 = tpu.memref_slice %arg10[%dma_start3A_716] : memref<1000000xf32, #tpu.memory_space<vmem_shared>> -> memref<1000000xf32, #tpu.memory_space<vmem_shared>>
    tpu.enqueue_indirect_dma source(%dma_start3A_717 : memref<1000000xf32, #tpu.memory_space<vmem_shared>>) target(%arg15 : memref<1024xf32, #tpu.memory_space<vmem>>) offsets(%arg13 : memref<1024xi32, #tpu.memory_space<vmem>>) semaphore(%arg21 : memref<!tpu.dma_semaphore, #tpu.memory_space<semaphore_mem>>)
    %dma_start3A_718 = arith.constant 0 : i32
    %dma_start3A_719 = tpu.memref_slice %arg11[%dma_start3A_718] : memref<100000xf32, #tpu.memory_space<vmem_shared>> -> memref<100000xf32, #tpu.memory_space<vmem_shared>>
    tpu.enqueue_indirect_dma source(%dma_start3A_719 : memref<100000xf32, #tpu.memory_space<vmem_shared>>) target(%arg14 : memref<1024xf32, #tpu.memory_space<vmem>>) offsets(%arg12 : memref<1024xi32, #tpu.memory_space<vmem>>) semaphore(%arg21 : memref<!tpu.dma_semaphore, #tpu.memory_space<semaphore_mem>>)
    %dma_wait3A_720 = arith.constant 0 : i32
    %dma_wait3A_721 = tpu.memref_slice %arg10[%dma_wait3A_720] : memref<1000000xf32, #tpu.memory_space<vmem_shared>> -> memref<1000000xf32, #tpu.memory_space<vmem_shared>>
    tpu.wait_indirect_dma semaphore(%arg21 : memref<!tpu.dma_semaphore, #tpu.memory_space<semaphore_mem>>) src(%dma_wait3A_721 : memref<1000000xf32, #tpu.memory_space<vmem_shared>>) dst(%arg15 : memref<1024xf32, #tpu.memory_space<vmem>>)
    %dma_wait3A_722 = arith.constant 0 : i32
    %dma_wait3A_723 = tpu.memref_slice %arg11[%dma_wait3A_722] : memref<100000xf32, #tpu.memory_space<vmem_shared>> -> memref<100000xf32, #tpu.memory_space<vmem_shared>>
    tpu.wait_indirect_dma semaphore(%arg21 : memref<!tpu.dma_semaphore, #tpu.memory_space<semaphore_mem>>) src(%dma_wait3A_723 : memref<100000xf32, #tpu.memory_space<vmem_shared>>) dst(%arg14 : memref<1024xf32, #tpu.memory_space<vmem>>)
    %barrier3A_724 = arith.constant 0 : index
    tpu.barrier barrier_id(%barrier3A_724)
    %mul3A_725 = arith.constant 2 : i32
    %mul3A_726 = arith.muli %arg0, %mul3A_725 : i32
    %add3A_727 = arith.constant 0 : i32
    %add3A_728 = arith.addi %mul3A_726, %add3A_727 : i32
    %mul3A_729 = arith.constant 2 : i32
    %mul3A_730 = arith.muli %arg0, %mul3A_729 : i32
    %add3A_731 = arith.constant 0 : i32
    %add3A_732 = arith.addi %mul3A_730, %add3A_731 : i32
    %dma_start3A_733 = arith.constant 5 : i32
    %dma_start3A_734 = tpu.memref_slice %arg10[%min3A_261] : memref<1000000xf32, #tpu.memory_space<vmem_shared>> -> memref<62592xf32, #tpu.memory_space<vmem_shared>>
    %dma_start3A_735 = arith.constant 0 : i32
    %dma_start3A_736 = tpu.memref_slice %arg5[%add3A_728, %dma_start3A_733, %dma_start3A_735] : memref<4x8x1000000xf32, #tpu.memory_space<hbm>> -> memref<1x1x1000000xf32, #tpu.memory_space<hbm>>
    %dma_start3A_737 = tpu.memref_squeeze %dma_start3A_736 : memref<1x1x1000000xf32, #tpu.memory_space<hbm>> -> memref<1000000xf32, #tpu.memory_space<hbm>>
    %dma_start3A_738 = tpu.memref_slice %dma_start3A_737[%min3A_261] : memref<1000000xf32, #tpu.memory_space<hbm>> -> memref<62592xf32, #tpu.memory_space<hbm>>
    tpu.enqueue_dma source(%dma_start3A_738 : memref<62592xf32, #tpu.memory_space<hbm>>) target(%dma_start3A_734 : memref<62592xf32, #tpu.memory_space<vmem_shared>>) target_semaphore(%arg20 : memref<!tpu.dma_semaphore, #tpu.memory_space<semaphore_mem>>)
    %dma_start3A_739 = arith.constant 5 : i32
    %dma_start3A_740 = tpu.memref_slice %arg11[%min3A_265] : memref<100000xf32, #tpu.memory_space<vmem_shared>> -> memref<6272xf32, #tpu.memory_space<vmem_shared>>
    %dma_start3A_741 = arith.constant 0 : i32
    %dma_start3A_742 = tpu.memref_slice %arg4[%add3A_732, %dma_start3A_739, %dma_start3A_741] : memref<4x8x100000xf32, #tpu.memory_space<hbm>> -> memref<1x1x100000xf32, #tpu.memory_space<hbm>>
    %dma_start3A_743 = tpu.memref_squeeze %dma_start3A_742 : memref<1x1x100000xf32, #tpu.memory_space<hbm>> -> memref<100000xf32, #tpu.memory_space<hbm>>
    %dma_start3A_744 = tpu.memref_slice %dma_start3A_743[%min3A_265] : memref<100000xf32, #tpu.memory_space<hbm>> -> memref<6272xf32, #tpu.memory_space<hbm>>
    tpu.enqueue_dma source(%dma_start3A_744 : memref<6272xf32, #tpu.memory_space<hbm>>) target(%dma_start3A_740 : memref<6272xf32, #tpu.memory_space<vmem_shared>>) target_semaphore(%arg20 : memref<!tpu.dma_semaphore, #tpu.memory_space<semaphore_mem>>)
    %mul3A_745 = arith.constant 2 : i32
    %mul3A_746 = arith.muli %arg0, %mul3A_745 : i32
    %add3A_747 = arith.constant 0 : i32
    %add3A_748 = arith.addi %mul3A_746, %add3A_747 : i32
    %mul3A_749 = arith.constant 8 : i32
    %mul3A_750 = arith.muli %add3A_748, %mul3A_749 : i32
    %mul3A_751 = arith.constant 64 : i32
    %mul3A_752 = arith.muli %mul3A_750, %mul3A_751 : i32
    %add3A_753 = arith.constant 320 : i32
    %add3A_754 = arith.addi %mul3A_752, %add3A_753 : i32
    %dma_start3A_755 = tpu.memref_slice %arg18[%add3A_754] : memref<2048xf32, #tpu.memory_space<vmem>> -> memref<64xf32, #tpu.memory_space<vmem>>
    %dma_start3A_756 = arith.constant 999936 : i32
    %dma_start3A_757 = tpu.memref_slice %arg10[%dma_start3A_756] : memref<1000000xf32, #tpu.memory_space<vmem_shared>> -> memref<64xf32, #tpu.memory_space<vmem_shared>>
    %dma_start3A_758 = arith.constant 999936 : i32
    %dma_start3A_759 = tpu.memref_slice %arg10[%dma_start3A_758] : memref<1000000xf32, #tpu.memory_space<vmem_shared>> -> memref<64xf32, #tpu.memory_space<vmem_shared>>
    %dma_start3A_760 = tpu.memref_slice %arg18[%add3A_754] : memref<2048xf32, #tpu.memory_space<vmem>> -> memref<64xf32, #tpu.memory_space<vmem>>
    tpu.enqueue_dma source(%dma_start3A_760 : memref<64xf32, #tpu.memory_space<vmem>>) target(%dma_start3A_759 : memref<64xf32, #tpu.memory_space<vmem_shared>>) target_semaphore(%arg20 : memref<!tpu.dma_semaphore, #tpu.memory_space<semaphore_mem>>)
    %mul3A_761 = arith.constant 2 : i32
    %mul3A_762 = arith.muli %arg0, %mul3A_761 : i32
    %add3A_763 = arith.constant 0 : i32
    %add3A_764 = arith.addi %mul3A_762, %add3A_763 : i32
    %mul3A_765 = arith.constant 8 : i32
    %mul3A_766 = arith.muli %add3A_764, %mul3A_765 : i32
    %mul3A_767 = arith.constant 32 : i32
    %mul3A_768 = arith.muli %mul3A_766, %mul3A_767 : i32
    %add3A_769 = arith.constant 160 : i32
    %add3A_770 = arith.addi %mul3A_768, %add3A_769 : i32
    %dma_start3A_771 = tpu.memref_slice %arg19[%add3A_770] : memref<1024xf32, #tpu.memory_space<vmem>> -> memref<32xf32, #tpu.memory_space<vmem>>
    %dma_start3A_772 = arith.constant 99968 : i32
    %dma_start3A_773 = tpu.memref_slice %arg11[%dma_start3A_772] : memref<100000xf32, #tpu.memory_space<vmem_shared>> -> memref<32xf32, #tpu.memory_space<vmem_shared>>
    %dma_start3A_774 = arith.constant 99968 : i32
    %dma_start3A_775 = tpu.memref_slice %arg11[%dma_start3A_774] : memref<100000xf32, #tpu.memory_space<vmem_shared>> -> memref<32xf32, #tpu.memory_space<vmem_shared>>
    %dma_start3A_776 = tpu.memref_slice %arg19[%add3A_770] : memref<1024xf32, #tpu.memory_space<vmem>> -> memref<32xf32, #tpu.memory_space<vmem>>
    tpu.enqueue_dma source(%dma_start3A_776 : memref<32xf32, #tpu.memory_space<vmem>>) target(%dma_start3A_775 : memref<32xf32, #tpu.memory_space<vmem_shared>>) target_semaphore(%arg20 : memref<!tpu.dma_semaphore, #tpu.memory_space<semaphore_mem>>)
    %slice3A_777 = vector.extract_strided_slice %select_n3A {offsets = [4], sizes = [1], strides = [1]} : vector<16xf32> to vector<1xf32>
    %squeeze3A_778 = vector.extract %slice3A_777[0] : f32 from vector<1xf32>
    %scan3A_779 = arith.constant 0 : i32
    %scan3A_780 = arith.constant 0 : i32
    %scan3A_781 = arith.constant 64 : i32
    %scan3A_782 = arith.addi %scan3A_780, %scan3A_781 : i32
    %scan3A_783 = arith.constant 1 : i32
    %scan3A_784 = scf.for %scan3A_1779 = %scan3A_780 to %scan3A_782 step %scan3A_783 iter_args(%scan3A_1780 = %scan3A_779) -> (i32)  : i32 {
      %mul3A_1781 = arith.constant 16 : i32
      %mul3A_1782 = arith.muli %scan3A_1779, %mul3A_1781 : i32
      %get3A_1783 = arith.index_cast %mul3A_1782 : i32 to index
      %get3A_1784 = tpu.vector_load %arg16[%get3A_1783] {strides = array<i32>} : memref<1024xf32, #tpu.memory_space<vmem>>, vector<16xf32>,
      %get3A_1785 = arith.index_cast %mul3A_1782 : i32 to index
      %get3A_1786 = tpu.vector_load %arg14[%get3A_1785] {strides = array<i32>} : memref<1024xf32, #tpu.memory_space<vmem>>, vector<16xf32>,
      %get3A_1787 = arith.index_cast %mul3A_1782 : i32 to index
      %get3A_1788 = tpu.vector_load %arg15[%get3A_1787] {strides = array<i32>} : memref<1024xf32, #tpu.memory_space<vmem>>, vector<16xf32>,
      %mul3A_1789 = arith.mulf %get3A_1786, %get3A_1788 : vector<16xf32>
      %mul3A_1790 = vector.broadcast %squeeze3A_778 : f32 to vector<16xf32>
      %mul3A_1791 = arith.mulf %mul3A_1789, %mul3A_1790 : vector<16xf32>
      %add3A_1792 = arith.addf %get3A_1784, %mul3A_1791 : vector<16xf32>
      %swap3A_1793 = arith.index_cast %mul3A_1782 : i32 to index
      %swap3A_1794 = tpu.vector_load %arg16[%swap3A_1793] {strides = array<i32>} : memref<1024xf32, #tpu.memory_space<vmem>>, vector<16xf32>,
      tpu.vector_store %arg16[%swap3A_1793], %add3A_1792 {strides = array<i32>} : memref<1024xf32, #tpu.memory_space<vmem>>, vector<16xf32>,
      %scan3A_1795 = arith.constant 0 : i32
      scf.yield %scan3A_1795 : i32
    }
    %scan3A_785 = arith.constant 64 : i32
    %dma_wait3A_786 = arith.constant 5 : i32
    %dma_wait3A_787 = tpu.memref_slice %arg10[%min3A_261] : memref<1000000xf32, #tpu.memory_space<vmem_shared>> -> memref<62592xf32, #tpu.memory_space<vmem_shared>>
    %dma_wait3A_788 = arith.constant 0 : i32
    %dma_wait3A_789 = tpu.memref_slice %arg5[%add3A_728, %dma_wait3A_786, %dma_wait3A_788] : memref<4x8x1000000xf32, #tpu.memory_space<hbm>> -> memref<1x1x1000000xf32, #tpu.memory_space<hbm>>
    %dma_wait3A_790 = tpu.memref_squeeze %dma_wait3A_789 : memref<1x1x1000000xf32, #tpu.memory_space<hbm>> -> memref<1000000xf32, #tpu.memory_space<hbm>>
    %dma_wait3A_791 = tpu.memref_slice %dma_wait3A_790[%min3A_261] : memref<1000000xf32, #tpu.memory_space<hbm>> -> memref<62592xf32, #tpu.memory_space<hbm>>
    tpu.wait_dma2 semaphore(%arg20 : memref<!tpu.dma_semaphore, #tpu.memory_space<semaphore_mem>>) src(%dma_wait3A_791 : memref<62592xf32, #tpu.memory_space<hbm>>) dst(%dma_wait3A_787 : memref<62592xf32, #tpu.memory_space<vmem_shared>>)
    %dma_wait3A_792 = arith.constant 5 : i32
    %dma_wait3A_793 = tpu.memref_slice %arg11[%min3A_265] : memref<100000xf32, #tpu.memory_space<vmem_shared>> -> memref<6272xf32, #tpu.memory_space<vmem_shared>>
    %dma_wait3A_794 = arith.constant 0 : i32
    %dma_wait3A_795 = tpu.memref_slice %arg4[%add3A_732, %dma_wait3A_792, %dma_wait3A_794] : memref<4x8x100000xf32, #tpu.memory_space<hbm>> -> memref<1x1x100000xf32, #tpu.memory_space<hbm>>
    %dma_wait3A_796 = tpu.memref_squeeze %dma_wait3A_795 : memref<1x1x100000xf32, #tpu.memory_space<hbm>> -> memref<100000xf32, #tpu.memory_space<hbm>>
    %dma_wait3A_797 = tpu.memref_slice %dma_wait3A_796[%min3A_265] : memref<100000xf32, #tpu.memory_space<hbm>> -> memref<6272xf32, #tpu.memory_space<hbm>>
    tpu.wait_dma2 semaphore(%arg20 : memref<!tpu.dma_semaphore, #tpu.memory_space<semaphore_mem>>) src(%dma_wait3A_797 : memref<6272xf32, #tpu.memory_space<hbm>>) dst(%dma_wait3A_793 : memref<6272xf32, #tpu.memory_space<vmem_shared>>)
    %dma_wait3A_798 = tpu.memref_slice %arg18[%add3A_754] : memref<2048xf32, #tpu.memory_space<vmem>> -> memref<64xf32, #tpu.memory_space<vmem>>
    %dma_wait3A_799 = arith.constant 999936 : i32
    %dma_wait3A_800 = tpu.memref_slice %arg10[%dma_wait3A_799] : memref<1000000xf32, #tpu.memory_space<vmem_shared>> -> memref<64xf32, #tpu.memory_space<vmem_shared>>
    %dma_wait3A_801 = arith.constant 999936 : i32
    %dma_wait3A_802 = tpu.memref_slice %arg10[%dma_wait3A_801] : memref<1000000xf32, #tpu.memory_space<vmem_shared>> -> memref<64xf32, #tpu.memory_space<vmem_shared>>
    %dma_wait3A_803 = tpu.memref_slice %arg18[%add3A_754] : memref<2048xf32, #tpu.memory_space<vmem>> -> memref<64xf32, #tpu.memory_space<vmem>>
    tpu.wait_dma2 semaphore(%arg20 : memref<!tpu.dma_semaphore, #tpu.memory_space<semaphore_mem>>) src(%dma_wait3A_803 : memref<64xf32, #tpu.memory_space<vmem>>) dst(%dma_wait3A_802 : memref<64xf32, #tpu.memory_space<vmem_shared>>)
    %dma_wait3A_804 = tpu.memref_slice %arg19[%add3A_770] : memref<1024xf32, #tpu.memory_space<vmem>> -> memref<32xf32, #tpu.memory_space<vmem>>
    %dma_wait3A_805 = arith.constant 99968 : i32
    %dma_wait3A_806 = tpu.memref_slice %arg11[%dma_wait3A_805] : memref<100000xf32, #tpu.memory_space<vmem_shared>> -> memref<32xf32, #tpu.memory_space<vmem_shared>>
    %dma_wait3A_807 = arith.constant 99968 : i32
    %dma_wait3A_808 = tpu.memref_slice %arg11[%dma_wait3A_807] : memref<100000xf32, #tpu.memory_space<vmem_shared>> -> memref<32xf32, #tpu.memory_space<vmem_shared>>
    %dma_wait3A_809 = tpu.memref_slice %arg19[%add3A_770] : memref<1024xf32, #tpu.memory_space<vmem>> -> memref<32xf32, #tpu.memory_space<vmem>>
    tpu.wait_dma2 semaphore(%arg20 : memref<!tpu.dma_semaphore, #tpu.memory_space<semaphore_mem>>) src(%dma_wait3A_809 : memref<32xf32, #tpu.memory_space<vmem>>) dst(%dma_wait3A_808 : memref<32xf32, #tpu.memory_space<vmem_shared>>)
    %barrier3A_810 = arith.constant 0 : index
    tpu.barrier barrier_id(%barrier3A_810)
    %dma_start3A_811 = arith.constant 0 : i32
    %dma_start3A_812 = tpu.memref_slice %arg10[%dma_start3A_811] : memref<1000000xf32, #tpu.memory_space<vmem_shared>> -> memref<1000000xf32, #tpu.memory_space<vmem_shared>>
    tpu.enqueue_indirect_dma source(%dma_start3A_812 : memref<1000000xf32, #tpu.memory_space<vmem_shared>>) target(%arg15 : memref<1024xf32, #tpu.memory_space<vmem>>) offsets(%arg13 : memref<1024xi32, #tpu.memory_space<vmem>>) semaphore(%arg21 : memref<!tpu.dma_semaphore, #tpu.memory_space<semaphore_mem>>)
    %dma_start3A_813 = arith.constant 0 : i32
    %dma_start3A_814 = tpu.memref_slice %arg11[%dma_start3A_813] : memref<100000xf32, #tpu.memory_space<vmem_shared>> -> memref<100000xf32, #tpu.memory_space<vmem_shared>>
    tpu.enqueue_indirect_dma source(%dma_start3A_814 : memref<100000xf32, #tpu.memory_space<vmem_shared>>) target(%arg14 : memref<1024xf32, #tpu.memory_space<vmem>>) offsets(%arg12 : memref<1024xi32, #tpu.memory_space<vmem>>) semaphore(%arg21 : memref<!tpu.dma_semaphore, #tpu.memory_space<semaphore_mem>>)
    %dma_wait3A_815 = arith.constant 0 : i32
    %dma_wait3A_816 = tpu.memref_slice %arg10[%dma_wait3A_815] : memref<1000000xf32, #tpu.memory_space<vmem_shared>> -> memref<1000000xf32, #tpu.memory_space<vmem_shared>>
    tpu.wait_indirect_dma semaphore(%arg21 : memref<!tpu.dma_semaphore, #tpu.memory_space<semaphore_mem>>) src(%dma_wait3A_816 : memref<1000000xf32, #tpu.memory_space<vmem_shared>>) dst(%arg15 : memref<1024xf32, #tpu.memory_space<vmem>>)
    %dma_wait3A_817 = arith.constant 0 : i32
    %dma_wait3A_818 = tpu.memref_slice %arg11[%dma_wait3A_817] : memref<100000xf32, #tpu.memory_space<vmem_shared>> -> memref<100000xf32, #tpu.memory_space<vmem_shared>>
    tpu.wait_indirect_dma semaphore(%arg21 : memref<!tpu.dma_semaphore, #tpu.memory_space<semaphore_mem>>) src(%dma_wait3A_818 : memref<100000xf32, #tpu.memory_space<vmem_shared>>) dst(%arg14 : memref<1024xf32, #tpu.memory_space<vmem>>)
    %barrier3A_819 = arith.constant 0 : index
    tpu.barrier barrier_id(%barrier3A_819)
    %mul3A_820 = arith.constant 2 : i32
    %mul3A_821 = arith.muli %arg0, %mul3A_820 : i32
    %add3A_822 = arith.constant 0 : i32
    %add3A_823 = arith.addi %mul3A_821, %add3A_822 : i32
    %mul3A_824 = arith.constant 2 : i32
    %mul3A_825 = arith.muli %arg0, %mul3A_824 : i32
    %add3A_826 = arith.constant 0 : i32
    %add3A_827 = arith.addi %mul3A_825, %add3A_826 : i32
    %dma_start3A_828 = arith.constant 6 : i32
    %dma_start3A_829 = tpu.memref_slice %arg10[%min3A_261] : memref<1000000xf32, #tpu.memory_space<vmem_shared>> -> memref<62592xf32, #tpu.memory_space<vmem_shared>>
    %dma_start3A_830 = arith.constant 0 : i32
    %dma_start3A_831 = tpu.memref_slice %arg5[%add3A_823, %dma_start3A_828, %dma_start3A_830] : memref<4x8x1000000xf32, #tpu.memory_space<hbm>> -> memref<1x1x1000000xf32, #tpu.memory_space<hbm>>
    %dma_start3A_832 = tpu.memref_squeeze %dma_start3A_831 : memref<1x1x1000000xf32, #tpu.memory_space<hbm>> -> memref<1000000xf32, #tpu.memory_space<hbm>>
    %dma_start3A_833 = tpu.memref_slice %dma_start3A_832[%min3A_261] : memref<1000000xf32, #tpu.memory_space<hbm>> -> memref<62592xf32, #tpu.memory_space<hbm>>
    tpu.enqueue_dma source(%dma_start3A_833 : memref<62592xf32, #tpu.memory_space<hbm>>) target(%dma_start3A_829 : memref<62592xf32, #tpu.memory_space<vmem_shared>>) target_semaphore(%arg20 : memref<!tpu.dma_semaphore, #tpu.memory_space<semaphore_mem>>)
    %dma_start3A_834 = arith.constant 6 : i32
    %dma_start3A_835 = tpu.memref_slice %arg11[%min3A_265] : memref<100000xf32, #tpu.memory_space<vmem_shared>> -> memref<6272xf32, #tpu.memory_space<vmem_shared>>
    %dma_start3A_836 = arith.constant 0 : i32
    %dma_start3A_837 = tpu.memref_slice %arg4[%add3A_827, %dma_start3A_834, %dma_start3A_836] : memref<4x8x100000xf32, #tpu.memory_space<hbm>> -> memref<1x1x100000xf32, #tpu.memory_space<hbm>>
    %dma_start3A_838 = tpu.memref_squeeze %dma_start3A_837 : memref<1x1x100000xf32, #tpu.memory_space<hbm>> -> memref<100000xf32, #tpu.memory_space<hbm>>
    %dma_start3A_839 = tpu.memref_slice %dma_start3A_838[%min3A_265] : memref<100000xf32, #tpu.memory_space<hbm>> -> memref<6272xf32, #tpu.memory_space<hbm>>
    tpu.enqueue_dma source(%dma_start3A_839 : memref<6272xf32, #tpu.memory_space<hbm>>) target(%dma_start3A_835 : memref<6272xf32, #tpu.memory_space<vmem_shared>>) target_semaphore(%arg20 : memref<!tpu.dma_semaphore, #tpu.memory_space<semaphore_mem>>)
    %mul3A_840 = arith.constant 2 : i32
    %mul3A_841 = arith.muli %arg0, %mul3A_840 : i32
    %add3A_842 = arith.constant 0 : i32
    %add3A_843 = arith.addi %mul3A_841, %add3A_842 : i32
    %mul3A_844 = arith.constant 8 : i32
    %mul3A_845 = arith.muli %add3A_843, %mul3A_844 : i32
    %mul3A_846 = arith.constant 64 : i32
    %mul3A_847 = arith.muli %mul3A_845, %mul3A_846 : i32
    %add3A_848 = arith.constant 384 : i32
    %add3A_849 = arith.addi %mul3A_847, %add3A_848 : i32
    %dma_start3A_850 = tpu.memref_slice %arg18[%add3A_849] : memref<2048xf32, #tpu.memory_space<vmem>> -> memref<64xf32, #tpu.memory_space<vmem>>
    %dma_start3A_851 = arith.constant 999936 : i32
    %dma_start3A_852 = tpu.memref_slice %arg10[%dma_start3A_851] : memref<1000000xf32, #tpu.memory_space<vmem_shared>> -> memref<64xf32, #tpu.memory_space<vmem_shared>>
    %dma_start3A_853 = arith.constant 999936 : i32
    %dma_start3A_854 = tpu.memref_slice %arg10[%dma_start3A_853] : memref<1000000xf32, #tpu.memory_space<vmem_shared>> -> memref<64xf32, #tpu.memory_space<vmem_shared>>
    %dma_start3A_855 = tpu.memref_slice %arg18[%add3A_849] : memref<2048xf32, #tpu.memory_space<vmem>> -> memref<64xf32, #tpu.memory_space<vmem>>
    tpu.enqueue_dma source(%dma_start3A_855 : memref<64xf32, #tpu.memory_space<vmem>>) target(%dma_start3A_854 : memref<64xf32, #tpu.memory_space<vmem_shared>>) target_semaphore(%arg20 : memref<!tpu.dma_semaphore, #tpu.memory_space<semaphore_mem>>)
    %mul3A_856 = arith.constant 2 : i32
    %mul3A_857 = arith.muli %arg0, %mul3A_856 : i32
    %add3A_858 = arith.constant 0 : i32
    %add3A_859 = arith.addi %mul3A_857, %add3A_858 : i32
    %mul3A_860 = arith.constant 8 : i32
    %mul3A_861 = arith.muli %add3A_859, %mul3A_860 : i32
    %mul3A_862 = arith.constant 32 : i32
    %mul3A_863 = arith.muli %mul3A_861, %mul3A_862 : i32
    %add3A_864 = arith.constant 192 : i32
    %add3A_865 = arith.addi %mul3A_863, %add3A_864 : i32
    %dma_start3A_866 = tpu.memref_slice %arg19[%add3A_865] : memref<1024xf32, #tpu.memory_space<vmem>> -> memref<32xf32, #tpu.memory_space<vmem>>
    %dma_start3A_867 = arith.constant 99968 : i32
    %dma_start3A_868 = tpu.memref_slice %arg11[%dma_start3A_867] : memref<100000xf32, #tpu.memory_space<vmem_shared>> -> memref<32xf32, #tpu.memory_space<vmem_shared>>
    %dma_start3A_869 = arith.constant 99968 : i32
    %dma_start3A_870 = tpu.memref_slice %arg11[%dma_start3A_869] : memref<100000xf32, #tpu.memory_space<vmem_shared>> -> memref<32xf32, #tpu.memory_space<vmem_shared>>
    %dma_start3A_871 = tpu.memref_slice %arg19[%add3A_865] : memref<1024xf32, #tpu.memory_space<vmem>> -> memref<32xf32, #tpu.memory_space<vmem>>
    tpu.enqueue_dma source(%dma_start3A_871 : memref<32xf32, #tpu.memory_space<vmem>>) target(%dma_start3A_870 : memref<32xf32, #tpu.memory_space<vmem_shared>>) target_semaphore(%arg20 : memref<!tpu.dma_semaphore, #tpu.memory_space<semaphore_mem>>)
    %slice3A_872 = vector.extract_strided_slice %select_n3A {offsets = [5], sizes = [1], strides = [1]} : vector<16xf32> to vector<1xf32>
    %squeeze3A_873 = vector.extract %slice3A_872[0] : f32 from vector<1xf32>
    %scan3A_874 = arith.constant 0 : i32
    %scan3A_875 = arith.constant 0 : i32
    %scan3A_876 = arith.constant 64 : i32
    %scan3A_877 = arith.addi %scan3A_875, %scan3A_876 : i32
    %scan3A_878 = arith.constant 1 : i32
    %scan3A_879 = scf.for %scan3A_1779 = %scan3A_875 to %scan3A_877 step %scan3A_878 iter_args(%scan3A_1780 = %scan3A_874) -> (i32)  : i32 {
      %mul3A_1781 = arith.constant 16 : i32
      %mul3A_1782 = arith.muli %scan3A_1779, %mul3A_1781 : i32
      %get3A_1783 = arith.index_cast %mul3A_1782 : i32 to index
      %get3A_1784 = tpu.vector_load %arg16[%get3A_1783] {strides = array<i32>} : memref<1024xf32, #tpu.memory_space<vmem>>, vector<16xf32>,
      %get3A_1785 = arith.index_cast %mul3A_1782 : i32 to index
      %get3A_1786 = tpu.vector_load %arg14[%get3A_1785] {strides = array<i32>} : memref<1024xf32, #tpu.memory_space<vmem>>, vector<16xf32>,
      %get3A_1787 = arith.index_cast %mul3A_1782 : i32 to index
      %get3A_1788 = tpu.vector_load %arg15[%get3A_1787] {strides = array<i32>} : memref<1024xf32, #tpu.memory_space<vmem>>, vector<16xf32>,
      %mul3A_1789 = arith.mulf %get3A_1786, %get3A_1788 : vector<16xf32>
      %mul3A_1790 = vector.broadcast %squeeze3A_873 : f32 to vector<16xf32>
      %mul3A_1791 = arith.mulf %mul3A_1789, %mul3A_1790 : vector<16xf32>
      %add3A_1792 = arith.addf %get3A_1784, %mul3A_1791 : vector<16xf32>
      %swap3A_1793 = arith.index_cast %mul3A_1782 : i32 to index
      %swap3A_1794 = tpu.vector_load %arg16[%swap3A_1793] {strides = array<i32>} : memref<1024xf32, #tpu.memory_space<vmem>>, vector<16xf32>,
      tpu.vector_store %arg16[%swap3A_1793], %add3A_1792 {strides = array<i32>} : memref<1024xf32, #tpu.memory_space<vmem>>, vector<16xf32>,
      %scan3A_1795 = arith.constant 0 : i32
      scf.yield %scan3A_1795 : i32
    }
    %scan3A_880 = arith.constant 64 : i32
    %dma_wait3A_881 = arith.constant 6 : i32
    %dma_wait3A_882 = tpu.memref_slice %arg10[%min3A_261] : memref<1000000xf32, #tpu.memory_space<vmem_shared>> -> memref<62592xf32, #tpu.memory_space<vmem_shared>>
    %dma_wait3A_883 = arith.constant 0 : i32
    %dma_wait3A_884 = tpu.memref_slice %arg5[%add3A_823, %dma_wait3A_881, %dma_wait3A_883] : memref<4x8x1000000xf32, #tpu.memory_space<hbm>> -> memref<1x1x1000000xf32, #tpu.memory_space<hbm>>
    %dma_wait3A_885 = tpu.memref_squeeze %dma_wait3A_884 : memref<1x1x1000000xf32, #tpu.memory_space<hbm>> -> memref<1000000xf32, #tpu.memory_space<hbm>>
    %dma_wait3A_886 = tpu.memref_slice %dma_wait3A_885[%min3A_261] : memref<1000000xf32, #tpu.memory_space<hbm>> -> memref<62592xf32, #tpu.memory_space<hbm>>
    tpu.wait_dma2 semaphore(%arg20 : memref<!tpu.dma_semaphore, #tpu.memory_space<semaphore_mem>>) src(%dma_wait3A_886 : memref<62592xf32, #tpu.memory_space<hbm>>) dst(%dma_wait3A_882 : memref<62592xf32, #tpu.memory_space<vmem_shared>>)
    %dma_wait3A_887 = arith.constant 6 : i32
    %dma_wait3A_888 = tpu.memref_slice %arg11[%min3A_265] : memref<100000xf32, #tpu.memory_space<vmem_shared>> -> memref<6272xf32, #tpu.memory_space<vmem_shared>>
    %dma_wait3A_889 = arith.constant 0 : i32
    %dma_wait3A_890 = tpu.memref_slice %arg4[%add3A_827, %dma_wait3A_887, %dma_wait3A_889] : memref<4x8x100000xf32, #tpu.memory_space<hbm>> -> memref<1x1x100000xf32, #tpu.memory_space<hbm>>
    %dma_wait3A_891 = tpu.memref_squeeze %dma_wait3A_890 : memref<1x1x100000xf32, #tpu.memory_space<hbm>> -> memref<100000xf32, #tpu.memory_space<hbm>>
    %dma_wait3A_892 = tpu.memref_slice %dma_wait3A_891[%min3A_265] : memref<100000xf32, #tpu.memory_space<hbm>> -> memref<6272xf32, #tpu.memory_space<hbm>>
    tpu.wait_dma2 semaphore(%arg20 : memref<!tpu.dma_semaphore, #tpu.memory_space<semaphore_mem>>) src(%dma_wait3A_892 : memref<6272xf32, #tpu.memory_space<hbm>>) dst(%dma_wait3A_888 : memref<6272xf32, #tpu.memory_space<vmem_shared>>)
    %dma_wait3A_893 = tpu.memref_slice %arg18[%add3A_849] : memref<2048xf32, #tpu.memory_space<vmem>> -> memref<64xf32, #tpu.memory_space<vmem>>
    %dma_wait3A_894 = arith.constant 999936 : i32
    %dma_wait3A_895 = tpu.memref_slice %arg10[%dma_wait3A_894] : memref<1000000xf32, #tpu.memory_space<vmem_shared>> -> memref<64xf32, #tpu.memory_space<vmem_shared>>
    %dma_wait3A_896 = arith.constant 999936 : i32
    %dma_wait3A_897 = tpu.memref_slice %arg10[%dma_wait3A_896] : memref<1000000xf32, #tpu.memory_space<vmem_shared>> -> memref<64xf32, #tpu.memory_space<vmem_shared>>
    %dma_wait3A_898 = tpu.memref_slice %arg18[%add3A_849] : memref<2048xf32, #tpu.memory_space<vmem>> -> memref<64xf32, #tpu.memory_space<vmem>>
    tpu.wait_dma2 semaphore(%arg20 : memref<!tpu.dma_semaphore, #tpu.memory_space<semaphore_mem>>) src(%dma_wait3A_898 : memref<64xf32, #tpu.memory_space<vmem>>) dst(%dma_wait3A_897 : memref<64xf32, #tpu.memory_space<vmem_shared>>)
    %dma_wait3A_899 = tpu.memref_slice %arg19[%add3A_865] : memref<1024xf32, #tpu.memory_space<vmem>> -> memref<32xf32, #tpu.memory_space<vmem>>
    %dma_wait3A_900 = arith.constant 99968 : i32
    %dma_wait3A_901 = tpu.memref_slice %arg11[%dma_wait3A_900] : memref<100000xf32, #tpu.memory_space<vmem_shared>> -> memref<32xf32, #tpu.memory_space<vmem_shared>>
    %dma_wait3A_902 = arith.constant 99968 : i32
    %dma_wait3A_903 = tpu.memref_slice %arg11[%dma_wait3A_902] : memref<100000xf32, #tpu.memory_space<vmem_shared>> -> memref<32xf32, #tpu.memory_space<vmem_shared>>
    %dma_wait3A_904 = tpu.memref_slice %arg19[%add3A_865] : memref<1024xf32, #tpu.memory_space<vmem>> -> memref<32xf32, #tpu.memory_space<vmem>>
    tpu.wait_dma2 semaphore(%arg20 : memref<!tpu.dma_semaphore, #tpu.memory_space<semaphore_mem>>) src(%dma_wait3A_904 : memref<32xf32, #tpu.memory_space<vmem>>) dst(%dma_wait3A_903 : memref<32xf32, #tpu.memory_space<vmem_shared>>)
    %barrier3A_905 = arith.constant 0 : index
    tpu.barrier barrier_id(%barrier3A_905)
    %dma_start3A_906 = arith.constant 0 : i32
    %dma_start3A_907 = tpu.memref_slice %arg10[%dma_start3A_906] : memref<1000000xf32, #tpu.memory_space<vmem_shared>> -> memref<1000000xf32, #tpu.memory_space<vmem_shared>>
    tpu.enqueue_indirect_dma source(%dma_start3A_907 : memref<1000000xf32, #tpu.memory_space<vmem_shared>>) target(%arg15 : memref<1024xf32, #tpu.memory_space<vmem>>) offsets(%arg13 : memref<1024xi32, #tpu.memory_space<vmem>>) semaphore(%arg21 : memref<!tpu.dma_semaphore, #tpu.memory_space<semaphore_mem>>)
    %dma_start3A_908 = arith.constant 0 : i32
    %dma_start3A_909 = tpu.memref_slice %arg11[%dma_start3A_908] : memref<100000xf32, #tpu.memory_space<vmem_shared>> -> memref<100000xf32, #tpu.memory_space<vmem_shared>>
    tpu.enqueue_indirect_dma source(%dma_start3A_909 : memref<100000xf32, #tpu.memory_space<vmem_shared>>) target(%arg14 : memref<1024xf32, #tpu.memory_space<vmem>>) offsets(%arg12 : memref<1024xi32, #tpu.memory_space<vmem>>) semaphore(%arg21 : memref<!tpu.dma_semaphore, #tpu.memory_space<semaphore_mem>>)
    %dma_wait3A_910 = arith.constant 0 : i32
    %dma_wait3A_911 = tpu.memref_slice %arg10[%dma_wait3A_910] : memref<1000000xf32, #tpu.memory_space<vmem_shared>> -> memref<1000000xf32, #tpu.memory_space<vmem_shared>>
    tpu.wait_indirect_dma semaphore(%arg21 : memref<!tpu.dma_semaphore, #tpu.memory_space<semaphore_mem>>) src(%dma_wait3A_911 : memref<1000000xf32, #tpu.memory_space<vmem_shared>>) dst(%arg15 : memref<1024xf32, #tpu.memory_space<vmem>>)
    %dma_wait3A_912 = arith.constant 0 : i32
    %dma_wait3A_913 = tpu.memref_slice %arg11[%dma_wait3A_912] : memref<100000xf32, #tpu.memory_space<vmem_shared>> -> memref<100000xf32, #tpu.memory_space<vmem_shared>>
    tpu.wait_indirect_dma semaphore(%arg21 : memref<!tpu.dma_semaphore, #tpu.memory_space<semaphore_mem>>) src(%dma_wait3A_913 : memref<100000xf32, #tpu.memory_space<vmem_shared>>) dst(%arg14 : memref<1024xf32, #tpu.memory_space<vmem>>)
    %barrier3A_914 = arith.constant 0 : index
    tpu.barrier barrier_id(%barrier3A_914)
    %mul3A_915 = arith.constant 2 : i32
    %mul3A_916 = arith.muli %arg0, %mul3A_915 : i32
    %add3A_917 = arith.constant 0 : i32
    %add3A_918 = arith.addi %mul3A_916, %add3A_917 : i32
    %mul3A_919 = arith.constant 2 : i32
    %mul3A_920 = arith.muli %arg0, %mul3A_919 : i32
    %add3A_921 = arith.constant 0 : i32
    %add3A_922 = arith.addi %mul3A_920, %add3A_921 : i32
    %dma_start3A_923 = arith.constant 7 : i32
    %dma_start3A_924 = tpu.memref_slice %arg10[%min3A_261] : memref<1000000xf32, #tpu.memory_space<vmem_shared>> -> memref<62592xf32, #tpu.memory_space<vmem_shared>>
    %dma_start3A_925 = arith.constant 0 : i32
    %dma_start3A_926 = tpu.memref_slice %arg5[%add3A_918, %dma_start3A_923, %dma_start3A_925] : memref<4x8x1000000xf32, #tpu.memory_space<hbm>> -> memref<1x1x1000000xf32, #tpu.memory_space<hbm>>
    %dma_start3A_927 = tpu.memref_squeeze %dma_start3A_926 : memref<1x1x1000000xf32, #tpu.memory_space<hbm>> -> memref<1000000xf32, #tpu.memory_space<hbm>>
    %dma_start3A_928 = tpu.memref_slice %dma_start3A_927[%min3A_261] : memref<1000000xf32, #tpu.memory_space<hbm>> -> memref<62592xf32, #tpu.memory_space<hbm>>
    tpu.enqueue_dma source(%dma_start3A_928 : memref<62592xf32, #tpu.memory_space<hbm>>) target(%dma_start3A_924 : memref<62592xf32, #tpu.memory_space<vmem_shared>>) target_semaphore(%arg20 : memref<!tpu.dma_semaphore, #tpu.memory_space<semaphore_mem>>)
    %dma_start3A_929 = arith.constant 7 : i32
    %dma_start3A_930 = tpu.memref_slice %arg11[%min3A_265] : memref<100000xf32, #tpu.memory_space<vmem_shared>> -> memref<6272xf32, #tpu.memory_space<vmem_shared>>
    %dma_start3A_931 = arith.constant 0 : i32
    %dma_start3A_932 = tpu.memref_slice %arg4[%add3A_922, %dma_start3A_929, %dma_start3A_931] : memref<4x8x100000xf32, #tpu.memory_space<hbm>> -> memref<1x1x100000xf32, #tpu.memory_space<hbm>>
    %dma_start3A_933 = tpu.memref_squeeze %dma_start3A_932 : memref<1x1x100000xf32, #tpu.memory_space<hbm>> -> memref<100000xf32, #tpu.memory_space<hbm>>
    %dma_start3A_934 = tpu.memref_slice %dma_start3A_933[%min3A_265] : memref<100000xf32, #tpu.memory_space<hbm>> -> memref<6272xf32, #tpu.memory_space<hbm>>
    tpu.enqueue_dma source(%dma_start3A_934 : memref<6272xf32, #tpu.memory_space<hbm>>) target(%dma_start3A_930 : memref<6272xf32, #tpu.memory_space<vmem_shared>>) target_semaphore(%arg20 : memref<!tpu.dma_semaphore, #tpu.memory_space<semaphore_mem>>)
    %mul3A_935 = arith.constant 2 : i32
    %mul3A_936 = arith.muli %arg0, %mul3A_935 : i32
    %add3A_937 = arith.constant 0 : i32
    %add3A_938 = arith.addi %mul3A_936, %add3A_937 : i32
    %mul3A_939 = arith.constant 8 : i32
    %mul3A_940 = arith.muli %add3A_938, %mul3A_939 : i32
    %mul3A_941 = arith.constant 64 : i32
    %mul3A_942 = arith.muli %mul3A_940, %mul3A_941 : i32
    %add3A_943 = arith.constant 448 : i32
    %add3A_944 = arith.addi %mul3A_942, %add3A_943 : i32
    %dma_start3A_945 = tpu.memref_slice %arg18[%add3A_944] : memref<2048xf32, #tpu.memory_space<vmem>> -> memref<64xf32, #tpu.memory_space<vmem>>
    %dma_start3A_946 = arith.constant 999936 : i32
    %dma_start3A_947 = tpu.memref_slice %arg10[%dma_start3A_946] : memref<1000000xf32, #tpu.memory_space<vmem_shared>> -> memref<64xf32, #tpu.memory_space<vmem_shared>>
    %dma_start3A_948 = arith.constant 999936 : i32
    %dma_start3A_949 = tpu.memref_slice %arg10[%dma_start3A_948] : memref<1000000xf32, #tpu.memory_space<vmem_shared>> -> memref<64xf32, #tpu.memory_space<vmem_shared>>
    %dma_start3A_950 = tpu.memref_slice %arg18[%add3A_944] : memref<2048xf32, #tpu.memory_space<vmem>> -> memref<64xf32, #tpu.memory_space<vmem>>
    tpu.enqueue_dma source(%dma_start3A_950 : memref<64xf32, #tpu.memory_space<vmem>>) target(%dma_start3A_949 : memref<64xf32, #tpu.memory_space<vmem_shared>>) target_semaphore(%arg20 : memref<!tpu.dma_semaphore, #tpu.memory_space<semaphore_mem>>)
    %mul3A_951 = arith.constant 2 : i32
    %mul3A_952 = arith.muli %arg0, %mul3A_951 : i32
    %add3A_953 = arith.constant 0 : i32
    %add3A_954 = arith.addi %mul3A_952, %add3A_953 : i32
    %mul3A_955 = arith.constant 8 : i32
    %mul3A_956 = arith.muli %add3A_954, %mul3A_955 : i32
    %mul3A_957 = arith.constant 32 : i32
    %mul3A_958 = arith.muli %mul3A_956, %mul3A_957 : i32
    %add3A_959 = arith.constant 224 : i32
    %add3A_960 = arith.addi %mul3A_958, %add3A_959 : i32
    %dma_start3A_961 = tpu.memref_slice %arg19[%add3A_960] : memref<1024xf32, #tpu.memory_space<vmem>> -> memref<32xf32, #tpu.memory_space<vmem>>
    %dma_start3A_962 = arith.constant 99968 : i32
    %dma_start3A_963 = tpu.memref_slice %arg11[%dma_start3A_962] : memref<100000xf32, #tpu.memory_space<vmem_shared>> -> memref<32xf32, #tpu.memory_space<vmem_shared>>
    %dma_start3A_964 = arith.constant 99968 : i32
    %dma_start3A_965 = tpu.memref_slice %arg11[%dma_start3A_964] : memref<100000xf32, #tpu.memory_space<vmem_shared>> -> memref<32xf32, #tpu.memory_space<vmem_shared>>
    %dma_start3A_966 = tpu.memref_slice %arg19[%add3A_960] : memref<1024xf32, #tpu.memory_space<vmem>> -> memref<32xf32, #tpu.memory_space<vmem>>
    tpu.enqueue_dma source(%dma_start3A_966 : memref<32xf32, #tpu.memory_space<vmem>>) target(%dma_start3A_965 : memref<32xf32, #tpu.memory_space<vmem_shared>>) target_semaphore(%arg20 : memref<!tpu.dma_semaphore, #tpu.memory_space<semaphore_mem>>)
    %slice3A_967 = vector.extract_strided_slice %select_n3A {offsets = [6], sizes = [1], strides = [1]} : vector<16xf32> to vector<1xf32>
    %squeeze3A_968 = vector.extract %slice3A_967[0] : f32 from vector<1xf32>
    %scan3A_969 = arith.constant 0 : i32
    %scan3A_970 = arith.constant 0 : i32
    %scan3A_971 = arith.constant 64 : i32
    %scan3A_972 = arith.addi %scan3A_970, %scan3A_971 : i32
    %scan3A_973 = arith.constant 1 : i32
    %scan3A_974 = scf.for %scan3A_1779 = %scan3A_970 to %scan3A_972 step %scan3A_973 iter_args(%scan3A_1780 = %scan3A_969) -> (i32)  : i32 {
      %mul3A_1781 = arith.constant 16 : i32
      %mul3A_1782 = arith.muli %scan3A_1779, %mul3A_1781 : i32
      %get3A_1783 = arith.index_cast %mul3A_1782 : i32 to index
      %get3A_1784 = tpu.vector_load %arg16[%get3A_1783] {strides = array<i32>} : memref<1024xf32, #tpu.memory_space<vmem>>, vector<16xf32>,
      %get3A_1785 = arith.index_cast %mul3A_1782 : i32 to index
      %get3A_1786 = tpu.vector_load %arg14[%get3A_1785] {strides = array<i32>} : memref<1024xf32, #tpu.memory_space<vmem>>, vector<16xf32>,
      %get3A_1787 = arith.index_cast %mul3A_1782 : i32 to index
      %get3A_1788 = tpu.vector_load %arg15[%get3A_1787] {strides = array<i32>} : memref<1024xf32, #tpu.memory_space<vmem>>, vector<16xf32>,
      %mul3A_1789 = arith.mulf %get3A_1786, %get3A_1788 : vector<16xf32>
      %mul3A_1790 = vector.broadcast %squeeze3A_968 : f32 to vector<16xf32>
      %mul3A_1791 = arith.mulf %mul3A_1789, %mul3A_1790 : vector<16xf32>
      %add3A_1792 = arith.addf %get3A_1784, %mul3A_1791 : vector<16xf32>
      %swap3A_1793 = arith.index_cast %mul3A_1782 : i32 to index
      %swap3A_1794 = tpu.vector_load %arg16[%swap3A_1793] {strides = array<i32>} : memref<1024xf32, #tpu.memory_space<vmem>>, vector<16xf32>,
      tpu.vector_store %arg16[%swap3A_1793], %add3A_1792 {strides = array<i32>} : memref<1024xf32, #tpu.memory_space<vmem>>, vector<16xf32>,
      %scan3A_1795 = arith.constant 0 : i32
      scf.yield %scan3A_1795 : i32
    }
    %scan3A_975 = arith.constant 64 : i32
    %dma_wait3A_976 = arith.constant 7 : i32
    %dma_wait3A_977 = tpu.memref_slice %arg10[%min3A_261] : memref<1000000xf32, #tpu.memory_space<vmem_shared>> -> memref<62592xf32, #tpu.memory_space<vmem_shared>>
    %dma_wait3A_978 = arith.constant 0 : i32
    %dma_wait3A_979 = tpu.memref_slice %arg5[%add3A_918, %dma_wait3A_976, %dma_wait3A_978] : memref<4x8x1000000xf32, #tpu.memory_space<hbm>> -> memref<1x1x1000000xf32, #tpu.memory_space<hbm>>
    %dma_wait3A_980 = tpu.memref_squeeze %dma_wait3A_979 : memref<1x1x1000000xf32, #tpu.memory_space<hbm>> -> memref<1000000xf32, #tpu.memory_space<hbm>>
    %dma_wait3A_981 = tpu.memref_slice %dma_wait3A_980[%min3A_261] : memref<1000000xf32, #tpu.memory_space<hbm>> -> memref<62592xf32, #tpu.memory_space<hbm>>
    tpu.wait_dma2 semaphore(%arg20 : memref<!tpu.dma_semaphore, #tpu.memory_space<semaphore_mem>>) src(%dma_wait3A_981 : memref<62592xf32, #tpu.memory_space<hbm>>) dst(%dma_wait3A_977 : memref<62592xf32, #tpu.memory_space<vmem_shared>>)
    %dma_wait3A_982 = arith.constant 7 : i32
    %dma_wait3A_983 = tpu.memref_slice %arg11[%min3A_265] : memref<100000xf32, #tpu.memory_space<vmem_shared>> -> memref<6272xf32, #tpu.memory_space<vmem_shared>>
    %dma_wait3A_984 = arith.constant 0 : i32
    %dma_wait3A_985 = tpu.memref_slice %arg4[%add3A_922, %dma_wait3A_982, %dma_wait3A_984] : memref<4x8x100000xf32, #tpu.memory_space<hbm>> -> memref<1x1x100000xf32, #tpu.memory_space<hbm>>
    %dma_wait3A_986 = tpu.memref_squeeze %dma_wait3A_985 : memref<1x1x100000xf32, #tpu.memory_space<hbm>> -> memref<100000xf32, #tpu.memory_space<hbm>>
    %dma_wait3A_987 = tpu.memref_slice %dma_wait3A_986[%min3A_265] : memref<100000xf32, #tpu.memory_space<hbm>> -> memref<6272xf32, #tpu.memory_space<hbm>>
    tpu.wait_dma2 semaphore(%arg20 : memref<!tpu.dma_semaphore, #tpu.memory_space<semaphore_mem>>) src(%dma_wait3A_987 : memref<6272xf32, #tpu.memory_space<hbm>>) dst(%dma_wait3A_983 : memref<6272xf32, #tpu.memory_space<vmem_shared>>)
    %dma_wait3A_988 = tpu.memref_slice %arg18[%add3A_944] : memref<2048xf32, #tpu.memory_space<vmem>> -> memref<64xf32, #tpu.memory_space<vmem>>
    %dma_wait3A_989 = arith.constant 999936 : i32
    %dma_wait3A_990 = tpu.memref_slice %arg10[%dma_wait3A_989] : memref<1000000xf32, #tpu.memory_space<vmem_shared>> -> memref<64xf32, #tpu.memory_space<vmem_shared>>
    %dma_wait3A_991 = arith.constant 999936 : i32
    %dma_wait3A_992 = tpu.memref_slice %arg10[%dma_wait3A_991] : memref<1000000xf32, #tpu.memory_space<vmem_shared>> -> memref<64xf32, #tpu.memory_space<vmem_shared>>
    %dma_wait3A_993 = tpu.memref_slice %arg18[%add3A_944] : memref<2048xf32, #tpu.memory_space<vmem>> -> memref<64xf32, #tpu.memory_space<vmem>>
    tpu.wait_dma2 semaphore(%arg20 : memref<!tpu.dma_semaphore, #tpu.memory_space<semaphore_mem>>) src(%dma_wait3A_993 : memref<64xf32, #tpu.memory_space<vmem>>) dst(%dma_wait3A_992 : memref<64xf32, #tpu.memory_space<vmem_shared>>)
    %dma_wait3A_994 = tpu.memref_slice %arg19[%add3A_960] : memref<1024xf32, #tpu.memory_space<vmem>> -> memref<32xf32, #tpu.memory_space<vmem>>
    %dma_wait3A_995 = arith.constant 99968 : i32
    %dma_wait3A_996 = tpu.memref_slice %arg11[%dma_wait3A_995] : memref<100000xf32, #tpu.memory_space<vmem_shared>> -> memref<32xf32, #tpu.memory_space<vmem_shared>>
    %dma_wait3A_997 = arith.constant 99968 : i32
    %dma_wait3A_998 = tpu.memref_slice %arg11[%dma_wait3A_997] : memref<100000xf32, #tpu.memory_space<vmem_shared>> -> memref<32xf32, #tpu.memory_space<vmem_shared>>
    %dma_wait3A_999 = tpu.memref_slice %arg19[%add3A_960] : memref<1024xf32, #tpu.memory_space<vmem>> -> memref<32xf32, #tpu.memory_space<vmem>>
    tpu.wait_dma2 semaphore(%arg20 : memref<!tpu.dma_semaphore, #tpu.memory_space<semaphore_mem>>) src(%dma_wait3A_999 : memref<32xf32, #tpu.memory_space<vmem>>) dst(%dma_wait3A_998 : memref<32xf32, #tpu.memory_space<vmem_shared>>)
    %barrier3A_1000 = arith.constant 0 : index
    tpu.barrier barrier_id(%barrier3A_1000)
    %dma_start3A_1001 = arith.constant 0 : i32
    %dma_start3A_1002 = tpu.memref_slice %arg10[%dma_start3A_1001] : memref<1000000xf32, #tpu.memory_space<vmem_shared>> -> memref<1000000xf32, #tpu.memory_space<vmem_shared>>
    tpu.enqueue_indirect_dma source(%dma_start3A_1002 : memref<1000000xf32, #tpu.memory_space<vmem_shared>>) target(%arg15 : memref<1024xf32, #tpu.memory_space<vmem>>) offsets(%arg13 : memref<1024xi32, #tpu.memory_space<vmem>>) semaphore(%arg21 : memref<!tpu.dma_semaphore, #tpu.memory_space<semaphore_mem>>)
    %dma_start3A_1003 = arith.constant 0 : i32
    %dma_start3A_1004 = tpu.memref_slice %arg11[%dma_start3A_1003] : memref<100000xf32, #tpu.memory_space<vmem_shared>> -> memref<100000xf32, #tpu.memory_space<vmem_shared>>
    tpu.enqueue_indirect_dma source(%dma_start3A_1004 : memref<100000xf32, #tpu.memory_space<vmem_shared>>) target(%arg14 : memref<1024xf32, #tpu.memory_space<vmem>>) offsets(%arg12 : memref<1024xi32, #tpu.memory_space<vmem>>) semaphore(%arg21 : memref<!tpu.dma_semaphore, #tpu.memory_space<semaphore_mem>>)
    %dma_wait3A_1005 = arith.constant 0 : i32
    %dma_wait3A_1006 = tpu.memref_slice %arg10[%dma_wait3A_1005] : memref<1000000xf32, #tpu.memory_space<vmem_shared>> -> memref<1000000xf32, #tpu.memory_space<vmem_shared>>
    tpu.wait_indirect_dma semaphore(%arg21 : memref<!tpu.dma_semaphore, #tpu.memory_space<semaphore_mem>>) src(%dma_wait3A_1006 : memref<1000000xf32, #tpu.memory_space<vmem_shared>>) dst(%arg15 : memref<1024xf32, #tpu.memory_space<vmem>>)
    %dma_wait3A_1007 = arith.constant 0 : i32
    %dma_wait3A_1008 = tpu.memref_slice %arg11[%dma_wait3A_1007] : memref<100000xf32, #tpu.memory_space<vmem_shared>> -> memref<100000xf32, #tpu.memory_space<vmem_shared>>
    tpu.wait_indirect_dma semaphore(%arg21 : memref<!tpu.dma_semaphore, #tpu.memory_space<semaphore_mem>>) src(%dma_wait3A_1008 : memref<100000xf32, #tpu.memory_space<vmem_shared>>) dst(%arg14 : memref<1024xf32, #tpu.memory_space<vmem>>)
    %barrier3A_1009 = arith.constant 0 : index
    tpu.barrier barrier_id(%barrier3A_1009)
    %mul3A_1010 = arith.constant 2 : i32
    %mul3A_1011 = arith.muli %arg0, %mul3A_1010 : i32
    %add3A_1012 = arith.constant 1 : i32
    %add3A_1013 = arith.addi %mul3A_1011, %add3A_1012 : i32
    %mul3A_1014 = arith.constant 2 : i32
    %mul3A_1015 = arith.muli %arg0, %mul3A_1014 : i32
    %add3A_1016 = arith.constant 1 : i32
    %add3A_1017 = arith.addi %mul3A_1015, %add3A_1016 : i32
    %dma_start3A_1018 = arith.constant 0 : i32
    %dma_start3A_1019 = tpu.memref_slice %arg10[%min3A_261] : memref<1000000xf32, #tpu.memory_space<vmem_shared>> -> memref<62592xf32, #tpu.memory_space<vmem_shared>>
    %dma_start3A_1020 = arith.constant 0 : i32
    %dma_start3A_1021 = tpu.memref_slice %arg5[%add3A_1013, %dma_start3A_1018, %dma_start3A_1020] : memref<4x8x1000000xf32, #tpu.memory_space<hbm>> -> memref<1x1x1000000xf32, #tpu.memory_space<hbm>>
    %dma_start3A_1022 = tpu.memref_squeeze %dma_start3A_1021 : memref<1x1x1000000xf32, #tpu.memory_space<hbm>> -> memref<1000000xf32, #tpu.memory_space<hbm>>
    %dma_start3A_1023 = tpu.memref_slice %dma_start3A_1022[%min3A_261] : memref<1000000xf32, #tpu.memory_space<hbm>> -> memref<62592xf32, #tpu.memory_space<hbm>>
    tpu.enqueue_dma source(%dma_start3A_1023 : memref<62592xf32, #tpu.memory_space<hbm>>) target(%dma_start3A_1019 : memref<62592xf32, #tpu.memory_space<vmem_shared>>) target_semaphore(%arg20 : memref<!tpu.dma_semaphore, #tpu.memory_space<semaphore_mem>>)
    %dma_start3A_1024 = arith.constant 0 : i32
    %dma_start3A_1025 = tpu.memref_slice %arg11[%min3A_265] : memref<100000xf32, #tpu.memory_space<vmem_shared>> -> memref<6272xf32, #tpu.memory_space<vmem_shared>>
    %dma_start3A_1026 = arith.constant 0 : i32
    %dma_start3A_1027 = tpu.memref_slice %arg4[%add3A_1017, %dma_start3A_1024, %dma_start3A_1026] : memref<4x8x100000xf32, #tpu.memory_space<hbm>> -> memref<1x1x100000xf32, #tpu.memory_space<hbm>>
    %dma_start3A_1028 = tpu.memref_squeeze %dma_start3A_1027 : memref<1x1x100000xf32, #tpu.memory_space<hbm>> -> memref<100000xf32, #tpu.memory_space<hbm>>
    %dma_start3A_1029 = tpu.memref_slice %dma_start3A_1028[%min3A_265] : memref<100000xf32, #tpu.memory_space<hbm>> -> memref<6272xf32, #tpu.memory_space<hbm>>
    tpu.enqueue_dma source(%dma_start3A_1029 : memref<6272xf32, #tpu.memory_space<hbm>>) target(%dma_start3A_1025 : memref<6272xf32, #tpu.memory_space<vmem_shared>>) target_semaphore(%arg20 : memref<!tpu.dma_semaphore, #tpu.memory_space<semaphore_mem>>)
    %mul3A_1030 = arith.constant 2 : i32
    %mul3A_1031 = arith.muli %arg0, %mul3A_1030 : i32
    %add3A_1032 = arith.constant 1 : i32
    %add3A_1033 = arith.addi %mul3A_1031, %add3A_1032 : i32
    %mul3A_1034 = arith.constant 8 : i32
    %mul3A_1035 = arith.muli %add3A_1033, %mul3A_1034 : i32
    %mul3A_1036 = arith.constant 64 : i32
    %mul3A_1037 = arith.muli %mul3A_1035, %mul3A_1036 : i32
    %add3A_1038 = arith.constant 0 : i32
    %add3A_1039 = arith.addi %mul3A_1037, %add3A_1038 : i32
    %dma_start3A_1040 = tpu.memref_slice %arg18[%add3A_1039] : memref<2048xf32, #tpu.memory_space<vmem>> -> memref<64xf32, #tpu.memory_space<vmem>>
    %dma_start3A_1041 = arith.constant 999936 : i32
    %dma_start3A_1042 = tpu.memref_slice %arg10[%dma_start3A_1041] : memref<1000000xf32, #tpu.memory_space<vmem_shared>> -> memref<64xf32, #tpu.memory_space<vmem_shared>>
    %dma_start3A_1043 = arith.constant 999936 : i32
    %dma_start3A_1044 = tpu.memref_slice %arg10[%dma_start3A_1043] : memref<1000000xf32, #tpu.memory_space<vmem_shared>> -> memref<64xf32, #tpu.memory_space<vmem_shared>>
    %dma_start3A_1045 = tpu.memref_slice %arg18[%add3A_1039] : memref<2048xf32, #tpu.memory_space<vmem>> -> memref<64xf32, #tpu.memory_space<vmem>>
    tpu.enqueue_dma source(%dma_start3A_1045 : memref<64xf32, #tpu.memory_space<vmem>>) target(%dma_start3A_1044 : memref<64xf32, #tpu.memory_space<vmem_shared>>) target_semaphore(%arg20 : memref<!tpu.dma_semaphore, #tpu.memory_space<semaphore_mem>>)
    %mul3A_1046 = arith.constant 2 : i32
    %mul3A_1047 = arith.muli %arg0, %mul3A_1046 : i32
    %add3A_1048 = arith.constant 1 : i32
    %add3A_1049 = arith.addi %mul3A_1047, %add3A_1048 : i32
    %mul3A_1050 = arith.constant 8 : i32
    %mul3A_1051 = arith.muli %add3A_1049, %mul3A_1050 : i32
    %mul3A_1052 = arith.constant 32 : i32
    %mul3A_1053 = arith.muli %mul3A_1051, %mul3A_1052 : i32
    %add3A_1054 = arith.constant 0 : i32
    %add3A_1055 = arith.addi %mul3A_1053, %add3A_1054 : i32
    %dma_start3A_1056 = tpu.memref_slice %arg19[%add3A_1055] : memref<1024xf32, #tpu.memory_space<vmem>> -> memref<32xf32, #tpu.memory_space<vmem>>
    %dma_start3A_1057 = arith.constant 99968 : i32
    %dma_start3A_1058 = tpu.memref_slice %arg11[%dma_start3A_1057] : memref<100000xf32, #tpu.memory_space<vmem_shared>> -> memref<32xf32, #tpu.memory_space<vmem_shared>>
    %dma_start3A_1059 = arith.constant 99968 : i32
    %dma_start3A_1060 = tpu.memref_slice %arg11[%dma_start3A_1059] : memref<100000xf32, #tpu.memory_space<vmem_shared>> -> memref<32xf32, #tpu.memory_space<vmem_shared>>
    %dma_start3A_1061 = tpu.memref_slice %arg19[%add3A_1055] : memref<1024xf32, #tpu.memory_space<vmem>> -> memref<32xf32, #tpu.memory_space<vmem>>
    tpu.enqueue_dma source(%dma_start3A_1061 : memref<32xf32, #tpu.memory_space<vmem>>) target(%dma_start3A_1060 : memref<32xf32, #tpu.memory_space<vmem_shared>>) target_semaphore(%arg20 : memref<!tpu.dma_semaphore, #tpu.memory_space<semaphore_mem>>)
    %slice3A_1062 = vector.extract_strided_slice %select_n3A {offsets = [7], sizes = [1], strides = [1]} : vector<16xf32> to vector<1xf32>
    %squeeze3A_1063 = vector.extract %slice3A_1062[0] : f32 from vector<1xf32>
    %scan3A_1064 = arith.constant 0 : i32
    %scan3A_1065 = arith.constant 0 : i32
    %scan3A_1066 = arith.constant 64 : i32
    %scan3A_1067 = arith.addi %scan3A_1065, %scan3A_1066 : i32
    %scan3A_1068 = arith.constant 1 : i32
    %scan3A_1069 = scf.for %scan3A_1779 = %scan3A_1065 to %scan3A_1067 step %scan3A_1068 iter_args(%scan3A_1780 = %scan3A_1064) -> (i32)  : i32 {
      %mul3A_1781 = arith.constant 16 : i32
      %mul3A_1782 = arith.muli %scan3A_1779, %mul3A_1781 : i32
      %get3A_1783 = arith.index_cast %mul3A_1782 : i32 to index
      %get3A_1784 = tpu.vector_load %arg16[%get3A_1783] {strides = array<i32>} : memref<1024xf32, #tpu.memory_space<vmem>>, vector<16xf32>,
      %get3A_1785 = arith.index_cast %mul3A_1782 : i32 to index
      %get3A_1786 = tpu.vector_load %arg14[%get3A_1785] {strides = array<i32>} : memref<1024xf32, #tpu.memory_space<vmem>>, vector<16xf32>,
      %get3A_1787 = arith.index_cast %mul3A_1782 : i32 to index
      %get3A_1788 = tpu.vector_load %arg15[%get3A_1787] {strides = array<i32>} : memref<1024xf32, #tpu.memory_space<vmem>>, vector<16xf32>,
      %mul3A_1789 = arith.mulf %get3A_1786, %get3A_1788 : vector<16xf32>
      %mul3A_1790 = vector.broadcast %squeeze3A_1063 : f32 to vector<16xf32>
      %mul3A_1791 = arith.mulf %mul3A_1789, %mul3A_1790 : vector<16xf32>
      %add3A_1792 = arith.addf %get3A_1784, %mul3A_1791 : vector<16xf32>
      %swap3A_1793 = arith.index_cast %mul3A_1782 : i32 to index
      %swap3A_1794 = tpu.vector_load %arg16[%swap3A_1793] {strides = array<i32>} : memref<1024xf32, #tpu.memory_space<vmem>>, vector<16xf32>,
      tpu.vector_store %arg16[%swap3A_1793], %add3A_1792 {strides = array<i32>} : memref<1024xf32, #tpu.memory_space<vmem>>, vector<16xf32>,
      %scan3A_1795 = arith.constant 0 : i32
      scf.yield %scan3A_1795 : i32
    }
    %scan3A_1070 = arith.constant 64 : i32
    %dma_wait3A_1071 = arith.constant 0 : i32
    %dma_wait3A_1072 = tpu.memref_slice %arg10[%min3A_261] : memref<1000000xf32, #tpu.memory_space<vmem_shared>> -> memref<62592xf32, #tpu.memory_space<vmem_shared>>
    %dma_wait3A_1073 = arith.constant 0 : i32
    %dma_wait3A_1074 = tpu.memref_slice %arg5[%add3A_1013, %dma_wait3A_1071, %dma_wait3A_1073] : memref<4x8x1000000xf32, #tpu.memory_space<hbm>> -> memref<1x1x1000000xf32, #tpu.memory_space<hbm>>
    %dma_wait3A_1075 = tpu.memref_squeeze %dma_wait3A_1074 : memref<1x1x1000000xf32, #tpu.memory_space<hbm>> -> memref<1000000xf32, #tpu.memory_space<hbm>>
    %dma_wait3A_1076 = tpu.memref_slice %dma_wait3A_1075[%min3A_261] : memref<1000000xf32, #tpu.memory_space<hbm>> -> memref<62592xf32, #tpu.memory_space<hbm>>
    tpu.wait_dma2 semaphore(%arg20 : memref<!tpu.dma_semaphore, #tpu.memory_space<semaphore_mem>>) src(%dma_wait3A_1076 : memref<62592xf32, #tpu.memory_space<hbm>>) dst(%dma_wait3A_1072 : memref<62592xf32, #tpu.memory_space<vmem_shared>>)
    %dma_wait3A_1077 = arith.constant 0 : i32
    %dma_wait3A_1078 = tpu.memref_slice %arg11[%min3A_265] : memref<100000xf32, #tpu.memory_space<vmem_shared>> -> memref<6272xf32, #tpu.memory_space<vmem_shared>>
    %dma_wait3A_1079 = arith.constant 0 : i32
    %dma_wait3A_1080 = tpu.memref_slice %arg4[%add3A_1017, %dma_wait3A_1077, %dma_wait3A_1079] : memref<4x8x100000xf32, #tpu.memory_space<hbm>> -> memref<1x1x100000xf32, #tpu.memory_space<hbm>>
    %dma_wait3A_1081 = tpu.memref_squeeze %dma_wait3A_1080 : memref<1x1x100000xf32, #tpu.memory_space<hbm>> -> memref<100000xf32, #tpu.memory_space<hbm>>
    %dma_wait3A_1082 = tpu.memref_slice %dma_wait3A_1081[%min3A_265] : memref<100000xf32, #tpu.memory_space<hbm>> -> memref<6272xf32, #tpu.memory_space<hbm>>
    tpu.wait_dma2 semaphore(%arg20 : memref<!tpu.dma_semaphore, #tpu.memory_space<semaphore_mem>>) src(%dma_wait3A_1082 : memref<6272xf32, #tpu.memory_space<hbm>>) dst(%dma_wait3A_1078 : memref<6272xf32, #tpu.memory_space<vmem_shared>>)
    %dma_wait3A_1083 = tpu.memref_slice %arg18[%add3A_1039] : memref<2048xf32, #tpu.memory_space<vmem>> -> memref<64xf32, #tpu.memory_space<vmem>>
    %dma_wait3A_1084 = arith.constant 999936 : i32
    %dma_wait3A_1085 = tpu.memref_slice %arg10[%dma_wait3A_1084] : memref<1000000xf32, #tpu.memory_space<vmem_shared>> -> memref<64xf32, #tpu.memory_space<vmem_shared>>
    %dma_wait3A_1086 = arith.constant 999936 : i32
    %dma_wait3A_1087 = tpu.memref_slice %arg10[%dma_wait3A_1086] : memref<1000000xf32, #tpu.memory_space<vmem_shared>> -> memref<64xf32, #tpu.memory_space<vmem_shared>>
    %dma_wait3A_1088 = tpu.memref_slice %arg18[%add3A_1039] : memref<2048xf32, #tpu.memory_space<vmem>> -> memref<64xf32, #tpu.memory_space<vmem>>
    tpu.wait_dma2 semaphore(%arg20 : memref<!tpu.dma_semaphore, #tpu.memory_space<semaphore_mem>>) src(%dma_wait3A_1088 : memref<64xf32, #tpu.memory_space<vmem>>) dst(%dma_wait3A_1087 : memref<64xf32, #tpu.memory_space<vmem_shared>>)
    %dma_wait3A_1089 = tpu.memref_slice %arg19[%add3A_1055] : memref<1024xf32, #tpu.memory_space<vmem>> -> memref<32xf32, #tpu.memory_space<vmem>>
    %dma_wait3A_1090 = arith.constant 99968 : i32
    %dma_wait3A_1091 = tpu.memref_slice %arg11[%dma_wait3A_1090] : memref<100000xf32, #tpu.memory_space<vmem_shared>> -> memref<32xf32, #tpu.memory_space<vmem_shared>>
    %dma_wait3A_1092 = arith.constant 99968 : i32
    %dma_wait3A_1093 = tpu.memref_slice %arg11[%dma_wait3A_1092] : memref<100000xf32, #tpu.memory_space<vmem_shared>> -> memref<32xf32, #tpu.memory_space<vmem_shared>>
    %dma_wait3A_1094 = tpu.memref_slice %arg19[%add3A_1055] : memref<1024xf32, #tpu.memory_space<vmem>> -> memref<32xf32, #tpu.memory_space<vmem>>
    tpu.wait_dma2 semaphore(%arg20 : memref<!tpu.dma_semaphore, #tpu.memory_space<semaphore_mem>>) src(%dma_wait3A_1094 : memref<32xf32, #tpu.memory_space<vmem>>) dst(%dma_wait3A_1093 : memref<32xf32, #tpu.memory_space<vmem_shared>>)
    %barrier3A_1095 = arith.constant 0 : index
    tpu.barrier barrier_id(%barrier3A_1095)
    %dma_start3A_1096 = arith.constant 0 : i32
    %dma_start3A_1097 = tpu.memref_slice %arg10[%dma_start3A_1096] : memref<1000000xf32, #tpu.memory_space<vmem_shared>> -> memref<1000000xf32, #tpu.memory_space<vmem_shared>>
    tpu.enqueue_indirect_dma source(%dma_start3A_1097 : memref<1000000xf32, #tpu.memory_space<vmem_shared>>) target(%arg15 : memref<1024xf32, #tpu.memory_space<vmem>>) offsets(%arg13 : memref<1024xi32, #tpu.memory_space<vmem>>) semaphore(%arg21 : memref<!tpu.dma_semaphore, #tpu.memory_space<semaphore_mem>>)
    %dma_start3A_1098 = arith.constant 0 : i32
    %dma_start3A_1099 = tpu.memref_slice %arg11[%dma_start3A_1098] : memref<100000xf32, #tpu.memory_space<vmem_shared>> -> memref<100000xf32, #tpu.memory_space<vmem_shared>>
    tpu.enqueue_indirect_dma source(%dma_start3A_1099 : memref<100000xf32, #tpu.memory_space<vmem_shared>>) target(%arg14 : memref<1024xf32, #tpu.memory_space<vmem>>) offsets(%arg12 : memref<1024xi32, #tpu.memory_space<vmem>>) semaphore(%arg21 : memref<!tpu.dma_semaphore, #tpu.memory_space<semaphore_mem>>)
    %dma_wait3A_1100 = arith.constant 0 : i32
    %dma_wait3A_1101 = tpu.memref_slice %arg10[%dma_wait3A_1100] : memref<1000000xf32, #tpu.memory_space<vmem_shared>> -> memref<1000000xf32, #tpu.memory_space<vmem_shared>>
    tpu.wait_indirect_dma semaphore(%arg21 : memref<!tpu.dma_semaphore, #tpu.memory_space<semaphore_mem>>) src(%dma_wait3A_1101 : memref<1000000xf32, #tpu.memory_space<vmem_shared>>) dst(%arg15 : memref<1024xf32, #tpu.memory_space<vmem>>)
    %dma_wait3A_1102 = arith.constant 0 : i32
    %dma_wait3A_1103 = tpu.memref_slice %arg11[%dma_wait3A_1102] : memref<100000xf32, #tpu.memory_space<vmem_shared>> -> memref<100000xf32, #tpu.memory_space<vmem_shared>>
    tpu.wait_indirect_dma semaphore(%arg21 : memref<!tpu.dma_semaphore, #tpu.memory_space<semaphore_mem>>) src(%dma_wait3A_1103 : memref<100000xf32, #tpu.memory_space<vmem_shared>>) dst(%arg14 : memref<1024xf32, #tpu.memory_space<vmem>>)
    %barrier3A_1104 = arith.constant 0 : index
    tpu.barrier barrier_id(%barrier3A_1104)
    %mul3A_1105 = arith.constant 2 : i32
    %mul3A_1106 = arith.muli %arg0, %mul3A_1105 : i32
    %add3A_1107 = arith.constant 1 : i32
    %add3A_1108 = arith.addi %mul3A_1106, %add3A_1107 : i32
    %mul3A_1109 = arith.constant 2 : i32
    %mul3A_1110 = arith.muli %arg0, %mul3A_1109 : i32
    %add3A_1111 = arith.constant 1 : i32
    %add3A_1112 = arith.addi %mul3A_1110, %add3A_1111 : i32
    %dma_start3A_1113 = arith.constant 1 : i32
    %dma_start3A_1114 = tpu.memref_slice %arg10[%min3A_261] : memref<1000000xf32, #tpu.memory_space<vmem_shared>> -> memref<62592xf32, #tpu.memory_space<vmem_shared>>
    %dma_start3A_1115 = arith.constant 0 : i32
    %dma_start3A_1116 = tpu.memref_slice %arg5[%add3A_1108, %dma_start3A_1113, %dma_start3A_1115] : memref<4x8x1000000xf32, #tpu.memory_space<hbm>> -> memref<1x1x1000000xf32, #tpu.memory_space<hbm>>
    %dma_start3A_1117 = tpu.memref_squeeze %dma_start3A_1116 : memref<1x1x1000000xf32, #tpu.memory_space<hbm>> -> memref<1000000xf32, #tpu.memory_space<hbm>>
    %dma_start3A_1118 = tpu.memref_slice %dma_start3A_1117[%min3A_261] : memref<1000000xf32, #tpu.memory_space<hbm>> -> memref<62592xf32, #tpu.memory_space<hbm>>
    tpu.enqueue_dma source(%dma_start3A_1118 : memref<62592xf32, #tpu.memory_space<hbm>>) target(%dma_start3A_1114 : memref<62592xf32, #tpu.memory_space<vmem_shared>>) target_semaphore(%arg20 : memref<!tpu.dma_semaphore, #tpu.memory_space<semaphore_mem>>)
    %dma_start3A_1119 = arith.constant 1 : i32
    %dma_start3A_1120 = tpu.memref_slice %arg11[%min3A_265] : memref<100000xf32, #tpu.memory_space<vmem_shared>> -> memref<6272xf32, #tpu.memory_space<vmem_shared>>
    %dma_start3A_1121 = arith.constant 0 : i32
    %dma_start3A_1122 = tpu.memref_slice %arg4[%add3A_1112, %dma_start3A_1119, %dma_start3A_1121] : memref<4x8x100000xf32, #tpu.memory_space<hbm>> -> memref<1x1x100000xf32, #tpu.memory_space<hbm>>
    %dma_start3A_1123 = tpu.memref_squeeze %dma_start3A_1122 : memref<1x1x100000xf32, #tpu.memory_space<hbm>> -> memref<100000xf32, #tpu.memory_space<hbm>>
    %dma_start3A_1124 = tpu.memref_slice %dma_start3A_1123[%min3A_265] : memref<100000xf32, #tpu.memory_space<hbm>> -> memref<6272xf32, #tpu.memory_space<hbm>>
    tpu.enqueue_dma source(%dma_start3A_1124 : memref<6272xf32, #tpu.memory_space<hbm>>) target(%dma_start3A_1120 : memref<6272xf32, #tpu.memory_space<vmem_shared>>) target_semaphore(%arg20 : memref<!tpu.dma_semaphore, #tpu.memory_space<semaphore_mem>>)
    %mul3A_1125 = arith.constant 2 : i32
    %mul3A_1126 = arith.muli %arg0, %mul3A_1125 : i32
    %add3A_1127 = arith.constant 1 : i32
    %add3A_1128 = arith.addi %mul3A_1126, %add3A_1127 : i32
    %mul3A_1129 = arith.constant 8 : i32
    %mul3A_1130 = arith.muli %add3A_1128, %mul3A_1129 : i32
    %mul3A_1131 = arith.constant 64 : i32
    %mul3A_1132 = arith.muli %mul3A_1130, %mul3A_1131 : i32
    %add3A_1133 = arith.constant 64 : i32
    %add3A_1134 = arith.addi %mul3A_1132, %add3A_1133 : i32
    %dma_start3A_1135 = tpu.memref_slice %arg18[%add3A_1134] : memref<2048xf32, #tpu.memory_space<vmem>> -> memref<64xf32, #tpu.memory_space<vmem>>
    %dma_start3A_1136 = arith.constant 999936 : i32
    %dma_start3A_1137 = tpu.memref_slice %arg10[%dma_start3A_1136] : memref<1000000xf32, #tpu.memory_space<vmem_shared>> -> memref<64xf32, #tpu.memory_space<vmem_shared>>
    %dma_start3A_1138 = arith.constant 999936 : i32
    %dma_start3A_1139 = tpu.memref_slice %arg10[%dma_start3A_1138] : memref<1000000xf32, #tpu.memory_space<vmem_shared>> -> memref<64xf32, #tpu.memory_space<vmem_shared>>
    %dma_start3A_1140 = tpu.memref_slice %arg18[%add3A_1134] : memref<2048xf32, #tpu.memory_space<vmem>> -> memref<64xf32, #tpu.memory_space<vmem>>
    tpu.enqueue_dma source(%dma_start3A_1140 : memref<64xf32, #tpu.memory_space<vmem>>) target(%dma_start3A_1139 : memref<64xf32, #tpu.memory_space<vmem_shared>>) target_semaphore(%arg20 : memref<!tpu.dma_semaphore, #tpu.memory_space<semaphore_mem>>)
    %mul3A_1141 = arith.constant 2 : i32
    %mul3A_1142 = arith.muli %arg0, %mul3A_1141 : i32
    %add3A_1143 = arith.constant 1 : i32
    %add3A_1144 = arith.addi %mul3A_1142, %add3A_1143 : i32
    %mul3A_1145 = arith.constant 8 : i32
    %mul3A_1146 = arith.muli %add3A_1144, %mul3A_1145 : i32
    %mul3A_1147 = arith.constant 32 : i32
    %mul3A_1148 = arith.muli %mul3A_1146, %mul3A_1147 : i32
    %add3A_1149 = arith.constant 32 : i32
    %add3A_1150 = arith.addi %mul3A_1148, %add3A_1149 : i32
    %dma_start3A_1151 = tpu.memref_slice %arg19[%add3A_1150] : memref<1024xf32, #tpu.memory_space<vmem>> -> memref<32xf32, #tpu.memory_space<vmem>>
    %dma_start3A_1152 = arith.constant 99968 : i32
    %dma_start3A_1153 = tpu.memref_slice %arg11[%dma_start3A_1152] : memref<100000xf32, #tpu.memory_space<vmem_shared>> -> memref<32xf32, #tpu.memory_space<vmem_shared>>
    %dma_start3A_1154 = arith.constant 99968 : i32
    %dma_start3A_1155 = tpu.memref_slice %arg11[%dma_start3A_1154] : memref<100000xf32, #tpu.memory_space<vmem_shared>> -> memref<32xf32, #tpu.memory_space<vmem_shared>>
    %dma_start3A_1156 = tpu.memref_slice %arg19[%add3A_1150] : memref<1024xf32, #tpu.memory_space<vmem>> -> memref<32xf32, #tpu.memory_space<vmem>>
    tpu.enqueue_dma source(%dma_start3A_1156 : memref<32xf32, #tpu.memory_space<vmem>>) target(%dma_start3A_1155 : memref<32xf32, #tpu.memory_space<vmem_shared>>) target_semaphore(%arg20 : memref<!tpu.dma_semaphore, #tpu.memory_space<semaphore_mem>>)
    %slice3A_1157 = vector.extract_strided_slice %select_n3A {offsets = [8], sizes = [1], strides = [1]} : vector<16xf32> to vector<1xf32>
    %squeeze3A_1158 = vector.extract %slice3A_1157[0] : f32 from vector<1xf32>
    %scan3A_1159 = arith.constant 0 : i32
    %scan3A_1160 = arith.constant 0 : i32
    %scan3A_1161 = arith.constant 64 : i32
    %scan3A_1162 = arith.addi %scan3A_1160, %scan3A_1161 : i32
    %scan3A_1163 = arith.constant 1 : i32
    %scan3A_1164 = scf.for %scan3A_1779 = %scan3A_1160 to %scan3A_1162 step %scan3A_1163 iter_args(%scan3A_1780 = %scan3A_1159) -> (i32)  : i32 {
      %mul3A_1781 = arith.constant 16 : i32
      %mul3A_1782 = arith.muli %scan3A_1779, %mul3A_1781 : i32
      %get3A_1783 = arith.index_cast %mul3A_1782 : i32 to index
      %get3A_1784 = tpu.vector_load %arg16[%get3A_1783] {strides = array<i32>} : memref<1024xf32, #tpu.memory_space<vmem>>, vector<16xf32>,
      %get3A_1785 = arith.index_cast %mul3A_1782 : i32 to index
      %get3A_1786 = tpu.vector_load %arg14[%get3A_1785] {strides = array<i32>} : memref<1024xf32, #tpu.memory_space<vmem>>, vector<16xf32>,
      %get3A_1787 = arith.index_cast %mul3A_1782 : i32 to index
      %get3A_1788 = tpu.vector_load %arg15[%get3A_1787] {strides = array<i32>} : memref<1024xf32, #tpu.memory_space<vmem>>, vector<16xf32>,
      %mul3A_1789 = arith.mulf %get3A_1786, %get3A_1788 : vector<16xf32>
      %mul3A_1790 = vector.broadcast %squeeze3A_1158 : f32 to vector<16xf32>
      %mul3A_1791 = arith.mulf %mul3A_1789, %mul3A_1790 : vector<16xf32>
      %add3A_1792 = arith.addf %get3A_1784, %mul3A_1791 : vector<16xf32>
      %swap3A_1793 = arith.index_cast %mul3A_1782 : i32 to index
      %swap3A_1794 = tpu.vector_load %arg16[%swap3A_1793] {strides = array<i32>} : memref<1024xf32, #tpu.memory_space<vmem>>, vector<16xf32>,
      tpu.vector_store %arg16[%swap3A_1793], %add3A_1792 {strides = array<i32>} : memref<1024xf32, #tpu.memory_space<vmem>>, vector<16xf32>,
      %scan3A_1795 = arith.constant 0 : i32
      scf.yield %scan3A_1795 : i32
    }
    %scan3A_1165 = arith.constant 64 : i32
    %dma_wait3A_1166 = arith.constant 1 : i32
    %dma_wait3A_1167 = tpu.memref_slice %arg10[%min3A_261] : memref<1000000xf32, #tpu.memory_space<vmem_shared>> -> memref<62592xf32, #tpu.memory_space<vmem_shared>>
    %dma_wait3A_1168 = arith.constant 0 : i32
    %dma_wait3A_1169 = tpu.memref_slice %arg5[%add3A_1108, %dma_wait3A_1166, %dma_wait3A_1168] : memref<4x8x1000000xf32, #tpu.memory_space<hbm>> -> memref<1x1x1000000xf32, #tpu.memory_space<hbm>>
    %dma_wait3A_1170 = tpu.memref_squeeze %dma_wait3A_1169 : memref<1x1x1000000xf32, #tpu.memory_space<hbm>> -> memref<1000000xf32, #tpu.memory_space<hbm>>
    %dma_wait3A_1171 = tpu.memref_slice %dma_wait3A_1170[%min3A_261] : memref<1000000xf32, #tpu.memory_space<hbm>> -> memref<62592xf32, #tpu.memory_space<hbm>>
    tpu.wait_dma2 semaphore(%arg20 : memref<!tpu.dma_semaphore, #tpu.memory_space<semaphore_mem>>) src(%dma_wait3A_1171 : memref<62592xf32, #tpu.memory_space<hbm>>) dst(%dma_wait3A_1167 : memref<62592xf32, #tpu.memory_space<vmem_shared>>)
    %dma_wait3A_1172 = arith.constant 1 : i32
    %dma_wait3A_1173 = tpu.memref_slice %arg11[%min3A_265] : memref<100000xf32, #tpu.memory_space<vmem_shared>> -> memref<6272xf32, #tpu.memory_space<vmem_shared>>
    %dma_wait3A_1174 = arith.constant 0 : i32
    %dma_wait3A_1175 = tpu.memref_slice %arg4[%add3A_1112, %dma_wait3A_1172, %dma_wait3A_1174] : memref<4x8x100000xf32, #tpu.memory_space<hbm>> -> memref<1x1x100000xf32, #tpu.memory_space<hbm>>
    %dma_wait3A_1176 = tpu.memref_squeeze %dma_wait3A_1175 : memref<1x1x100000xf32, #tpu.memory_space<hbm>> -> memref<100000xf32, #tpu.memory_space<hbm>>
    %dma_wait3A_1177 = tpu.memref_slice %dma_wait3A_1176[%min3A_265] : memref<100000xf32, #tpu.memory_space<hbm>> -> memref<6272xf32, #tpu.memory_space<hbm>>
    tpu.wait_dma2 semaphore(%arg20 : memref<!tpu.dma_semaphore, #tpu.memory_space<semaphore_mem>>) src(%dma_wait3A_1177 : memref<6272xf32, #tpu.memory_space<hbm>>) dst(%dma_wait3A_1173 : memref<6272xf32, #tpu.memory_space<vmem_shared>>)
    %dma_wait3A_1178 = tpu.memref_slice %arg18[%add3A_1134] : memref<2048xf32, #tpu.memory_space<vmem>> -> memref<64xf32, #tpu.memory_space<vmem>>
    %dma_wait3A_1179 = arith.constant 999936 : i32
    %dma_wait3A_1180 = tpu.memref_slice %arg10[%dma_wait3A_1179] : memref<1000000xf32, #tpu.memory_space<vmem_shared>> -> memref<64xf32, #tpu.memory_space<vmem_shared>>
    %dma_wait3A_1181 = arith.constant 999936 : i32
    %dma_wait3A_1182 = tpu.memref_slice %arg10[%dma_wait3A_1181] : memref<1000000xf32, #tpu.memory_space<vmem_shared>> -> memref<64xf32, #tpu.memory_space<vmem_shared>>
    %dma_wait3A_1183 = tpu.memref_slice %arg18[%add3A_1134] : memref<2048xf32, #tpu.memory_space<vmem>> -> memref<64xf32, #tpu.memory_space<vmem>>
    tpu.wait_dma2 semaphore(%arg20 : memref<!tpu.dma_semaphore, #tpu.memory_space<semaphore_mem>>) src(%dma_wait3A_1183 : memref<64xf32, #tpu.memory_space<vmem>>) dst(%dma_wait3A_1182 : memref<64xf32, #tpu.memory_space<vmem_shared>>)
    %dma_wait3A_1184 = tpu.memref_slice %arg19[%add3A_1150] : memref<1024xf32, #tpu.memory_space<vmem>> -> memref<32xf32, #tpu.memory_space<vmem>>
    %dma_wait3A_1185 = arith.constant 99968 : i32
    %dma_wait3A_1186 = tpu.memref_slice %arg11[%dma_wait3A_1185] : memref<100000xf32, #tpu.memory_space<vmem_shared>> -> memref<32xf32, #tpu.memory_space<vmem_shared>>
    %dma_wait3A_1187 = arith.constant 99968 : i32
    %dma_wait3A_1188 = tpu.memref_slice %arg11[%dma_wait3A_1187] : memref<100000xf32, #tpu.memory_space<vmem_shared>> -> memref<32xf32, #tpu.memory_space<vmem_shared>>
    %dma_wait3A_1189 = tpu.memref_slice %arg19[%add3A_1150] : memref<1024xf32, #tpu.memory_space<vmem>> -> memref<32xf32, #tpu.memory_space<vmem>>
    tpu.wait_dma2 semaphore(%arg20 : memref<!tpu.dma_semaphore, #tpu.memory_space<semaphore_mem>>) src(%dma_wait3A_1189 : memref<32xf32, #tpu.memory_space<vmem>>) dst(%dma_wait3A_1188 : memref<32xf32, #tpu.memory_space<vmem_shared>>)
    %barrier3A_1190 = arith.constant 0 : index
    tpu.barrier barrier_id(%barrier3A_1190)
    %dma_start3A_1191 = arith.constant 0 : i32
    %dma_start3A_1192 = tpu.memref_slice %arg10[%dma_start3A_1191] : memref<1000000xf32, #tpu.memory_space<vmem_shared>> -> memref<1000000xf32, #tpu.memory_space<vmem_shared>>
    tpu.enqueue_indirect_dma source(%dma_start3A_1192 : memref<1000000xf32, #tpu.memory_space<vmem_shared>>) target(%arg15 : memref<1024xf32, #tpu.memory_space<vmem>>) offsets(%arg13 : memref<1024xi32, #tpu.memory_space<vmem>>) semaphore(%arg21 : memref<!tpu.dma_semaphore, #tpu.memory_space<semaphore_mem>>)
    %dma_start3A_1193 = arith.constant 0 : i32
    %dma_start3A_1194 = tpu.memref_slice %arg11[%dma_start3A_1193] : memref<100000xf32, #tpu.memory_space<vmem_shared>> -> memref<100000xf32, #tpu.memory_space<vmem_shared>>
    tpu.enqueue_indirect_dma source(%dma_start3A_1194 : memref<100000xf32, #tpu.memory_space<vmem_shared>>) target(%arg14 : memref<1024xf32, #tpu.memory_space<vmem>>) offsets(%arg12 : memref<1024xi32, #tpu.memory_space<vmem>>) semaphore(%arg21 : memref<!tpu.dma_semaphore, #tpu.memory_space<semaphore_mem>>)
    %dma_wait3A_1195 = arith.constant 0 : i32
    %dma_wait3A_1196 = tpu.memref_slice %arg10[%dma_wait3A_1195] : memref<1000000xf32, #tpu.memory_space<vmem_shared>> -> memref<1000000xf32, #tpu.memory_space<vmem_shared>>
    tpu.wait_indirect_dma semaphore(%arg21 : memref<!tpu.dma_semaphore, #tpu.memory_space<semaphore_mem>>) src(%dma_wait3A_1196 : memref<1000000xf32, #tpu.memory_space<vmem_shared>>) dst(%arg15 : memref<1024xf32, #tpu.memory_space<vmem>>)
    %dma_wait3A_1197 = arith.constant 0 : i32
    %dma_wait3A_1198 = tpu.memref_slice %arg11[%dma_wait3A_1197] : memref<100000xf32, #tpu.memory_space<vmem_shared>> -> memref<100000xf32, #tpu.memory_space<vmem_shared>>
    tpu.wait_indirect_dma semaphore(%arg21 : memref<!tpu.dma_semaphore, #tpu.memory_space<semaphore_mem>>) src(%dma_wait3A_1198 : memref<100000xf32, #tpu.memory_space<vmem_shared>>) dst(%arg14 : memref<1024xf32, #tpu.memory_space<vmem>>)
    %barrier3A_1199 = arith.constant 0 : index
    tpu.barrier barrier_id(%barrier3A_1199)
    %mul3A_1200 = arith.constant 2 : i32
    %mul3A_1201 = arith.muli %arg0, %mul3A_1200 : i32
    %add3A_1202 = arith.constant 1 : i32
    %add3A_1203 = arith.addi %mul3A_1201, %add3A_1202 : i32
    %mul3A_1204 = arith.constant 2 : i32
    %mul3A_1205 = arith.muli %arg0, %mul3A_1204 : i32
    %add3A_1206 = arith.constant 1 : i32
    %add3A_1207 = arith.addi %mul3A_1205, %add3A_1206 : i32
    %dma_start3A_1208 = arith.constant 2 : i32
    %dma_start3A_1209 = tpu.memref_slice %arg10[%min3A_261] : memref<1000000xf32, #tpu.memory_space<vmem_shared>> -> memref<62592xf32, #tpu.memory_space<vmem_shared>>
    %dma_start3A_1210 = arith.constant 0 : i32
    %dma_start3A_1211 = tpu.memref_slice %arg5[%add3A_1203, %dma_start3A_1208, %dma_start3A_1210] : memref<4x8x1000000xf32, #tpu.memory_space<hbm>> -> memref<1x1x1000000xf32, #tpu.memory_space<hbm>>
    %dma_start3A_1212 = tpu.memref_squeeze %dma_start3A_1211 : memref<1x1x1000000xf32, #tpu.memory_space<hbm>> -> memref<1000000xf32, #tpu.memory_space<hbm>>
    %dma_start3A_1213 = tpu.memref_slice %dma_start3A_1212[%min3A_261] : memref<1000000xf32, #tpu.memory_space<hbm>> -> memref<62592xf32, #tpu.memory_space<hbm>>
    tpu.enqueue_dma source(%dma_start3A_1213 : memref<62592xf32, #tpu.memory_space<hbm>>) target(%dma_start3A_1209 : memref<62592xf32, #tpu.memory_space<vmem_shared>>) target_semaphore(%arg20 : memref<!tpu.dma_semaphore, #tpu.memory_space<semaphore_mem>>)
    %dma_start3A_1214 = arith.constant 2 : i32
    %dma_start3A_1215 = tpu.memref_slice %arg11[%min3A_265] : memref<100000xf32, #tpu.memory_space<vmem_shared>> -> memref<6272xf32, #tpu.memory_space<vmem_shared>>
    %dma_start3A_1216 = arith.constant 0 : i32
    %dma_start3A_1217 = tpu.memref_slice %arg4[%add3A_1207, %dma_start3A_1214, %dma_start3A_1216] : memref<4x8x100000xf32, #tpu.memory_space<hbm>> -> memref<1x1x100000xf32, #tpu.memory_space<hbm>>
    %dma_start3A_1218 = tpu.memref_squeeze %dma_start3A_1217 : memref<1x1x100000xf32, #tpu.memory_space<hbm>> -> memref<100000xf32, #tpu.memory_space<hbm>>
    %dma_start3A_1219 = tpu.memref_slice %dma_start3A_1218[%min3A_265] : memref<100000xf32, #tpu.memory_space<hbm>> -> memref<6272xf32, #tpu.memory_space<hbm>>
    tpu.enqueue_dma source(%dma_start3A_1219 : memref<6272xf32, #tpu.memory_space<hbm>>) target(%dma_start3A_1215 : memref<6272xf32, #tpu.memory_space<vmem_shared>>) target_semaphore(%arg20 : memref<!tpu.dma_semaphore, #tpu.memory_space<semaphore_mem>>)
    %mul3A_1220 = arith.constant 2 : i32
    %mul3A_1221 = arith.muli %arg0, %mul3A_1220 : i32
    %add3A_1222 = arith.constant 1 : i32
    %add3A_1223 = arith.addi %mul3A_1221, %add3A_1222 : i32
    %mul3A_1224 = arith.constant 8 : i32
    %mul3A_1225 = arith.muli %add3A_1223, %mul3A_1224 : i32
    %mul3A_1226 = arith.constant 64 : i32
    %mul3A_1227 = arith.muli %mul3A_1225, %mul3A_1226 : i32
    %add3A_1228 = arith.constant 128 : i32
    %add3A_1229 = arith.addi %mul3A_1227, %add3A_1228 : i32
    %dma_start3A_1230 = tpu.memref_slice %arg18[%add3A_1229] : memref<2048xf32, #tpu.memory_space<vmem>> -> memref<64xf32, #tpu.memory_space<vmem>>
    %dma_start3A_1231 = arith.constant 999936 : i32
    %dma_start3A_1232 = tpu.memref_slice %arg10[%dma_start3A_1231] : memref<1000000xf32, #tpu.memory_space<vmem_shared>> -> memref<64xf32, #tpu.memory_space<vmem_shared>>
    %dma_start3A_1233 = arith.constant 999936 : i32
    %dma_start3A_1234 = tpu.memref_slice %arg10[%dma_start3A_1233] : memref<1000000xf32, #tpu.memory_space<vmem_shared>> -> memref<64xf32, #tpu.memory_space<vmem_shared>>
    %dma_start3A_1235 = tpu.memref_slice %arg18[%add3A_1229] : memref<2048xf32, #tpu.memory_space<vmem>> -> memref<64xf32, #tpu.memory_space<vmem>>
    tpu.enqueue_dma source(%dma_start3A_1235 : memref<64xf32, #tpu.memory_space<vmem>>) target(%dma_start3A_1234 : memref<64xf32, #tpu.memory_space<vmem_shared>>) target_semaphore(%arg20 : memref<!tpu.dma_semaphore, #tpu.memory_space<semaphore_mem>>)
    %mul3A_1236 = arith.constant 2 : i32
    %mul3A_1237 = arith.muli %arg0, %mul3A_1236 : i32
    %add3A_1238 = arith.constant 1 : i32
    %add3A_1239 = arith.addi %mul3A_1237, %add3A_1238 : i32
    %mul3A_1240 = arith.constant 8 : i32
    %mul3A_1241 = arith.muli %add3A_1239, %mul3A_1240 : i32
    %mul3A_1242 = arith.constant 32 : i32
    %mul3A_1243 = arith.muli %mul3A_1241, %mul3A_1242 : i32
    %add3A_1244 = arith.constant 64 : i32
    %add3A_1245 = arith.addi %mul3A_1243, %add3A_1244 : i32
    %dma_start3A_1246 = tpu.memref_slice %arg19[%add3A_1245] : memref<1024xf32, #tpu.memory_space<vmem>> -> memref<32xf32, #tpu.memory_space<vmem>>
    %dma_start3A_1247 = arith.constant 99968 : i32
    %dma_start3A_1248 = tpu.memref_slice %arg11[%dma_start3A_1247] : memref<100000xf32, #tpu.memory_space<vmem_shared>> -> memref<32xf32, #tpu.memory_space<vmem_shared>>
    %dma_start3A_1249 = arith.constant 99968 : i32
    %dma_start3A_1250 = tpu.memref_slice %arg11[%dma_start3A_1249] : memref<100000xf32, #tpu.memory_space<vmem_shared>> -> memref<32xf32, #tpu.memory_space<vmem_shared>>
    %dma_start3A_1251 = tpu.memref_slice %arg19[%add3A_1245] : memref<1024xf32, #tpu.memory_space<vmem>> -> memref<32xf32, #tpu.memory_space<vmem>>
    tpu.enqueue_dma source(%dma_start3A_1251 : memref<32xf32, #tpu.memory_space<vmem>>) target(%dma_start3A_1250 : memref<32xf32, #tpu.memory_space<vmem_shared>>) target_semaphore(%arg20 : memref<!tpu.dma_semaphore, #tpu.memory_space<semaphore_mem>>)
    %slice3A_1252 = vector.extract_strided_slice %select_n3A {offsets = [9], sizes = [1], strides = [1]} : vector<16xf32> to vector<1xf32>
    %squeeze3A_1253 = vector.extract %slice3A_1252[0] : f32 from vector<1xf32>
    %scan3A_1254 = arith.constant 0 : i32
    %scan3A_1255 = arith.constant 0 : i32
    %scan3A_1256 = arith.constant 64 : i32
    %scan3A_1257 = arith.addi %scan3A_1255, %scan3A_1256 : i32
    %scan3A_1258 = arith.constant 1 : i32
    %scan3A_1259 = scf.for %scan3A_1779 = %scan3A_1255 to %scan3A_1257 step %scan3A_1258 iter_args(%scan3A_1780 = %scan3A_1254) -> (i32)  : i32 {
      %mul3A_1781 = arith.constant 16 : i32
      %mul3A_1782 = arith.muli %scan3A_1779, %mul3A_1781 : i32
      %get3A_1783 = arith.index_cast %mul3A_1782 : i32 to index
      %get3A_1784 = tpu.vector_load %arg16[%get3A_1783] {strides = array<i32>} : memref<1024xf32, #tpu.memory_space<vmem>>, vector<16xf32>,
      %get3A_1785 = arith.index_cast %mul3A_1782 : i32 to index
      %get3A_1786 = tpu.vector_load %arg14[%get3A_1785] {strides = array<i32>} : memref<1024xf32, #tpu.memory_space<vmem>>, vector<16xf32>,
      %get3A_1787 = arith.index_cast %mul3A_1782 : i32 to index
      %get3A_1788 = tpu.vector_load %arg15[%get3A_1787] {strides = array<i32>} : memref<1024xf32, #tpu.memory_space<vmem>>, vector<16xf32>,
      %mul3A_1789 = arith.mulf %get3A_1786, %get3A_1788 : vector<16xf32>
      %mul3A_1790 = vector.broadcast %squeeze3A_1253 : f32 to vector<16xf32>
      %mul3A_1791 = arith.mulf %mul3A_1789, %mul3A_1790 : vector<16xf32>
      %add3A_1792 = arith.addf %get3A_1784, %mul3A_1791 : vector<16xf32>
      %swap3A_1793 = arith.index_cast %mul3A_1782 : i32 to index
      %swap3A_1794 = tpu.vector_load %arg16[%swap3A_1793] {strides = array<i32>} : memref<1024xf32, #tpu.memory_space<vmem>>, vector<16xf32>,
      tpu.vector_store %arg16[%swap3A_1793], %add3A_1792 {strides = array<i32>} : memref<1024xf32, #tpu.memory_space<vmem>>, vector<16xf32>,
      %scan3A_1795 = arith.constant 0 : i32
      scf.yield %scan3A_1795 : i32
    }
    %scan3A_1260 = arith.constant 64 : i32
    %dma_wait3A_1261 = arith.constant 2 : i32
    %dma_wait3A_1262 = tpu.memref_slice %arg10[%min3A_261] : memref<1000000xf32, #tpu.memory_space<vmem_shared>> -> memref<62592xf32, #tpu.memory_space<vmem_shared>>
    %dma_wait3A_1263 = arith.constant 0 : i32
    %dma_wait3A_1264 = tpu.memref_slice %arg5[%add3A_1203, %dma_wait3A_1261, %dma_wait3A_1263] : memref<4x8x1000000xf32, #tpu.memory_space<hbm>> -> memref<1x1x1000000xf32, #tpu.memory_space<hbm>>
    %dma_wait3A_1265 = tpu.memref_squeeze %dma_wait3A_1264 : memref<1x1x1000000xf32, #tpu.memory_space<hbm>> -> memref<1000000xf32, #tpu.memory_space<hbm>>
    %dma_wait3A_1266 = tpu.memref_slice %dma_wait3A_1265[%min3A_261] : memref<1000000xf32, #tpu.memory_space<hbm>> -> memref<62592xf32, #tpu.memory_space<hbm>>
    tpu.wait_dma2 semaphore(%arg20 : memref<!tpu.dma_semaphore, #tpu.memory_space<semaphore_mem>>) src(%dma_wait3A_1266 : memref<62592xf32, #tpu.memory_space<hbm>>) dst(%dma_wait3A_1262 : memref<62592xf32, #tpu.memory_space<vmem_shared>>)
    %dma_wait3A_1267 = arith.constant 2 : i32
    %dma_wait3A_1268 = tpu.memref_slice %arg11[%min3A_265] : memref<100000xf32, #tpu.memory_space<vmem_shared>> -> memref<6272xf32, #tpu.memory_space<vmem_shared>>
    %dma_wait3A_1269 = arith.constant 0 : i32
    %dma_wait3A_1270 = tpu.memref_slice %arg4[%add3A_1207, %dma_wait3A_1267, %dma_wait3A_1269] : memref<4x8x100000xf32, #tpu.memory_space<hbm>> -> memref<1x1x100000xf32, #tpu.memory_space<hbm>>
    %dma_wait3A_1271 = tpu.memref_squeeze %dma_wait3A_1270 : memref<1x1x100000xf32, #tpu.memory_space<hbm>> -> memref<100000xf32, #tpu.memory_space<hbm>>
    %dma_wait3A_1272 = tpu.memref_slice %dma_wait3A_1271[%min3A_265] : memref<100000xf32, #tpu.memory_space<hbm>> -> memref<6272xf32, #tpu.memory_space<hbm>>
    tpu.wait_dma2 semaphore(%arg20 : memref<!tpu.dma_semaphore, #tpu.memory_space<semaphore_mem>>) src(%dma_wait3A_1272 : memref<6272xf32, #tpu.memory_space<hbm>>) dst(%dma_wait3A_1268 : memref<6272xf32, #tpu.memory_space<vmem_shared>>)
    %dma_wait3A_1273 = tpu.memref_slice %arg18[%add3A_1229] : memref<2048xf32, #tpu.memory_space<vmem>> -> memref<64xf32, #tpu.memory_space<vmem>>
    %dma_wait3A_1274 = arith.constant 999936 : i32
    %dma_wait3A_1275 = tpu.memref_slice %arg10[%dma_wait3A_1274] : memref<1000000xf32, #tpu.memory_space<vmem_shared>> -> memref<64xf32, #tpu.memory_space<vmem_shared>>
    %dma_wait3A_1276 = arith.constant 999936 : i32
    %dma_wait3A_1277 = tpu.memref_slice %arg10[%dma_wait3A_1276] : memref<1000000xf32, #tpu.memory_space<vmem_shared>> -> memref<64xf32, #tpu.memory_space<vmem_shared>>
    %dma_wait3A_1278 = tpu.memref_slice %arg18[%add3A_1229] : memref<2048xf32, #tpu.memory_space<vmem>> -> memref<64xf32, #tpu.memory_space<vmem>>
    tpu.wait_dma2 semaphore(%arg20 : memref<!tpu.dma_semaphore, #tpu.memory_space<semaphore_mem>>) src(%dma_wait3A_1278 : memref<64xf32, #tpu.memory_space<vmem>>) dst(%dma_wait3A_1277 : memref<64xf32, #tpu.memory_space<vmem_shared>>)
    %dma_wait3A_1279 = tpu.memref_slice %arg19[%add3A_1245] : memref<1024xf32, #tpu.memory_space<vmem>> -> memref<32xf32, #tpu.memory_space<vmem>>
    %dma_wait3A_1280 = arith.constant 99968 : i32
    %dma_wait3A_1281 = tpu.memref_slice %arg11[%dma_wait3A_1280] : memref<100000xf32, #tpu.memory_space<vmem_shared>> -> memref<32xf32, #tpu.memory_space<vmem_shared>>
    %dma_wait3A_1282 = arith.constant 99968 : i32
    %dma_wait3A_1283 = tpu.memref_slice %arg11[%dma_wait3A_1282] : memref<100000xf32, #tpu.memory_space<vmem_shared>> -> memref<32xf32, #tpu.memory_space<vmem_shared>>
    %dma_wait3A_1284 = tpu.memref_slice %arg19[%add3A_1245] : memref<1024xf32, #tpu.memory_space<vmem>> -> memref<32xf32, #tpu.memory_space<vmem>>
    tpu.wait_dma2 semaphore(%arg20 : memref<!tpu.dma_semaphore, #tpu.memory_space<semaphore_mem>>) src(%dma_wait3A_1284 : memref<32xf32, #tpu.memory_space<vmem>>) dst(%dma_wait3A_1283 : memref<32xf32, #tpu.memory_space<vmem_shared>>)
    %barrier3A_1285 = arith.constant 0 : index
    tpu.barrier barrier_id(%barrier3A_1285)
    %dma_start3A_1286 = arith.constant 0 : i32
    %dma_start3A_1287 = tpu.memref_slice %arg10[%dma_start3A_1286] : memref<1000000xf32, #tpu.memory_space<vmem_shared>> -> memref<1000000xf32, #tpu.memory_space<vmem_shared>>
    tpu.enqueue_indirect_dma source(%dma_start3A_1287 : memref<1000000xf32, #tpu.memory_space<vmem_shared>>) target(%arg15 : memref<1024xf32, #tpu.memory_space<vmem>>) offsets(%arg13 : memref<1024xi32, #tpu.memory_space<vmem>>) semaphore(%arg21 : memref<!tpu.dma_semaphore, #tpu.memory_space<semaphore_mem>>)
    %dma_start3A_1288 = arith.constant 0 : i32
    %dma_start3A_1289 = tpu.memref_slice %arg11[%dma_start3A_1288] : memref<100000xf32, #tpu.memory_space<vmem_shared>> -> memref<100000xf32, #tpu.memory_space<vmem_shared>>
    tpu.enqueue_indirect_dma source(%dma_start3A_1289 : memref<100000xf32, #tpu.memory_space<vmem_shared>>) target(%arg14 : memref<1024xf32, #tpu.memory_space<vmem>>) offsets(%arg12 : memref<1024xi32, #tpu.memory_space<vmem>>) semaphore(%arg21 : memref<!tpu.dma_semaphore, #tpu.memory_space<semaphore_mem>>)
    %dma_wait3A_1290 = arith.constant 0 : i32
    %dma_wait3A_1291 = tpu.memref_slice %arg10[%dma_wait3A_1290] : memref<1000000xf32, #tpu.memory_space<vmem_shared>> -> memref<1000000xf32, #tpu.memory_space<vmem_shared>>
    tpu.wait_indirect_dma semaphore(%arg21 : memref<!tpu.dma_semaphore, #tpu.memory_space<semaphore_mem>>) src(%dma_wait3A_1291 : memref<1000000xf32, #tpu.memory_space<vmem_shared>>) dst(%arg15 : memref<1024xf32, #tpu.memory_space<vmem>>)
    %dma_wait3A_1292 = arith.constant 0 : i32
    %dma_wait3A_1293 = tpu.memref_slice %arg11[%dma_wait3A_1292] : memref<100000xf32, #tpu.memory_space<vmem_shared>> -> memref<100000xf32, #tpu.memory_space<vmem_shared>>
    tpu.wait_indirect_dma semaphore(%arg21 : memref<!tpu.dma_semaphore, #tpu.memory_space<semaphore_mem>>) src(%dma_wait3A_1293 : memref<100000xf32, #tpu.memory_space<vmem_shared>>) dst(%arg14 : memref<1024xf32, #tpu.memory_space<vmem>>)
    %barrier3A_1294 = arith.constant 0 : index
    tpu.barrier barrier_id(%barrier3A_1294)
    %mul3A_1295 = arith.constant 2 : i32
    %mul3A_1296 = arith.muli %arg0, %mul3A_1295 : i32
    %add3A_1297 = arith.constant 1 : i32
    %add3A_1298 = arith.addi %mul3A_1296, %add3A_1297 : i32
    %mul3A_1299 = arith.constant 2 : i32
    %mul3A_1300 = arith.muli %arg0, %mul3A_1299 : i32
    %add3A_1301 = arith.constant 1 : i32
    %add3A_1302 = arith.addi %mul3A_1300, %add3A_1301 : i32
    %dma_start3A_1303 = arith.constant 3 : i32
    %dma_start3A_1304 = tpu.memref_slice %arg10[%min3A_261] : memref<1000000xf32, #tpu.memory_space<vmem_shared>> -> memref<62592xf32, #tpu.memory_space<vmem_shared>>
    %dma_start3A_1305 = arith.constant 0 : i32
    %dma_start3A_1306 = tpu.memref_slice %arg5[%add3A_1298, %dma_start3A_1303, %dma_start3A_1305] : memref<4x8x1000000xf32, #tpu.memory_space<hbm>> -> memref<1x1x1000000xf32, #tpu.memory_space<hbm>>
    %dma_start3A_1307 = tpu.memref_squeeze %dma_start3A_1306 : memref<1x1x1000000xf32, #tpu.memory_space<hbm>> -> memref<1000000xf32, #tpu.memory_space<hbm>>
    %dma_start3A_1308 = tpu.memref_slice %dma_start3A_1307[%min3A_261] : memref<1000000xf32, #tpu.memory_space<hbm>> -> memref<62592xf32, #tpu.memory_space<hbm>>
    tpu.enqueue_dma source(%dma_start3A_1308 : memref<62592xf32, #tpu.memory_space<hbm>>) target(%dma_start3A_1304 : memref<62592xf32, #tpu.memory_space<vmem_shared>>) target_semaphore(%arg20 : memref<!tpu.dma_semaphore, #tpu.memory_space<semaphore_mem>>)
    %dma_start3A_1309 = arith.constant 3 : i32
    %dma_start3A_1310 = tpu.memref_slice %arg11[%min3A_265] : memref<100000xf32, #tpu.memory_space<vmem_shared>> -> memref<6272xf32, #tpu.memory_space<vmem_shared>>
    %dma_start3A_1311 = arith.constant 0 : i32
    %dma_start3A_1312 = tpu.memref_slice %arg4[%add3A_1302, %dma_start3A_1309, %dma_start3A_1311] : memref<4x8x100000xf32, #tpu.memory_space<hbm>> -> memref<1x1x100000xf32, #tpu.memory_space<hbm>>
    %dma_start3A_1313 = tpu.memref_squeeze %dma_start3A_1312 : memref<1x1x100000xf32, #tpu.memory_space<hbm>> -> memref<100000xf32, #tpu.memory_space<hbm>>
    %dma_start3A_1314 = tpu.memref_slice %dma_start3A_1313[%min3A_265] : memref<100000xf32, #tpu.memory_space<hbm>> -> memref<6272xf32, #tpu.memory_space<hbm>>
    tpu.enqueue_dma source(%dma_start3A_1314 : memref<6272xf32, #tpu.memory_space<hbm>>) target(%dma_start3A_1310 : memref<6272xf32, #tpu.memory_space<vmem_shared>>) target_semaphore(%arg20 : memref<!tpu.dma_semaphore, #tpu.memory_space<semaphore_mem>>)
    %mul3A_1315 = arith.constant 2 : i32
    %mul3A_1316 = arith.muli %arg0, %mul3A_1315 : i32
    %add3A_1317 = arith.constant 1 : i32
    %add3A_1318 = arith.addi %mul3A_1316, %add3A_1317 : i32
    %mul3A_1319 = arith.constant 8 : i32
    %mul3A_1320 = arith.muli %add3A_1318, %mul3A_1319 : i32
    %mul3A_1321 = arith.constant 64 : i32
    %mul3A_1322 = arith.muli %mul3A_1320, %mul3A_1321 : i32
    %add3A_1323 = arith.constant 192 : i32
    %add3A_1324 = arith.addi %mul3A_1322, %add3A_1323 : i32
    %dma_start3A_1325 = tpu.memref_slice %arg18[%add3A_1324] : memref<2048xf32, #tpu.memory_space<vmem>> -> memref<64xf32, #tpu.memory_space<vmem>>
    %dma_start3A_1326 = arith.constant 999936 : i32
    %dma_start3A_1327 = tpu.memref_slice %arg10[%dma_start3A_1326] : memref<1000000xf32, #tpu.memory_space<vmem_shared>> -> memref<64xf32, #tpu.memory_space<vmem_shared>>
    %dma_start3A_1328 = arith.constant 999936 : i32
    %dma_start3A_1329 = tpu.memref_slice %arg10[%dma_start3A_1328] : memref<1000000xf32, #tpu.memory_space<vmem_shared>> -> memref<64xf32, #tpu.memory_space<vmem_shared>>
    %dma_start3A_1330 = tpu.memref_slice %arg18[%add3A_1324] : memref<2048xf32, #tpu.memory_space<vmem>> -> memref<64xf32, #tpu.memory_space<vmem>>
    tpu.enqueue_dma source(%dma_start3A_1330 : memref<64xf32, #tpu.memory_space<vmem>>) target(%dma_start3A_1329 : memref<64xf32, #tpu.memory_space<vmem_shared>>) target_semaphore(%arg20 : memref<!tpu.dma_semaphore, #tpu.memory_space<semaphore_mem>>)
    %mul3A_1331 = arith.constant 2 : i32
    %mul3A_1332 = arith.muli %arg0, %mul3A_1331 : i32
    %add3A_1333 = arith.constant 1 : i32
    %add3A_1334 = arith.addi %mul3A_1332, %add3A_1333 : i32
    %mul3A_1335 = arith.constant 8 : i32
    %mul3A_1336 = arith.muli %add3A_1334, %mul3A_1335 : i32
    %mul3A_1337 = arith.constant 32 : i32
    %mul3A_1338 = arith.muli %mul3A_1336, %mul3A_1337 : i32
    %add3A_1339 = arith.constant 96 : i32
    %add3A_1340 = arith.addi %mul3A_1338, %add3A_1339 : i32
    %dma_start3A_1341 = tpu.memref_slice %arg19[%add3A_1340] : memref<1024xf32, #tpu.memory_space<vmem>> -> memref<32xf32, #tpu.memory_space<vmem>>
    %dma_start3A_1342 = arith.constant 99968 : i32
    %dma_start3A_1343 = tpu.memref_slice %arg11[%dma_start3A_1342] : memref<100000xf32, #tpu.memory_space<vmem_shared>> -> memref<32xf32, #tpu.memory_space<vmem_shared>>
    %dma_start3A_1344 = arith.constant 99968 : i32
    %dma_start3A_1345 = tpu.memref_slice %arg11[%dma_start3A_1344] : memref<100000xf32, #tpu.memory_space<vmem_shared>> -> memref<32xf32, #tpu.memory_space<vmem_shared>>
    %dma_start3A_1346 = tpu.memref_slice %arg19[%add3A_1340] : memref<1024xf32, #tpu.memory_space<vmem>> -> memref<32xf32, #tpu.memory_space<vmem>>
    tpu.enqueue_dma source(%dma_start3A_1346 : memref<32xf32, #tpu.memory_space<vmem>>) target(%dma_start3A_1345 : memref<32xf32, #tpu.memory_space<vmem_shared>>) target_semaphore(%arg20 : memref<!tpu.dma_semaphore, #tpu.memory_space<semaphore_mem>>)
    %slice3A_1347 = vector.extract_strided_slice %select_n3A {offsets = [10], sizes = [1], strides = [1]} : vector<16xf32> to vector<1xf32>
    %squeeze3A_1348 = vector.extract %slice3A_1347[0] : f32 from vector<1xf32>
    %scan3A_1349 = arith.constant 0 : i32
    %scan3A_1350 = arith.constant 0 : i32
    %scan3A_1351 = arith.constant 64 : i32
    %scan3A_1352 = arith.addi %scan3A_1350, %scan3A_1351 : i32
    %scan3A_1353 = arith.constant 1 : i32
    %scan3A_1354 = scf.for %scan3A_1779 = %scan3A_1350 to %scan3A_1352 step %scan3A_1353 iter_args(%scan3A_1780 = %scan3A_1349) -> (i32)  : i32 {
      %mul3A_1781 = arith.constant 16 : i32
      %mul3A_1782 = arith.muli %scan3A_1779, %mul3A_1781 : i32
      %get3A_1783 = arith.index_cast %mul3A_1782 : i32 to index
      %get3A_1784 = tpu.vector_load %arg16[%get3A_1783] {strides = array<i32>} : memref<1024xf32, #tpu.memory_space<vmem>>, vector<16xf32>,
      %get3A_1785 = arith.index_cast %mul3A_1782 : i32 to index
      %get3A_1786 = tpu.vector_load %arg14[%get3A_1785] {strides = array<i32>} : memref<1024xf32, #tpu.memory_space<vmem>>, vector<16xf32>,
      %get3A_1787 = arith.index_cast %mul3A_1782 : i32 to index
      %get3A_1788 = tpu.vector_load %arg15[%get3A_1787] {strides = array<i32>} : memref<1024xf32, #tpu.memory_space<vmem>>, vector<16xf32>,
      %mul3A_1789 = arith.mulf %get3A_1786, %get3A_1788 : vector<16xf32>
      %mul3A_1790 = vector.broadcast %squeeze3A_1348 : f32 to vector<16xf32>
      %mul3A_1791 = arith.mulf %mul3A_1789, %mul3A_1790 : vector<16xf32>
      %add3A_1792 = arith.addf %get3A_1784, %mul3A_1791 : vector<16xf32>
      %swap3A_1793 = arith.index_cast %mul3A_1782 : i32 to index
      %swap3A_1794 = tpu.vector_load %arg16[%swap3A_1793] {strides = array<i32>} : memref<1024xf32, #tpu.memory_space<vmem>>, vector<16xf32>,
      tpu.vector_store %arg16[%swap3A_1793], %add3A_1792 {strides = array<i32>} : memref<1024xf32, #tpu.memory_space<vmem>>, vector<16xf32>,
      %scan3A_1795 = arith.constant 0 : i32
      scf.yield %scan3A_1795 : i32
    }
    %scan3A_1355 = arith.constant 64 : i32
    %dma_wait3A_1356 = arith.constant 3 : i32
    %dma_wait3A_1357 = tpu.memref_slice %arg10[%min3A_261] : memref<1000000xf32, #tpu.memory_space<vmem_shared>> -> memref<62592xf32, #tpu.memory_space<vmem_shared>>
    %dma_wait3A_1358 = arith.constant 0 : i32
    %dma_wait3A_1359 = tpu.memref_slice %arg5[%add3A_1298, %dma_wait3A_1356, %dma_wait3A_1358] : memref<4x8x1000000xf32, #tpu.memory_space<hbm>> -> memref<1x1x1000000xf32, #tpu.memory_space<hbm>>
    %dma_wait3A_1360 = tpu.memref_squeeze %dma_wait3A_1359 : memref<1x1x1000000xf32, #tpu.memory_space<hbm>> -> memref<1000000xf32, #tpu.memory_space<hbm>>
    %dma_wait3A_1361 = tpu.memref_slice %dma_wait3A_1360[%min3A_261] : memref<1000000xf32, #tpu.memory_space<hbm>> -> memref<62592xf32, #tpu.memory_space<hbm>>
    tpu.wait_dma2 semaphore(%arg20 : memref<!tpu.dma_semaphore, #tpu.memory_space<semaphore_mem>>) src(%dma_wait3A_1361 : memref<62592xf32, #tpu.memory_space<hbm>>) dst(%dma_wait3A_1357 : memref<62592xf32, #tpu.memory_space<vmem_shared>>)
    %dma_wait3A_1362 = arith.constant 3 : i32
    %dma_wait3A_1363 = tpu.memref_slice %arg11[%min3A_265] : memref<100000xf32, #tpu.memory_space<vmem_shared>> -> memref<6272xf32, #tpu.memory_space<vmem_shared>>
    %dma_wait3A_1364 = arith.constant 0 : i32
    %dma_wait3A_1365 = tpu.memref_slice %arg4[%add3A_1302, %dma_wait3A_1362, %dma_wait3A_1364] : memref<4x8x100000xf32, #tpu.memory_space<hbm>> -> memref<1x1x100000xf32, #tpu.memory_space<hbm>>
    %dma_wait3A_1366 = tpu.memref_squeeze %dma_wait3A_1365 : memref<1x1x100000xf32, #tpu.memory_space<hbm>> -> memref<100000xf32, #tpu.memory_space<hbm>>
    %dma_wait3A_1367 = tpu.memref_slice %dma_wait3A_1366[%min3A_265] : memref<100000xf32, #tpu.memory_space<hbm>> -> memref<6272xf32, #tpu.memory_space<hbm>>
    tpu.wait_dma2 semaphore(%arg20 : memref<!tpu.dma_semaphore, #tpu.memory_space<semaphore_mem>>) src(%dma_wait3A_1367 : memref<6272xf32, #tpu.memory_space<hbm>>) dst(%dma_wait3A_1363 : memref<6272xf32, #tpu.memory_space<vmem_shared>>)
    %dma_wait3A_1368 = tpu.memref_slice %arg18[%add3A_1324] : memref<2048xf32, #tpu.memory_space<vmem>> -> memref<64xf32, #tpu.memory_space<vmem>>
    %dma_wait3A_1369 = arith.constant 999936 : i32
    %dma_wait3A_1370 = tpu.memref_slice %arg10[%dma_wait3A_1369] : memref<1000000xf32, #tpu.memory_space<vmem_shared>> -> memref<64xf32, #tpu.memory_space<vmem_shared>>
    %dma_wait3A_1371 = arith.constant 999936 : i32
    %dma_wait3A_1372 = tpu.memref_slice %arg10[%dma_wait3A_1371] : memref<1000000xf32, #tpu.memory_space<vmem_shared>> -> memref<64xf32, #tpu.memory_space<vmem_shared>>
    %dma_wait3A_1373 = tpu.memref_slice %arg18[%add3A_1324] : memref<2048xf32, #tpu.memory_space<vmem>> -> memref<64xf32, #tpu.memory_space<vmem>>
    tpu.wait_dma2 semaphore(%arg20 : memref<!tpu.dma_semaphore, #tpu.memory_space<semaphore_mem>>) src(%dma_wait3A_1373 : memref<64xf32, #tpu.memory_space<vmem>>) dst(%dma_wait3A_1372 : memref<64xf32, #tpu.memory_space<vmem_shared>>)
    %dma_wait3A_1374 = tpu.memref_slice %arg19[%add3A_1340] : memref<1024xf32, #tpu.memory_space<vmem>> -> memref<32xf32, #tpu.memory_space<vmem>>
    %dma_wait3A_1375 = arith.constant 99968 : i32
    %dma_wait3A_1376 = tpu.memref_slice %arg11[%dma_wait3A_1375] : memref<100000xf32, #tpu.memory_space<vmem_shared>> -> memref<32xf32, #tpu.memory_space<vmem_shared>>
    %dma_wait3A_1377 = arith.constant 99968 : i32
    %dma_wait3A_1378 = tpu.memref_slice %arg11[%dma_wait3A_1377] : memref<100000xf32, #tpu.memory_space<vmem_shared>> -> memref<32xf32, #tpu.memory_space<vmem_shared>>
    %dma_wait3A_1379 = tpu.memref_slice %arg19[%add3A_1340] : memref<1024xf32, #tpu.memory_space<vmem>> -> memref<32xf32, #tpu.memory_space<vmem>>
    tpu.wait_dma2 semaphore(%arg20 : memref<!tpu.dma_semaphore, #tpu.memory_space<semaphore_mem>>) src(%dma_wait3A_1379 : memref<32xf32, #tpu.memory_space<vmem>>) dst(%dma_wait3A_1378 : memref<32xf32, #tpu.memory_space<vmem_shared>>)
    %barrier3A_1380 = arith.constant 0 : index
    tpu.barrier barrier_id(%barrier3A_1380)
    %dma_start3A_1381 = arith.constant 0 : i32
    %dma_start3A_1382 = tpu.memref_slice %arg10[%dma_start3A_1381] : memref<1000000xf32, #tpu.memory_space<vmem_shared>> -> memref<1000000xf32, #tpu.memory_space<vmem_shared>>
    tpu.enqueue_indirect_dma source(%dma_start3A_1382 : memref<1000000xf32, #tpu.memory_space<vmem_shared>>) target(%arg15 : memref<1024xf32, #tpu.memory_space<vmem>>) offsets(%arg13 : memref<1024xi32, #tpu.memory_space<vmem>>) semaphore(%arg21 : memref<!tpu.dma_semaphore, #tpu.memory_space<semaphore_mem>>)
    %dma_start3A_1383 = arith.constant 0 : i32
    %dma_start3A_1384 = tpu.memref_slice %arg11[%dma_start3A_1383] : memref<100000xf32, #tpu.memory_space<vmem_shared>> -> memref<100000xf32, #tpu.memory_space<vmem_shared>>
    tpu.enqueue_indirect_dma source(%dma_start3A_1384 : memref<100000xf32, #tpu.memory_space<vmem_shared>>) target(%arg14 : memref<1024xf32, #tpu.memory_space<vmem>>) offsets(%arg12 : memref<1024xi32, #tpu.memory_space<vmem>>) semaphore(%arg21 : memref<!tpu.dma_semaphore, #tpu.memory_space<semaphore_mem>>)
    %dma_wait3A_1385 = arith.constant 0 : i32
    %dma_wait3A_1386 = tpu.memref_slice %arg10[%dma_wait3A_1385] : memref<1000000xf32, #tpu.memory_space<vmem_shared>> -> memref<1000000xf32, #tpu.memory_space<vmem_shared>>
    tpu.wait_indirect_dma semaphore(%arg21 : memref<!tpu.dma_semaphore, #tpu.memory_space<semaphore_mem>>) src(%dma_wait3A_1386 : memref<1000000xf32, #tpu.memory_space<vmem_shared>>) dst(%arg15 : memref<1024xf32, #tpu.memory_space<vmem>>)
    %dma_wait3A_1387 = arith.constant 0 : i32
    %dma_wait3A_1388 = tpu.memref_slice %arg11[%dma_wait3A_1387] : memref<100000xf32, #tpu.memory_space<vmem_shared>> -> memref<100000xf32, #tpu.memory_space<vmem_shared>>
    tpu.wait_indirect_dma semaphore(%arg21 : memref<!tpu.dma_semaphore, #tpu.memory_space<semaphore_mem>>) src(%dma_wait3A_1388 : memref<100000xf32, #tpu.memory_space<vmem_shared>>) dst(%arg14 : memref<1024xf32, #tpu.memory_space<vmem>>)
    %barrier3A_1389 = arith.constant 0 : index
    tpu.barrier barrier_id(%barrier3A_1389)
    %mul3A_1390 = arith.constant 2 : i32
    %mul3A_1391 = arith.muli %arg0, %mul3A_1390 : i32
    %add3A_1392 = arith.constant 1 : i32
    %add3A_1393 = arith.addi %mul3A_1391, %add3A_1392 : i32
    %mul3A_1394 = arith.constant 2 : i32
    %mul3A_1395 = arith.muli %arg0, %mul3A_1394 : i32
    %add3A_1396 = arith.constant 1 : i32
    %add3A_1397 = arith.addi %mul3A_1395, %add3A_1396 : i32
    %dma_start3A_1398 = arith.constant 4 : i32
    %dma_start3A_1399 = tpu.memref_slice %arg10[%min3A_261] : memref<1000000xf32, #tpu.memory_space<vmem_shared>> -> memref<62592xf32, #tpu.memory_space<vmem_shared>>
    %dma_start3A_1400 = arith.constant 0 : i32
    %dma_start3A_1401 = tpu.memref_slice %arg5[%add3A_1393, %dma_start3A_1398, %dma_start3A_1400] : memref<4x8x1000000xf32, #tpu.memory_space<hbm>> -> memref<1x1x1000000xf32, #tpu.memory_space<hbm>>
    %dma_start3A_1402 = tpu.memref_squeeze %dma_start3A_1401 : memref<1x1x1000000xf32, #tpu.memory_space<hbm>> -> memref<1000000xf32, #tpu.memory_space<hbm>>
    %dma_start3A_1403 = tpu.memref_slice %dma_start3A_1402[%min3A_261] : memref<1000000xf32, #tpu.memory_space<hbm>> -> memref<62592xf32, #tpu.memory_space<hbm>>
    tpu.enqueue_dma source(%dma_start3A_1403 : memref<62592xf32, #tpu.memory_space<hbm>>) target(%dma_start3A_1399 : memref<62592xf32, #tpu.memory_space<vmem_shared>>) target_semaphore(%arg20 : memref<!tpu.dma_semaphore, #tpu.memory_space<semaphore_mem>>)
    %dma_start3A_1404 = arith.constant 4 : i32
    %dma_start3A_1405 = tpu.memref_slice %arg11[%min3A_265] : memref<100000xf32, #tpu.memory_space<vmem_shared>> -> memref<6272xf32, #tpu.memory_space<vmem_shared>>
    %dma_start3A_1406 = arith.constant 0 : i32
    %dma_start3A_1407 = tpu.memref_slice %arg4[%add3A_1397, %dma_start3A_1404, %dma_start3A_1406] : memref<4x8x100000xf32, #tpu.memory_space<hbm>> -> memref<1x1x100000xf32, #tpu.memory_space<hbm>>
    %dma_start3A_1408 = tpu.memref_squeeze %dma_start3A_1407 : memref<1x1x100000xf32, #tpu.memory_space<hbm>> -> memref<100000xf32, #tpu.memory_space<hbm>>
    %dma_start3A_1409 = tpu.memref_slice %dma_start3A_1408[%min3A_265] : memref<100000xf32, #tpu.memory_space<hbm>> -> memref<6272xf32, #tpu.memory_space<hbm>>
    tpu.enqueue_dma source(%dma_start3A_1409 : memref<6272xf32, #tpu.memory_space<hbm>>) target(%dma_start3A_1405 : memref<6272xf32, #tpu.memory_space<vmem_shared>>) target_semaphore(%arg20 : memref<!tpu.dma_semaphore, #tpu.memory_space<semaphore_mem>>)
    %mul3A_1410 = arith.constant 2 : i32
    %mul3A_1411 = arith.muli %arg0, %mul3A_1410 : i32
    %add3A_1412 = arith.constant 1 : i32
    %add3A_1413 = arith.addi %mul3A_1411, %add3A_1412 : i32
    %mul3A_1414 = arith.constant 8 : i32
    %mul3A_1415 = arith.muli %add3A_1413, %mul3A_1414 : i32
    %mul3A_1416 = arith.constant 64 : i32
    %mul3A_1417 = arith.muli %mul3A_1415, %mul3A_1416 : i32
    %add3A_1418 = arith.constant 256 : i32
    %add3A_1419 = arith.addi %mul3A_1417, %add3A_1418 : i32
    %dma_start3A_1420 = tpu.memref_slice %arg18[%add3A_1419] : memref<2048xf32, #tpu.memory_space<vmem>> -> memref<64xf32, #tpu.memory_space<vmem>>
    %dma_start3A_1421 = arith.constant 999936 : i32
    %dma_start3A_1422 = tpu.memref_slice %arg10[%dma_start3A_1421] : memref<1000000xf32, #tpu.memory_space<vmem_shared>> -> memref<64xf32, #tpu.memory_space<vmem_shared>>
    %dma_start3A_1423 = arith.constant 999936 : i32
    %dma_start3A_1424 = tpu.memref_slice %arg10[%dma_start3A_1423] : memref<1000000xf32, #tpu.memory_space<vmem_shared>> -> memref<64xf32, #tpu.memory_space<vmem_shared>>
    %dma_start3A_1425 = tpu.memref_slice %arg18[%add3A_1419] : memref<2048xf32, #tpu.memory_space<vmem>> -> memref<64xf32, #tpu.memory_space<vmem>>
    tpu.enqueue_dma source(%dma_start3A_1425 : memref<64xf32, #tpu.memory_space<vmem>>) target(%dma_start3A_1424 : memref<64xf32, #tpu.memory_space<vmem_shared>>) target_semaphore(%arg20 : memref<!tpu.dma_semaphore, #tpu.memory_space<semaphore_mem>>)
    %mul3A_1426 = arith.constant 2 : i32
    %mul3A_1427 = arith.muli %arg0, %mul3A_1426 : i32
    %add3A_1428 = arith.constant 1 : i32
    %add3A_1429 = arith.addi %mul3A_1427, %add3A_1428 : i32
    %mul3A_1430 = arith.constant 8 : i32
    %mul3A_1431 = arith.muli %add3A_1429, %mul3A_1430 : i32
    %mul3A_1432 = arith.constant 32 : i32
    %mul3A_1433 = arith.muli %mul3A_1431, %mul3A_1432 : i32
    %add3A_1434 = arith.constant 128 : i32
    %add3A_1435 = arith.addi %mul3A_1433, %add3A_1434 : i32
    %dma_start3A_1436 = tpu.memref_slice %arg19[%add3A_1435] : memref<1024xf32, #tpu.memory_space<vmem>> -> memref<32xf32, #tpu.memory_space<vmem>>
    %dma_start3A_1437 = arith.constant 99968 : i32
    %dma_start3A_1438 = tpu.memref_slice %arg11[%dma_start3A_1437] : memref<100000xf32, #tpu.memory_space<vmem_shared>> -> memref<32xf32, #tpu.memory_space<vmem_shared>>
    %dma_start3A_1439 = arith.constant 99968 : i32
    %dma_start3A_1440 = tpu.memref_slice %arg11[%dma_start3A_1439] : memref<100000xf32, #tpu.memory_space<vmem_shared>> -> memref<32xf32, #tpu.memory_space<vmem_shared>>
    %dma_start3A_1441 = tpu.memref_slice %arg19[%add3A_1435] : memref<1024xf32, #tpu.memory_space<vmem>> -> memref<32xf32, #tpu.memory_space<vmem>>
    tpu.enqueue_dma source(%dma_start3A_1441 : memref<32xf32, #tpu.memory_space<vmem>>) target(%dma_start3A_1440 : memref<32xf32, #tpu.memory_space<vmem_shared>>) target_semaphore(%arg20 : memref<!tpu.dma_semaphore, #tpu.memory_space<semaphore_mem>>)
    %slice3A_1442 = vector.extract_strided_slice %select_n3A {offsets = [11], sizes = [1], strides = [1]} : vector<16xf32> to vector<1xf32>
    %squeeze3A_1443 = vector.extract %slice3A_1442[0] : f32 from vector<1xf32>
    %scan3A_1444 = arith.constant 0 : i32
    %scan3A_1445 = arith.constant 0 : i32
    %scan3A_1446 = arith.constant 64 : i32
    %scan3A_1447 = arith.addi %scan3A_1445, %scan3A_1446 : i32
    %scan3A_1448 = arith.constant 1 : i32
    %scan3A_1449 = scf.for %scan3A_1779 = %scan3A_1445 to %scan3A_1447 step %scan3A_1448 iter_args(%scan3A_1780 = %scan3A_1444) -> (i32)  : i32 {
      %mul3A_1781 = arith.constant 16 : i32
      %mul3A_1782 = arith.muli %scan3A_1779, %mul3A_1781 : i32
      %get3A_1783 = arith.index_cast %mul3A_1782 : i32 to index
      %get3A_1784 = tpu.vector_load %arg16[%get3A_1783] {strides = array<i32>} : memref<1024xf32, #tpu.memory_space<vmem>>, vector<16xf32>,
      %get3A_1785 = arith.index_cast %mul3A_1782 : i32 to index
      %get3A_1786 = tpu.vector_load %arg14[%get3A_1785] {strides = array<i32>} : memref<1024xf32, #tpu.memory_space<vmem>>, vector<16xf32>,
      %get3A_1787 = arith.index_cast %mul3A_1782 : i32 to index
      %get3A_1788 = tpu.vector_load %arg15[%get3A_1787] {strides = array<i32>} : memref<1024xf32, #tpu.memory_space<vmem>>, vector<16xf32>,
      %mul3A_1789 = arith.mulf %get3A_1786, %get3A_1788 : vector<16xf32>
      %mul3A_1790 = vector.broadcast %squeeze3A_1443 : f32 to vector<16xf32>
      %mul3A_1791 = arith.mulf %mul3A_1789, %mul3A_1790 : vector<16xf32>
      %add3A_1792 = arith.addf %get3A_1784, %mul3A_1791 : vector<16xf32>
      %swap3A_1793 = arith.index_cast %mul3A_1782 : i32 to index
      %swap3A_1794 = tpu.vector_load %arg16[%swap3A_1793] {strides = array<i32>} : memref<1024xf32, #tpu.memory_space<vmem>>, vector<16xf32>,
      tpu.vector_store %arg16[%swap3A_1793], %add3A_1792 {strides = array<i32>} : memref<1024xf32, #tpu.memory_space<vmem>>, vector<16xf32>,
      %scan3A_1795 = arith.constant 0 : i32
      scf.yield %scan3A_1795 : i32
    }
    %scan3A_1450 = arith.constant 64 : i32
    %dma_wait3A_1451 = arith.constant 4 : i32
    %dma_wait3A_1452 = tpu.memref_slice %arg10[%min3A_261] : memref<1000000xf32, #tpu.memory_space<vmem_shared>> -> memref<62592xf32, #tpu.memory_space<vmem_shared>>
    %dma_wait3A_1453 = arith.constant 0 : i32
    %dma_wait3A_1454 = tpu.memref_slice %arg5[%add3A_1393, %dma_wait3A_1451, %dma_wait3A_1453] : memref<4x8x1000000xf32, #tpu.memory_space<hbm>> -> memref<1x1x1000000xf32, #tpu.memory_space<hbm>>
    %dma_wait3A_1455 = tpu.memref_squeeze %dma_wait3A_1454 : memref<1x1x1000000xf32, #tpu.memory_space<hbm>> -> memref<1000000xf32, #tpu.memory_space<hbm>>
    %dma_wait3A_1456 = tpu.memref_slice %dma_wait3A_1455[%min3A_261] : memref<1000000xf32, #tpu.memory_space<hbm>> -> memref<62592xf32, #tpu.memory_space<hbm>>
    tpu.wait_dma2 semaphore(%arg20 : memref<!tpu.dma_semaphore, #tpu.memory_space<semaphore_mem>>) src(%dma_wait3A_1456 : memref<62592xf32, #tpu.memory_space<hbm>>) dst(%dma_wait3A_1452 : memref<62592xf32, #tpu.memory_space<vmem_shared>>)
    %dma_wait3A_1457 = arith.constant 4 : i32
    %dma_wait3A_1458 = tpu.memref_slice %arg11[%min3A_265] : memref<100000xf32, #tpu.memory_space<vmem_shared>> -> memref<6272xf32, #tpu.memory_space<vmem_shared>>
    %dma_wait3A_1459 = arith.constant 0 : i32
    %dma_wait3A_1460 = tpu.memref_slice %arg4[%add3A_1397, %dma_wait3A_1457, %dma_wait3A_1459] : memref<4x8x100000xf32, #tpu.memory_space<hbm>> -> memref<1x1x100000xf32, #tpu.memory_space<hbm>>
    %dma_wait3A_1461 = tpu.memref_squeeze %dma_wait3A_1460 : memref<1x1x100000xf32, #tpu.memory_space<hbm>> -> memref<100000xf32, #tpu.memory_space<hbm>>
    %dma_wait3A_1462 = tpu.memref_slice %dma_wait3A_1461[%min3A_265] : memref<100000xf32, #tpu.memory_space<hbm>> -> memref<6272xf32, #tpu.memory_space<hbm>>
    tpu.wait_dma2 semaphore(%arg20 : memref<!tpu.dma_semaphore, #tpu.memory_space<semaphore_mem>>) src(%dma_wait3A_1462 : memref<6272xf32, #tpu.memory_space<hbm>>) dst(%dma_wait3A_1458 : memref<6272xf32, #tpu.memory_space<vmem_shared>>)
    %dma_wait3A_1463 = tpu.memref_slice %arg18[%add3A_1419] : memref<2048xf32, #tpu.memory_space<vmem>> -> memref<64xf32, #tpu.memory_space<vmem>>
    %dma_wait3A_1464 = arith.constant 999936 : i32
    %dma_wait3A_1465 = tpu.memref_slice %arg10[%dma_wait3A_1464] : memref<1000000xf32, #tpu.memory_space<vmem_shared>> -> memref<64xf32, #tpu.memory_space<vmem_shared>>
    %dma_wait3A_1466 = arith.constant 999936 : i32
    %dma_wait3A_1467 = tpu.memref_slice %arg10[%dma_wait3A_1466] : memref<1000000xf32, #tpu.memory_space<vmem_shared>> -> memref<64xf32, #tpu.memory_space<vmem_shared>>
    %dma_wait3A_1468 = tpu.memref_slice %arg18[%add3A_1419] : memref<2048xf32, #tpu.memory_space<vmem>> -> memref<64xf32, #tpu.memory_space<vmem>>
    tpu.wait_dma2 semaphore(%arg20 : memref<!tpu.dma_semaphore, #tpu.memory_space<semaphore_mem>>) src(%dma_wait3A_1468 : memref<64xf32, #tpu.memory_space<vmem>>) dst(%dma_wait3A_1467 : memref<64xf32, #tpu.memory_space<vmem_shared>>)
    %dma_wait3A_1469 = tpu.memref_slice %arg19[%add3A_1435] : memref<1024xf32, #tpu.memory_space<vmem>> -> memref<32xf32, #tpu.memory_space<vmem>>
    %dma_wait3A_1470 = arith.constant 99968 : i32
    %dma_wait3A_1471 = tpu.memref_slice %arg11[%dma_wait3A_1470] : memref<100000xf32, #tpu.memory_space<vmem_shared>> -> memref<32xf32, #tpu.memory_space<vmem_shared>>
    %dma_wait3A_1472 = arith.constant 99968 : i32
    %dma_wait3A_1473 = tpu.memref_slice %arg11[%dma_wait3A_1472] : memref<100000xf32, #tpu.memory_space<vmem_shared>> -> memref<32xf32, #tpu.memory_space<vmem_shared>>
    %dma_wait3A_1474 = tpu.memref_slice %arg19[%add3A_1435] : memref<1024xf32, #tpu.memory_space<vmem>> -> memref<32xf32, #tpu.memory_space<vmem>>
    tpu.wait_dma2 semaphore(%arg20 : memref<!tpu.dma_semaphore, #tpu.memory_space<semaphore_mem>>) src(%dma_wait3A_1474 : memref<32xf32, #tpu.memory_space<vmem>>) dst(%dma_wait3A_1473 : memref<32xf32, #tpu.memory_space<vmem_shared>>)
    %barrier3A_1475 = arith.constant 0 : index
    tpu.barrier barrier_id(%barrier3A_1475)
    %dma_start3A_1476 = arith.constant 0 : i32
    %dma_start3A_1477 = tpu.memref_slice %arg10[%dma_start3A_1476] : memref<1000000xf32, #tpu.memory_space<vmem_shared>> -> memref<1000000xf32, #tpu.memory_space<vmem_shared>>
    tpu.enqueue_indirect_dma source(%dma_start3A_1477 : memref<1000000xf32, #tpu.memory_space<vmem_shared>>) target(%arg15 : memref<1024xf32, #tpu.memory_space<vmem>>) offsets(%arg13 : memref<1024xi32, #tpu.memory_space<vmem>>) semaphore(%arg21 : memref<!tpu.dma_semaphore, #tpu.memory_space<semaphore_mem>>)
    %dma_start3A_1478 = arith.constant 0 : i32
    %dma_start3A_1479 = tpu.memref_slice %arg11[%dma_start3A_1478] : memref<100000xf32, #tpu.memory_space<vmem_shared>> -> memref<100000xf32, #tpu.memory_space<vmem_shared>>
    tpu.enqueue_indirect_dma source(%dma_start3A_1479 : memref<100000xf32, #tpu.memory_space<vmem_shared>>) target(%arg14 : memref<1024xf32, #tpu.memory_space<vmem>>) offsets(%arg12 : memref<1024xi32, #tpu.memory_space<vmem>>) semaphore(%arg21 : memref<!tpu.dma_semaphore, #tpu.memory_space<semaphore_mem>>)
    %dma_wait3A_1480 = arith.constant 0 : i32
    %dma_wait3A_1481 = tpu.memref_slice %arg10[%dma_wait3A_1480] : memref<1000000xf32, #tpu.memory_space<vmem_shared>> -> memref<1000000xf32, #tpu.memory_space<vmem_shared>>
    tpu.wait_indirect_dma semaphore(%arg21 : memref<!tpu.dma_semaphore, #tpu.memory_space<semaphore_mem>>) src(%dma_wait3A_1481 : memref<1000000xf32, #tpu.memory_space<vmem_shared>>) dst(%arg15 : memref<1024xf32, #tpu.memory_space<vmem>>)
    %dma_wait3A_1482 = arith.constant 0 : i32
    %dma_wait3A_1483 = tpu.memref_slice %arg11[%dma_wait3A_1482] : memref<100000xf32, #tpu.memory_space<vmem_shared>> -> memref<100000xf32, #tpu.memory_space<vmem_shared>>
    tpu.wait_indirect_dma semaphore(%arg21 : memref<!tpu.dma_semaphore, #tpu.memory_space<semaphore_mem>>) src(%dma_wait3A_1483 : memref<100000xf32, #tpu.memory_space<vmem_shared>>) dst(%arg14 : memref<1024xf32, #tpu.memory_space<vmem>>)
    %barrier3A_1484 = arith.constant 0 : index
    tpu.barrier barrier_id(%barrier3A_1484)
    %mul3A_1485 = arith.constant 2 : i32
    %mul3A_1486 = arith.muli %arg0, %mul3A_1485 : i32
    %add3A_1487 = arith.constant 1 : i32
    %add3A_1488 = arith.addi %mul3A_1486, %add3A_1487 : i32
    %mul3A_1489 = arith.constant 2 : i32
    %mul3A_1490 = arith.muli %arg0, %mul3A_1489 : i32
    %add3A_1491 = arith.constant 1 : i32
    %add3A_1492 = arith.addi %mul3A_1490, %add3A_1491 : i32
    %dma_start3A_1493 = arith.constant 5 : i32
    %dma_start3A_1494 = tpu.memref_slice %arg10[%min3A_261] : memref<1000000xf32, #tpu.memory_space<vmem_shared>> -> memref<62592xf32, #tpu.memory_space<vmem_shared>>
    %dma_start3A_1495 = arith.constant 0 : i32
    %dma_start3A_1496 = tpu.memref_slice %arg5[%add3A_1488, %dma_start3A_1493, %dma_start3A_1495] : memref<4x8x1000000xf32, #tpu.memory_space<hbm>> -> memref<1x1x1000000xf32, #tpu.memory_space<hbm>>
    %dma_start3A_1497 = tpu.memref_squeeze %dma_start3A_1496 : memref<1x1x1000000xf32, #tpu.memory_space<hbm>> -> memref<1000000xf32, #tpu.memory_space<hbm>>
    %dma_start3A_1498 = tpu.memref_slice %dma_start3A_1497[%min3A_261] : memref<1000000xf32, #tpu.memory_space<hbm>> -> memref<62592xf32, #tpu.memory_space<hbm>>
    tpu.enqueue_dma source(%dma_start3A_1498 : memref<62592xf32, #tpu.memory_space<hbm>>) target(%dma_start3A_1494 : memref<62592xf32, #tpu.memory_space<vmem_shared>>) target_semaphore(%arg20 : memref<!tpu.dma_semaphore, #tpu.memory_space<semaphore_mem>>)
    %dma_start3A_1499 = arith.constant 5 : i32
    %dma_start3A_1500 = tpu.memref_slice %arg11[%min3A_265] : memref<100000xf32, #tpu.memory_space<vmem_shared>> -> memref<6272xf32, #tpu.memory_space<vmem_shared>>
    %dma_start3A_1501 = arith.constant 0 : i32
    %dma_start3A_1502 = tpu.memref_slice %arg4[%add3A_1492, %dma_start3A_1499, %dma_start3A_1501] : memref<4x8x100000xf32, #tpu.memory_space<hbm>> -> memref<1x1x100000xf32, #tpu.memory_space<hbm>>
    %dma_start3A_1503 = tpu.memref_squeeze %dma_start3A_1502 : memref<1x1x100000xf32, #tpu.memory_space<hbm>> -> memref<100000xf32, #tpu.memory_space<hbm>>
    %dma_start3A_1504 = tpu.memref_slice %dma_start3A_1503[%min3A_265] : memref<100000xf32, #tpu.memory_space<hbm>> -> memref<6272xf32, #tpu.memory_space<hbm>>
    tpu.enqueue_dma source(%dma_start3A_1504 : memref<6272xf32, #tpu.memory_space<hbm>>) target(%dma_start3A_1500 : memref<6272xf32, #tpu.memory_space<vmem_shared>>) target_semaphore(%arg20 : memref<!tpu.dma_semaphore, #tpu.memory_space<semaphore_mem>>)
    %mul3A_1505 = arith.constant 2 : i32
    %mul3A_1506 = arith.muli %arg0, %mul3A_1505 : i32
    %add3A_1507 = arith.constant 1 : i32
    %add3A_1508 = arith.addi %mul3A_1506, %add3A_1507 : i32
    %mul3A_1509 = arith.constant 8 : i32
    %mul3A_1510 = arith.muli %add3A_1508, %mul3A_1509 : i32
    %mul3A_1511 = arith.constant 64 : i32
    %mul3A_1512 = arith.muli %mul3A_1510, %mul3A_1511 : i32
    %add3A_1513 = arith.constant 320 : i32
    %add3A_1514 = arith.addi %mul3A_1512, %add3A_1513 : i32
    %dma_start3A_1515 = tpu.memref_slice %arg18[%add3A_1514] : memref<2048xf32, #tpu.memory_space<vmem>> -> memref<64xf32, #tpu.memory_space<vmem>>
    %dma_start3A_1516 = arith.constant 999936 : i32
    %dma_start3A_1517 = tpu.memref_slice %arg10[%dma_start3A_1516] : memref<1000000xf32, #tpu.memory_space<vmem_shared>> -> memref<64xf32, #tpu.memory_space<vmem_shared>>
    %dma_start3A_1518 = arith.constant 999936 : i32
    %dma_start3A_1519 = tpu.memref_slice %arg10[%dma_start3A_1518] : memref<1000000xf32, #tpu.memory_space<vmem_shared>> -> memref<64xf32, #tpu.memory_space<vmem_shared>>
    %dma_start3A_1520 = tpu.memref_slice %arg18[%add3A_1514] : memref<2048xf32, #tpu.memory_space<vmem>> -> memref<64xf32, #tpu.memory_space<vmem>>
    tpu.enqueue_dma source(%dma_start3A_1520 : memref<64xf32, #tpu.memory_space<vmem>>) target(%dma_start3A_1519 : memref<64xf32, #tpu.memory_space<vmem_shared>>) target_semaphore(%arg20 : memref<!tpu.dma_semaphore, #tpu.memory_space<semaphore_mem>>)
    %mul3A_1521 = arith.constant 2 : i32
    %mul3A_1522 = arith.muli %arg0, %mul3A_1521 : i32
    %add3A_1523 = arith.constant 1 : i32
    %add3A_1524 = arith.addi %mul3A_1522, %add3A_1523 : i32
    %mul3A_1525 = arith.constant 8 : i32
    %mul3A_1526 = arith.muli %add3A_1524, %mul3A_1525 : i32
    %mul3A_1527 = arith.constant 32 : i32
    %mul3A_1528 = arith.muli %mul3A_1526, %mul3A_1527 : i32
    %add3A_1529 = arith.constant 160 : i32
    %add3A_1530 = arith.addi %mul3A_1528, %add3A_1529 : i32
    %dma_start3A_1531 = tpu.memref_slice %arg19[%add3A_1530] : memref<1024xf32, #tpu.memory_space<vmem>> -> memref<32xf32, #tpu.memory_space<vmem>>
    %dma_start3A_1532 = arith.constant 99968 : i32
    %dma_start3A_1533 = tpu.memref_slice %arg11[%dma_start3A_1532] : memref<100000xf32, #tpu.memory_space<vmem_shared>> -> memref<32xf32, #tpu.memory_space<vmem_shared>>
    %dma_start3A_1534 = arith.constant 99968 : i32
    %dma_start3A_1535 = tpu.memref_slice %arg11[%dma_start3A_1534] : memref<100000xf32, #tpu.memory_space<vmem_shared>> -> memref<32xf32, #tpu.memory_space<vmem_shared>>
    %dma_start3A_1536 = tpu.memref_slice %arg19[%add3A_1530] : memref<1024xf32, #tpu.memory_space<vmem>> -> memref<32xf32, #tpu.memory_space<vmem>>
    tpu.enqueue_dma source(%dma_start3A_1536 : memref<32xf32, #tpu.memory_space<vmem>>) target(%dma_start3A_1535 : memref<32xf32, #tpu.memory_space<vmem_shared>>) target_semaphore(%arg20 : memref<!tpu.dma_semaphore, #tpu.memory_space<semaphore_mem>>)
    %slice3A_1537 = vector.extract_strided_slice %select_n3A {offsets = [12], sizes = [1], strides = [1]} : vector<16xf32> to vector<1xf32>
    %squeeze3A_1538 = vector.extract %slice3A_1537[0] : f32 from vector<1xf32>
    %scan3A_1539 = arith.constant 0 : i32
    %scan3A_1540 = arith.constant 0 : i32
    %scan3A_1541 = arith.constant 64 : i32
    %scan3A_1542 = arith.addi %scan3A_1540, %scan3A_1541 : i32
    %scan3A_1543 = arith.constant 1 : i32
    %scan3A_1544 = scf.for %scan3A_1779 = %scan3A_1540 to %scan3A_1542 step %scan3A_1543 iter_args(%scan3A_1780 = %scan3A_1539) -> (i32)  : i32 {
      %mul3A_1781 = arith.constant 16 : i32
      %mul3A_1782 = arith.muli %scan3A_1779, %mul3A_1781 : i32
      %get3A_1783 = arith.index_cast %mul3A_1782 : i32 to index
      %get3A_1784 = tpu.vector_load %arg16[%get3A_1783] {strides = array<i32>} : memref<1024xf32, #tpu.memory_space<vmem>>, vector<16xf32>,
      %get3A_1785 = arith.index_cast %mul3A_1782 : i32 to index
      %get3A_1786 = tpu.vector_load %arg14[%get3A_1785] {strides = array<i32>} : memref<1024xf32, #tpu.memory_space<vmem>>, vector<16xf32>,
      %get3A_1787 = arith.index_cast %mul3A_1782 : i32 to index
      %get3A_1788 = tpu.vector_load %arg15[%get3A_1787] {strides = array<i32>} : memref<1024xf32, #tpu.memory_space<vmem>>, vector<16xf32>,
      %mul3A_1789 = arith.mulf %get3A_1786, %get3A_1788 : vector<16xf32>
      %mul3A_1790 = vector.broadcast %squeeze3A_1538 : f32 to vector<16xf32>
      %mul3A_1791 = arith.mulf %mul3A_1789, %mul3A_1790 : vector<16xf32>
      %add3A_1792 = arith.addf %get3A_1784, %mul3A_1791 : vector<16xf32>
      %swap3A_1793 = arith.index_cast %mul3A_1782 : i32 to index
      %swap3A_1794 = tpu.vector_load %arg16[%swap3A_1793] {strides = array<i32>} : memref<1024xf32, #tpu.memory_space<vmem>>, vector<16xf32>,
      tpu.vector_store %arg16[%swap3A_1793], %add3A_1792 {strides = array<i32>} : memref<1024xf32, #tpu.memory_space<vmem>>, vector<16xf32>,
      %scan3A_1795 = arith.constant 0 : i32
      scf.yield %scan3A_1795 : i32
    }
    %scan3A_1545 = arith.constant 64 : i32
    %dma_wait3A_1546 = arith.constant 5 : i32
    %dma_wait3A_1547 = tpu.memref_slice %arg10[%min3A_261] : memref<1000000xf32, #tpu.memory_space<vmem_shared>> -> memref<62592xf32, #tpu.memory_space<vmem_shared>>
    %dma_wait3A_1548 = arith.constant 0 : i32
    %dma_wait3A_1549 = tpu.memref_slice %arg5[%add3A_1488, %dma_wait3A_1546, %dma_wait3A_1548] : memref<4x8x1000000xf32, #tpu.memory_space<hbm>> -> memref<1x1x1000000xf32, #tpu.memory_space<hbm>>
    %dma_wait3A_1550 = tpu.memref_squeeze %dma_wait3A_1549 : memref<1x1x1000000xf32, #tpu.memory_space<hbm>> -> memref<1000000xf32, #tpu.memory_space<hbm>>
    %dma_wait3A_1551 = tpu.memref_slice %dma_wait3A_1550[%min3A_261] : memref<1000000xf32, #tpu.memory_space<hbm>> -> memref<62592xf32, #tpu.memory_space<hbm>>
    tpu.wait_dma2 semaphore(%arg20 : memref<!tpu.dma_semaphore, #tpu.memory_space<semaphore_mem>>) src(%dma_wait3A_1551 : memref<62592xf32, #tpu.memory_space<hbm>>) dst(%dma_wait3A_1547 : memref<62592xf32, #tpu.memory_space<vmem_shared>>)
    %dma_wait3A_1552 = arith.constant 5 : i32
    %dma_wait3A_1553 = tpu.memref_slice %arg11[%min3A_265] : memref<100000xf32, #tpu.memory_space<vmem_shared>> -> memref<6272xf32, #tpu.memory_space<vmem_shared>>
    %dma_wait3A_1554 = arith.constant 0 : i32
    %dma_wait3A_1555 = tpu.memref_slice %arg4[%add3A_1492, %dma_wait3A_1552, %dma_wait3A_1554] : memref<4x8x100000xf32, #tpu.memory_space<hbm>> -> memref<1x1x100000xf32, #tpu.memory_space<hbm>>
    %dma_wait3A_1556 = tpu.memref_squeeze %dma_wait3A_1555 : memref<1x1x100000xf32, #tpu.memory_space<hbm>> -> memref<100000xf32, #tpu.memory_space<hbm>>
    %dma_wait3A_1557 = tpu.memref_slice %dma_wait3A_1556[%min3A_265] : memref<100000xf32, #tpu.memory_space<hbm>> -> memref<6272xf32, #tpu.memory_space<hbm>>
    tpu.wait_dma2 semaphore(%arg20 : memref<!tpu.dma_semaphore, #tpu.memory_space<semaphore_mem>>) src(%dma_wait3A_1557 : memref<6272xf32, #tpu.memory_space<hbm>>) dst(%dma_wait3A_1553 : memref<6272xf32, #tpu.memory_space<vmem_shared>>)
    %dma_wait3A_1558 = tpu.memref_slice %arg18[%add3A_1514] : memref<2048xf32, #tpu.memory_space<vmem>> -> memref<64xf32, #tpu.memory_space<vmem>>
    %dma_wait3A_1559 = arith.constant 999936 : i32
    %dma_wait3A_1560 = tpu.memref_slice %arg10[%dma_wait3A_1559] : memref<1000000xf32, #tpu.memory_space<vmem_shared>> -> memref<64xf32, #tpu.memory_space<vmem_shared>>
    %dma_wait3A_1561 = arith.constant 999936 : i32
    %dma_wait3A_1562 = tpu.memref_slice %arg10[%dma_wait3A_1561] : memref<1000000xf32, #tpu.memory_space<vmem_shared>> -> memref<64xf32, #tpu.memory_space<vmem_shared>>
    %dma_wait3A_1563 = tpu.memref_slice %arg18[%add3A_1514] : memref<2048xf32, #tpu.memory_space<vmem>> -> memref<64xf32, #tpu.memory_space<vmem>>
    tpu.wait_dma2 semaphore(%arg20 : memref<!tpu.dma_semaphore, #tpu.memory_space<semaphore_mem>>) src(%dma_wait3A_1563 : memref<64xf32, #tpu.memory_space<vmem>>) dst(%dma_wait3A_1562 : memref<64xf32, #tpu.memory_space<vmem_shared>>)
    %dma_wait3A_1564 = tpu.memref_slice %arg19[%add3A_1530] : memref<1024xf32, #tpu.memory_space<vmem>> -> memref<32xf32, #tpu.memory_space<vmem>>
    %dma_wait3A_1565 = arith.constant 99968 : i32
    %dma_wait3A_1566 = tpu.memref_slice %arg11[%dma_wait3A_1565] : memref<100000xf32, #tpu.memory_space<vmem_shared>> -> memref<32xf32, #tpu.memory_space<vmem_shared>>
    %dma_wait3A_1567 = arith.constant 99968 : i32
    %dma_wait3A_1568 = tpu.memref_slice %arg11[%dma_wait3A_1567] : memref<100000xf32, #tpu.memory_space<vmem_shared>> -> memref<32xf32, #tpu.memory_space<vmem_shared>>
    %dma_wait3A_1569 = tpu.memref_slice %arg19[%add3A_1530] : memref<1024xf32, #tpu.memory_space<vmem>> -> memref<32xf32, #tpu.memory_space<vmem>>
    tpu.wait_dma2 semaphore(%arg20 : memref<!tpu.dma_semaphore, #tpu.memory_space<semaphore_mem>>) src(%dma_wait3A_1569 : memref<32xf32, #tpu.memory_space<vmem>>) dst(%dma_wait3A_1568 : memref<32xf32, #tpu.memory_space<vmem_shared>>)
    %barrier3A_1570 = arith.constant 0 : index
    tpu.barrier barrier_id(%barrier3A_1570)
    %dma_start3A_1571 = arith.constant 0 : i32
    %dma_start3A_1572 = tpu.memref_slice %arg10[%dma_start3A_1571] : memref<1000000xf32, #tpu.memory_space<vmem_shared>> -> memref<1000000xf32, #tpu.memory_space<vmem_shared>>
    tpu.enqueue_indirect_dma source(%dma_start3A_1572 : memref<1000000xf32, #tpu.memory_space<vmem_shared>>) target(%arg15 : memref<1024xf32, #tpu.memory_space<vmem>>) offsets(%arg13 : memref<1024xi32, #tpu.memory_space<vmem>>) semaphore(%arg21 : memref<!tpu.dma_semaphore, #tpu.memory_space<semaphore_mem>>)
    %dma_start3A_1573 = arith.constant 0 : i32
    %dma_start3A_1574 = tpu.memref_slice %arg11[%dma_start3A_1573] : memref<100000xf32, #tpu.memory_space<vmem_shared>> -> memref<100000xf32, #tpu.memory_space<vmem_shared>>
    tpu.enqueue_indirect_dma source(%dma_start3A_1574 : memref<100000xf32, #tpu.memory_space<vmem_shared>>) target(%arg14 : memref<1024xf32, #tpu.memory_space<vmem>>) offsets(%arg12 : memref<1024xi32, #tpu.memory_space<vmem>>) semaphore(%arg21 : memref<!tpu.dma_semaphore, #tpu.memory_space<semaphore_mem>>)
    %dma_wait3A_1575 = arith.constant 0 : i32
    %dma_wait3A_1576 = tpu.memref_slice %arg10[%dma_wait3A_1575] : memref<1000000xf32, #tpu.memory_space<vmem_shared>> -> memref<1000000xf32, #tpu.memory_space<vmem_shared>>
    tpu.wait_indirect_dma semaphore(%arg21 : memref<!tpu.dma_semaphore, #tpu.memory_space<semaphore_mem>>) src(%dma_wait3A_1576 : memref<1000000xf32, #tpu.memory_space<vmem_shared>>) dst(%arg15 : memref<1024xf32, #tpu.memory_space<vmem>>)
    %dma_wait3A_1577 = arith.constant 0 : i32
    %dma_wait3A_1578 = tpu.memref_slice %arg11[%dma_wait3A_1577] : memref<100000xf32, #tpu.memory_space<vmem_shared>> -> memref<100000xf32, #tpu.memory_space<vmem_shared>>
    tpu.wait_indirect_dma semaphore(%arg21 : memref<!tpu.dma_semaphore, #tpu.memory_space<semaphore_mem>>) src(%dma_wait3A_1578 : memref<100000xf32, #tpu.memory_space<vmem_shared>>) dst(%arg14 : memref<1024xf32, #tpu.memory_space<vmem>>)
    %barrier3A_1579 = arith.constant 0 : index
    tpu.barrier barrier_id(%barrier3A_1579)
    %mul3A_1580 = arith.constant 2 : i32
    %mul3A_1581 = arith.muli %arg0, %mul3A_1580 : i32
    %add3A_1582 = arith.constant 1 : i32
    %add3A_1583 = arith.addi %mul3A_1581, %add3A_1582 : i32
    %mul3A_1584 = arith.constant 2 : i32
    %mul3A_1585 = arith.muli %arg0, %mul3A_1584 : i32
    %add3A_1586 = arith.constant 1 : i32
    %add3A_1587 = arith.addi %mul3A_1585, %add3A_1586 : i32
    %dma_start3A_1588 = arith.constant 6 : i32
    %dma_start3A_1589 = tpu.memref_slice %arg10[%min3A_261] : memref<1000000xf32, #tpu.memory_space<vmem_shared>> -> memref<62592xf32, #tpu.memory_space<vmem_shared>>
    %dma_start3A_1590 = arith.constant 0 : i32
    %dma_start3A_1591 = tpu.memref_slice %arg5[%add3A_1583, %dma_start3A_1588, %dma_start3A_1590] : memref<4x8x1000000xf32, #tpu.memory_space<hbm>> -> memref<1x1x1000000xf32, #tpu.memory_space<hbm>>
    %dma_start3A_1592 = tpu.memref_squeeze %dma_start3A_1591 : memref<1x1x1000000xf32, #tpu.memory_space<hbm>> -> memref<1000000xf32, #tpu.memory_space<hbm>>
    %dma_start3A_1593 = tpu.memref_slice %dma_start3A_1592[%min3A_261] : memref<1000000xf32, #tpu.memory_space<hbm>> -> memref<62592xf32, #tpu.memory_space<hbm>>
    tpu.enqueue_dma source(%dma_start3A_1593 : memref<62592xf32, #tpu.memory_space<hbm>>) target(%dma_start3A_1589 : memref<62592xf32, #tpu.memory_space<vmem_shared>>) target_semaphore(%arg20 : memref<!tpu.dma_semaphore, #tpu.memory_space<semaphore_mem>>)
    %dma_start3A_1594 = arith.constant 6 : i32
    %dma_start3A_1595 = tpu.memref_slice %arg11[%min3A_265] : memref<100000xf32, #tpu.memory_space<vmem_shared>> -> memref<6272xf32, #tpu.memory_space<vmem_shared>>
    %dma_start3A_1596 = arith.constant 0 : i32
    %dma_start3A_1597 = tpu.memref_slice %arg4[%add3A_1587, %dma_start3A_1594, %dma_start3A_1596] : memref<4x8x100000xf32, #tpu.memory_space<hbm>> -> memref<1x1x100000xf32, #tpu.memory_space<hbm>>
    %dma_start3A_1598 = tpu.memref_squeeze %dma_start3A_1597 : memref<1x1x100000xf32, #tpu.memory_space<hbm>> -> memref<100000xf32, #tpu.memory_space<hbm>>
    %dma_start3A_1599 = tpu.memref_slice %dma_start3A_1598[%min3A_265] : memref<100000xf32, #tpu.memory_space<hbm>> -> memref<6272xf32, #tpu.memory_space<hbm>>
    tpu.enqueue_dma source(%dma_start3A_1599 : memref<6272xf32, #tpu.memory_space<hbm>>) target(%dma_start3A_1595 : memref<6272xf32, #tpu.memory_space<vmem_shared>>) target_semaphore(%arg20 : memref<!tpu.dma_semaphore, #tpu.memory_space<semaphore_mem>>)
    %mul3A_1600 = arith.constant 2 : i32
    %mul3A_1601 = arith.muli %arg0, %mul3A_1600 : i32
    %add3A_1602 = arith.constant 1 : i32
    %add3A_1603 = arith.addi %mul3A_1601, %add3A_1602 : i32
    %mul3A_1604 = arith.constant 8 : i32
    %mul3A_1605 = arith.muli %add3A_1603, %mul3A_1604 : i32
    %mul3A_1606 = arith.constant 64 : i32
    %mul3A_1607 = arith.muli %mul3A_1605, %mul3A_1606 : i32
    %add3A_1608 = arith.constant 384 : i32
    %add3A_1609 = arith.addi %mul3A_1607, %add3A_1608 : i32
    %dma_start3A_1610 = tpu.memref_slice %arg18[%add3A_1609] : memref<2048xf32, #tpu.memory_space<vmem>> -> memref<64xf32, #tpu.memory_space<vmem>>
    %dma_start3A_1611 = arith.constant 999936 : i32
    %dma_start3A_1612 = tpu.memref_slice %arg10[%dma_start3A_1611] : memref<1000000xf32, #tpu.memory_space<vmem_shared>> -> memref<64xf32, #tpu.memory_space<vmem_shared>>
    %dma_start3A_1613 = arith.constant 999936 : i32
    %dma_start3A_1614 = tpu.memref_slice %arg10[%dma_start3A_1613] : memref<1000000xf32, #tpu.memory_space<vmem_shared>> -> memref<64xf32, #tpu.memory_space<vmem_shared>>
    %dma_start3A_1615 = tpu.memref_slice %arg18[%add3A_1609] : memref<2048xf32, #tpu.memory_space<vmem>> -> memref<64xf32, #tpu.memory_space<vmem>>
    tpu.enqueue_dma source(%dma_start3A_1615 : memref<64xf32, #tpu.memory_space<vmem>>) target(%dma_start3A_1614 : memref<64xf32, #tpu.memory_space<vmem_shared>>) target_semaphore(%arg20 : memref<!tpu.dma_semaphore, #tpu.memory_space<semaphore_mem>>)
    %mul3A_1616 = arith.constant 2 : i32
    %mul3A_1617 = arith.muli %arg0, %mul3A_1616 : i32
    %add3A_1618 = arith.constant 1 : i32
    %add3A_1619 = arith.addi %mul3A_1617, %add3A_1618 : i32
    %mul3A_1620 = arith.constant 8 : i32
    %mul3A_1621 = arith.muli %add3A_1619, %mul3A_1620 : i32
    %mul3A_1622 = arith.constant 32 : i32
    %mul3A_1623 = arith.muli %mul3A_1621, %mul3A_1622 : i32
    %add3A_1624 = arith.constant 192 : i32
    %add3A_1625 = arith.addi %mul3A_1623, %add3A_1624 : i32
    %dma_start3A_1626 = tpu.memref_slice %arg19[%add3A_1625] : memref<1024xf32, #tpu.memory_space<vmem>> -> memref<32xf32, #tpu.memory_space<vmem>>
    %dma_start3A_1627 = arith.constant 99968 : i32
    %dma_start3A_1628 = tpu.memref_slice %arg11[%dma_start3A_1627] : memref<100000xf32, #tpu.memory_space<vmem_shared>> -> memref<32xf32, #tpu.memory_space<vmem_shared>>
    %dma_start3A_1629 = arith.constant 99968 : i32
    %dma_start3A_1630 = tpu.memref_slice %arg11[%dma_start3A_1629] : memref<100000xf32, #tpu.memory_space<vmem_shared>> -> memref<32xf32, #tpu.memory_space<vmem_shared>>
    %dma_start3A_1631 = tpu.memref_slice %arg19[%add3A_1625] : memref<1024xf32, #tpu.memory_space<vmem>> -> memref<32xf32, #tpu.memory_space<vmem>>
    tpu.enqueue_dma source(%dma_start3A_1631 : memref<32xf32, #tpu.memory_space<vmem>>) target(%dma_start3A_1630 : memref<32xf32, #tpu.memory_space<vmem_shared>>) target_semaphore(%arg20 : memref<!tpu.dma_semaphore, #tpu.memory_space<semaphore_mem>>)
    %slice3A_1632 = vector.extract_strided_slice %select_n3A {offsets = [13], sizes = [1], strides = [1]} : vector<16xf32> to vector<1xf32>
    %squeeze3A_1633 = vector.extract %slice3A_1632[0] : f32 from vector<1xf32>
    %scan3A_1634 = arith.constant 0 : i32
    %scan3A_1635 = arith.constant 0 : i32
    %scan3A_1636 = arith.constant 64 : i32
    %scan3A_1637 = arith.addi %scan3A_1635, %scan3A_1636 : i32
    %scan3A_1638 = arith.constant 1 : i32
    %scan3A_1639 = scf.for %scan3A_1779 = %scan3A_1635 to %scan3A_1637 step %scan3A_1638 iter_args(%scan3A_1780 = %scan3A_1634) -> (i32)  : i32 {
      %mul3A_1781 = arith.constant 16 : i32
      %mul3A_1782 = arith.muli %scan3A_1779, %mul3A_1781 : i32
      %get3A_1783 = arith.index_cast %mul3A_1782 : i32 to index
      %get3A_1784 = tpu.vector_load %arg16[%get3A_1783] {strides = array<i32>} : memref<1024xf32, #tpu.memory_space<vmem>>, vector<16xf32>,
      %get3A_1785 = arith.index_cast %mul3A_1782 : i32 to index
      %get3A_1786 = tpu.vector_load %arg14[%get3A_1785] {strides = array<i32>} : memref<1024xf32, #tpu.memory_space<vmem>>, vector<16xf32>,
      %get3A_1787 = arith.index_cast %mul3A_1782 : i32 to index
      %get3A_1788 = tpu.vector_load %arg15[%get3A_1787] {strides = array<i32>} : memref<1024xf32, #tpu.memory_space<vmem>>, vector<16xf32>,
      %mul3A_1789 = arith.mulf %get3A_1786, %get3A_1788 : vector<16xf32>
      %mul3A_1790 = vector.broadcast %squeeze3A_1633 : f32 to vector<16xf32>
      %mul3A_1791 = arith.mulf %mul3A_1789, %mul3A_1790 : vector<16xf32>
      %add3A_1792 = arith.addf %get3A_1784, %mul3A_1791 : vector<16xf32>
      %swap3A_1793 = arith.index_cast %mul3A_1782 : i32 to index
      %swap3A_1794 = tpu.vector_load %arg16[%swap3A_1793] {strides = array<i32>} : memref<1024xf32, #tpu.memory_space<vmem>>, vector<16xf32>,
      tpu.vector_store %arg16[%swap3A_1793], %add3A_1792 {strides = array<i32>} : memref<1024xf32, #tpu.memory_space<vmem>>, vector<16xf32>,
      %scan3A_1795 = arith.constant 0 : i32
      scf.yield %scan3A_1795 : i32
    }
    %scan3A_1640 = arith.constant 64 : i32
    %dma_wait3A_1641 = arith.constant 6 : i32
    %dma_wait3A_1642 = tpu.memref_slice %arg10[%min3A_261] : memref<1000000xf32, #tpu.memory_space<vmem_shared>> -> memref<62592xf32, #tpu.memory_space<vmem_shared>>
    %dma_wait3A_1643 = arith.constant 0 : i32
    %dma_wait3A_1644 = tpu.memref_slice %arg5[%add3A_1583, %dma_wait3A_1641, %dma_wait3A_1643] : memref<4x8x1000000xf32, #tpu.memory_space<hbm>> -> memref<1x1x1000000xf32, #tpu.memory_space<hbm>>
    %dma_wait3A_1645 = tpu.memref_squeeze %dma_wait3A_1644 : memref<1x1x1000000xf32, #tpu.memory_space<hbm>> -> memref<1000000xf32, #tpu.memory_space<hbm>>
    %dma_wait3A_1646 = tpu.memref_slice %dma_wait3A_1645[%min3A_261] : memref<1000000xf32, #tpu.memory_space<hbm>> -> memref<62592xf32, #tpu.memory_space<hbm>>
    tpu.wait_dma2 semaphore(%arg20 : memref<!tpu.dma_semaphore, #tpu.memory_space<semaphore_mem>>) src(%dma_wait3A_1646 : memref<62592xf32, #tpu.memory_space<hbm>>) dst(%dma_wait3A_1642 : memref<62592xf32, #tpu.memory_space<vmem_shared>>)
    %dma_wait3A_1647 = arith.constant 6 : i32
    %dma_wait3A_1648 = tpu.memref_slice %arg11[%min3A_265] : memref<100000xf32, #tpu.memory_space<vmem_shared>> -> memref<6272xf32, #tpu.memory_space<vmem_shared>>
    %dma_wait3A_1649 = arith.constant 0 : i32
    %dma_wait3A_1650 = tpu.memref_slice %arg4[%add3A_1587, %dma_wait3A_1647, %dma_wait3A_1649] : memref<4x8x100000xf32, #tpu.memory_space<hbm>> -> memref<1x1x100000xf32, #tpu.memory_space<hbm>>
    %dma_wait3A_1651 = tpu.memref_squeeze %dma_wait3A_1650 : memref<1x1x100000xf32, #tpu.memory_space<hbm>> -> memref<100000xf32, #tpu.memory_space<hbm>>
    %dma_wait3A_1652 = tpu.memref_slice %dma_wait3A_1651[%min3A_265] : memref<100000xf32, #tpu.memory_space<hbm>> -> memref<6272xf32, #tpu.memory_space<hbm>>
    tpu.wait_dma2 semaphore(%arg20 : memref<!tpu.dma_semaphore, #tpu.memory_space<semaphore_mem>>) src(%dma_wait3A_1652 : memref<6272xf32, #tpu.memory_space<hbm>>) dst(%dma_wait3A_1648 : memref<6272xf32, #tpu.memory_space<vmem_shared>>)
    %dma_wait3A_1653 = tpu.memref_slice %arg18[%add3A_1609] : memref<2048xf32, #tpu.memory_space<vmem>> -> memref<64xf32, #tpu.memory_space<vmem>>
    %dma_wait3A_1654 = arith.constant 999936 : i32
    %dma_wait3A_1655 = tpu.memref_slice %arg10[%dma_wait3A_1654] : memref<1000000xf32, #tpu.memory_space<vmem_shared>> -> memref<64xf32, #tpu.memory_space<vmem_shared>>
    %dma_wait3A_1656 = arith.constant 999936 : i32
    %dma_wait3A_1657 = tpu.memref_slice %arg10[%dma_wait3A_1656] : memref<1000000xf32, #tpu.memory_space<vmem_shared>> -> memref<64xf32, #tpu.memory_space<vmem_shared>>
    %dma_wait3A_1658 = tpu.memref_slice %arg18[%add3A_1609] : memref<2048xf32, #tpu.memory_space<vmem>> -> memref<64xf32, #tpu.memory_space<vmem>>
    tpu.wait_dma2 semaphore(%arg20 : memref<!tpu.dma_semaphore, #tpu.memory_space<semaphore_mem>>) src(%dma_wait3A_1658 : memref<64xf32, #tpu.memory_space<vmem>>) dst(%dma_wait3A_1657 : memref<64xf32, #tpu.memory_space<vmem_shared>>)
    %dma_wait3A_1659 = tpu.memref_slice %arg19[%add3A_1625] : memref<1024xf32, #tpu.memory_space<vmem>> -> memref<32xf32, #tpu.memory_space<vmem>>
    %dma_wait3A_1660 = arith.constant 99968 : i32
    %dma_wait3A_1661 = tpu.memref_slice %arg11[%dma_wait3A_1660] : memref<100000xf32, #tpu.memory_space<vmem_shared>> -> memref<32xf32, #tpu.memory_space<vmem_shared>>
    %dma_wait3A_1662 = arith.constant 99968 : i32
    %dma_wait3A_1663 = tpu.memref_slice %arg11[%dma_wait3A_1662] : memref<100000xf32, #tpu.memory_space<vmem_shared>> -> memref<32xf32, #tpu.memory_space<vmem_shared>>
    %dma_wait3A_1664 = tpu.memref_slice %arg19[%add3A_1625] : memref<1024xf32, #tpu.memory_space<vmem>> -> memref<32xf32, #tpu.memory_space<vmem>>
    tpu.wait_dma2 semaphore(%arg20 : memref<!tpu.dma_semaphore, #tpu.memory_space<semaphore_mem>>) src(%dma_wait3A_1664 : memref<32xf32, #tpu.memory_space<vmem>>) dst(%dma_wait3A_1663 : memref<32xf32, #tpu.memory_space<vmem_shared>>)
    %barrier3A_1665 = arith.constant 0 : index
    tpu.barrier barrier_id(%barrier3A_1665)
    %dma_start3A_1666 = arith.constant 0 : i32
    %dma_start3A_1667 = tpu.memref_slice %arg10[%dma_start3A_1666] : memref<1000000xf32, #tpu.memory_space<vmem_shared>> -> memref<1000000xf32, #tpu.memory_space<vmem_shared>>
    tpu.enqueue_indirect_dma source(%dma_start3A_1667 : memref<1000000xf32, #tpu.memory_space<vmem_shared>>) target(%arg15 : memref<1024xf32, #tpu.memory_space<vmem>>) offsets(%arg13 : memref<1024xi32, #tpu.memory_space<vmem>>) semaphore(%arg21 : memref<!tpu.dma_semaphore, #tpu.memory_space<semaphore_mem>>)
    %dma_start3A_1668 = arith.constant 0 : i32
    %dma_start3A_1669 = tpu.memref_slice %arg11[%dma_start3A_1668] : memref<100000xf32, #tpu.memory_space<vmem_shared>> -> memref<100000xf32, #tpu.memory_space<vmem_shared>>
    tpu.enqueue_indirect_dma source(%dma_start3A_1669 : memref<100000xf32, #tpu.memory_space<vmem_shared>>) target(%arg14 : memref<1024xf32, #tpu.memory_space<vmem>>) offsets(%arg12 : memref<1024xi32, #tpu.memory_space<vmem>>) semaphore(%arg21 : memref<!tpu.dma_semaphore, #tpu.memory_space<semaphore_mem>>)
    %dma_wait3A_1670 = arith.constant 0 : i32
    %dma_wait3A_1671 = tpu.memref_slice %arg10[%dma_wait3A_1670] : memref<1000000xf32, #tpu.memory_space<vmem_shared>> -> memref<1000000xf32, #tpu.memory_space<vmem_shared>>
    tpu.wait_indirect_dma semaphore(%arg21 : memref<!tpu.dma_semaphore, #tpu.memory_space<semaphore_mem>>) src(%dma_wait3A_1671 : memref<1000000xf32, #tpu.memory_space<vmem_shared>>) dst(%arg15 : memref<1024xf32, #tpu.memory_space<vmem>>)
    %dma_wait3A_1672 = arith.constant 0 : i32
    %dma_wait3A_1673 = tpu.memref_slice %arg11[%dma_wait3A_1672] : memref<100000xf32, #tpu.memory_space<vmem_shared>> -> memref<100000xf32, #tpu.memory_space<vmem_shared>>
    tpu.wait_indirect_dma semaphore(%arg21 : memref<!tpu.dma_semaphore, #tpu.memory_space<semaphore_mem>>) src(%dma_wait3A_1673 : memref<100000xf32, #tpu.memory_space<vmem_shared>>) dst(%arg14 : memref<1024xf32, #tpu.memory_space<vmem>>)
    %barrier3A_1674 = arith.constant 0 : index
    tpu.barrier barrier_id(%barrier3A_1674)
    %mul3A_1675 = arith.constant 2 : i32
    %mul3A_1676 = arith.muli %arg0, %mul3A_1675 : i32
    %add3A_1677 = arith.constant 1 : i32
    %add3A_1678 = arith.addi %mul3A_1676, %add3A_1677 : i32
    %mul3A_1679 = arith.constant 2 : i32
    %mul3A_1680 = arith.muli %arg0, %mul3A_1679 : i32
    %add3A_1681 = arith.constant 1 : i32
    %add3A_1682 = arith.addi %mul3A_1680, %add3A_1681 : i32
    %dma_start3A_1683 = arith.constant 7 : i32
    %dma_start3A_1684 = tpu.memref_slice %arg10[%min3A_261] : memref<1000000xf32, #tpu.memory_space<vmem_shared>> -> memref<62592xf32, #tpu.memory_space<vmem_shared>>
    %dma_start3A_1685 = arith.constant 0 : i32
    %dma_start3A_1686 = tpu.memref_slice %arg5[%add3A_1678, %dma_start3A_1683, %dma_start3A_1685] : memref<4x8x1000000xf32, #tpu.memory_space<hbm>> -> memref<1x1x1000000xf32, #tpu.memory_space<hbm>>
    %dma_start3A_1687 = tpu.memref_squeeze %dma_start3A_1686 : memref<1x1x1000000xf32, #tpu.memory_space<hbm>> -> memref<1000000xf32, #tpu.memory_space<hbm>>
    %dma_start3A_1688 = tpu.memref_slice %dma_start3A_1687[%min3A_261] : memref<1000000xf32, #tpu.memory_space<hbm>> -> memref<62592xf32, #tpu.memory_space<hbm>>
    tpu.enqueue_dma source(%dma_start3A_1688 : memref<62592xf32, #tpu.memory_space<hbm>>) target(%dma_start3A_1684 : memref<62592xf32, #tpu.memory_space<vmem_shared>>) target_semaphore(%arg20 : memref<!tpu.dma_semaphore, #tpu.memory_space<semaphore_mem>>)
    %dma_start3A_1689 = arith.constant 7 : i32
    %dma_start3A_1690 = tpu.memref_slice %arg11[%min3A_265] : memref<100000xf32, #tpu.memory_space<vmem_shared>> -> memref<6272xf32, #tpu.memory_space<vmem_shared>>
    %dma_start3A_1691 = arith.constant 0 : i32
    %dma_start3A_1692 = tpu.memref_slice %arg4[%add3A_1682, %dma_start3A_1689, %dma_start3A_1691] : memref<4x8x100000xf32, #tpu.memory_space<hbm>> -> memref<1x1x100000xf32, #tpu.memory_space<hbm>>
    %dma_start3A_1693 = tpu.memref_squeeze %dma_start3A_1692 : memref<1x1x100000xf32, #tpu.memory_space<hbm>> -> memref<100000xf32, #tpu.memory_space<hbm>>
    %dma_start3A_1694 = tpu.memref_slice %dma_start3A_1693[%min3A_265] : memref<100000xf32, #tpu.memory_space<hbm>> -> memref<6272xf32, #tpu.memory_space<hbm>>
    tpu.enqueue_dma source(%dma_start3A_1694 : memref<6272xf32, #tpu.memory_space<hbm>>) target(%dma_start3A_1690 : memref<6272xf32, #tpu.memory_space<vmem_shared>>) target_semaphore(%arg20 : memref<!tpu.dma_semaphore, #tpu.memory_space<semaphore_mem>>)
    %mul3A_1695 = arith.constant 2 : i32
    %mul3A_1696 = arith.muli %arg0, %mul3A_1695 : i32
    %add3A_1697 = arith.constant 1 : i32
    %add3A_1698 = arith.addi %mul3A_1696, %add3A_1697 : i32
    %mul3A_1699 = arith.constant 8 : i32
    %mul3A_1700 = arith.muli %add3A_1698, %mul3A_1699 : i32
    %mul3A_1701 = arith.constant 64 : i32
    %mul3A_1702 = arith.muli %mul3A_1700, %mul3A_1701 : i32
    %add3A_1703 = arith.constant 448 : i32
    %add3A_1704 = arith.addi %mul3A_1702, %add3A_1703 : i32
    %dma_start3A_1705 = tpu.memref_slice %arg18[%add3A_1704] : memref<2048xf32, #tpu.memory_space<vmem>> -> memref<64xf32, #tpu.memory_space<vmem>>
    %dma_start3A_1706 = arith.constant 999936 : i32
    %dma_start3A_1707 = tpu.memref_slice %arg10[%dma_start3A_1706] : memref<1000000xf32, #tpu.memory_space<vmem_shared>> -> memref<64xf32, #tpu.memory_space<vmem_shared>>
    %dma_start3A_1708 = arith.constant 999936 : i32
    %dma_start3A_1709 = tpu.memref_slice %arg10[%dma_start3A_1708] : memref<1000000xf32, #tpu.memory_space<vmem_shared>> -> memref<64xf32, #tpu.memory_space<vmem_shared>>
    %dma_start3A_1710 = tpu.memref_slice %arg18[%add3A_1704] : memref<2048xf32, #tpu.memory_space<vmem>> -> memref<64xf32, #tpu.memory_space<vmem>>
    tpu.enqueue_dma source(%dma_start3A_1710 : memref<64xf32, #tpu.memory_space<vmem>>) target(%dma_start3A_1709 : memref<64xf32, #tpu.memory_space<vmem_shared>>) target_semaphore(%arg20 : memref<!tpu.dma_semaphore, #tpu.memory_space<semaphore_mem>>)
    %mul3A_1711 = arith.constant 2 : i32
    %mul3A_1712 = arith.muli %arg0, %mul3A_1711 : i32
    %add3A_1713 = arith.constant 1 : i32
    %add3A_1714 = arith.addi %mul3A_1712, %add3A_1713 : i32
    %mul3A_1715 = arith.constant 8 : i32
    %mul3A_1716 = arith.muli %add3A_1714, %mul3A_1715 : i32
    %mul3A_1717 = arith.constant 32 : i32
    %mul3A_1718 = arith.muli %mul3A_1716, %mul3A_1717 : i32
    %add3A_1719 = arith.constant 224 : i32
    %add3A_1720 = arith.addi %mul3A_1718, %add3A_1719 : i32
    %dma_start3A_1721 = tpu.memref_slice %arg19[%add3A_1720] : memref<1024xf32, #tpu.memory_space<vmem>> -> memref<32xf32, #tpu.memory_space<vmem>>
    %dma_start3A_1722 = arith.constant 99968 : i32
    %dma_start3A_1723 = tpu.memref_slice %arg11[%dma_start3A_1722] : memref<100000xf32, #tpu.memory_space<vmem_shared>> -> memref<32xf32, #tpu.memory_space<vmem_shared>>
    %dma_start3A_1724 = arith.constant 99968 : i32
    %dma_start3A_1725 = tpu.memref_slice %arg11[%dma_start3A_1724] : memref<100000xf32, #tpu.memory_space<vmem_shared>> -> memref<32xf32, #tpu.memory_space<vmem_shared>>
    %dma_start3A_1726 = tpu.memref_slice %arg19[%add3A_1720] : memref<1024xf32, #tpu.memory_space<vmem>> -> memref<32xf32, #tpu.memory_space<vmem>>
    tpu.enqueue_dma source(%dma_start3A_1726 : memref<32xf32, #tpu.memory_space<vmem>>) target(%dma_start3A_1725 : memref<32xf32, #tpu.memory_space<vmem_shared>>) target_semaphore(%arg20 : memref<!tpu.dma_semaphore, #tpu.memory_space<semaphore_mem>>)
    %slice3A_1727 = vector.extract_strided_slice %select_n3A {offsets = [14], sizes = [1], strides = [1]} : vector<16xf32> to vector<1xf32>
    %squeeze3A_1728 = vector.extract %slice3A_1727[0] : f32 from vector<1xf32>
    %scan3A_1729 = arith.constant 0 : i32
    %scan3A_1730 = arith.constant 0 : i32
    %scan3A_1731 = arith.constant 64 : i32
    %scan3A_1732 = arith.addi %scan3A_1730, %scan3A_1731 : i32
    %scan3A_1733 = arith.constant 1 : i32
    %scan3A_1734 = scf.for %scan3A_1779 = %scan3A_1730 to %scan3A_1732 step %scan3A_1733 iter_args(%scan3A_1780 = %scan3A_1729) -> (i32)  : i32 {
      %mul3A_1781 = arith.constant 16 : i32
      %mul3A_1782 = arith.muli %scan3A_1779, %mul3A_1781 : i32
      %get3A_1783 = arith.index_cast %mul3A_1782 : i32 to index
      %get3A_1784 = tpu.vector_load %arg16[%get3A_1783] {strides = array<i32>} : memref<1024xf32, #tpu.memory_space<vmem>>, vector<16xf32>,
      %get3A_1785 = arith.index_cast %mul3A_1782 : i32 to index
      %get3A_1786 = tpu.vector_load %arg14[%get3A_1785] {strides = array<i32>} : memref<1024xf32, #tpu.memory_space<vmem>>, vector<16xf32>,
      %get3A_1787 = arith.index_cast %mul3A_1782 : i32 to index
      %get3A_1788 = tpu.vector_load %arg15[%get3A_1787] {strides = array<i32>} : memref<1024xf32, #tpu.memory_space<vmem>>, vector<16xf32>,
      %mul3A_1789 = arith.mulf %get3A_1786, %get3A_1788 : vector<16xf32>
      %mul3A_1790 = vector.broadcast %squeeze3A_1728 : f32 to vector<16xf32>
      %mul3A_1791 = arith.mulf %mul3A_1789, %mul3A_1790 : vector<16xf32>
      %add3A_1792 = arith.addf %get3A_1784, %mul3A_1791 : vector<16xf32>
      %swap3A_1793 = arith.index_cast %mul3A_1782 : i32 to index
      %swap3A_1794 = tpu.vector_load %arg16[%swap3A_1793] {strides = array<i32>} : memref<1024xf32, #tpu.memory_space<vmem>>, vector<16xf32>,
      tpu.vector_store %arg16[%swap3A_1793], %add3A_1792 {strides = array<i32>} : memref<1024xf32, #tpu.memory_space<vmem>>, vector<16xf32>,
      %scan3A_1795 = arith.constant 0 : i32
      scf.yield %scan3A_1795 : i32
    }
    %scan3A_1735 = arith.constant 64 : i32
    %dma_wait3A_1736 = arith.constant 7 : i32
    %dma_wait3A_1737 = tpu.memref_slice %arg10[%min3A_261] : memref<1000000xf32, #tpu.memory_space<vmem_shared>> -> memref<62592xf32, #tpu.memory_space<vmem_shared>>
    %dma_wait3A_1738 = arith.constant 0 : i32
    %dma_wait3A_1739 = tpu.memref_slice %arg5[%add3A_1678, %dma_wait3A_1736, %dma_wait3A_1738] : memref<4x8x1000000xf32, #tpu.memory_space<hbm>> -> memref<1x1x1000000xf32, #tpu.memory_space<hbm>>
    %dma_wait3A_1740 = tpu.memref_squeeze %dma_wait3A_1739 : memref<1x1x1000000xf32, #tpu.memory_space<hbm>> -> memref<1000000xf32, #tpu.memory_space<hbm>>
    %dma_wait3A_1741 = tpu.memref_slice %dma_wait3A_1740[%min3A_261] : memref<1000000xf32, #tpu.memory_space<hbm>> -> memref<62592xf32, #tpu.memory_space<hbm>>
    tpu.wait_dma2 semaphore(%arg20 : memref<!tpu.dma_semaphore, #tpu.memory_space<semaphore_mem>>) src(%dma_wait3A_1741 : memref<62592xf32, #tpu.memory_space<hbm>>) dst(%dma_wait3A_1737 : memref<62592xf32, #tpu.memory_space<vmem_shared>>)
    %dma_wait3A_1742 = arith.constant 7 : i32
    %dma_wait3A_1743 = tpu.memref_slice %arg11[%min3A_265] : memref<100000xf32, #tpu.memory_space<vmem_shared>> -> memref<6272xf32, #tpu.memory_space<vmem_shared>>
    %dma_wait3A_1744 = arith.constant 0 : i32
    %dma_wait3A_1745 = tpu.memref_slice %arg4[%add3A_1682, %dma_wait3A_1742, %dma_wait3A_1744] : memref<4x8x100000xf32, #tpu.memory_space<hbm>> -> memref<1x1x100000xf32, #tpu.memory_space<hbm>>
    %dma_wait3A_1746 = tpu.memref_squeeze %dma_wait3A_1745 : memref<1x1x100000xf32, #tpu.memory_space<hbm>> -> memref<100000xf32, #tpu.memory_space<hbm>>
    %dma_wait3A_1747 = tpu.memref_slice %dma_wait3A_1746[%min3A_265] : memref<100000xf32, #tpu.memory_space<hbm>> -> memref<6272xf32, #tpu.memory_space<hbm>>
    tpu.wait_dma2 semaphore(%arg20 : memref<!tpu.dma_semaphore, #tpu.memory_space<semaphore_mem>>) src(%dma_wait3A_1747 : memref<6272xf32, #tpu.memory_space<hbm>>) dst(%dma_wait3A_1743 : memref<6272xf32, #tpu.memory_space<vmem_shared>>)
    %dma_wait3A_1748 = tpu.memref_slice %arg18[%add3A_1704] : memref<2048xf32, #tpu.memory_space<vmem>> -> memref<64xf32, #tpu.memory_space<vmem>>
    %dma_wait3A_1749 = arith.constant 999936 : i32
    %dma_wait3A_1750 = tpu.memref_slice %arg10[%dma_wait3A_1749] : memref<1000000xf32, #tpu.memory_space<vmem_shared>> -> memref<64xf32, #tpu.memory_space<vmem_shared>>
    %dma_wait3A_1751 = arith.constant 999936 : i32
    %dma_wait3A_1752 = tpu.memref_slice %arg10[%dma_wait3A_1751] : memref<1000000xf32, #tpu.memory_space<vmem_shared>> -> memref<64xf32, #tpu.memory_space<vmem_shared>>
    %dma_wait3A_1753 = tpu.memref_slice %arg18[%add3A_1704] : memref<2048xf32, #tpu.memory_space<vmem>> -> memref<64xf32, #tpu.memory_space<vmem>>
    tpu.wait_dma2 semaphore(%arg20 : memref<!tpu.dma_semaphore, #tpu.memory_space<semaphore_mem>>) src(%dma_wait3A_1753 : memref<64xf32, #tpu.memory_space<vmem>>) dst(%dma_wait3A_1752 : memref<64xf32, #tpu.memory_space<vmem_shared>>)
    %dma_wait3A_1754 = tpu.memref_slice %arg19[%add3A_1720] : memref<1024xf32, #tpu.memory_space<vmem>> -> memref<32xf32, #tpu.memory_space<vmem>>
    %dma_wait3A_1755 = arith.constant 99968 : i32
    %dma_wait3A_1756 = tpu.memref_slice %arg11[%dma_wait3A_1755] : memref<100000xf32, #tpu.memory_space<vmem_shared>> -> memref<32xf32, #tpu.memory_space<vmem_shared>>
    %dma_wait3A_1757 = arith.constant 99968 : i32
    %dma_wait3A_1758 = tpu.memref_slice %arg11[%dma_wait3A_1757] : memref<100000xf32, #tpu.memory_space<vmem_shared>> -> memref<32xf32, #tpu.memory_space<vmem_shared>>
    %dma_wait3A_1759 = tpu.memref_slice %arg19[%add3A_1720] : memref<1024xf32, #tpu.memory_space<vmem>> -> memref<32xf32, #tpu.memory_space<vmem>>
    tpu.wait_dma2 semaphore(%arg20 : memref<!tpu.dma_semaphore, #tpu.memory_space<semaphore_mem>>) src(%dma_wait3A_1759 : memref<32xf32, #tpu.memory_space<vmem>>) dst(%dma_wait3A_1758 : memref<32xf32, #tpu.memory_space<vmem_shared>>)
    %barrier3A_1760 = arith.constant 0 : index
    tpu.barrier barrier_id(%barrier3A_1760)
    %dma_start3A_1761 = arith.constant 0 : i32
    %dma_start3A_1762 = tpu.memref_slice %arg10[%dma_start3A_1761] : memref<1000000xf32, #tpu.memory_space<vmem_shared>> -> memref<1000000xf32, #tpu.memory_space<vmem_shared>>
    tpu.enqueue_indirect_dma source(%dma_start3A_1762 : memref<1000000xf32, #tpu.memory_space<vmem_shared>>) target(%arg15 : memref<1024xf32, #tpu.memory_space<vmem>>) offsets(%arg13 : memref<1024xi32, #tpu.memory_space<vmem>>) semaphore(%arg21 : memref<!tpu.dma_semaphore, #tpu.memory_space<semaphore_mem>>)
    %dma_start3A_1763 = arith.constant 0 : i32
    %dma_start3A_1764 = tpu.memref_slice %arg11[%dma_start3A_1763] : memref<100000xf32, #tpu.memory_space<vmem_shared>> -> memref<100000xf32, #tpu.memory_space<vmem_shared>>
    tpu.enqueue_indirect_dma source(%dma_start3A_1764 : memref<100000xf32, #tpu.memory_space<vmem_shared>>) target(%arg14 : memref<1024xf32, #tpu.memory_space<vmem>>) offsets(%arg12 : memref<1024xi32, #tpu.memory_space<vmem>>) semaphore(%arg21 : memref<!tpu.dma_semaphore, #tpu.memory_space<semaphore_mem>>)
    %dma_wait3A_1765 = arith.constant 0 : i32
    %dma_wait3A_1766 = tpu.memref_slice %arg10[%dma_wait3A_1765] : memref<1000000xf32, #tpu.memory_space<vmem_shared>> -> memref<1000000xf32, #tpu.memory_space<vmem_shared>>
    tpu.wait_indirect_dma semaphore(%arg21 : memref<!tpu.dma_semaphore, #tpu.memory_space<semaphore_mem>>) src(%dma_wait3A_1766 : memref<1000000xf32, #tpu.memory_space<vmem_shared>>) dst(%arg15 : memref<1024xf32, #tpu.memory_space<vmem>>)
    %dma_wait3A_1767 = arith.constant 0 : i32
    %dma_wait3A_1768 = tpu.memref_slice %arg11[%dma_wait3A_1767] : memref<100000xf32, #tpu.memory_space<vmem_shared>> -> memref<100000xf32, #tpu.memory_space<vmem_shared>>
    tpu.wait_indirect_dma semaphore(%arg21 : memref<!tpu.dma_semaphore, #tpu.memory_space<semaphore_mem>>) src(%dma_wait3A_1768 : memref<100000xf32, #tpu.memory_space<vmem_shared>>) dst(%arg14 : memref<1024xf32, #tpu.memory_space<vmem>>)
    %barrier3A_1769 = arith.constant 0 : index
    tpu.barrier barrier_id(%barrier3A_1769)
    %slice3A_1770 = vector.extract_strided_slice %select_n3A {offsets = [15], sizes = [1], strides = [1]} : vector<16xf32> to vector<1xf32>
    %squeeze3A_1771 = vector.extract %slice3A_1770[0] : f32 from vector<1xf32>
    %scan3A_1772 = arith.constant 0 : i32
    %scan3A_1773 = arith.constant 0 : i32
    %scan3A_1774 = arith.constant 64 : i32
    %scan3A_1775 = arith.addi %scan3A_1773, %scan3A_1774 : i32
    %scan3A_1776 = arith.constant 1 : i32
    %scan3A_1777 = scf.for %scan3A_1779 = %scan3A_1773 to %scan3A_1775 step %scan3A_1776 iter_args(%scan3A_1780 = %scan3A_1772) -> (i32)  : i32 {
      %mul3A_1781 = arith.constant 16 : i32
      %mul3A_1782 = arith.muli %scan3A_1779, %mul3A_1781 : i32
      %get3A_1783 = arith.index_cast %mul3A_1782 : i32 to index
      %get3A_1784 = tpu.vector_load %arg16[%get3A_1783] {strides = array<i32>} : memref<1024xf32, #tpu.memory_space<vmem>>, vector<16xf32>,
      %get3A_1785 = arith.index_cast %mul3A_1782 : i32 to index
      %get3A_1786 = tpu.vector_load %arg14[%get3A_1785] {strides = array<i32>} : memref<1024xf32, #tpu.memory_space<vmem>>, vector<16xf32>,
      %get3A_1787 = arith.index_cast %mul3A_1782 : i32 to index
      %get3A_1788 = tpu.vector_load %arg15[%get3A_1787] {strides = array<i32>} : memref<1024xf32, #tpu.memory_space<vmem>>, vector<16xf32>,
      %mul3A_1789 = arith.mulf %get3A_1786, %get3A_1788 : vector<16xf32>
      %mul3A_1790 = vector.broadcast %squeeze3A_1771 : f32 to vector<16xf32>
      %mul3A_1791 = arith.mulf %mul3A_1789, %mul3A_1790 : vector<16xf32>
      %add3A_1792 = arith.addf %get3A_1784, %mul3A_1791 : vector<16xf32>
      %swap3A_1793 = arith.index_cast %mul3A_1782 : i32 to index
      %swap3A_1794 = tpu.vector_load %arg16[%swap3A_1793] {strides = array<i32>} : memref<1024xf32, #tpu.memory_space<vmem>>, vector<16xf32>,
      tpu.vector_store %arg16[%swap3A_1793], %add3A_1792 {strides = array<i32>} : memref<1024xf32, #tpu.memory_space<vmem>>, vector<16xf32>,
      %scan3A_1795 = arith.constant 0 : i32
      scf.yield %scan3A_1795 : i32
    }
    %scan3A_1778 = arith.constant 64 : i32
    "tpu.region"() ({
      %run_scoped3A = tpu.sem_alloc : memref<!tpu.dma_semaphore, #tpu.memory_space<semaphore_mem>>
      %dma_start3A_1779 = tpu.memref_slice %arg9[%arg0, %mul3A_0] : memref<2x16384xf32, #tpu.memory_space<hbm>> -> memref<1x1024xf32, #tpu.memory_space<hbm>>
      %dma_start3A_1780 = tpu.memref_squeeze %dma_start3A_1779 : memref<1x1024xf32, #tpu.memory_space<hbm>> -> memref<1024xf32, #tpu.memory_space<hbm>>
      %dma_start3A_1781 = tpu.memref_slice %arg9[%arg0, %mul3A_0] : memref<2x16384xf32, #tpu.memory_space<hbm>> -> memref<1x1024xf32, #tpu.memory_space<hbm>>
      %dma_start3A_1782 = tpu.memref_squeeze %dma_start3A_1781 : memref<1x1024xf32, #tpu.memory_space<hbm>> -> memref<1024xf32, #tpu.memory_space<hbm>>
      tpu.enqueue_dma source(%arg16 : memref<1024xf32, #tpu.memory_space<vmem>>) target(%dma_start3A_1782 : memref<1024xf32, #tpu.memory_space<hbm>>) target_semaphore(%run_scoped3A : memref<!tpu.dma_semaphore, #tpu.memory_space<semaphore_mem>>)
      %dma_wait3A_1783 = tpu.memref_slice %arg9[%arg0, %mul3A_0] : memref<2x16384xf32, #tpu.memory_space<hbm>> -> memref<1x1024xf32, #tpu.memory_space<hbm>>
      %dma_wait3A_1784 = tpu.memref_squeeze %dma_wait3A_1783 : memref<1x1024xf32, #tpu.memory_space<hbm>> -> memref<1024xf32, #tpu.memory_space<hbm>>
      %dma_wait3A_1785 = tpu.memref_slice %arg9[%arg0, %mul3A_0] : memref<2x16384xf32, #tpu.memory_space<hbm>> -> memref<1x1024xf32, #tpu.memory_space<hbm>>
      %dma_wait3A_1786 = tpu.memref_squeeze %dma_wait3A_1785 : memref<1x1024xf32, #tpu.memory_space<hbm>> -> memref<1024xf32, #tpu.memory_space<hbm>>
      tpu.wait_dma2 semaphore(%run_scoped3A : memref<!tpu.dma_semaphore, #tpu.memory_space<semaphore_mem>>) src(%arg16 : memref<1024xf32, #tpu.memory_space<vmem>>) dst(%dma_wait3A_1786 : memref<1024xf32, #tpu.memory_space<hbm>>)
      tpu.yield
    }) : () -> ()
    return
  }
}

#map = affine_map<(d0, d1) -> (0, 0)>
#map1 = affine_map<(d0, d1) -> (0)>
module attributes {stable_mosaic.version = 14 : i64} {
  func.func @combine_call(%arg0: i32, %arg1: i32, %arg2: memref<2x16384xf32, #tpu.memory_space<hbm>>, %arg3: memref<16xf32, #tpu.memory_space<hbm>>, %arg4: memref<16384xf32, #tpu.memory_space<hbm>>, %arg5: memref<512xf32, #tpu.memory_space<vmem>>, %arg6: memref<512xf32, #tpu.memory_space<vmem>>, %arg7: memref<512xf32, #tpu.memory_space<vmem>>, %arg8: memref<16xf32, #tpu.memory_space<vmem>>) attributes {dimension_semantics = [#tpu.dimension_semantics<core_parallel>, #tpu.dimension_semantics<subcore_parallel>], iteration_bounds = array<i64: 2, 16>, scalar_prefetch = 0 : i64, scratch_operands = 4 : i64, tpu.core_type = #tpu.core_type<sc_vector_subcore>, window_params = [{transform_indices = #map}, {transform_indices = #map1}, {transform_indices = #map1}]} {
    %mul3A = arith.constant 2 : i32
    %mul3A_0 = arith.muli %arg1, %mul3A : i32
    %add3A = arith.addi %mul3A_0, %arg0 : i32
    %mul3A_1 = arith.constant 512 : i32
    %mul3A_2 = arith.muli %add3A, %mul3A_1 : i32
    %run_scoped3A = arith.constant 0 : i32
    "tpu.region"() ({
      %run_scoped3A_260 = tpu.sem_alloc : memref<!tpu.dma_semaphore, #tpu.memory_space<semaphore_mem>>
      %dma_start3A = tpu.memref_slice %arg2[%run_scoped3A, %mul3A_2] : memref<2x16384xf32, #tpu.memory_space<hbm>> -> memref<1x512xf32, #tpu.memory_space<hbm>>
      %dma_start3A_261 = tpu.memref_squeeze %dma_start3A : memref<1x512xf32, #tpu.memory_space<hbm>> -> memref<512xf32, #tpu.memory_space<hbm>>
      %dma_start3A_262 = tpu.memref_slice %arg2[%run_scoped3A, %mul3A_2] : memref<2x16384xf32, #tpu.memory_space<hbm>> -> memref<1x512xf32, #tpu.memory_space<hbm>>
      %dma_start3A_263 = tpu.memref_squeeze %dma_start3A_262 : memref<1x512xf32, #tpu.memory_space<hbm>> -> memref<512xf32, #tpu.memory_space<hbm>>
      tpu.enqueue_dma source(%dma_start3A_263 : memref<512xf32, #tpu.memory_space<hbm>>) target(%arg5 : memref<512xf32, #tpu.memory_space<vmem>>) target_semaphore(%run_scoped3A_260 : memref<!tpu.dma_semaphore, #tpu.memory_space<semaphore_mem>>)
      %dma_wait3A = tpu.memref_slice %arg2[%run_scoped3A, %mul3A_2] : memref<2x16384xf32, #tpu.memory_space<hbm>> -> memref<1x512xf32, #tpu.memory_space<hbm>>
      %dma_wait3A_264 = tpu.memref_squeeze %dma_wait3A : memref<1x512xf32, #tpu.memory_space<hbm>> -> memref<512xf32, #tpu.memory_space<hbm>>
      %dma_wait3A_265 = tpu.memref_slice %arg2[%run_scoped3A, %mul3A_2] : memref<2x16384xf32, #tpu.memory_space<hbm>> -> memref<1x512xf32, #tpu.memory_space<hbm>>
      %dma_wait3A_266 = tpu.memref_squeeze %dma_wait3A_265 : memref<1x512xf32, #tpu.memory_space<hbm>> -> memref<512xf32, #tpu.memory_space<hbm>>
      tpu.wait_dma2 semaphore(%run_scoped3A_260 : memref<!tpu.dma_semaphore, #tpu.memory_space<semaphore_mem>>) src(%dma_wait3A_266 : memref<512xf32, #tpu.memory_space<hbm>>) dst(%arg5 : memref<512xf32, #tpu.memory_space<vmem>>)
      tpu.yield
    }) : () -> ()
    %run_scoped3A_3 = arith.constant 1 : i32
    "tpu.region"() ({
      %run_scoped3A_260 = tpu.sem_alloc : memref<!tpu.dma_semaphore, #tpu.memory_space<semaphore_mem>>
      %dma_start3A = tpu.memref_slice %arg2[%run_scoped3A_3, %mul3A_2] : memref<2x16384xf32, #tpu.memory_space<hbm>> -> memref<1x512xf32, #tpu.memory_space<hbm>>
      %dma_start3A_261 = tpu.memref_squeeze %dma_start3A : memref<1x512xf32, #tpu.memory_space<hbm>> -> memref<512xf32, #tpu.memory_space<hbm>>
      %dma_start3A_262 = tpu.memref_slice %arg2[%run_scoped3A_3, %mul3A_2] : memref<2x16384xf32, #tpu.memory_space<hbm>> -> memref<1x512xf32, #tpu.memory_space<hbm>>
      %dma_start3A_263 = tpu.memref_squeeze %dma_start3A_262 : memref<1x512xf32, #tpu.memory_space<hbm>> -> memref<512xf32, #tpu.memory_space<hbm>>
      tpu.enqueue_dma source(%dma_start3A_263 : memref<512xf32, #tpu.memory_space<hbm>>) target(%arg6 : memref<512xf32, #tpu.memory_space<vmem>>) target_semaphore(%run_scoped3A_260 : memref<!tpu.dma_semaphore, #tpu.memory_space<semaphore_mem>>)
      %dma_wait3A = tpu.memref_slice %arg2[%run_scoped3A_3, %mul3A_2] : memref<2x16384xf32, #tpu.memory_space<hbm>> -> memref<1x512xf32, #tpu.memory_space<hbm>>
      %dma_wait3A_264 = tpu.memref_squeeze %dma_wait3A : memref<1x512xf32, #tpu.memory_space<hbm>> -> memref<512xf32, #tpu.memory_space<hbm>>
      %dma_wait3A_265 = tpu.memref_slice %arg2[%run_scoped3A_3, %mul3A_2] : memref<2x16384xf32, #tpu.memory_space<hbm>> -> memref<1x512xf32, #tpu.memory_space<hbm>>
      %dma_wait3A_266 = tpu.memref_squeeze %dma_wait3A_265 : memref<1x512xf32, #tpu.memory_space<hbm>> -> memref<512xf32, #tpu.memory_space<hbm>>
      tpu.wait_dma2 semaphore(%run_scoped3A_260 : memref<!tpu.dma_semaphore, #tpu.memory_space<semaphore_mem>>) src(%dma_wait3A_266 : memref<512xf32, #tpu.memory_space<hbm>>) dst(%arg6 : memref<512xf32, #tpu.memory_space<vmem>>)
      tpu.yield
    }) : () -> ()
    "tpu.region"() ({
      %run_scoped3A_260 = tpu.sem_alloc : memref<!tpu.dma_semaphore, #tpu.memory_space<semaphore_mem>>
      tpu.enqueue_dma source(%arg3 : memref<16xf32, #tpu.memory_space<hbm>>) target(%arg8 : memref<16xf32, #tpu.memory_space<vmem>>) target_semaphore(%run_scoped3A_260 : memref<!tpu.dma_semaphore, #tpu.memory_space<semaphore_mem>>)
      tpu.wait_dma2 semaphore(%run_scoped3A_260 : memref<!tpu.dma_semaphore, #tpu.memory_space<semaphore_mem>>) src(%arg3 : memref<16xf32, #tpu.memory_space<hbm>>) dst(%arg8 : memref<16xf32, #tpu.memory_space<vmem>>)
      tpu.yield
    }) : () -> ()
    %get3A = arith.constant 0 : index
    %get3A_4 = tpu.vector_load %arg8[%get3A] {strides = array<i32>} : memref<16xf32, #tpu.memory_space<vmem>>, vector<16xf32>,
    %get3A_5 = arith.constant 0 : index
    %get3A_6 = tpu.vector_load %arg5[%get3A_5] {strides = array<i32>} : memref<512xf32, #tpu.memory_space<vmem>>, vector<16xf32>,
    %get3A_7 = arith.constant 0 : index
    %get3A_8 = tpu.vector_load %arg6[%get3A_7] {strides = array<i32>} : memref<512xf32, #tpu.memory_space<vmem>>, vector<16xf32>,
    %add3A_9 = arith.addf %get3A_6, %get3A_8 : vector<16xf32>
    %add3A_10 = arith.addf %add3A_9, %get3A_4 : vector<16xf32>
    %swap3A = arith.constant 0 : index
    %swap3A_11 = tpu.vector_load %arg7[%swap3A] {strides = array<i32>} : memref<512xf32, #tpu.memory_space<vmem>>, vector<16xf32>,
    tpu.vector_store %arg7[%swap3A], %add3A_10 {strides = array<i32>} : memref<512xf32, #tpu.memory_space<vmem>>, vector<16xf32>,
    %get3A_12 = arith.constant 16 : index
    %get3A_13 = tpu.vector_load %arg5[%get3A_12] {strides = array<i32>} : memref<512xf32, #tpu.memory_space<vmem>>, vector<16xf32>,
    %get3A_14 = arith.constant 16 : index
    %get3A_15 = tpu.vector_load %arg6[%get3A_14] {strides = array<i32>} : memref<512xf32, #tpu.memory_space<vmem>>, vector<16xf32>,
    %add3A_16 = arith.addf %get3A_13, %get3A_15 : vector<16xf32>
    %add3A_17 = arith.addf %add3A_16, %get3A_4 : vector<16xf32>
    %swap3A_18 = arith.constant 16 : index
    %swap3A_19 = tpu.vector_load %arg7[%swap3A_18] {strides = array<i32>} : memref<512xf32, #tpu.memory_space<vmem>>, vector<16xf32>,
    tpu.vector_store %arg7[%swap3A_18], %add3A_17 {strides = array<i32>} : memref<512xf32, #tpu.memory_space<vmem>>, vector<16xf32>,
    %get3A_20 = arith.constant 32 : index
    %get3A_21 = tpu.vector_load %arg5[%get3A_20] {strides = array<i32>} : memref<512xf32, #tpu.memory_space<vmem>>, vector<16xf32>,
    %get3A_22 = arith.constant 32 : index
    %get3A_23 = tpu.vector_load %arg6[%get3A_22] {strides = array<i32>} : memref<512xf32, #tpu.memory_space<vmem>>, vector<16xf32>,
    %add3A_24 = arith.addf %get3A_21, %get3A_23 : vector<16xf32>
    %add3A_25 = arith.addf %add3A_24, %get3A_4 : vector<16xf32>
    %swap3A_26 = arith.constant 32 : index
    %swap3A_27 = tpu.vector_load %arg7[%swap3A_26] {strides = array<i32>} : memref<512xf32, #tpu.memory_space<vmem>>, vector<16xf32>,
    tpu.vector_store %arg7[%swap3A_26], %add3A_25 {strides = array<i32>} : memref<512xf32, #tpu.memory_space<vmem>>, vector<16xf32>,
    %get3A_28 = arith.constant 48 : index
    %get3A_29 = tpu.vector_load %arg5[%get3A_28] {strides = array<i32>} : memref<512xf32, #tpu.memory_space<vmem>>, vector<16xf32>,
    %get3A_30 = arith.constant 48 : index
    %get3A_31 = tpu.vector_load %arg6[%get3A_30] {strides = array<i32>} : memref<512xf32, #tpu.memory_space<vmem>>, vector<16xf32>,
    %add3A_32 = arith.addf %get3A_29, %get3A_31 : vector<16xf32>
    %add3A_33 = arith.addf %add3A_32, %get3A_4 : vector<16xf32>
    %swap3A_34 = arith.constant 48 : index
    %swap3A_35 = tpu.vector_load %arg7[%swap3A_34] {strides = array<i32>} : memref<512xf32, #tpu.memory_space<vmem>>, vector<16xf32>,
    tpu.vector_store %arg7[%swap3A_34], %add3A_33 {strides = array<i32>} : memref<512xf32, #tpu.memory_space<vmem>>, vector<16xf32>,
    %get3A_36 = arith.constant 64 : index
    %get3A_37 = tpu.vector_load %arg5[%get3A_36] {strides = array<i32>} : memref<512xf32, #tpu.memory_space<vmem>>, vector<16xf32>,
    %get3A_38 = arith.constant 64 : index
    %get3A_39 = tpu.vector_load %arg6[%get3A_38] {strides = array<i32>} : memref<512xf32, #tpu.memory_space<vmem>>, vector<16xf32>,
    %add3A_40 = arith.addf %get3A_37, %get3A_39 : vector<16xf32>
    %add3A_41 = arith.addf %add3A_40, %get3A_4 : vector<16xf32>
    %swap3A_42 = arith.constant 64 : index
    %swap3A_43 = tpu.vector_load %arg7[%swap3A_42] {strides = array<i32>} : memref<512xf32, #tpu.memory_space<vmem>>, vector<16xf32>,
    tpu.vector_store %arg7[%swap3A_42], %add3A_41 {strides = array<i32>} : memref<512xf32, #tpu.memory_space<vmem>>, vector<16xf32>,
    %get3A_44 = arith.constant 80 : index
    %get3A_45 = tpu.vector_load %arg5[%get3A_44] {strides = array<i32>} : memref<512xf32, #tpu.memory_space<vmem>>, vector<16xf32>,
    %get3A_46 = arith.constant 80 : index
    %get3A_47 = tpu.vector_load %arg6[%get3A_46] {strides = array<i32>} : memref<512xf32, #tpu.memory_space<vmem>>, vector<16xf32>,
    %add3A_48 = arith.addf %get3A_45, %get3A_47 : vector<16xf32>
    %add3A_49 = arith.addf %add3A_48, %get3A_4 : vector<16xf32>
    %swap3A_50 = arith.constant 80 : index
    %swap3A_51 = tpu.vector_load %arg7[%swap3A_50] {strides = array<i32>} : memref<512xf32, #tpu.memory_space<vmem>>, vector<16xf32>,
    tpu.vector_store %arg7[%swap3A_50], %add3A_49 {strides = array<i32>} : memref<512xf32, #tpu.memory_space<vmem>>, vector<16xf32>,
    %get3A_52 = arith.constant 96 : index
    %get3A_53 = tpu.vector_load %arg5[%get3A_52] {strides = array<i32>} : memref<512xf32, #tpu.memory_space<vmem>>, vector<16xf32>,
    %get3A_54 = arith.constant 96 : index
    %get3A_55 = tpu.vector_load %arg6[%get3A_54] {strides = array<i32>} : memref<512xf32, #tpu.memory_space<vmem>>, vector<16xf32>,
    %add3A_56 = arith.addf %get3A_53, %get3A_55 : vector<16xf32>
    %add3A_57 = arith.addf %add3A_56, %get3A_4 : vector<16xf32>
    %swap3A_58 = arith.constant 96 : index
    %swap3A_59 = tpu.vector_load %arg7[%swap3A_58] {strides = array<i32>} : memref<512xf32, #tpu.memory_space<vmem>>, vector<16xf32>,
    tpu.vector_store %arg7[%swap3A_58], %add3A_57 {strides = array<i32>} : memref<512xf32, #tpu.memory_space<vmem>>, vector<16xf32>,
    %get3A_60 = arith.constant 112 : index
    %get3A_61 = tpu.vector_load %arg5[%get3A_60] {strides = array<i32>} : memref<512xf32, #tpu.memory_space<vmem>>, vector<16xf32>,
    %get3A_62 = arith.constant 112 : index
    %get3A_63 = tpu.vector_load %arg6[%get3A_62] {strides = array<i32>} : memref<512xf32, #tpu.memory_space<vmem>>, vector<16xf32>,
    %add3A_64 = arith.addf %get3A_61, %get3A_63 : vector<16xf32>
    %add3A_65 = arith.addf %add3A_64, %get3A_4 : vector<16xf32>
    %swap3A_66 = arith.constant 112 : index
    %swap3A_67 = tpu.vector_load %arg7[%swap3A_66] {strides = array<i32>} : memref<512xf32, #tpu.memory_space<vmem>>, vector<16xf32>,
    tpu.vector_store %arg7[%swap3A_66], %add3A_65 {strides = array<i32>} : memref<512xf32, #tpu.memory_space<vmem>>, vector<16xf32>,
    %get3A_68 = arith.constant 128 : index
    %get3A_69 = tpu.vector_load %arg5[%get3A_68] {strides = array<i32>} : memref<512xf32, #tpu.memory_space<vmem>>, vector<16xf32>,
    %get3A_70 = arith.constant 128 : index
    %get3A_71 = tpu.vector_load %arg6[%get3A_70] {strides = array<i32>} : memref<512xf32, #tpu.memory_space<vmem>>, vector<16xf32>,
    %add3A_72 = arith.addf %get3A_69, %get3A_71 : vector<16xf32>
    %add3A_73 = arith.addf %add3A_72, %get3A_4 : vector<16xf32>
    %swap3A_74 = arith.constant 128 : index
    %swap3A_75 = tpu.vector_load %arg7[%swap3A_74] {strides = array<i32>} : memref<512xf32, #tpu.memory_space<vmem>>, vector<16xf32>,
    tpu.vector_store %arg7[%swap3A_74], %add3A_73 {strides = array<i32>} : memref<512xf32, #tpu.memory_space<vmem>>, vector<16xf32>,
    %get3A_76 = arith.constant 144 : index
    %get3A_77 = tpu.vector_load %arg5[%get3A_76] {strides = array<i32>} : memref<512xf32, #tpu.memory_space<vmem>>, vector<16xf32>,
    %get3A_78 = arith.constant 144 : index
    %get3A_79 = tpu.vector_load %arg6[%get3A_78] {strides = array<i32>} : memref<512xf32, #tpu.memory_space<vmem>>, vector<16xf32>,
    %add3A_80 = arith.addf %get3A_77, %get3A_79 : vector<16xf32>
    %add3A_81 = arith.addf %add3A_80, %get3A_4 : vector<16xf32>
    %swap3A_82 = arith.constant 144 : index
    %swap3A_83 = tpu.vector_load %arg7[%swap3A_82] {strides = array<i32>} : memref<512xf32, #tpu.memory_space<vmem>>, vector<16xf32>,
    tpu.vector_store %arg7[%swap3A_82], %add3A_81 {strides = array<i32>} : memref<512xf32, #tpu.memory_space<vmem>>, vector<16xf32>,
    %get3A_84 = arith.constant 160 : index
    %get3A_85 = tpu.vector_load %arg5[%get3A_84] {strides = array<i32>} : memref<512xf32, #tpu.memory_space<vmem>>, vector<16xf32>,
    %get3A_86 = arith.constant 160 : index
    %get3A_87 = tpu.vector_load %arg6[%get3A_86] {strides = array<i32>} : memref<512xf32, #tpu.memory_space<vmem>>, vector<16xf32>,
    %add3A_88 = arith.addf %get3A_85, %get3A_87 : vector<16xf32>
    %add3A_89 = arith.addf %add3A_88, %get3A_4 : vector<16xf32>
    %swap3A_90 = arith.constant 160 : index
    %swap3A_91 = tpu.vector_load %arg7[%swap3A_90] {strides = array<i32>} : memref<512xf32, #tpu.memory_space<vmem>>, vector<16xf32>,
    tpu.vector_store %arg7[%swap3A_90], %add3A_89 {strides = array<i32>} : memref<512xf32, #tpu.memory_space<vmem>>, vector<16xf32>,
    %get3A_92 = arith.constant 176 : index
    %get3A_93 = tpu.vector_load %arg5[%get3A_92] {strides = array<i32>} : memref<512xf32, #tpu.memory_space<vmem>>, vector<16xf32>,
    %get3A_94 = arith.constant 176 : index
    %get3A_95 = tpu.vector_load %arg6[%get3A_94] {strides = array<i32>} : memref<512xf32, #tpu.memory_space<vmem>>, vector<16xf32>,
    %add3A_96 = arith.addf %get3A_93, %get3A_95 : vector<16xf32>
    %add3A_97 = arith.addf %add3A_96, %get3A_4 : vector<16xf32>
    %swap3A_98 = arith.constant 176 : index
    %swap3A_99 = tpu.vector_load %arg7[%swap3A_98] {strides = array<i32>} : memref<512xf32, #tpu.memory_space<vmem>>, vector<16xf32>,
    tpu.vector_store %arg7[%swap3A_98], %add3A_97 {strides = array<i32>} : memref<512xf32, #tpu.memory_space<vmem>>, vector<16xf32>,
    %get3A_100 = arith.constant 192 : index
    %get3A_101 = tpu.vector_load %arg5[%get3A_100] {strides = array<i32>} : memref<512xf32, #tpu.memory_space<vmem>>, vector<16xf32>,
    %get3A_102 = arith.constant 192 : index
    %get3A_103 = tpu.vector_load %arg6[%get3A_102] {strides = array<i32>} : memref<512xf32, #tpu.memory_space<vmem>>, vector<16xf32>,
    %add3A_104 = arith.addf %get3A_101, %get3A_103 : vector<16xf32>
    %add3A_105 = arith.addf %add3A_104, %get3A_4 : vector<16xf32>
    %swap3A_106 = arith.constant 192 : index
    %swap3A_107 = tpu.vector_load %arg7[%swap3A_106] {strides = array<i32>} : memref<512xf32, #tpu.memory_space<vmem>>, vector<16xf32>,
    tpu.vector_store %arg7[%swap3A_106], %add3A_105 {strides = array<i32>} : memref<512xf32, #tpu.memory_space<vmem>>, vector<16xf32>,
    %get3A_108 = arith.constant 208 : index
    %get3A_109 = tpu.vector_load %arg5[%get3A_108] {strides = array<i32>} : memref<512xf32, #tpu.memory_space<vmem>>, vector<16xf32>,
    %get3A_110 = arith.constant 208 : index
    %get3A_111 = tpu.vector_load %arg6[%get3A_110] {strides = array<i32>} : memref<512xf32, #tpu.memory_space<vmem>>, vector<16xf32>,
    %add3A_112 = arith.addf %get3A_109, %get3A_111 : vector<16xf32>
    %add3A_113 = arith.addf %add3A_112, %get3A_4 : vector<16xf32>
    %swap3A_114 = arith.constant 208 : index
    %swap3A_115 = tpu.vector_load %arg7[%swap3A_114] {strides = array<i32>} : memref<512xf32, #tpu.memory_space<vmem>>, vector<16xf32>,
    tpu.vector_store %arg7[%swap3A_114], %add3A_113 {strides = array<i32>} : memref<512xf32, #tpu.memory_space<vmem>>, vector<16xf32>,
    %get3A_116 = arith.constant 224 : index
    %get3A_117 = tpu.vector_load %arg5[%get3A_116] {strides = array<i32>} : memref<512xf32, #tpu.memory_space<vmem>>, vector<16xf32>,
    %get3A_118 = arith.constant 224 : index
    %get3A_119 = tpu.vector_load %arg6[%get3A_118] {strides = array<i32>} : memref<512xf32, #tpu.memory_space<vmem>>, vector<16xf32>,
    %add3A_120 = arith.addf %get3A_117, %get3A_119 : vector<16xf32>
    %add3A_121 = arith.addf %add3A_120, %get3A_4 : vector<16xf32>
    %swap3A_122 = arith.constant 224 : index
    %swap3A_123 = tpu.vector_load %arg7[%swap3A_122] {strides = array<i32>} : memref<512xf32, #tpu.memory_space<vmem>>, vector<16xf32>,
    tpu.vector_store %arg7[%swap3A_122], %add3A_121 {strides = array<i32>} : memref<512xf32, #tpu.memory_space<vmem>>, vector<16xf32>,
    %get3A_124 = arith.constant 240 : index
    %get3A_125 = tpu.vector_load %arg5[%get3A_124] {strides = array<i32>} : memref<512xf32, #tpu.memory_space<vmem>>, vector<16xf32>,
    %get3A_126 = arith.constant 240 : index
    %get3A_127 = tpu.vector_load %arg6[%get3A_126] {strides = array<i32>} : memref<512xf32, #tpu.memory_space<vmem>>, vector<16xf32>,
    %add3A_128 = arith.addf %get3A_125, %get3A_127 : vector<16xf32>
    %add3A_129 = arith.addf %add3A_128, %get3A_4 : vector<16xf32>
    %swap3A_130 = arith.constant 240 : index
    %swap3A_131 = tpu.vector_load %arg7[%swap3A_130] {strides = array<i32>} : memref<512xf32, #tpu.memory_space<vmem>>, vector<16xf32>,
    tpu.vector_store %arg7[%swap3A_130], %add3A_129 {strides = array<i32>} : memref<512xf32, #tpu.memory_space<vmem>>, vector<16xf32>,
    %get3A_132 = arith.constant 256 : index
    %get3A_133 = tpu.vector_load %arg5[%get3A_132] {strides = array<i32>} : memref<512xf32, #tpu.memory_space<vmem>>, vector<16xf32>,
    %get3A_134 = arith.constant 256 : index
    %get3A_135 = tpu.vector_load %arg6[%get3A_134] {strides = array<i32>} : memref<512xf32, #tpu.memory_space<vmem>>, vector<16xf32>,
    %add3A_136 = arith.addf %get3A_133, %get3A_135 : vector<16xf32>
    %add3A_137 = arith.addf %add3A_136, %get3A_4 : vector<16xf32>
    %swap3A_138 = arith.constant 256 : index
    %swap3A_139 = tpu.vector_load %arg7[%swap3A_138] {strides = array<i32>} : memref<512xf32, #tpu.memory_space<vmem>>, vector<16xf32>,
    tpu.vector_store %arg7[%swap3A_138], %add3A_137 {strides = array<i32>} : memref<512xf32, #tpu.memory_space<vmem>>, vector<16xf32>,
    %get3A_140 = arith.constant 272 : index
    %get3A_141 = tpu.vector_load %arg5[%get3A_140] {strides = array<i32>} : memref<512xf32, #tpu.memory_space<vmem>>, vector<16xf32>,
    %get3A_142 = arith.constant 272 : index
    %get3A_143 = tpu.vector_load %arg6[%get3A_142] {strides = array<i32>} : memref<512xf32, #tpu.memory_space<vmem>>, vector<16xf32>,
    %add3A_144 = arith.addf %get3A_141, %get3A_143 : vector<16xf32>
    %add3A_145 = arith.addf %add3A_144, %get3A_4 : vector<16xf32>
    %swap3A_146 = arith.constant 272 : index
    %swap3A_147 = tpu.vector_load %arg7[%swap3A_146] {strides = array<i32>} : memref<512xf32, #tpu.memory_space<vmem>>, vector<16xf32>,
    tpu.vector_store %arg7[%swap3A_146], %add3A_145 {strides = array<i32>} : memref<512xf32, #tpu.memory_space<vmem>>, vector<16xf32>,
    %get3A_148 = arith.constant 288 : index
    %get3A_149 = tpu.vector_load %arg5[%get3A_148] {strides = array<i32>} : memref<512xf32, #tpu.memory_space<vmem>>, vector<16xf32>,
    %get3A_150 = arith.constant 288 : index
    %get3A_151 = tpu.vector_load %arg6[%get3A_150] {strides = array<i32>} : memref<512xf32, #tpu.memory_space<vmem>>, vector<16xf32>,
    %add3A_152 = arith.addf %get3A_149, %get3A_151 : vector<16xf32>
    %add3A_153 = arith.addf %add3A_152, %get3A_4 : vector<16xf32>
    %swap3A_154 = arith.constant 288 : index
    %swap3A_155 = tpu.vector_load %arg7[%swap3A_154] {strides = array<i32>} : memref<512xf32, #tpu.memory_space<vmem>>, vector<16xf32>,
    tpu.vector_store %arg7[%swap3A_154], %add3A_153 {strides = array<i32>} : memref<512xf32, #tpu.memory_space<vmem>>, vector<16xf32>,
    %get3A_156 = arith.constant 304 : index
    %get3A_157 = tpu.vector_load %arg5[%get3A_156] {strides = array<i32>} : memref<512xf32, #tpu.memory_space<vmem>>, vector<16xf32>,
    %get3A_158 = arith.constant 304 : index
    %get3A_159 = tpu.vector_load %arg6[%get3A_158] {strides = array<i32>} : memref<512xf32, #tpu.memory_space<vmem>>, vector<16xf32>,
    %add3A_160 = arith.addf %get3A_157, %get3A_159 : vector<16xf32>
    %add3A_161 = arith.addf %add3A_160, %get3A_4 : vector<16xf32>
    %swap3A_162 = arith.constant 304 : index
    %swap3A_163 = tpu.vector_load %arg7[%swap3A_162] {strides = array<i32>} : memref<512xf32, #tpu.memory_space<vmem>>, vector<16xf32>,
    tpu.vector_store %arg7[%swap3A_162], %add3A_161 {strides = array<i32>} : memref<512xf32, #tpu.memory_space<vmem>>, vector<16xf32>,
    %get3A_164 = arith.constant 320 : index
    %get3A_165 = tpu.vector_load %arg5[%get3A_164] {strides = array<i32>} : memref<512xf32, #tpu.memory_space<vmem>>, vector<16xf32>,
    %get3A_166 = arith.constant 320 : index
    %get3A_167 = tpu.vector_load %arg6[%get3A_166] {strides = array<i32>} : memref<512xf32, #tpu.memory_space<vmem>>, vector<16xf32>,
    %add3A_168 = arith.addf %get3A_165, %get3A_167 : vector<16xf32>
    %add3A_169 = arith.addf %add3A_168, %get3A_4 : vector<16xf32>
    %swap3A_170 = arith.constant 320 : index
    %swap3A_171 = tpu.vector_load %arg7[%swap3A_170] {strides = array<i32>} : memref<512xf32, #tpu.memory_space<vmem>>, vector<16xf32>,
    tpu.vector_store %arg7[%swap3A_170], %add3A_169 {strides = array<i32>} : memref<512xf32, #tpu.memory_space<vmem>>, vector<16xf32>,
    %get3A_172 = arith.constant 336 : index
    %get3A_173 = tpu.vector_load %arg5[%get3A_172] {strides = array<i32>} : memref<512xf32, #tpu.memory_space<vmem>>, vector<16xf32>,
    %get3A_174 = arith.constant 336 : index
    %get3A_175 = tpu.vector_load %arg6[%get3A_174] {strides = array<i32>} : memref<512xf32, #tpu.memory_space<vmem>>, vector<16xf32>,
    %add3A_176 = arith.addf %get3A_173, %get3A_175 : vector<16xf32>
    %add3A_177 = arith.addf %add3A_176, %get3A_4 : vector<16xf32>
    %swap3A_178 = arith.constant 336 : index
    %swap3A_179 = tpu.vector_load %arg7[%swap3A_178] {strides = array<i32>} : memref<512xf32, #tpu.memory_space<vmem>>, vector<16xf32>,
    tpu.vector_store %arg7[%swap3A_178], %add3A_177 {strides = array<i32>} : memref<512xf32, #tpu.memory_space<vmem>>, vector<16xf32>,
    %get3A_180 = arith.constant 352 : index
    %get3A_181 = tpu.vector_load %arg5[%get3A_180] {strides = array<i32>} : memref<512xf32, #tpu.memory_space<vmem>>, vector<16xf32>,
    %get3A_182 = arith.constant 352 : index
    %get3A_183 = tpu.vector_load %arg6[%get3A_182] {strides = array<i32>} : memref<512xf32, #tpu.memory_space<vmem>>, vector<16xf32>,
    %add3A_184 = arith.addf %get3A_181, %get3A_183 : vector<16xf32>
    %add3A_185 = arith.addf %add3A_184, %get3A_4 : vector<16xf32>
    %swap3A_186 = arith.constant 352 : index
    %swap3A_187 = tpu.vector_load %arg7[%swap3A_186] {strides = array<i32>} : memref<512xf32, #tpu.memory_space<vmem>>, vector<16xf32>,
    tpu.vector_store %arg7[%swap3A_186], %add3A_185 {strides = array<i32>} : memref<512xf32, #tpu.memory_space<vmem>>, vector<16xf32>,
    %get3A_188 = arith.constant 368 : index
    %get3A_189 = tpu.vector_load %arg5[%get3A_188] {strides = array<i32>} : memref<512xf32, #tpu.memory_space<vmem>>, vector<16xf32>,
    %get3A_190 = arith.constant 368 : index
    %get3A_191 = tpu.vector_load %arg6[%get3A_190] {strides = array<i32>} : memref<512xf32, #tpu.memory_space<vmem>>, vector<16xf32>,
    %add3A_192 = arith.addf %get3A_189, %get3A_191 : vector<16xf32>
    %add3A_193 = arith.addf %add3A_192, %get3A_4 : vector<16xf32>
    %swap3A_194 = arith.constant 368 : index
    %swap3A_195 = tpu.vector_load %arg7[%swap3A_194] {strides = array<i32>} : memref<512xf32, #tpu.memory_space<vmem>>, vector<16xf32>,
    tpu.vector_store %arg7[%swap3A_194], %add3A_193 {strides = array<i32>} : memref<512xf32, #tpu.memory_space<vmem>>, vector<16xf32>,
    %get3A_196 = arith.constant 384 : index
    %get3A_197 = tpu.vector_load %arg5[%get3A_196] {strides = array<i32>} : memref<512xf32, #tpu.memory_space<vmem>>, vector<16xf32>,
    %get3A_198 = arith.constant 384 : index
    %get3A_199 = tpu.vector_load %arg6[%get3A_198] {strides = array<i32>} : memref<512xf32, #tpu.memory_space<vmem>>, vector<16xf32>,
    %add3A_200 = arith.addf %get3A_197, %get3A_199 : vector<16xf32>
    %add3A_201 = arith.addf %add3A_200, %get3A_4 : vector<16xf32>
    %swap3A_202 = arith.constant 384 : index
    %swap3A_203 = tpu.vector_load %arg7[%swap3A_202] {strides = array<i32>} : memref<512xf32, #tpu.memory_space<vmem>>, vector<16xf32>,
    tpu.vector_store %arg7[%swap3A_202], %add3A_201 {strides = array<i32>} : memref<512xf32, #tpu.memory_space<vmem>>, vector<16xf32>,
    %get3A_204 = arith.constant 400 : index
    %get3A_205 = tpu.vector_load %arg5[%get3A_204] {strides = array<i32>} : memref<512xf32, #tpu.memory_space<vmem>>, vector<16xf32>,
    %get3A_206 = arith.constant 400 : index
    %get3A_207 = tpu.vector_load %arg6[%get3A_206] {strides = array<i32>} : memref<512xf32, #tpu.memory_space<vmem>>, vector<16xf32>,
    %add3A_208 = arith.addf %get3A_205, %get3A_207 : vector<16xf32>
    %add3A_209 = arith.addf %add3A_208, %get3A_4 : vector<16xf32>
    %swap3A_210 = arith.constant 400 : index
    %swap3A_211 = tpu.vector_load %arg7[%swap3A_210] {strides = array<i32>} : memref<512xf32, #tpu.memory_space<vmem>>, vector<16xf32>,
    tpu.vector_store %arg7[%swap3A_210], %add3A_209 {strides = array<i32>} : memref<512xf32, #tpu.memory_space<vmem>>, vector<16xf32>,
    %get3A_212 = arith.constant 416 : index
    %get3A_213 = tpu.vector_load %arg5[%get3A_212] {strides = array<i32>} : memref<512xf32, #tpu.memory_space<vmem>>, vector<16xf32>,
    %get3A_214 = arith.constant 416 : index
    %get3A_215 = tpu.vector_load %arg6[%get3A_214] {strides = array<i32>} : memref<512xf32, #tpu.memory_space<vmem>>, vector<16xf32>,
    %add3A_216 = arith.addf %get3A_213, %get3A_215 : vector<16xf32>
    %add3A_217 = arith.addf %add3A_216, %get3A_4 : vector<16xf32>
    %swap3A_218 = arith.constant 416 : index
    %swap3A_219 = tpu.vector_load %arg7[%swap3A_218] {strides = array<i32>} : memref<512xf32, #tpu.memory_space<vmem>>, vector<16xf32>,
    tpu.vector_store %arg7[%swap3A_218], %add3A_217 {strides = array<i32>} : memref<512xf32, #tpu.memory_space<vmem>>, vector<16xf32>,
    %get3A_220 = arith.constant 432 : index
    %get3A_221 = tpu.vector_load %arg5[%get3A_220] {strides = array<i32>} : memref<512xf32, #tpu.memory_space<vmem>>, vector<16xf32>,
    %get3A_222 = arith.constant 432 : index
    %get3A_223 = tpu.vector_load %arg6[%get3A_222] {strides = array<i32>} : memref<512xf32, #tpu.memory_space<vmem>>, vector<16xf32>,
    %add3A_224 = arith.addf %get3A_221, %get3A_223 : vector<16xf32>
    %add3A_225 = arith.addf %add3A_224, %get3A_4 : vector<16xf32>
    %swap3A_226 = arith.constant 432 : index
    %swap3A_227 = tpu.vector_load %arg7[%swap3A_226] {strides = array<i32>} : memref<512xf32, #tpu.memory_space<vmem>>, vector<16xf32>,
    tpu.vector_store %arg7[%swap3A_226], %add3A_225 {strides = array<i32>} : memref<512xf32, #tpu.memory_space<vmem>>, vector<16xf32>,
    %get3A_228 = arith.constant 448 : index
    %get3A_229 = tpu.vector_load %arg5[%get3A_228] {strides = array<i32>} : memref<512xf32, #tpu.memory_space<vmem>>, vector<16xf32>,
    %get3A_230 = arith.constant 448 : index
    %get3A_231 = tpu.vector_load %arg6[%get3A_230] {strides = array<i32>} : memref<512xf32, #tpu.memory_space<vmem>>, vector<16xf32>,
    %add3A_232 = arith.addf %get3A_229, %get3A_231 : vector<16xf32>
    %add3A_233 = arith.addf %add3A_232, %get3A_4 : vector<16xf32>
    %swap3A_234 = arith.constant 448 : index
    %swap3A_235 = tpu.vector_load %arg7[%swap3A_234] {strides = array<i32>} : memref<512xf32, #tpu.memory_space<vmem>>, vector<16xf32>,
    tpu.vector_store %arg7[%swap3A_234], %add3A_233 {strides = array<i32>} : memref<512xf32, #tpu.memory_space<vmem>>, vector<16xf32>,
    %get3A_236 = arith.constant 464 : index
    %get3A_237 = tpu.vector_load %arg5[%get3A_236] {strides = array<i32>} : memref<512xf32, #tpu.memory_space<vmem>>, vector<16xf32>,
    %get3A_238 = arith.constant 464 : index
    %get3A_239 = tpu.vector_load %arg6[%get3A_238] {strides = array<i32>} : memref<512xf32, #tpu.memory_space<vmem>>, vector<16xf32>,
    %add3A_240 = arith.addf %get3A_237, %get3A_239 : vector<16xf32>
    %add3A_241 = arith.addf %add3A_240, %get3A_4 : vector<16xf32>
    %swap3A_242 = arith.constant 464 : index
    %swap3A_243 = tpu.vector_load %arg7[%swap3A_242] {strides = array<i32>} : memref<512xf32, #tpu.memory_space<vmem>>, vector<16xf32>,
    tpu.vector_store %arg7[%swap3A_242], %add3A_241 {strides = array<i32>} : memref<512xf32, #tpu.memory_space<vmem>>, vector<16xf32>,
    %get3A_244 = arith.constant 480 : index
    %get3A_245 = tpu.vector_load %arg5[%get3A_244] {strides = array<i32>} : memref<512xf32, #tpu.memory_space<vmem>>, vector<16xf32>,
    %get3A_246 = arith.constant 480 : index
    %get3A_247 = tpu.vector_load %arg6[%get3A_246] {strides = array<i32>} : memref<512xf32, #tpu.memory_space<vmem>>, vector<16xf32>,
    %add3A_248 = arith.addf %get3A_245, %get3A_247 : vector<16xf32>
    %add3A_249 = arith.addf %add3A_248, %get3A_4 : vector<16xf32>
    %swap3A_250 = arith.constant 480 : index
    %swap3A_251 = tpu.vector_load %arg7[%swap3A_250] {strides = array<i32>} : memref<512xf32, #tpu.memory_space<vmem>>, vector<16xf32>,
    tpu.vector_store %arg7[%swap3A_250], %add3A_249 {strides = array<i32>} : memref<512xf32, #tpu.memory_space<vmem>>, vector<16xf32>,
    %get3A_252 = arith.constant 496 : index
    %get3A_253 = tpu.vector_load %arg5[%get3A_252] {strides = array<i32>} : memref<512xf32, #tpu.memory_space<vmem>>, vector<16xf32>,
    %get3A_254 = arith.constant 496 : index
    %get3A_255 = tpu.vector_load %arg6[%get3A_254] {strides = array<i32>} : memref<512xf32, #tpu.memory_space<vmem>>, vector<16xf32>,
    %add3A_256 = arith.addf %get3A_253, %get3A_255 : vector<16xf32>
    %add3A_257 = arith.addf %add3A_256, %get3A_4 : vector<16xf32>
    %swap3A_258 = arith.constant 496 : index
    %swap3A_259 = tpu.vector_load %arg7[%swap3A_258] {strides = array<i32>} : memref<512xf32, #tpu.memory_space<vmem>>, vector<16xf32>,
    tpu.vector_store %arg7[%swap3A_258], %add3A_257 {strides = array<i32>} : memref<512xf32, #tpu.memory_space<vmem>>, vector<16xf32>,
    "tpu.region"() ({
      %run_scoped3A_260 = tpu.sem_alloc : memref<!tpu.dma_semaphore, #tpu.memory_space<semaphore_mem>>
      %dma_start3A = tpu.memref_slice %arg4[%mul3A_2] : memref<16384xf32, #tpu.memory_space<hbm>> -> memref<512xf32, #tpu.memory_space<hbm>>
      %dma_start3A_261 = tpu.memref_slice %arg4[%mul3A_2] : memref<16384xf32, #tpu.memory_space<hbm>> -> memref<512xf32, #tpu.memory_space<hbm>>
      tpu.enqueue_dma source(%arg7 : memref<512xf32, #tpu.memory_space<vmem>>) target(%dma_start3A_261 : memref<512xf32, #tpu.memory_space<hbm>>) target_semaphore(%run_scoped3A_260 : memref<!tpu.dma_semaphore, #tpu.memory_space<semaphore_mem>>)
      %dma_wait3A = tpu.memref_slice %arg4[%mul3A_2] : memref<16384xf32, #tpu.memory_space<hbm>> -> memref<512xf32, #tpu.memory_space<hbm>>
      %dma_wait3A_262 = tpu.memref_slice %arg4[%mul3A_2] : memref<16384xf32, #tpu.memory_space<hbm>> -> memref<512xf32, #tpu.memory_space<hbm>>
      tpu.wait_dma2 semaphore(%run_scoped3A_260 : memref<!tpu.dma_semaphore, #tpu.memory_space<semaphore_mem>>) src(%arg7 : memref<512xf32, #tpu.memory_space<vmem>>) dst(%dma_wait3A_262 : memref<512xf32, #tpu.memory_space<hbm>>)
      tpu.yield
    }) : () -> ()
    return
  }
}

</mosaic_0001>

<sc_bundles>
// kernel: kernel.4.cloned.1.call-start
scs
__scs_entry_jumppad:
0x0: {  	(pc) =	sbr.rel $0x88, $3  }
0x1: {  	(tag) =	ssettag $0x0;
	lr =	simm.s32 $0x1  }
0x2: {  	[smem:$0x3F9B] =	sst lr;
	_ =	strace $0xD0000000  }
0x3: {  	_ = 	snop  }
0x4: {  	_ = 	snop  }
0x5: {  	_ = 	snop  }
0x6: {  	_ = 	snop  }
0x7: {  	_ = 	snop  }
__scs_overlays_trampoline_lowered:
0x8: {  	[smem:$0x3FAA] =	sst s0  }
0x9: {  	[smem:$0x3FAB] =	sst s1  }
0xa: {  	[smem:$0x3FAC] =	sst s2  }
0xb: {  	[smem:$0x3FAD] =	sst s3  }
0xc: {  	[smem:$0x3FAE] =	sst s4  }
0xd: {  	[smem:$0x3FAF] =	sst s5  }
0xe: {  	[smem:$0x3FB0] =	sst s6  }
0xf: {  	[smem:$0x3FB1] =	sst s7  }
0x10: {  	[smem:$0x3FB2] =	sst s8  }
0x11: {  	[smem:$0x3FB3] =	sst s9;
	s0 =	simm.s32 @!p0 $0x0  }
0x12: {  	s1 =	sld [smem:$0x3F99];
	s0 =	simm.s32 @p0 $0x1  }
0x13: {  	[smem:$0x3FB4] =	sst s0;
	s0 =	simm.s32 @!p1 $0x0  }
0x14: {  	s2 =	sld [smem:$0x3F98];
	s0 =	simm.s32 @p1 $0x1  }
0x15: {  	[smem:$0x3FB5] =	sst s0;
	s0 =	simm.s32 @!p2 $0x0  }
0x16: {  	s3 =	sld [smem:$0x3FDB];
	s0 =	simm.s32 @p2 $0x1  }
0x17: {  	s4 =	simm.s32 $0x1BF5;
	[smem:$0x3FB7] =	sst s0  }
0x18: {  	s0 =	sld [smem:$0x3F9A];
	_ =	swait.ge [sflag:s4], $0x0  }
0x19: {  	s7 =	sld [smem:$0x3F9B]  }
0x1a: {  	s8 =	sadd.s32 $0xFFFFE003, lr  }
0x1b: {  	s9 =	sadd.s32 $0xFFFFFEF7, lr;
	s5 =	simm.s32 $0xFFFFFFFF;
	p2 =	slt.u32 s8, $0xFFFFF086  }
0x1c: {  	p1 =	slt.u32 s9, $0xF7A;
	s5 =	simm.s32 @!p2 $0x0  }
0x1d: {  	s5 =	simm.s32 @p1 $0x1;
	p0 =	seq.s32 s7, s2  }
0x1e: {  	s7 =	smul.u32 @!p0 $0xF7A, s2;
	p2 =	seq.s32 @!p0 s5, $0x0  }
0x1f: {  	s9 =	smul.u32 $0xF7A, s1;
	s8 =	simm.s32 @!p0 $0x1BF5;
	p2 =	por !p2, p0  }
0x20: {  	[sflag:s8] =	ssyncset.s32 @!p0 $0xFFFFF086;
	s6 =	sadd.s32 @!p0 s3, s7;
	s7 =	simm.s32 @!p0 $0x108  }
0x21: {  	s3 =	sadd.s32 s3, s9;
	s6 =	sadd.s32 @!p0 $0x88, s6;
	s7 =	simm.s32 @p2 $0x1082  }
0x22: {  	[simem:s7], [sflag:s8] =	dma.local @!p0 [hbm:s6], $0xF7A  }
0x23: {  	s9 =	sor.u32 $0xD0000000, s2;
	s6 =	simm.s32 $0x108;
	_ =	swait.ge @!p0 [sflag:s8], $0x0  }
0x24: {  	s3 =	sadd.s32 $0x88, s3;
	s6 =	simm.s32 @!p1 $0x1082;
	[sflag:s4] =	ssyncset.s32 $0xFFFFF086  }
0x25: {  	[simem:s6], [sflag:s4] =	dma.local [hbm:s3], $0xF7A  }
0x26: {  	[smem:$0x3F9B] =	sst s1;
	(tag) =	ssettag s2;
	_ =	strace s9  }
0x27: {  	s1 =	sld [smem:$0x3FAB]  }
0x28: {  	s2 =	sld [smem:$0x3FAC]  }
0x29: {  	s4 =	sld [smem:$0x3FAE]  }
0x2a: {  	p0 =	seq.s32 s5, $0x0;
	s5 =	sld [smem:$0x3FAF]  }
0x2b: {  	s6 =	sld [smem:$0x3FB0]  }
0x2c: {  	s7 =	sld [smem:$0x3FB1]  }
0x2d: {  	s3 =	simm.s32 $0x108;
	s8 =	sld [smem:$0x3FB2]  }
0x2e: {  	s3 =	simm.s32 @!p0 $0x1082;
	s9 =	sld [smem:$0x3FB3]  }
0x2f: {  	lr =	sadd.s32 s0, s3;
	s0 =	sld [smem:$0x3FAA]  }
0x30: {  	s3 =	sld [smem:$0x3FAD]  }
0x31: {  	[smem:$0x3FB6] =	sst s10  }
0x32: {  	s10 =	sld [smem:$0x3FB4];
	_ =	sdelay $0x3  }
0x33: {  	p0 =	seq.s32 s10, $0x1;
	s10 =	sld [smem:$0x3FB6];
	_ =	sdelay $0x3  }
0x34: {  	[smem:$0x3FB6] =	sst s10  }
0x35: {  	s10 =	sld [smem:$0x3FB5];
	_ =	sdelay $0x3  }
0x36: {  	p1 =	seq.s32 s10, $0x1;
	s10 =	sld [smem:$0x3FB6];
	_ =	sdelay $0x3  }
0x37: {  	[smem:$0x3FB6] =	sst s10  }
0x38: {  	s10 =	sld [smem:$0x3FB7]  }
0x39: {  	_ = 	snop;
	(pc) =	sbr.ind lr, $3  }
0x3a: {  	_ = 	snop  }
0x3b: {  	_ = 	snop  }
0x3c: {  	p2 =	seq.s32 s10, $0x1;
	s10 =	sld [smem:$0x3FB6]  }
0x3d: {  	_ =	shalt  }
0x3e: {  	_ =	shalt  }
0x3f: {  	_ =	shalt  }
0x40: {  	_ =	shalt  }
0x41: {  	_ =	shalt  }
0x42: {  	_ =	shalt  }
0x43: {  	_ =	shalt  }
0x44: {  	_ =	shalt  }
0x45: {  	_ =	shalt  }
0x46: {  	_ =	shalt  }
0x47: {  	_ =	shalt  }
0x48: {  	_ =	shalt  }
0x49: {  	_ =	shalt  }
0x4a: {  	_ =	shalt  }
0x4b: {  	_ =	shalt  }
0x4c: {  	_ =	shalt  }
0x4d: {  	_ =	shalt  }
0x4e: {  	_ =	shalt  }
0x4f: {  	_ =	shalt  }
0x50: {  	_ =	shalt  }
0x51: {  	_ =	shalt  }
0x52: {  	_ =	shalt  }
0x53: {  	_ =	shalt  }
0x54: {  	_ =	shalt  }
0x55: {  	_ =	shalt  }
0x56: {  	_ =	shalt  }
0x57: {  	_ =	shalt  }
0x58: {  	_ =	shalt  }
0x59: {  	_ =	shalt  }
0x5a: {  	_ =	shalt  }
0x5b: {  	_ =	shalt  }
0x5c: {  	_ =	shalt  }
0x5d: {  	_ =	shalt  }
0x5e: {  	_ =	shalt  }
0x5f: {  	_ =	shalt  }
0x60: {  	_ =	shalt  }
0x61: {  	_ =	shalt  }
0x62: {  	_ =	shalt  }
0x63: {  	_ =	shalt  }
0x64: {  	_ =	shalt  }
0x65: {  	_ =	shalt  }
0x66: {  	_ =	shalt  }
0x67: {  	_ =	shalt  }
0x68: {  	_ =	shalt  }
0x69: {  	_ =	shalt  }
0x6a: {  	_ =	shalt  }
0x6b: {  	_ =	shalt  }
0x6c: {  	_ =	shalt  }
0x6d: {  	_ =	shalt  }
0x6e: {  	_ =	shalt  }
0x6f: {  	_ =	shalt  }
0x70: {  	_ =	shalt  }
0x71: {  	_ =	shalt  }
0x72: {  	_ =	shalt  }
0x73: {  	_ =	shalt  }
0x74: {  	_ =	shalt  }
0x75: {  	_ =	shalt  }
0x76: {  	_ =	shalt  }
0x77: {  	_ =	shalt  }
0x78: {  	_ =	shalt  }
0x79: {  	_ =	shalt  }
0x7a: {  	_ =	shalt  }
0x7b: {  	_ =	shalt  }
0x7c: {  	_ =	shalt  }
0x7d: {  	_ =	shalt  }
0x7e: {  	_ =	shalt  }
0x7f: {  	_ =	shalt  }
0x80: {  	_ =	shalt  }
0x81: {  	_ =	shalt  }
0x82: {  	_ =	shalt  }
0x83: {  	_ =	shalt  }
0x84: {  	_ =	shalt  }
0x85: {  	_ =	shalt  }
0x86: {  	_ =	shalt  }
0x87: {  	_ =	shalt  }
.Lfunc_end0:
.L_simem_size_0:
called_computation_lowered:
.L_overlay_start_0:
0x88: {  	s2 =	sld [smem:$0x3FD9]  }
0x89: {  	s3 =	sld [smem:$0x3FFE];
	_ =	sdelay $0x1  }
0x8a: {  	s1 =	srdreg.scid  }
0x8b: {  	s0 =	sand.u32 $0x1, s1  }
0x8c: {  	s17 =	sshll.u32 s0, $0xA;
	s2 =	sadd.s32 s3, s2  }
0x8d: {  	s2 =	sadd.s32 s2, s17  }
0x8e: {  	[smem:$0x3FC2] =	sst s2  }
0x8f: {  	_ = 	snop  }
0x90: {  	s2 =	sld [smem:$0x3FC9]  }
0x91: {  	s18 =	sld [smem:$0x3FC8]  }
0x92: {  	s4 =	sld [smem:$0x3FC7]  }
0x93: {  	s5 =	sld [smem:$0x3FC6]  }
0x94: {  	s6 =	sld [smem:$0x3FC5]  }
0x95: {  	s7 =	sld [smem:$0x3FD0];
	(tm) =	ssettm $0x1  }
0x96: {  	s8 =	sld [smem:$0x3FFB];
	_ =	sdelay $0x3  }
0x97: {  	_ =	strace s8  }
0x98: {  	s8 =	sld [smem:$0x3FFC];
	_ =	sdelay $0x3  }
0x99: {  	_ =	strace s8  }
0x9a: {  	s8 =	sld [smem:$0x3FFD];
	_ =	sdelay $0x3  }
0x9b: {  	_ =	strace s8  }
0x9c: {  	_ =	strace $0x8FFFFFFF  }
0x9d: {  	s19 =	sld [smem:$0x3FDB];
	_ =	sdelay $0x1  }
0x9e: {  	s9 =	simm.s32 $_scs_section_size  }
0x9f: {  	s10 =	simm.s32 $_size__tile_overlayer_lowered;
	s11 =	simm.s32 $_tile_overlayer_lowered  }
0xa0: {  	s22 =	simm.s32 $0x1BFF;
	s21 =	sshll.u32 s11, $0x1;
	s8 =	sadd.s32 s9, s19  }
0xa1: {  	s12 =	simm.s32 $0x0;
	s20 =	sshll.u32 s10, $0x1;
	s10 =	sadd.s32 s21, s8  }
0xa2: {  	[timem:s12], [sflag:s22] =	dma.local [hbm:s10], s20  }
0xa3: {  	_ =	swait.ge [sflag:s22], s20  }
0xa4: {  	s9 =	ssub.s32 $0x0, s20;
	[sflag:s22] =	ssyncset.done $0x0  }
0xa5: {  	[sflag:s22] =	ssyncadd.s32 s9;
	_ =	sdelay $0x1  }
0xa6: {  	s23 =	simm.s32 $0x1B8B  }
0xa7: {  	_ =	swait.ge [sflag:s23], $0x1  }
0xa8: {  	[sflag:s23] =	ssyncset.done $0x0  }
0xa9: {  	s25 =	simm.s32 $0x1B8E;
	s24 =	sld [smem:$0x3FFE];
	[sflag:s23] =	ssyncadd.s32 $0xFFFFFFFF  }
0xaa: {  	s26 =	simm.s32 $execute0_lowered;
	[smem:$0x3FD2] =	sst s25  }
0xab: {  	s10 =	sshll.u32 s26, $0x1;
	_ =	strace $0x80000046;
	[dreg:$0x1] =	wrdreg $0xFFFFFFFF  }
0xac: {  	s28 =	simm.s32 $_size_execute0_lowered;
	s8 =	sadd.s32 s8, s10;
	[dreg:$0x0] =	wrdreg $0x0  }
0xad: {  	s10 =	sshll.u32 s28, $0x1;
	[dreg:$0x2] =	wrdreg s8  }
0xae: {  	[dreg:$0x3] =	wrdreg s10  }
0xaf: {  	[dreg:$0x4] =	wrdreg $0xC0  }
0xb0: {  	_ =	task [dreg:s12], $0x5FFFF  }
0xb1: {  	[dreg:$0x1] =	wrdreg $0xFFFFFFFF  }
0xb2: {  	[dreg:$0x0] =	wrdreg $0x60  }
0xb3: {  	[dreg:$0x2] =	wrdreg s2  }
0xb4: {  	[dreg:$0x3] =	wrdreg s18  }
0xb5: {  	[dreg:$0x4] =	wrdreg s4  }
0xb6: {  	[dreg:$0x5] =	wrdreg s5  }
0xb7: {  	[dreg:$0x6] =	wrdreg s7  }
0xb8: {  	[dreg:$0x7] =	wrdreg s24  }
0xb9: {  	[dreg:$0x8] =	wrdreg s6  }
0xba: {  	[dreg:$0x9] =	wrdreg $0x0  }
0xbb: {  	[dreg:$0xa] =	wrdreg $0xF4280  }
0xbc: {  	[dreg:$0xb] =	wrdreg $0x9  }
0xbd: {  	_ =	task.clear_ibuf [dreg:s12], $0xCFFFF;
	_ =	strace $0x90000046  }
0xbe: {  	s29 =	simm.s32 $0x9;
	_ =	strace $0x80000048  }
0xbf: {  	_ =	swait.ge [sflag:s29], $0x1  }
0xc0: {  	[sflag:s29] =	ssyncadd.s32 $0xFFFFFFFF  }
0xc1: {  	_ =	strace $0x90000048  }
0xc2: {  	_ =	sfence  }
0xc3: {  	s30 =	sld [smem:$0x0];
	_ =	sdelay $0x2  }
0xc4: {  	s31 =	sshll.u32 s1, $0xD;
	s1 =	sshrl.u32 s1, $0x2  }
0xc5: {  	s3 =	sand.u32 $0x4000, s31;
	s1 =	sadd.s32 s1, s30  }
0xc6: {  	s0 =	sor.u32 s3, s0;
	s1 =	sshll.u32 s1, $0x11  }
0xc7: {  	s0 =	sor.u32 s1, s0  }
0xc8: {  	s0 =	sadd.s32 $0x8F2B, s0  }
0xc9: {  	[sflag:s0] =	ssyncadd.remote.s32 $0x1  }
0xca: {  	_ =	sfence.sel $0xFFFF  }
0xcb: {  	[dreg:$0x0] =	wrdreg $0xFFFFFFFF;
	(pc) =	sbr.abs _section_cstart, $3  }
0xcc: {  	[dreg:$0x1] =	wrdreg $0xFFFFFFFF  }
0xcd: {  	_ =	task.clear_ibuf [dreg:s12], $0x2FFFF;
	_ =	strace $0x9FFFFFFF  }
0xce: {  	(tm) =	ssettm $0x7FFFFFFF  }
0xcf: {  	_ =	shalt  }
tec
execute0_lowered:
.L_overlay_start_1:
0x0: {  	(tag) =	ssettag $0x1  }
0x1: {  	s3 =	rddreg [dreg:$0x0]  }
0x2: {  	s4 =	rddreg [dreg:$0x1]  }
0x3: {  	s0 =	srdreg.scid;
	s7 =	rddreg [dreg:$0x2]  }
0x4: {  	s8 =	rddreg [dreg:$0x3];
	s1 =	simm.s32 $0x0;
	s22 =	stileid.u32  }
0x5: {  	s2 =	sand.u32 $0x1, s0;
	[smem:$0x7FF] =	sst s1;
	s1 =	sshll.u32 s22, $0x7  }
0x6: {  	s11 =	sadd.s32 $0x10, s8;
	s0 =	ssub.s32 $0x2, s2;
	s3 =	sadd.s32 s3, s1  }
0x7: {  	s10 =	smul.u32 $0x1E8500, s2;
	s5 =	sshrl.u32 s0, $0x1;
	[dreg:$0xa] =	wrdreg s3  }
0x8: {  	s0 =	ssub.s32 s0, s5;
	s5 =	sadd.s32 s4, s1;
	s4 =	rddreg [dreg:$0x5]  }
0x9: {  	s12 =	sadd.s32 $0x20, s8;
	s13 =	sadd.s32 $0x30, s8;
	[smem:$0x7FD] =	sst s0  }
0xa: {  	s15 =	sadd.s32 $0x40, s8;
	s6 =	sadd.s32 s8, s10;
	[dreg:$0xb] =	wrdreg s5  }
0xb: {  	s30 =	sadd.s32 $0x40, s7;
	s17 =	sadd.s32 s10, s11;
	[smem:$0x7CA] =	sst s6  }
0xc: {  	s14 =	sadd.s32 $0x60, s7;
	s18 =	sadd.s32 s10, s12;
	[smem:$0x7CB] =	sst s17  }
0xd: {  	s9 =	smul.u32 $0x30E00, s2;
	s19 =	sadd.s32 s10, s13;
	[smem:$0x7CC] =	sst s18  }
0xe: {  	s16 =	sadd.s32 $0x70, s7;
	s20 =	sadd.s32 s10, s15;
	[smem:$0x7CD] =	sst s19  }
0xf: {  	s3 =	sshllo.u32 s2, $0x1;
	s31 =	sadd.s32 s9, s30;
	[smem:$0x7CE] =	sst s20  }
0x10: {  	s17 =	sadd.s32 $0x50, s8;
	s18 =	smul.u32 $0xF4280, s3;
	s20 =	sadd.s32 $0x60, s8  }
0x11: {  	s5 =	sadd.s32 $0x10, s7;
	s6 =	sadd.s32 $0x50, s7;
	s21 =	sadd.s32 s10, s17  }
0x12: {  	s19 =	smul.u32 $0x18700, s3;
	s23 =	sadd.s32 s10, s20;
	[smem:$0x7CF] =	sst s21  }
0x13: {  	s0 =	smul.u32 $0x1880, s22;
	s21 =	sadd.s32 $0x70, s8;
	[smem:$0x7D0] =	sst s23  }
0x14: {  	s23 =	sadd.s32 s8, s18;
	s25 =	sadd.s32 s18, s11;
	s26 =	sadd.s32 s18, s12  }
0x15: {  	s1 =	sadd.s32 s18, s13;
	s15 =	sadd.s32 s18, s15;
	s17 =	sadd.s32 s18, s17  }
0x16: {  	s20 =	sadd.s32 s18, s20;
	s13 =	sadd.s32 s9, s6;
	s8 =	rddreg [dreg:$0x8]  }
0x17: {  	s11 =	sadd.s32 s9, s14;
	s12 =	sadd.s32 s7, s19;
	[smem:$0x7D2] =	sst s25  }
0x18: {  	s30 =	sadd.s32 s19, s30;
	s6 =	sadd.s32 s19, s6;
	[smem:$0x7D3] =	sst s26  }
0x19: {  	s14 =	sadd.s32 s19, s14;
	s24 =	sadd.s32 s10, s21;
	[smem:$0x7D4] =	sst s1  }
0x1a: {  	s18 =	sadd.s32 s18, s21;
	s21 =	sadd.s32 s7, s9;
	s25 =	sadd.s32 $0x20, s7  }
0x1b: {  	s26 =	sadd.s32 $0x30, s7;
	s10 =	sadd.s32 s9, s16;
	s7 =	rddreg [dreg:$0x7]  }
0x1c: {  	s1 =	sshll.u32 s2, $0x4;
	[smem:$0x7D1] =	sst s24;
	s24 =	sadd.s32 s9, s5  }
0x1d: {  	s28 =	sadd.s32 s9, s25;
	s29 =	sadd.s32 s9, s26;
	s9 =	sadd.s32 s19, s5  }
0x1e: {  	s25 =	sadd.s32 s19, s25;
	s26 =	sadd.s32 s19, s26;
	s5 =	sadd.s32 s19, s16  }
0x1f: {  	s16 =	sadd.s32 s1, s4;
	s19 =	sshll.u32 s22, $0x8;
	_ =	strace $0x80000047  }
0x20: {  	s1 =	smul.u32 $0xF480, s22;
	s22 =	sadd.s32 s19, s16;
	s16 =	sld [smem:$0x7CA]  }
0x21: {  	s4 =	sadd.s32 $0x800, s4  }
0x22: {  	[dreg:$0xc] =	wrdreg s4;
	s1 =	smin.u32 s1, $0xE4D80  }
0x23: {  	s4 =	sadd.s32 s1, s16;
	s16 =	sld [smem:$0x7CB];
	_ =	sdelay $0x1  }
0x24: {  	[dreg:$0xd] =	wrdreg s4  }
0x25: {  	s4 =	sadd.s32 s1, s16;
	s16 =	sld [smem:$0x7CC];
	_ =	sdelay $0x1  }
0x26: {  	[dreg:$0xe] =	wrdreg s4  }
0x27: {  	s4 =	sadd.s32 s1, s16;
	s16 =	sld [smem:$0x7CD];
	_ =	sdelay $0x1  }
0x28: {  	[dreg:$0xf] =	wrdreg s4  }
0x29: {  	s4 =	sadd.s32 s1, s16;
	s16 =	sld [smem:$0x7CE];
	_ =	sdelay $0x1  }
0x2a: {  	[dreg:$0x10] =	wrdreg s4  }
0x2b: {  	s4 =	sadd.s32 s1, s16;
	s16 =	sld [smem:$0x7CF];
	_ =	sdelay $0x1  }
0x2c: {  	[dreg:$0x11] =	wrdreg s4  }
0x2d: {  	s15 =	sadd.s32 s1, s15;
	s4 =	sadd.s32 s1, s16;
	s16 =	sld [smem:$0x7D0]  }
0x2e: {  	[dreg:$0x19] =	wrdreg s15  }
0x2f: {  	s0 =	smin.u32 s0, $0x16E00;
	[dreg:$0x12] =	wrdreg s4  }
0x30: {  	s15 =	sadd.s32 s0, s28;
	s4 =	sadd.s32 s1, s16;
	s16 =	sld [smem:$0x7D1]  }
0x31: {  	[smem:$0x7D5] =	sst s15  }
0x32: {  	[dreg:$0x13] =	wrdreg s4  }
0x33: {  	s4 =	sadd.s32 s1, s16;
	s16 =	sadd.s32 s1, s23;
	s23 =	sld [smem:$0x7D2]  }
0x34: {  	[dreg:$0x15] =	wrdreg s16  }
0x35: {  	s16 =	sld [smem:$0x7D3]  }
0x36: {  	[dreg:$0x14] =	wrdreg s4  }
0x37: {  	s4 =	sadd.s32 s1, s23;
	s23 =	sld [smem:$0x7D4]  }
0x38: {  	[dreg:$0x16] =	wrdreg s4;
	s4 =	sadd.s32 s1, s16  }
0x39: {  	s16 =	sadd.s32 s1, s17;
	[dreg:$0x17] =	wrdreg s4  }
0x3a: {  	s17 =	sadd.s32 s1, s20;
	[dreg:$0x1a] =	wrdreg s16  }
0x3b: {  	s20 =	sadd.s32 s1, s18;
	[dreg:$0x1b] =	wrdreg s17  }
0x3c: {  	s18 =	sadd.s32 s0, s13;
	[dreg:$0x1c] =	wrdreg s20  }
0x3d: {  	s15 =	sshll.u32 s2, $0x9;
	s13 =	sadd.s32 s0, s5;
	[smem:$0x7D8] =	sst s18  }
0x3e: {  	s5 =	sor.u32 $0x12998, s15;
	[smem:$0x7E2] =	sst s13  }
0x3f: {  	s16 =	sadd.s32 s0, s29;
	[smem:$0x7F0] =	sst s5  }
0x40: {  	s17 =	sadd.s32 s0, s31;
	[smem:$0x7D6] =	sst s16  }
0x41: {  	s20 =	sadd.s32 s0, s11;
	[smem:$0x7D7] =	sst s17  }
0x42: {  	s11 =	sadd.s32 s0, s6;
	[smem:$0x7D9] =	sst s20  }
0x43: {  	s6 =	sor.u32 $0x129B8, s15;
	[smem:$0x7E0] =	sst s11  }
0x44: {  	s4 =	sadd.s32 s1, s23;
	[smem:$0x7F1] =	sst s6  }
0x45: {  	s1 =	sadd.s32 s1, s7;
	[dreg:$0x18] =	wrdreg s4  }
0x46: {  	s23 =	sadd.s32 s0, s21;
	[dreg:$0x1d] =	wrdreg s1  }
0x47: {  	s21 =	sadd.s32 s0, s10;
	[dreg:$0x1e] =	wrdreg s23  }
0x48: {  	s10 =	sadd.s32 s0, s30;
	[smem:$0x7DA] =	sst s21  }
0x49: {  	s4 =	sadd.s32 s0, s24;
	[smem:$0x7DF] =	sst s10  }
0x4a: {  	s23 =	sadd.s32 s0, s12;
	[dreg:$0x1f] =	wrdreg s4  }
0x4b: {  	s24 =	sadd.s32 s0, s9;
	[smem:$0x7DB] =	sst s23  }
0x4c: {  	s9 =	sadd.s32 s0, s26;
	[smem:$0x7DC] =	sst s24  }
0x4d: {  	s12 =	sadd.s32 s0, s14;
	[smem:$0x7DE] =	sst s9  }
0x4e: {  	p0 =	seq.s32 s2, $0x0;
	s26 =	sor.u32 $0x12938, s15;
	[smem:$0x7E1] =	sst s12  }
0x4f: {  	s14 =	sshll.u32 s2, $0xA;
	s2 =	sor.u32 $0x12958, s15;
	[smem:$0x7ED] =	sst s26  }
0x50: {  	s10 =	sor.u32 $0x129F8, s15;
	[smem:$0x7EE] =	sst s2  }
0x51: {  	[smem:$0x7F3] =	sst s10  }
0x52: {  	s4 =	sadd.s32 s0, s25;
	s26 =	sld [smem:$0x7FD]  }
0x53: {  	s0 =	sadd.s32 s0, s8;
	[smem:$0x7DD] =	sst s4  }
0x54: {  	s16 =	sor.u32 $0x12118, s14;
	[smem:$0x7E3] =	sst s0  }
0x55: {  	s17 =	sor.u32 $0x12158, s14;
	[smem:$0x7E4] =	sst s16  }
0x56: {  	s18 =	sor.u32 $0x12198, s14;
	[smem:$0x7E5] =	sst s17  }
0x57: {  	s20 =	sor.u32 $0x121D8, s14;
	[smem:$0x7E6] =	sst s18  }
0x58: {  	s21 =	sor.u32 $0x12218, s14;
	[smem:$0x7E7] =	sst s20  }
0x59: {  	s23 =	sor.u32 $0x12258, s14;
	[smem:$0x7E8] =	sst s21  }
0x5a: {  	s19 =	stileid.u32;
	s24 =	sor.u32 $0x12298, s14;
	[smem:$0x7E9] =	sst s23  }
0x5b: {  	s28 =	simm.s32 $0x1;
	s25 =	sor.u32 $0x12918, s15;
	[smem:$0x7EA] =	sst s24  }
0x5c: {  	s29 =	simm.s32 $0x10;
	s9 =	sor.u32 $0x129D8, s15;
	[smem:$0x7EC] =	sst s25  }
0x5d: {  	s31 =	simm.s32 $0x400;
	s0 =	sor.u32 $0x122D8, s14;
	[smem:$0x7F2] =	sst s9  }
0x5e: {  	s11 =	sshll.u32 s3, $0x9;
	s4 =	sor.u32 $0x12978, s15;
	[smem:$0x7EB] =	sst s0  }
0x5f: {  	s5 =	simm.s32 $0x2;
	s16 =	sor.u32 $0x12118, s11;
	[smem:$0x7EF] =	sst s4  }
0x60: {  	s30 =	simm.s32 $0x80;
	s17 =	sor.u32 $0x12158, s11;
	[smem:$0x7F4] =	sst s16  }
0x61: {  	s6 =	simm.s32 $0x11898;
	s18 =	sor.u32 $0x12198, s11;
	[smem:$0x7F5] =	sst s17  }
0x62: {  	s12 =	sshll.u32 s3, $0x8;
	s20 =	sor.u32 $0x121D8, s11;
	[smem:$0x7F6] =	sst s18  }
0x63: {  	s21 =	sadd.s32 $0x12218, s11;
	s23 =	sadd.s32 $0x12258, s11;
	[smem:$0x7F7] =	sst s20  }
0x64: {  	s24 =	sadd.s32 $0x12298, s11;
	s25 =	sadd.s32 $0x12918, s12;
	[smem:$0x7F8] =	sst s21  }
0x65: {  	s13 =	sadd.s32 $0x12938, s12;
	s1 =	sadd.s32 $0x12958, s12;
	[smem:$0x7F9] =	sst s23  }
0x66: {  	s15 =	sadd.s32 $0x12978, s12;
	s14 =	sadd.s32 $0x12998, s12;
	[smem:$0x7FA] =	sst s24  }
0x67: {  	s0 =	sadd.s32 $0x122D8, s11;
	[smem:$0x7FC] =	sst s25;
	s17 =	sadd.s32 $0x129B8, s12  }
0x68: {  	s18 =	sadd.s32 $0x129D8, s12;
	s16 =	sadd.s32 $0x129F8, s12;
	s20 =	sadd.s32 $0xA00, s22  }
0x69: {  	s22 =	sadd.s32 $0xF4200, s7;
	s23 =	sadd.s32 $0x18680, s8;
	s24 =	simm.s32 $0x10C98  }
0x6a: {  	s25 =	simm.s32 $0x3;
	s4 =	simm.s32 $0x11498;
	[smem:$0x7FB] =	sst s0  }
0x6b: {  	v0 =	vimm.f32 $0.0e+00;
	s21 =	smax.u32 s26, $0x1;
	s26 =	simm.s32 $0x11098;
	s0 =	simm.s32 $0x0  }
.LBB2_1:
0x6c: {  	s2 =	simm.s32 $0x0;
	s3 =	rddreg [dreg:$0xa]  }
0x6d: {  	[tilespmem:s24], [sflag:$0x3] =	stream.linear.gather [hbm4b:s3+s2], $0x400, $0x38;
	[tilespmem:$0x12D18] =	vst v63  }
0x6e: {  	_ =	swait.ge [sflag:s25], $0x400  }
0x6f: {  	[sflag:s25] =	ssyncset.done $0x0  }
0x70: {  	s11 =	rddreg [dreg:$0xb];
	[sflag:s25] =	ssyncadd.s32 $0xFFFFFC00  }
0x71: {  	[tilespmem:s26], [sflag:$0x3] =	stream.linear.gather [hbm4b:s11+s2], $0x400, $0x38;
	[tilespmem:$0x12D18] =	vst v63  }
0x72: {  	_ =	swait.ge [sflag:s25], $0x400  }
0x73: {  	[sflag:s25] =	ssyncset.done $0x0  }
0x74: {  	[sflag:s25] =	ssyncadd.s32 $0xFFFFFC00  }
0x75: {  	s9 =	simm.s32 $0x12098;
	s12 =	rddreg [dreg:$0x6]  }
0x76: {  	[tilespmem:s9], [sflag:$0x3] =	stream.linear.gather [hbm4b:s12+s2], $0x80, $0x38;
	[tilespmem:$0x12D18] =	vst v63  }
0x77: {  	_ =	swait.ge [sflag:s25], $0x80  }
0x78: {  	[sflag:s25] =	ssyncset.done $0x0  }
0x79: {  	[sflag:s25] =	ssyncadd.s32 $0xFFFFFF80  }
0x7a: {  	s10 =	simm.s32 $0x12118;
	s9 =	rddreg [dreg:$0x4]  }
0x7b: {  	[tilespmem:s10], [sflag:$0x3] =	stream.linear.gather [hbm4b:s9+s2], $0x800, $0x38;
	[tilespmem:$0x12D18] =	vst v63  }
0x7c: {  	_ =	swait.ge [sflag:s25], $0x800  }
0x7d: {  	[sflag:s25] =	ssyncset.done $0x0  }
0x7e: {  	s12 =	simm.s32 $0x12918;
	s11 =	rddreg [dreg:$0xc];
	[sflag:s25] =	ssyncadd.s32 $0xFFFFF800  }
0x7f: {  	[tilespmem:s12], [sflag:$0x3] =	stream.linear.gather [hbm4b:s11+s2], $0x400, $0x38;
	[tilespmem:$0x12D18] =	vst v63  }
0x80: {  	_ =	swait.ge [sflag:s25], $0x400  }
0x81: {  	[sflag:s25] =	ssyncset.done $0x0  }
0x82: {  	[sflag:s25] =	ssyncadd.s32 $0xFFFFFC00  }
0x83: {  	[tilespmem:$0x11C98] =	vst v0  }
0x84: {  	[tilespmem:$0x11CA8] =	vst v0  }
0x85: {  	[tilespmem:$0x11CB8] =	vst v0  }
0x86: {  	[tilespmem:$0x11CC8] =	vst v0  }
0x87: {  	[tilespmem:$0x11CD8] =	vst v0  }
0x88: {  	[tilespmem:$0x11CE8] =	vst v0  }
0x89: {  	[tilespmem:$0x11CF8] =	vst v0  }
0x8a: {  	[tilespmem:$0x11D08] =	vst v0  }
0x8b: {  	[tilespmem:$0x11D18] =	vst v0  }
0x8c: {  	[tilespmem:$0x11D28] =	vst v0  }
0x8d: {  	[tilespmem:$0x11D38] =	vst v0  }
0x8e: {  	[tilespmem:$0x11D48] =	vst v0  }
0x8f: {  	[tilespmem:$0x11D58] =	vst v0  }
0x90: {  	[tilespmem:$0x11D68] =	vst v0  }
0x91: {  	[tilespmem:$0x11D78] =	vst v0  }
0x92: {  	[tilespmem:$0x11D88] =	vst v0  }
0x93: {  	[tilespmem:$0x11D98] =	vst v0  }
0x94: {  	[tilespmem:$0x11DA8] =	vst v0  }
0x95: {  	[tilespmem:$0x11DB8] =	vst v0  }
0x96: {  	[tilespmem:$0x11DC8] =	vst v0  }
0x97: {  	[tilespmem:$0x11DD8] =	vst v0  }
0x98: {  	[tilespmem:$0x11DE8] =	vst v0  }
0x99: {  	[tilespmem:$0x11DF8] =	vst v0  }
0x9a: {  	[tilespmem:$0x11E08] =	vst v0  }
0x9b: {  	[tilespmem:$0x11E18] =	vst v0  }
0x9c: {  	[tilespmem:$0x11E28] =	vst v0  }
0x9d: {  	[tilespmem:$0x11E38] =	vst v0  }
0x9e: {  	[tilespmem:$0x11E48] =	vst v0  }
0x9f: {  	[tilespmem:$0x11E58] =	vst v0  }
0xa0: {  	[tilespmem:$0x11E68] =	vst v0  }
0xa1: {  	[tilespmem:$0x11E78] =	vst v0  }
0xa2: {  	[tilespmem:$0x11E88] =	vst v0  }
0xa3: {  	[tilespmem:$0x11E98] =	vst v0  }
0xa4: {  	[tilespmem:$0x11EA8] =	vst v0  }
0xa5: {  	[tilespmem:$0x11EB8] =	vst v0  }
0xa6: {  	[tilespmem:$0x11EC8] =	vst v0  }
0xa7: {  	[tilespmem:$0x11ED8] =	vst v0  }
0xa8: {  	[tilespmem:$0x11EE8] =	vst v0  }
0xa9: {  	[tilespmem:$0x11EF8] =	vst v0  }
0xaa: {  	[tilespmem:$0x11F08] =	vst v0  }
0xab: {  	[tilespmem:$0x11F18] =	vst v0  }
0xac: {  	[tilespmem:$0x11F28] =	vst v0  }
0xad: {  	[tilespmem:$0x11F38] =	vst v0  }
0xae: {  	[tilespmem:$0x11F48] =	vst v0  }
0xaf: {  	[tilespmem:$0x11F58] =	vst v0  }
0xb0: {  	[tilespmem:$0x11F68] =	vst v0  }
0xb1: {  	[tilespmem:$0x11F78] =	vst v0  }
0xb2: {  	[tilespmem:$0x11F88] =	vst v0  }
0xb3: {  	[tilespmem:$0x11F98] =	vst v0  }
0xb4: {  	[tilespmem:$0x11FA8] =	vst v0  }
0xb5: {  	[tilespmem:$0x11FB8] =	vst v0  }
0xb6: {  	[tilespmem:$0x11FC8] =	vst v0  }
0xb7: {  	[tilespmem:$0x11FD8] =	vst v0  }
0xb8: {  	[tilespmem:$0x11FE8] =	vst v0  }
0xb9: {  	[tilespmem:$0x11FF8] =	vst v0  }
0xba: {  	[tilespmem:$0x12008] =	vst v0  }
0xbb: {  	[tilespmem:$0x12018] =	vst v0  }
0xbc: {  	[tilespmem:$0x12028] =	vst v0  }
0xbd: {  	[tilespmem:$0x12038] =	vst v0  }
0xbe: {  	[tilespmem:$0x12048] =	vst v0  }
0xbf: {  	[tilespmem:$0x12058] =	vst v0  }
0xc0: {  	[tilespmem:$0x12068] =	vst v0  }
0xc1: {  	s2 =	simm.s32 $0x12098;
	[tilespmem:$0x12078] =	vst v0  }
0xc2: {  	s9 =	sshll.u32 s19, $0x6;
	s2 =	simm.s32 @!p0 $0x120A8;
	s10 =	rddreg [dreg:$0x1d];
	[tilespmem:$0x12088] =	vst v0  }
0xc3: {  	s11 =	rddreg [dreg:$0xd];
	s3 =	sshrl.u32 s10, $0x3;
	v1 =	vld [tilespmem:s2+$0x0];
	s2 =	sor.u32 $0x1C01, s9  }
0xc4: {  	[spmem:s3@s29], [sflag:s2] =	dma.strided [hbm:s11@s30], $0x1E90, s28, $0x10   }
0xc5: {  	s9 =	sld [smem:$0x7E3];
	_ =	sdelay $0x2  }
0xc6: {  	s10 =	rddreg [dreg:$0x1e];
	s9 =	sshrl.u32 s9, $0x3  }
0xc7: {  	[spmem:s9@s29], [sflag:s2] =	dma.strided [hbm:s10@s30], $0x310, s28, $0x10   }
0xc8: {  	s10 =	sld [smem:$0x7E4];
	_ =	sdelay $0x1  }
0xc9: {  	s12 =	sld [smem:$0x7EC]  }
0xca: {  	[spmem:s22] =	stream.linear.scatter [tilespmem:s10], [sflag:$0x1], $0x40, $0x38;
	[tilespmem:$0x12D18] =	vst v63  }
0xcb: {  	_ = 	snop  }
0xcc: {  	[spmem:s23] =	stream.linear.scatter [tilespmem:s12], [sflag:$0x1], $0x20, $0x38;
	[tilespmem:$0x12D18] =	vst v63  }
0xcd: {  	_ =	swait.ge [sflag:s28], $0x1E90  }
0xce: {  	[sflag:s28] =	ssyncset.done $0x0  }
0xcf: {  	[sflag:s28] =	ssyncadd.s32 $0xFFFFE170  }
0xd0: {  	_ =	swait.ge [sflag:s28], $0x310  }
0xd1: {  	[sflag:s28] =	ssyncset.done $0x0  }
0xd2: {  	[sflag:s28] =	ssyncadd.s32 $0xFFFFFCF0  }
0xd3: {  	_ =	swait.ge [sflag:s28], $0x40  }
0xd4: {  	[sflag:s28] =	ssyncset.done $0x0  }
0xd5: {  	[sflag:s28] =	ssyncadd.s32 $0xFFFFFFC0  }
0xd6: {  	_ =	swait.ge [sflag:s28], $0x20  }
0xd7: {  	[sflag:s28] =	ssyncset.done $0x0  }
0xd8: {  	[sflag:s28] =	ssyncadd.s32 $0xFFFFFFE0  }
0xd9: {  	[bflag:$0x0] =	sbarrier.arrive $0xFFFF  }
0xda: {  	[tilespmem:s6], [sflag:$0x2] =	stream.indirect.gather [spmem:s7], $0x1, s26, s31, $0xb8;
	[tilespmem:$0x12D18] =	vst v63  }
0xdb: {  	_ = 	snop  }
0xdc: {  	[tilespmem:s4], [sflag:$0x2] =	stream.indirect.gather [spmem:s8], $0x1, s24, s31, $0xb8;
	[tilespmem:$0x12D18] =	vst v63  }
0xdd: {  	_ =	swait.ge [sflag:s5], $0x400  }
0xde: {  	[sflag:s5] =	ssyncset.done $0x0  }
0xdf: {  	[sflag:s5] =	ssyncadd.s32 $0xFFFFFC00  }
0xe0: {  	_ =	swait.ge [sflag:s5], $0x400  }
0xe1: {  	[sflag:s5] =	ssyncset.done $0x0  }
0xe2: {  	[sflag:s5] =	ssyncadd.s32 $0xFFFFFC00  }
0xe3: {  	[bflag:$0x0] =	sbarrier.arrive $0xFFFF  }
0xe4: {  	s11 =	rddreg [dreg:$0xe]  }
0xe5: {  	[spmem:s3@s29], [sflag:s2] =	dma.strided [hbm:s11@s30], $0x1E90, s28, $0x10   }
0xe6: {  	s10 =	rddreg [dreg:$0x1f]  }
0xe7: {  	[spmem:s9@s29], [sflag:s2] =	dma.strided [hbm:s10@s30], $0x310, s28, $0x10   }
0xe8: {  	s10 =	sld [smem:$0x7E5];
	_ =	sdelay $0x1  }
0xe9: {  	s12 =	sld [smem:$0x7ED]  }
0xea: {  	[spmem:s22] =	stream.linear.scatter [tilespmem:s10], [sflag:$0x1], $0x40, $0x38;
	[tilespmem:$0x12D18] =	vst v63  }
0xeb: {  	s10 =	simm.s32 $0x0  }
0xec: {  	[spmem:s23] =	stream.linear.scatter [tilespmem:s12], [sflag:$0x1], $0x20, $0x38;
	[tilespmem:$0x12D18] =	vst v63  }
0xed: {  	v3 =	vld [tilespmem:s10+$0x11498]  }
0xee: {  	v4 =	vld [tilespmem:s10+$0x11898];
	_ =	sdelay $0x4  }
0xef: {  	v5 =	vmul.f32 v4, v3;
	v4 =	vld [tilespmem:s10+$0x11C98]  }
0xf0: {  	v2 =	vbroadcast v1, $0x0  }
0xf1: {  	s11 =	simm.s32 $0x10  }
0xf2: {  	s12 =	simm.s32 $0x80;
	v3 =	vld [tilespmem:s11+$0x11498];
	v5 =	vmul.f32 v5, v2  }
.LBB2_2:
0xf3: {  	p1 =	sne.s32 s12, $0xFC0;
	v6 =	vld [tilespmem:s11+$0x11898]  }
0xf4: {  	v4 =	vadd.f32 v5, v4;
	_ =	sdelay $0x1  }
.Ltmp0:
0xf5: {  	[tilespmem:s10+$0x11C98] =	vst v4;
	s10 =	smov.u32 s11;
	(pc) =	sbr.rel @p1 .LBB2_2-.Ltmp0, $4  }
0xf6: {  	v4 =	vld [tilespmem:s10+$0x11C98]  }
0xf7: {  	v5 =	vmul.f32 v6, v3  }
0xf8: {  	s11 =	sshra.s32 s12, $0x2  }
0xf9: {  	s12 =	sadd.s32 $0x40, s12;
	v3 =	vld [tilespmem:s11+$0x11498];
	v5 =	vmul.f32 v5, v2  }
0xfa: {  	v6 =	vld [tilespmem:s11+$0x11898]  }
0xfb: {  	v4 =	vadd.f32 v5, v4;
	_ =	sdelay $0x1  }
0xfc: {  	[tilespmem:s10+$0x11C98] =	vst v4  }
0xfd: {  	v4 =	vld [tilespmem:s11+$0x11C98]  }
0xfe: {  	v3 =	vmul.f32 v6, v3;
	_ =	sdelay $0x1  }
0xff: {  	v2 =	vmul.f32 v3, v2;
	_ =	sdelay $0x1  }
0x100: {  	v2 =	vadd.f32 v2, v4;
	_ =	sdelay $0x1  }
0x101: {  	[tilespmem:s11+$0x11C98] =	vst v2  }
0x102: {  	_ =	swait.ge [sflag:s28], $0x1E90  }
0x103: {  	[sflag:s28] =	ssyncset.done $0x0  }
0x104: {  	[sflag:s28] =	ssyncadd.s32 $0xFFFFE170  }
0x105: {  	_ =	swait.ge [sflag:s28], $0x310  }
0x106: {  	[sflag:s28] =	ssyncset.done $0x0  }
0x107: {  	[sflag:s28] =	ssyncadd.s32 $0xFFFFFCF0  }
0x108: {  	_ =	swait.ge [sflag:s28], $0x40  }
0x109: {  	[sflag:s28] =	ssyncset.done $0x0  }
0x10a: {  	[sflag:s28] =	ssyncadd.s32 $0xFFFFFFC0  }
0x10b: {  	_ =	swait.ge [sflag:s28], $0x20  }
0x10c: {  	[sflag:s28] =	ssyncset.done $0x0  }
0x10d: {  	[sflag:s28] =	ssyncadd.s32 $0xFFFFFFE0  }
0x10e: {  	[bflag:$0x0] =	sbarrier.arrive $0xFFFF  }
0x10f: {  	[tilespmem:s6], [sflag:$0x2] =	stream.indirect.gather [spmem:s7], $0x1, s26, s31, $0xb8;
	[tilespmem:$0x12D18] =	vst v63  }
0x110: {  	_ = 	snop  }
0x111: {  	[tilespmem:s4], [sflag:$0x2] =	stream.indirect.gather [spmem:s8], $0x1, s24, s31, $0xb8;
	[tilespmem:$0x12D18] =	vst v63  }
0x112: {  	_ =	swait.ge [sflag:s5], $0x400  }
0x113: {  	[sflag:s5] =	ssyncset.done $0x0  }
0x114: {  	[sflag:s5] =	ssyncadd.s32 $0xFFFFFC00  }
0x115: {  	_ =	swait.ge [sflag:s5], $0x400  }
0x116: {  	[sflag:s5] =	ssyncset.done $0x0  }
0x117: {  	[sflag:s5] =	ssyncadd.s32 $0xFFFFFC00  }
0x118: {  	[bflag:$0x0] =	sbarrier.arrive $0xFFFF  }
0x119: {  	s11 =	rddreg [dreg:$0xf]  }
0x11a: {  	[spmem:s3@s29], [sflag:s2] =	dma.strided [hbm:s11@s30], $0x1E90, s28, $0x10   }
0x11b: {  	s10 =	sld [smem:$0x7D5];
	_ =	sdelay $0x2  }
0x11c: {  	[spmem:s9@s29], [sflag:s2] =	dma.strided [hbm:s10@s30], $0x310, s28, $0x10   }
0x11d: {  	s10 =	sld [smem:$0x7E6];
	_ =	sdelay $0x1  }
0x11e: {  	s12 =	sld [smem:$0x7EE]  }
0x11f: {  	[spmem:s22] =	stream.linear.scatter [tilespmem:s10], [sflag:$0x1], $0x40, $0x38;
	[tilespmem:$0x12D18] =	vst v63  }
0x120: {  	s10 =	simm.s32 $0x0  }
0x121: {  	[spmem:s23] =	stream.linear.scatter [tilespmem:s12], [sflag:$0x1], $0x20, $0x38;
	[tilespmem:$0x12D18] =	vst v63  }
0x122: {  	v3 =	vld [tilespmem:s10+$0x11498]  }
0x123: {  	v4 =	vld [tilespmem:s10+$0x11898];
	_ =	sdelay $0x4  }
0x124: {  	v5 =	vmul.f32 v4, v3;
	v4 =	vld [tilespmem:s10+$0x11C98]  }
0x125: {  	v2 =	vbroadcast v1, $0x1  }
0x126: {  	s11 =	simm.s32 $0x10  }
0x127: {  	s12 =	simm.s32 $0x80;
	v3 =	vld [tilespmem:s11+$0x11498];
	v5 =	vmul.f32 v5, v2  }
.LBB2_4:
0x128: {  	p1 =	sne.s32 s12, $0xFC0;
	v6 =	vld [tilespmem:s11+$0x11898]  }
0x129: {  	v4 =	vadd.f32 v5, v4;
	_ =	sdelay $0x1  }
.Ltmp1:
0x12a: {  	[tilespmem:s10+$0x11C98] =	vst v4;
	s10 =	smov.u32 s11;
	(pc) =	sbr.rel @p1 .LBB2_4-.Ltmp1, $4  }
0x12b: {  	v4 =	vld [tilespmem:s10+$0x11C98]  }
0x12c: {  	v5 =	vmul.f32 v6, v3  }
0x12d: {  	s11 =	sshra.s32 s12, $0x2  }
0x12e: {  	s12 =	sadd.s32 $0x40, s12;
	v3 =	vld [tilespmem:s11+$0x11498];
	v5 =	vmul.f32 v5, v2  }
0x12f: {  	v6 =	vld [tilespmem:s11+$0x11898]  }
0x130: {  	v4 =	vadd.f32 v5, v4;
	_ =	sdelay $0x1  }
0x131: {  	[tilespmem:s10+$0x11C98] =	vst v4  }
0x132: {  	v4 =	vld [tilespmem:s11+$0x11C98]  }
0x133: {  	v3 =	vmul.f32 v6, v3;
	_ =	sdelay $0x1  }
0x134: {  	v2 =	vmul.f32 v3, v2;
	_ =	sdelay $0x1  }
0x135: {  	v2 =	vadd.f32 v2, v4;
	_ =	sdelay $0x1  }
0x136: {  	[tilespmem:s11+$0x11C98] =	vst v2  }
0x137: {  	_ =	swait.ge [sflag:s28], $0x1E90  }
0x138: {  	[sflag:s28] =	ssyncset.done $0x0  }
0x139: {  	[sflag:s28] =	ssyncadd.s32 $0xFFFFE170  }
0x13a: {  	_ =	swait.ge [sflag:s28], $0x310  }
0x13b: {  	[sflag:s28] =	ssyncset.done $0x0  }
0x13c: {  	[sflag:s28] =	ssyncadd.s32 $0xFFFFFCF0  }
0x13d: {  	_ =	swait.ge [sflag:s28], $0x40  }
0x13e: {  	[sflag:s28] =	ssyncset.done $0x0  }
0x13f: {  	[sflag:s28] =	ssyncadd.s32 $0xFFFFFFC0  }
0x140: {  	_ =	swait.ge [sflag:s28], $0x20  }
0x141: {  	[sflag:s28] =	ssyncset.done $0x0  }
0x142: {  	[sflag:s28] =	ssyncadd.s32 $0xFFFFFFE0  }
0x143: {  	[bflag:$0x0] =	sbarrier.arrive $0xFFFF  }
0x144: {  	[tilespmem:s6], [sflag:$0x2] =	stream.indirect.gather [spmem:s7], $0x1, s26, s31, $0xb8;
	[tilespmem:$0x12D18] =	vst v63  }
0x145: {  	_ = 	snop  }
0x146: {  	[tilespmem:s4], [sflag:$0x2] =	stream.indirect.gather [spmem:s8], $0x1, s24, s31, $0xb8;
	[tilespmem:$0x12D18] =	vst v63  }
0x147: {  	_ =	swait.ge [sflag:s5], $0x400  }
0x148: {  	[sflag:s5] =	ssyncset.done $0x0  }
0x149: {  	[sflag:s5] =	ssyncadd.s32 $0xFFFFFC00  }
0x14a: {  	_ =	swait.ge [sflag:s5], $0x400  }
0x14b: {  	[sflag:s5] =	ssyncset.done $0x0  }
0x14c: {  	[sflag:s5] =	ssyncadd.s32 $0xFFFFFC00  }
0x14d: {  	[bflag:$0x0] =	sbarrier.arrive $0xFFFF  }
0x14e: {  	s11 =	rddreg [dreg:$0x10]  }
0x14f: {  	[spmem:s3@s29], [sflag:s2] =	dma.strided [hbm:s11@s30], $0x1E90, s28, $0x10   }
0x150: {  	s10 =	sld [smem:$0x7D6];
	_ =	sdelay $0x2  }
0x151: {  	[spmem:s9@s29], [sflag:s2] =	dma.strided [hbm:s10@s30], $0x310, s28, $0x10   }
0x152: {  	s10 =	sld [smem:$0x7E7];
	_ =	sdelay $0x1  }
0x153: {  	s12 =	sld [smem:$0x7EF]  }
0x154: {  	[spmem:s22] =	stream.linear.scatter [tilespmem:s10], [sflag:$0x1], $0x40, $0x38;
	[tilespmem:$0x12D18] =	vst v63  }
0x155: {  	s10 =	simm.s32 $0x0  }
0x156: {  	[spmem:s23] =	stream.linear.scatter [tilespmem:s12], [sflag:$0x1], $0x20, $0x38;
	[tilespmem:$0x12D18] =	vst v63  }
0x157: {  	v3 =	vld [tilespmem:s10+$0x11498]  }
0x158: {  	v4 =	vld [tilespmem:s10+$0x11898];
	_ =	sdelay $0x4  }
0x159: {  	v5 =	vmul.f32 v4, v3;
	v4 =	vld [tilespmem:s10+$0x11C98]  }
0x15a: {  	v2 =	vbroadcast v1, $0x2  }
0x15b: {  	s11 =	simm.s32 $0x10  }
0x15c: {  	s12 =	simm.s32 $0x80;
	v3 =	vld [tilespmem:s11+$0x11498];
	v5 =	vmul.f32 v5, v2  }
.LBB2_6:
0x15d: {  	p1 =	sne.s32 s12, $0xFC0;
	v6 =	vld [tilespmem:s11+$0x11898]  }
0x15e: {  	v4 =	vadd.f32 v5, v4;
	_ =	sdelay $0x1  }
.Ltmp2:
0x15f: {  	[tilespmem:s10+$0x11C98] =	vst v4;
	s10 =	smov.u32 s11;
	(pc) =	sbr.rel @p1 .LBB2_6-.Ltmp2, $4  }
0x160: {  	v4 =	vld [tilespmem:s10+$0x11C98]  }
0x161: {  	v5 =	vmul.f32 v6, v3  }
0x162: {  	s11 =	sshra.s32 s12, $0x2  }
0x163: {  	s12 =	sadd.s32 $0x40, s12;
	v3 =	vld [tilespmem:s11+$0x11498];
	v5 =	vmul.f32 v5, v2  }
0x164: {  	v6 =	vld [tilespmem:s11+$0x11898]  }
0x165: {  	v4 =	vadd.f32 v5, v4;
	_ =	sdelay $0x1  }
0x166: {  	[tilespmem:s10+$0x11C98] =	vst v4  }
0x167: {  	v4 =	vld [tilespmem:s11+$0x11C98]  }
0x168: {  	v3 =	vmul.f32 v6, v3;
	_ =	sdelay $0x1  }
0x169: {  	v2 =	vmul.f32 v3, v2;
	_ =	sdelay $0x1  }
0x16a: {  	v2 =	vadd.f32 v2, v4;
	_ =	sdelay $0x1  }
0x16b: {  	[tilespmem:s11+$0x11C98] =	vst v2  }
0x16c: {  	_ =	swait.ge [sflag:s28], $0x1E90  }
0x16d: {  	[sflag:s28] =	ssyncset.done $0x0  }
0x16e: {  	[sflag:s28] =	ssyncadd.s32 $0xFFFFE170  }
0x16f: {  	_ =	swait.ge [sflag:s28], $0x310  }
0x170: {  	[sflag:s28] =	ssyncset.done $0x0  }
0x171: {  	[sflag:s28] =	ssyncadd.s32 $0xFFFFFCF0  }
0x172: {  	_ =	swait.ge [sflag:s28], $0x40  }
0x173: {  	[sflag:s28] =	ssyncset.done $0x0  }
0x174: {  	[sflag:s28] =	ssyncadd.s32 $0xFFFFFFC0  }
0x175: {  	_ =	swait.ge [sflag:s28], $0x20  }
0x176: {  	[sflag:s28] =	ssyncset.done $0x0  }
0x177: {  	[sflag:s28] =	ssyncadd.s32 $0xFFFFFFE0  }
0x178: {  	[bflag:$0x0] =	sbarrier.arrive $0xFFFF  }
0x179: {  	[tilespmem:s6], [sflag:$0x2] =	stream.indirect.gather [spmem:s7], $0x1, s26, s31, $0xb8;
	[tilespmem:$0x12D18] =	vst v63  }
0x17a: {  	_ = 	snop  }
0x17b: {  	[tilespmem:s4], [sflag:$0x2] =	stream.indirect.gather [spmem:s8], $0x1, s24, s31, $0xb8;
	[tilespmem:$0x12D18] =	vst v63  }
0x17c: {  	_ =	swait.ge [sflag:s5], $0x400  }
0x17d: {  	[sflag:s5] =	ssyncset.done $0x0  }
0x17e: {  	[sflag:s5] =	ssyncadd.s32 $0xFFFFFC00  }
0x17f: {  	_ =	swait.ge [sflag:s5], $0x400  }
0x180: {  	[sflag:s5] =	ssyncset.done $0x0  }
0x181: {  	[sflag:s5] =	ssyncadd.s32 $0xFFFFFC00  }
0x182: {  	[bflag:$0x0] =	sbarrier.arrive $0xFFFF  }
0x183: {  	s11 =	rddreg [dreg:$0x11]  }
0x184: {  	[spmem:s3@s29], [sflag:s2] =	dma.strided [hbm:s11@s30], $0x1E90, s28, $0x10   }
0x185: {  	s10 =	sld [smem:$0x7D7];
	_ =	sdelay $0x2  }
0x186: {  	[spmem:s9@s29], [sflag:s2] =	dma.strided [hbm:s10@s30], $0x310, s28, $0x10   }
0x187: {  	s10 =	sld [smem:$0x7E8];
	_ =	sdelay $0x1  }
0x188: {  	s12 =	sld [smem:$0x7F0]  }
0x189: {  	[spmem:s22] =	stream.linear.scatter [tilespmem:s10], [sflag:$0x1], $0x40, $0x38;
	[tilespmem:$0x12D18] =	vst v63  }
0x18a: {  	s10 =	simm.s32 $0x0  }
0x18b: {  	[spmem:s23] =	stream.linear.scatter [tilespmem:s12], [sflag:$0x1], $0x20, $0x38;
	[tilespmem:$0x12D18] =	vst v63  }
0x18c: {  	v3 =	vld [tilespmem:s10+$0x11498]  }
0x18d: {  	v4 =	vld [tilespmem:s10+$0x11898];
	_ =	sdelay $0x4  }
0x18e: {  	v5 =	vmul.f32 v4, v3;
	v4 =	vld [tilespmem:s10+$0x11C98]  }
0x18f: {  	v2 =	vbroadcast v1, $0x3  }
0x190: {  	s11 =	simm.s32 $0x10  }
0x191: {  	s12 =	simm.s32 $0x80;
	v3 =	vld [tilespmem:s11+$0x11498];
	v5 =	vmul.f32 v5, v2  }
.LBB2_8:
0x192: {  	p1 =	sne.s32 s12, $0xFC0;
	v6 =	vld [tilespmem:s11+$0x11898]  }
0x193: {  	v4 =	vadd.f32 v5, v4;
	_ =	sdelay $0x1  }
.Ltmp3:
0x194: {  	[tilespmem:s10+$0x11C98] =	vst v4;
	s10 =	smov.u32 s11;
	(pc) =	sbr.rel @p1 .LBB2_8-.Ltmp3, $4  }
0x195: {  	v4 =	vld [tilespmem:s10+$0x11C98]  }
0x196: {  	v5 =	vmul.f32 v6, v3  }
0x197: {  	s11 =	sshra.s32 s12, $0x2  }
0x198: {  	s12 =	sadd.s32 $0x40, s12;
	v3 =	vld [tilespmem:s11+$0x11498];
	v5 =	vmul.f32 v5, v2  }
0x199: {  	v6 =	vld [tilespmem:s11+$0x11898]  }
0x19a: {  	v4 =	vadd.f32 v5, v4;
	_ =	sdelay $0x1  }
0x19b: {  	[tilespmem:s10+$0x11C98] =	vst v4  }
0x19c: {  	v4 =	vld [tilespmem:s11+$0x11C98]  }
0x19d: {  	v3 =	vmul.f32 v6, v3;
	_ =	sdelay $0x1  }
0x19e: {  	v2 =	vmul.f32 v3, v2;
	_ =	sdelay $0x1  }
0x19f: {  	v2 =	vadd.f32 v2, v4;
	_ =	sdelay $0x1  }
0x1a0: {  	[tilespmem:s11+$0x11C98] =	vst v2  }
0x1a1: {  	_ =	swait.ge [sflag:s28], $0x1E90  }
0x1a2: {  	[sflag:s28] =	ssyncset.done $0x0  }
0x1a3: {  	[sflag:s28] =	ssyncadd.s32 $0xFFFFE170  }
0x1a4: {  	_ =	swait.ge [sflag:s28], $0x310  }
0x1a5: {  	[sflag:s28] =	ssyncset.done $0x0  }
0x1a6: {  	[sflag:s28] =	ssyncadd.s32 $0xFFFFFCF0  }
0x1a7: {  	_ =	swait.ge [sflag:s28], $0x40  }
0x1a8: {  	[sflag:s28] =	ssyncset.done $0x0  }
0x1a9: {  	[sflag:s28] =	ssyncadd.s32 $0xFFFFFFC0  }
0x1aa: {  	_ =	swait.ge [sflag:s28], $0x20  }
0x1ab: {  	[sflag:s28] =	ssyncset.done $0x0  }
0x1ac: {  	[sflag:s28] =	ssyncadd.s32 $0xFFFFFFE0  }
0x1ad: {  	[bflag:$0x0] =	sbarrier.arrive $0xFFFF  }
0x1ae: {  	[tilespmem:s6], [sflag:$0x2] =	stream.indirect.gather [spmem:s7], $0x1, s26, s31, $0xb8;
	[tilespmem:$0x12D18] =	vst v63  }
0x1af: {  	_ = 	snop  }
0x1b0: {  	[tilespmem:s4], [sflag:$0x2] =	stream.indirect.gather [spmem:s8], $0x1, s24, s31, $0xb8;
	[tilespmem:$0x12D18] =	vst v63  }
0x1b1: {  	_ =	swait.ge [sflag:s5], $0x400  }
0x1b2: {  	[sflag:s5] =	ssyncset.done $0x0  }
0x1b3: {  	[sflag:s5] =	ssyncadd.s32 $0xFFFFFC00  }
0x1b4: {  	_ =	swait.ge [sflag:s5], $0x400  }
0x1b5: {  	[sflag:s5] =	ssyncset.done $0x0  }
0x1b6: {  	[sflag:s5] =	ssyncadd.s32 $0xFFFFFC00  }
0x1b7: {  	[bflag:$0x0] =	sbarrier.arrive $0xFFFF  }
0x1b8: {  	s11 =	rddreg [dreg:$0x12]  }
0x1b9: {  	[spmem:s3@s29], [sflag:s2] =	dma.strided [hbm:s11@s30], $0x1E90, s28, $0x10   }
0x1ba: {  	s10 =	sld [smem:$0x7D8];
	_ =	sdelay $0x2  }
0x1bb: {  	[spmem:s9@s29], [sflag:s2] =	dma.strided [hbm:s10@s30], $0x310, s28, $0x10   }
0x1bc: {  	s10 =	sld [smem:$0x7E9];
	_ =	sdelay $0x1  }
0x1bd: {  	s12 =	sld [smem:$0x7F1]  }
0x1be: {  	[spmem:s22] =	stream.linear.scatter [tilespmem:s10], [sflag:$0x1], $0x40, $0x38;
	[tilespmem:$0x12D18] =	vst v63  }
0x1bf: {  	s10 =	simm.s32 $0x0  }
0x1c0: {  	[spmem:s23] =	stream.linear.scatter [tilespmem:s12], [sflag:$0x1], $0x20, $0x38;
	[tilespmem:$0x12D18] =	vst v63  }
0x1c1: {  	v3 =	vld [tilespmem:s10+$0x11498]  }
0x1c2: {  	v4 =	vld [tilespmem:s10+$0x11898];
	_ =	sdelay $0x4  }
0x1c3: {  	v5 =	vmul.f32 v4, v3;
	v4 =	vld [tilespmem:s10+$0x11C98]  }
0x1c4: {  	v2 =	vbroadcast v1, $0x4  }
0x1c5: {  	s11 =	simm.s32 $0x10  }
0x1c6: {  	s12 =	simm.s32 $0x80;
	v3 =	vld [tilespmem:s11+$0x11498];
	v5 =	vmul.f32 v5, v2  }
.LBB2_10:
0x1c7: {  	p1 =	sne.s32 s12, $0xFC0;
	v6 =	vld [tilespmem:s11+$0x11898]  }
0x1c8: {  	v4 =	vadd.f32 v5, v4;
	_ =	sdelay $0x1  }
.Ltmp4:
0x1c9: {  	[tilespmem:s10+$0x11C98] =	vst v4;
	s10 =	smov.u32 s11;
	(pc) =	sbr.rel @p1 .LBB2_10-.Ltmp4, $4  }
0x1ca: {  	v4 =	vld [tilespmem:s10+$0x11C98]  }
0x1cb: {  	v5 =	vmul.f32 v6, v3  }
0x1cc: {  	s11 =	sshra.s32 s12, $0x2  }
0x1cd: {  	s12 =	sadd.s32 $0x40, s12;
	v3 =	vld [tilespmem:s11+$0x11498];
	v5 =	vmul.f32 v5, v2  }
0x1ce: {  	v6 =	vld [tilespmem:s11+$0x11898]  }
0x1cf: {  	v4 =	vadd.f32 v5, v4;
	_ =	sdelay $0x1  }
0x1d0: {  	[tilespmem:s10+$0x11C98] =	vst v4  }
0x1d1: {  	v4 =	vld [tilespmem:s11+$0x11C98]  }
0x1d2: {  	v3 =	vmul.f32 v6, v3;
	_ =	sdelay $0x1  }
0x1d3: {  	v2 =	vmul.f32 v3, v2;
	_ =	sdelay $0x1  }
0x1d4: {  	v2 =	vadd.f32 v2, v4;
	_ =	sdelay $0x1  }
0x1d5: {  	[tilespmem:s11+$0x11C98] =	vst v2  }
0x1d6: {  	_ =	swait.ge [sflag:s28], $0x1E90  }
0x1d7: {  	[sflag:s28] =	ssyncset.done $0x0  }
0x1d8: {  	[sflag:s28] =	ssyncadd.s32 $0xFFFFE170  }
0x1d9: {  	_ =	swait.ge [sflag:s28], $0x310  }
0x1da: {  	[sflag:s28] =	ssyncset.done $0x0  }
0x1db: {  	[sflag:s28] =	ssyncadd.s32 $0xFFFFFCF0  }
0x1dc: {  	_ =	swait.ge [sflag:s28], $0x40  }
0x1dd: {  	[sflag:s28] =	ssyncset.done $0x0  }
0x1de: {  	[sflag:s28] =	ssyncadd.s32 $0xFFFFFFC0  }
0x1df: {  	_ =	swait.ge [sflag:s28], $0x20  }
0x1e0: {  	[sflag:s28] =	ssyncset.done $0x0  }
0x1e1: {  	[sflag:s28] =	ssyncadd.s32 $0xFFFFFFE0  }
0x1e2: {  	[bflag:$0x0] =	sbarrier.arrive $0xFFFF  }
0x1e3: {  	[tilespmem:s6], [sflag:$0x2] =	stream.indirect.gather [spmem:s7], $0x1, s26, s31, $0xb8;
	[tilespmem:$0x12D18] =	vst v63  }
0x1e4: {  	_ = 	snop  }
0x1e5: {  	[tilespmem:s4], [sflag:$0x2] =	stream.indirect.gather [spmem:s8], $0x1, s24, s31, $0xb8;
	[tilespmem:$0x12D18] =	vst v63  }
0x1e6: {  	_ =	swait.ge [sflag:s5], $0x400  }
0x1e7: {  	[sflag:s5] =	ssyncset.done $0x0  }
0x1e8: {  	[sflag:s5] =	ssyncadd.s32 $0xFFFFFC00  }
0x1e9: {  	_ =	swait.ge [sflag:s5], $0x400  }
0x1ea: {  	[sflag:s5] =	ssyncset.done $0x0  }
0x1eb: {  	[sflag:s5] =	ssyncadd.s32 $0xFFFFFC00  }
0x1ec: {  	[bflag:$0x0] =	sbarrier.arrive $0xFFFF  }
0x1ed: {  	s11 =	rddreg [dreg:$0x13]  }
0x1ee: {  	[spmem:s3@s29], [sflag:s2] =	dma.strided [hbm:s11@s30], $0x1E90, s28, $0x10   }
0x1ef: {  	s10 =	sld [smem:$0x7D9];
	_ =	sdelay $0x2  }
0x1f0: {  	[spmem:s9@s29], [sflag:s2] =	dma.strided [hbm:s10@s30], $0x310, s28, $0x10   }
0x1f1: {  	s10 =	sld [smem:$0x7EA];
	_ =	sdelay $0x1  }
0x1f2: {  	s12 =	sld [smem:$0x7F2]  }
0x1f3: {  	[spmem:s22] =	stream.linear.scatter [tilespmem:s10], [sflag:$0x1], $0x40, $0x38;
	[tilespmem:$0x12D18] =	vst v63  }
0x1f4: {  	s10 =	simm.s32 $0x0  }
0x1f5: {  	[spmem:s23] =	stream.linear.scatter [tilespmem:s12], [sflag:$0x1], $0x20, $0x38;
	[tilespmem:$0x12D18] =	vst v63  }
0x1f6: {  	v3 =	vld [tilespmem:s10+$0x11498]  }
0x1f7: {  	v4 =	vld [tilespmem:s10+$0x11898];
	_ =	sdelay $0x4  }
0x1f8: {  	v5 =	vmul.f32 v4, v3;
	v4 =	vld [tilespmem:s10+$0x11C98]  }
0x1f9: {  	v2 =	vbroadcast v1, $0x5  }
0x1fa: {  	s11 =	simm.s32 $0x10  }
0x1fb: {  	s12 =	simm.s32 $0x80;
	v3 =	vld [tilespmem:s11+$0x11498];
	v5 =	vmul.f32 v5, v2  }
.LBB2_12:
0x1fc: {  	p1 =	sne.s32 s12, $0xFC0;
	v6 =	vld [tilespmem:s11+$0x11898]  }
0x1fd: {  	v4 =	vadd.f32 v5, v4;
	_ =	sdelay $0x1  }
.Ltmp5:
0x1fe: {  	[tilespmem:s10+$0x11C98] =	vst v4;
	s10 =	smov.u32 s11;
	(pc) =	sbr.rel @p1 .LBB2_12-.Ltmp5, $4  }
0x1ff: {  	v4 =	vld [tilespmem:s10+$0x11C98]  }
0x200: {  	v5 =	vmul.f32 v6, v3  }
0x201: {  	s11 =	sshra.s32 s12, $0x2  }
0x202: {  	s12 =	sadd.s32 $0x40, s12;
	v3 =	vld [tilespmem:s11+$0x11498];
	v5 =	vmul.f32 v5, v2  }
0x203: {  	v6 =	vld [tilespmem:s11+$0x11898]  }
0x204: {  	v4 =	vadd.f32 v5, v4;
	_ =	sdelay $0x1  }
0x205: {  	[tilespmem:s10+$0x11C98] =	vst v4  }
0x206: {  	v4 =	vld [tilespmem:s11+$0x11C98]  }
0x207: {  	v3 =	vmul.f32 v6, v3;
	_ =	sdelay $0x1  }
0x208: {  	v2 =	vmul.f32 v3, v2;
	_ =	sdelay $0x1  }
0x209: {  	v2 =	vadd.f32 v2, v4;
	_ =	sdelay $0x1  }
0x20a: {  	[tilespmem:s11+$0x11C98] =	vst v2  }
0x20b: {  	_ =	swait.ge [sflag:s28], $0x1E90  }
0x20c: {  	[sflag:s28] =	ssyncset.done $0x0  }
0x20d: {  	[sflag:s28] =	ssyncadd.s32 $0xFFFFE170  }
0x20e: {  	_ =	swait.ge [sflag:s28], $0x310  }
0x20f: {  	[sflag:s28] =	ssyncset.done $0x0  }
0x210: {  	[sflag:s28] =	ssyncadd.s32 $0xFFFFFCF0  }
0x211: {  	_ =	swait.ge [sflag:s28], $0x40  }
0x212: {  	[sflag:s28] =	ssyncset.done $0x0  }
0x213: {  	[sflag:s28] =	ssyncadd.s32 $0xFFFFFFC0  }
0x214: {  	_ =	swait.ge [sflag:s28], $0x20  }
0x215: {  	[sflag:s28] =	ssyncset.done $0x0  }
0x216: {  	[sflag:s28] =	ssyncadd.s32 $0xFFFFFFE0  }
0x217: {  	[bflag:$0x0] =	sbarrier.arrive $0xFFFF  }
0x218: {  	[tilespmem:s6], [sflag:$0x2] =	stream.indirect.gather [spmem:s7], $0x1, s26, s31, $0xb8;
	[tilespmem:$0x12D18] =	vst v63  }
0x219: {  	_ = 	snop  }
0x21a: {  	[tilespmem:s4], [sflag:$0x2] =	stream.indirect.gather [spmem:s8], $0x1, s24, s31, $0xb8;
	[tilespmem:$0x12D18] =	vst v63  }
0x21b: {  	_ =	swait.ge [sflag:s5], $0x400  }
0x21c: {  	[sflag:s5] =	ssyncset.done $0x0  }
0x21d: {  	[sflag:s5] =	ssyncadd.s32 $0xFFFFFC00  }
0x21e: {  	_ =	swait.ge [sflag:s5], $0x400  }
0x21f: {  	[sflag:s5] =	ssyncset.done $0x0  }
0x220: {  	[sflag:s5] =	ssyncadd.s32 $0xFFFFFC00  }
0x221: {  	[bflag:$0x0] =	sbarrier.arrive $0xFFFF  }
0x222: {  	s11 =	rddreg [dreg:$0x14]  }
0x223: {  	[spmem:s3@s29], [sflag:s2] =	dma.strided [hbm:s11@s30], $0x1E90, s28, $0x10   }
0x224: {  	s10 =	sld [smem:$0x7DA];
	_ =	sdelay $0x2  }
0x225: {  	[spmem:s9@s29], [sflag:s2] =	dma.strided [hbm:s10@s30], $0x310, s28, $0x10   }
0x226: {  	s10 =	sld [smem:$0x7EB];
	_ =	sdelay $0x1  }
0x227: {  	s12 =	sld [smem:$0x7F3]  }
0x228: {  	[spmem:s22] =	stream.linear.scatter [tilespmem:s10], [sflag:$0x1], $0x40, $0x38;
	[tilespmem:$0x12D18] =	vst v63  }
0x229: {  	s10 =	simm.s32 $0x0  }
0x22a: {  	[spmem:s23] =	stream.linear.scatter [tilespmem:s12], [sflag:$0x1], $0x20, $0x38;
	[tilespmem:$0x12D18] =	vst v63  }
0x22b: {  	v3 =	vld [tilespmem:s10+$0x11498]  }
0x22c: {  	v4 =	vld [tilespmem:s10+$0x11898];
	_ =	sdelay $0x4  }
0x22d: {  	v5 =	vmul.f32 v4, v3;
	v4 =	vld [tilespmem:s10+$0x11C98]  }
0x22e: {  	v2 =	vbroadcast v1, $0x6  }
0x22f: {  	s11 =	simm.s32 $0x10  }
0x230: {  	s12 =	simm.s32 $0x80;
	v3 =	vld [tilespmem:s11+$0x11498];
	v5 =	vmul.f32 v5, v2  }
.LBB2_14:
0x231: {  	p1 =	sne.s32 s12, $0xFC0;
	v6 =	vld [tilespmem:s11+$0x11898]  }
0x232: {  	v4 =	vadd.f32 v5, v4;
	_ =	sdelay $0x1  }
.Ltmp6:
0x233: {  	[tilespmem:s10+$0x11C98] =	vst v4;
	s10 =	smov.u32 s11;
	(pc) =	sbr.rel @p1 .LBB2_14-.Ltmp6, $4  }
0x234: {  	v4 =	vld [tilespmem:s10+$0x11C98]  }
0x235: {  	v5 =	vmul.f32 v6, v3  }
0x236: {  	s11 =	sshra.s32 s12, $0x2  }
0x237: {  	s12 =	sadd.s32 $0x40, s12;
	v3 =	vld [tilespmem:s11+$0x11498];
	v5 =	vmul.f32 v5, v2  }
0x238: {  	v6 =	vld [tilespmem:s11+$0x11898]  }
0x239: {  	v4 =	vadd.f32 v5, v4;
	_ =	sdelay $0x1  }
0x23a: {  	[tilespmem:s10+$0x11C98] =	vst v4  }
0x23b: {  	v4 =	vld [tilespmem:s11+$0x11C98]  }
0x23c: {  	v3 =	vmul.f32 v6, v3;
	_ =	sdelay $0x1  }
0x23d: {  	v2 =	vmul.f32 v3, v2;
	_ =	sdelay $0x1  }
0x23e: {  	v2 =	vadd.f32 v2, v4;
	_ =	sdelay $0x1  }
0x23f: {  	[tilespmem:s11+$0x11C98] =	vst v2  }
0x240: {  	_ =	swait.ge [sflag:s28], $0x1E90  }
0x241: {  	[sflag:s28] =	ssyncset.done $0x0  }
0x242: {  	[sflag:s28] =	ssyncadd.s32 $0xFFFFE170  }
0x243: {  	_ =	swait.ge [sflag:s28], $0x310  }
0x244: {  	[sflag:s28] =	ssyncset.done $0x0  }
0x245: {  	[sflag:s28] =	ssyncadd.s32 $0xFFFFFCF0  }
0x246: {  	_ =	swait.ge [sflag:s28], $0x40  }
0x247: {  	[sflag:s28] =	ssyncset.done $0x0  }
0x248: {  	[sflag:s28] =	ssyncadd.s32 $0xFFFFFFC0  }
0x249: {  	_ =	swait.ge [sflag:s28], $0x20  }
0x24a: {  	[sflag:s28] =	ssyncset.done $0x0  }
0x24b: {  	[sflag:s28] =	ssyncadd.s32 $0xFFFFFFE0  }
0x24c: {  	[bflag:$0x0] =	sbarrier.arrive $0xFFFF  }
0x24d: {  	[tilespmem:s6], [sflag:$0x2] =	stream.indirect.gather [spmem:s7], $0x1, s26, s31, $0xb8;
	[tilespmem:$0x12D18] =	vst v63  }
0x24e: {  	_ = 	snop  }
0x24f: {  	[tilespmem:s4], [sflag:$0x2] =	stream.indirect.gather [spmem:s8], $0x1, s24, s31, $0xb8;
	[tilespmem:$0x12D18] =	vst v63  }
0x250: {  	_ =	swait.ge [sflag:s5], $0x400  }
0x251: {  	[sflag:s5] =	ssyncset.done $0x0  }
0x252: {  	[sflag:s5] =	ssyncadd.s32 $0xFFFFFC00  }
0x253: {  	_ =	swait.ge [sflag:s5], $0x400  }
0x254: {  	[sflag:s5] =	ssyncset.done $0x0  }
0x255: {  	[sflag:s5] =	ssyncadd.s32 $0xFFFFFC00  }
0x256: {  	[bflag:$0x0] =	sbarrier.arrive $0xFFFF  }
0x257: {  	s11 =	rddreg [dreg:$0x15]  }
0x258: {  	[spmem:s3@s29], [sflag:s2] =	dma.strided [hbm:s11@s30], $0x1E90, s28, $0x10   }
0x259: {  	s10 =	sld [smem:$0x7DB];
	_ =	sdelay $0x2  }
0x25a: {  	[spmem:s9@s29], [sflag:s2] =	dma.strided [hbm:s10@s30], $0x310, s28, $0x10   }
0x25b: {  	s10 =	sld [smem:$0x7F4];
	_ =	sdelay $0x1  }
0x25c: {  	s12 =	sld [smem:$0x7FC]  }
0x25d: {  	[spmem:s22] =	stream.linear.scatter [tilespmem:s10], [sflag:$0x1], $0x40, $0x38;
	[tilespmem:$0x12D18] =	vst v63  }
0x25e: {  	s10 =	simm.s32 $0x0  }
0x25f: {  	[spmem:s23] =	stream.linear.scatter [tilespmem:s12], [sflag:$0x1], $0x20, $0x38;
	[tilespmem:$0x12D18] =	vst v63  }
0x260: {  	v3 =	vld [tilespmem:s10+$0x11498]  }
0x261: {  	v4 =	vld [tilespmem:s10+$0x11898];
	_ =	sdelay $0x4  }
0x262: {  	v5 =	vmul.f32 v4, v3;
	v4 =	vld [tilespmem:s10+$0x11C98]  }
0x263: {  	v2 =	vbroadcast v1, $0x7  }
0x264: {  	s11 =	simm.s32 $0x10  }
0x265: {  	s12 =	simm.s32 $0x80;
	v3 =	vld [tilespmem:s11+$0x11498];
	v5 =	vmul.f32 v5, v2  }
.LBB2_16:
0x266: {  	p1 =	sne.s32 s12, $0xFC0;
	v6 =	vld [tilespmem:s11+$0x11898]  }
0x267: {  	v4 =	vadd.f32 v5, v4;
	_ =	sdelay $0x1  }
.Ltmp7:
0x268: {  	[tilespmem:s10+$0x11C98] =	vst v4;
	s10 =	smov.u32 s11;
	(pc) =	sbr.rel @p1 .LBB2_16-.Ltmp7, $4  }
0x269: {  	v4 =	vld [tilespmem:s10+$0x11C98]  }
0x26a: {  	v5 =	vmul.f32 v6, v3  }
0x26b: {  	s11 =	sshra.s32 s12, $0x2  }
0x26c: {  	s12 =	sadd.s32 $0x40, s12;
	v3 =	vld [tilespmem:s11+$0x11498];
	v5 =	vmul.f32 v5, v2  }
0x26d: {  	v6 =	vld [tilespmem:s11+$0x11898]  }
0x26e: {  	v4 =	vadd.f32 v5, v4;
	_ =	sdelay $0x1  }
0x26f: {  	[tilespmem:s10+$0x11C98] =	vst v4  }
0x270: {  	v4 =	vld [tilespmem:s11+$0x11C98]  }
0x271: {  	v3 =	vmul.f32 v6, v3;
	_ =	sdelay $0x1  }
0x272: {  	v2 =	vmul.f32 v3, v2;
	_ =	sdelay $0x1  }
0x273: {  	v2 =	vadd.f32 v2, v4;
	_ =	sdelay $0x1  }
0x274: {  	[tilespmem:s11+$0x11C98] =	vst v2  }
0x275: {  	_ =	swait.ge [sflag:s28], $0x1E90  }
0x276: {  	[sflag:s28] =	ssyncset.done $0x0  }
0x277: {  	[sflag:s28] =	ssyncadd.s32 $0xFFFFE170  }
0x278: {  	_ =	swait.ge [sflag:s28], $0x310  }
0x279: {  	[sflag:s28] =	ssyncset.done $0x0  }
0x27a: {  	[sflag:s28] =	ssyncadd.s32 $0xFFFFFCF0  }
0x27b: {  	_ =	swait.ge [sflag:s28], $0x40  }
0x27c: {  	[sflag:s28] =	ssyncset.done $0x0  }
0x27d: {  	[sflag:s28] =	ssyncadd.s32 $0xFFFFFFC0  }
0x27e: {  	_ =	swait.ge [sflag:s28], $0x20  }
0x27f: {  	[sflag:s28] =	ssyncset.done $0x0  }
0x280: {  	[sflag:s28] =	ssyncadd.s32 $0xFFFFFFE0  }
0x281: {  	[bflag:$0x0] =	sbarrier.arrive $0xFFFF  }
0x282: {  	[tilespmem:s6], [sflag:$0x2] =	stream.indirect.gather [spmem:s7], $0x1, s26, s31, $0xb8;
	[tilespmem:$0x12D18] =	vst v63  }
0x283: {  	_ = 	snop  }
0x284: {  	[tilespmem:s4], [sflag:$0x2] =	stream.indirect.gather [spmem:s8], $0x1, s24, s31, $0xb8;
	[tilespmem:$0x12D18] =	vst v63  }
0x285: {  	_ =	swait.ge [sflag:s5], $0x400  }
0x286: {  	[sflag:s5] =	ssyncset.done $0x0  }
0x287: {  	[sflag:s5] =	ssyncadd.s32 $0xFFFFFC00  }
0x288: {  	_ =	swait.ge [sflag:s5], $0x400  }
0x289: {  	[sflag:s5] =	ssyncset.done $0x0  }
0x28a: {  	[sflag:s5] =	ssyncadd.s32 $0xFFFFFC00  }
0x28b: {  	[bflag:$0x0] =	sbarrier.arrive $0xFFFF  }
0x28c: {  	s12 =	rddreg [dreg:$0x16]  }
0x28d: {  	[spmem:s3@s29], [sflag:s2] =	dma.strided [hbm:s12@s30], $0x1E90, s28, $0x10   }
0x28e: {  	s10 =	sld [smem:$0x7DC];
	_ =	sdelay $0x2  }
0x28f: {  	[spmem:s9@s29], [sflag:s2] =	dma.strided [hbm:s10@s30], $0x310, s28, $0x10   }
0x290: {  	s10 =	sld [smem:$0x7F5];
	_ =	sdelay $0x2  }
0x291: {  	[spmem:s22] =	stream.linear.scatter [tilespmem:s10], [sflag:$0x1], $0x40, $0x38;
	[tilespmem:$0x12D18] =	vst v63  }
0x292: {  	s10 =	simm.s32 $0x0  }
0x293: {  	[spmem:s23] =	stream.linear.scatter [tilespmem:s13], [sflag:$0x1], $0x20, $0x38;
	[tilespmem:$0x12D18] =	vst v63  }
0x294: {  	v3 =	vld [tilespmem:s10+$0x11498]  }
0x295: {  	v4 =	vld [tilespmem:s10+$0x11898];
	_ =	sdelay $0x4  }
0x296: {  	v5 =	vmul.f32 v4, v3;
	v4 =	vld [tilespmem:s10+$0x11C98]  }
0x297: {  	v2 =	vbroadcast v1, $0x8  }
0x298: {  	s11 =	simm.s32 $0x10  }
0x299: {  	s12 =	simm.s32 $0x80;
	v3 =	vld [tilespmem:s11+$0x11498];
	v5 =	vmul.f32 v5, v2  }
.LBB2_18:
0x29a: {  	p1 =	sne.s32 s12, $0xFC0;
	v6 =	vld [tilespmem:s11+$0x11898]  }
0x29b: {  	v4 =	vadd.f32 v5, v4;
	_ =	sdelay $0x1  }
.Ltmp8:
0x29c: {  	[tilespmem:s10+$0x11C98] =	vst v4;
	s10 =	smov.u32 s11;
	(pc) =	sbr.rel @p1 .LBB2_18-.Ltmp8, $4  }
0x29d: {  	v4 =	vld [tilespmem:s10+$0x11C98]  }
0x29e: {  	v5 =	vmul.f32 v6, v3  }
0x29f: {  	s11 =	sshra.s32 s12, $0x2  }
0x2a0: {  	s12 =	sadd.s32 $0x40, s12;
	v3 =	vld [tilespmem:s11+$0x11498];
	v5 =	vmul.f32 v5, v2  }
0x2a1: {  	v6 =	vld [tilespmem:s11+$0x11898]  }
0x2a2: {  	v4 =	vadd.f32 v5, v4;
	_ =	sdelay $0x1  }
0x2a3: {  	[tilespmem:s10+$0x11C98] =	vst v4  }
0x2a4: {  	v4 =	vld [tilespmem:s11+$0x11C98]  }
0x2a5: {  	v3 =	vmul.f32 v6, v3;
	_ =	sdelay $0x1  }
0x2a6: {  	v2 =	vmul.f32 v3, v2;
	_ =	sdelay $0x1  }
0x2a7: {  	v2 =	vadd.f32 v2, v4;
	_ =	sdelay $0x1  }
0x2a8: {  	[tilespmem:s11+$0x11C98] =	vst v2  }
0x2a9: {  	_ =	swait.ge [sflag:s28], $0x1E90  }
0x2aa: {  	[sflag:s28] =	ssyncset.done $0x0  }
0x2ab: {  	[sflag:s28] =	ssyncadd.s32 $0xFFFFE170  }
0x2ac: {  	_ =	swait.ge [sflag:s28], $0x310  }
0x2ad: {  	[sflag:s28] =	ssyncset.done $0x0  }
0x2ae: {  	[sflag:s28] =	ssyncadd.s32 $0xFFFFFCF0  }
0x2af: {  	_ =	swait.ge [sflag:s28], $0x40  }
0x2b0: {  	[sflag:s28] =	ssyncset.done $0x0  }
0x2b1: {  	[sflag:s28] =	ssyncadd.s32 $0xFFFFFFC0  }
0x2b2: {  	_ =	swait.ge [sflag:s28], $0x20  }
0x2b3: {  	[sflag:s28] =	ssyncset.done $0x0  }
0x2b4: {  	[sflag:s28] =	ssyncadd.s32 $0xFFFFFFE0  }
0x2b5: {  	[bflag:$0x0] =	sbarrier.arrive $0xFFFF  }
0x2b6: {  	[tilespmem:s6], [sflag:$0x2] =	stream.indirect.gather [spmem:s7], $0x1, s26, s31, $0xb8;
	[tilespmem:$0x12D18] =	vst v63  }
0x2b7: {  	_ = 	snop  }
0x2b8: {  	[tilespmem:s4], [sflag:$0x2] =	stream.indirect.gather [spmem:s8], $0x1, s24, s31, $0xb8;
	[tilespmem:$0x12D18] =	vst v63  }
0x2b9: {  	_ =	swait.ge [sflag:s5], $0x400  }
0x2ba: {  	[sflag:s5] =	ssyncset.done $0x0  }
0x2bb: {  	[sflag:s5] =	ssyncadd.s32 $0xFFFFFC00  }
0x2bc: {  	_ =	swait.ge [sflag:s5], $0x400  }
0x2bd: {  	[sflag:s5] =	ssyncset.done $0x0  }
0x2be: {  	[sflag:s5] =	ssyncadd.s32 $0xFFFFFC00  }
0x2bf: {  	[bflag:$0x0] =	sbarrier.arrive $0xFFFF  }
0x2c0: {  	s12 =	rddreg [dreg:$0x17]  }
0x2c1: {  	[spmem:s3@s29], [sflag:s2] =	dma.strided [hbm:s12@s30], $0x1E90, s28, $0x10   }
0x2c2: {  	s10 =	sld [smem:$0x7DD];
	_ =	sdelay $0x2  }
0x2c3: {  	[spmem:s9@s29], [sflag:s2] =	dma.strided [hbm:s10@s30], $0x310, s28, $0x10   }
0x2c4: {  	s10 =	sld [smem:$0x7F6];
	_ =	sdelay $0x2  }
0x2c5: {  	[spmem:s22] =	stream.linear.scatter [tilespmem:s10], [sflag:$0x1], $0x40, $0x38;
	[tilespmem:$0x12D18] =	vst v63  }
0x2c6: {  	s10 =	simm.s32 $0x0  }
0x2c7: {  	[spmem:s23] =	stream.linear.scatter [tilespmem:s1], [sflag:$0x1], $0x20, $0x38;
	[tilespmem:$0x12D18] =	vst v63  }
0x2c8: {  	v3 =	vld [tilespmem:s10+$0x11498]  }
0x2c9: {  	v4 =	vld [tilespmem:s10+$0x11898];
	_ =	sdelay $0x4  }
0x2ca: {  	v5 =	vmul.f32 v4, v3;
	v4 =	vld [tilespmem:s10+$0x11C98]  }
0x2cb: {  	v2 =	vbroadcast v1, $0x9  }
0x2cc: {  	s11 =	simm.s32 $0x10  }
0x2cd: {  	s12 =	simm.s32 $0x80;
	v3 =	vld [tilespmem:s11+$0x11498];
	v5 =	vmul.f32 v5, v2  }
.LBB2_20:
0x2ce: {  	p1 =	sne.s32 s12, $0xFC0;
	v6 =	vld [tilespmem:s11+$0x11898]  }
0x2cf: {  	v4 =	vadd.f32 v5, v4;
	_ =	sdelay $0x1  }
.Ltmp9:
0x2d0: {  	[tilespmem:s10+$0x11C98] =	vst v4;
	s10 =	smov.u32 s11;
	(pc) =	sbr.rel @p1 .LBB2_20-.Ltmp9, $4  }
0x2d1: {  	v4 =	vld [tilespmem:s10+$0x11C98]  }
0x2d2: {  	v5 =	vmul.f32 v6, v3  }
0x2d3: {  	s11 =	sshra.s32 s12, $0x2  }
0x2d4: {  	s12 =	sadd.s32 $0x40, s12;
	v3 =	vld [tilespmem:s11+$0x11498];
	v5 =	vmul.f32 v5, v2  }
0x2d5: {  	v6 =	vld [tilespmem:s11+$0x11898]  }
0x2d6: {  	v4 =	vadd.f32 v5, v4;
	_ =	sdelay $0x1  }
0x2d7: {  	[tilespmem:s10+$0x11C98] =	vst v4  }
0x2d8: {  	v4 =	vld [tilespmem:s11+$0x11C98]  }
0x2d9: {  	v3 =	vmul.f32 v6, v3;
	_ =	sdelay $0x1  }
0x2da: {  	v2 =	vmul.f32 v3, v2;
	_ =	sdelay $0x1  }
0x2db: {  	v2 =	vadd.f32 v2, v4;
	_ =	sdelay $0x1  }
0x2dc: {  	[tilespmem:s11+$0x11C98] =	vst v2  }
0x2dd: {  	_ =	swait.ge [sflag:s28], $0x1E90  }
0x2de: {  	[sflag:s28] =	ssyncset.done $0x0  }
0x2df: {  	[sflag:s28] =	ssyncadd.s32 $0xFFFFE170  }
0x2e0: {  	_ =	swait.ge [sflag:s28], $0x310  }
0x2e1: {  	[sflag:s28] =	ssyncset.done $0x0  }
0x2e2: {  	[sflag:s28] =	ssyncadd.s32 $0xFFFFFCF0  }
0x2e3: {  	_ =	swait.ge [sflag:s28], $0x40  }
0x2e4: {  	[sflag:s28] =	ssyncset.done $0x0  }
0x2e5: {  	[sflag:s28] =	ssyncadd.s32 $0xFFFFFFC0  }
0x2e6: {  	_ =	swait.ge [sflag:s28], $0x20  }
0x2e7: {  	[sflag:s28] =	ssyncset.done $0x0  }
0x2e8: {  	[sflag:s28] =	ssyncadd.s32 $0xFFFFFFE0  }
0x2e9: {  	[bflag:$0x0] =	sbarrier.arrive $0xFFFF  }
0x2ea: {  	[tilespmem:s6], [sflag:$0x2] =	stream.indirect.gather [spmem:s7], $0x1, s26, s31, $0xb8;
	[tilespmem:$0x12D18] =	vst v63  }
0x2eb: {  	_ = 	snop  }
0x2ec: {  	[tilespmem:s4], [sflag:$0x2] =	stream.indirect.gather [spmem:s8], $0x1, s24, s31, $0xb8;
	[tilespmem:$0x12D18] =	vst v63  }
0x2ed: {  	_ =	swait.ge [sflag:s5], $0x400  }
0x2ee: {  	[sflag:s5] =	ssyncset.done $0x0  }
0x2ef: {  	[sflag:s5] =	ssyncadd.s32 $0xFFFFFC00  }
0x2f0: {  	_ =	swait.ge [sflag:s5], $0x400  }
0x2f1: {  	[sflag:s5] =	ssyncset.done $0x0  }
0x2f2: {  	[sflag:s5] =	ssyncadd.s32 $0xFFFFFC00  }
0x2f3: {  	[bflag:$0x0] =	sbarrier.arrive $0xFFFF  }
0x2f4: {  	s12 =	rddreg [dreg:$0x18]  }
0x2f5: {  	[spmem:s3@s29], [sflag:s2] =	dma.strided [hbm:s12@s30], $0x1E90, s28, $0x10   }
0x2f6: {  	s10 =	sld [smem:$0x7DE];
	_ =	sdelay $0x2  }
0x2f7: {  	[spmem:s9@s29], [sflag:s2] =	dma.strided [hbm:s10@s30], $0x310, s28, $0x10   }
0x2f8: {  	s10 =	sld [smem:$0x7F7];
	_ =	sdelay $0x2  }
0x2f9: {  	[spmem:s22] =	stream.linear.scatter [tilespmem:s10], [sflag:$0x1], $0x40, $0x38;
	[tilespmem:$0x12D18] =	vst v63  }
0x2fa: {  	s10 =	simm.s32 $0x0  }
0x2fb: {  	[spmem:s23] =	stream.linear.scatter [tilespmem:s15], [sflag:$0x1], $0x20, $0x38;
	[tilespmem:$0x12D18] =	vst v63  }
0x2fc: {  	v3 =	vld [tilespmem:s10+$0x11498]  }
0x2fd: {  	v4 =	vld [tilespmem:s10+$0x11898];
	_ =	sdelay $0x4  }
0x2fe: {  	v5 =	vmul.f32 v4, v3;
	v4 =	vld [tilespmem:s10+$0x11C98]  }
0x2ff: {  	v2 =	vbroadcast v1, $0xA  }
0x300: {  	s11 =	simm.s32 $0x10  }
0x301: {  	s12 =	simm.s32 $0x80;
	v3 =	vld [tilespmem:s11+$0x11498];
	v5 =	vmul.f32 v5, v2  }
.LBB2_22:
0x302: {  	p1 =	sne.s32 s12, $0xFC0;
	v6 =	vld [tilespmem:s11+$0x11898]  }
0x303: {  	v4 =	vadd.f32 v5, v4;
	_ =	sdelay $0x1  }
.Ltmp10:
0x304: {  	[tilespmem:s10+$0x11C98] =	vst v4;
	s10 =	smov.u32 s11;
	(pc) =	sbr.rel @p1 .LBB2_22-.Ltmp10, $4  }
0x305: {  	v4 =	vld [tilespmem:s10+$0x11C98]  }
0x306: {  	v5 =	vmul.f32 v6, v3  }
0x307: {  	s11 =	sshra.s32 s12, $0x2  }
0x308: {  	s12 =	sadd.s32 $0x40, s12;
	v3 =	vld [tilespmem:s11+$0x11498];
	v5 =	vmul.f32 v5, v2  }
0x309: {  	v6 =	vld [tilespmem:s11+$0x11898]  }
0x30a: {  	v4 =	vadd.f32 v5, v4;
	_ =	sdelay $0x1  }
0x30b: {  	[tilespmem:s10+$0x11C98] =	vst v4  }
0x30c: {  	v4 =	vld [tilespmem:s11+$0x11C98]  }
0x30d: {  	v3 =	vmul.f32 v6, v3;
	_ =	sdelay $0x1  }
0x30e: {  	v2 =	vmul.f32 v3, v2;
	_ =	sdelay $0x1  }
0x30f: {  	v2 =	vadd.f32 v2, v4;
	_ =	sdelay $0x1  }
0x310: {  	[tilespmem:s11+$0x11C98] =	vst v2  }
0x311: {  	_ =	swait.ge [sflag:s28], $0x1E90  }
0x312: {  	[sflag:s28] =	ssyncset.done $0x0  }
0x313: {  	[sflag:s28] =	ssyncadd.s32 $0xFFFFE170  }
0x314: {  	_ =	swait.ge [sflag:s28], $0x310  }
0x315: {  	[sflag:s28] =	ssyncset.done $0x0  }
0x316: {  	[sflag:s28] =	ssyncadd.s32 $0xFFFFFCF0  }
0x317: {  	_ =	swait.ge [sflag:s28], $0x40  }
0x318: {  	[sflag:s28] =	ssyncset.done $0x0  }
0x319: {  	[sflag:s28] =	ssyncadd.s32 $0xFFFFFFC0  }
0x31a: {  	_ =	swait.ge [sflag:s28], $0x20  }
0x31b: {  	[sflag:s28] =	ssyncset.done $0x0  }
0x31c: {  	[sflag:s28] =	ssyncadd.s32 $0xFFFFFFE0  }
0x31d: {  	[bflag:$0x0] =	sbarrier.arrive $0xFFFF  }
0x31e: {  	[tilespmem:s6], [sflag:$0x2] =	stream.indirect.gather [spmem:s7], $0x1, s26, s31, $0xb8;
	[tilespmem:$0x12D18] =	vst v63  }
0x31f: {  	_ = 	snop  }
0x320: {  	[tilespmem:s4], [sflag:$0x2] =	stream.indirect.gather [spmem:s8], $0x1, s24, s31, $0xb8;
	[tilespmem:$0x12D18] =	vst v63  }
0x321: {  	_ =	swait.ge [sflag:s5], $0x400  }
0x322: {  	[sflag:s5] =	ssyncset.done $0x0  }
0x323: {  	[sflag:s5] =	ssyncadd.s32 $0xFFFFFC00  }
0x324: {  	_ =	swait.ge [sflag:s5], $0x400  }
0x325: {  	[sflag:s5] =	ssyncset.done $0x0  }
0x326: {  	[sflag:s5] =	ssyncadd.s32 $0xFFFFFC00  }
0x327: {  	[bflag:$0x0] =	sbarrier.arrive $0xFFFF  }
0x328: {  	s12 =	rddreg [dreg:$0x19]  }
0x329: {  	[spmem:s3@s29], [sflag:s2] =	dma.strided [hbm:s12@s30], $0x1E90, s28, $0x10   }
0x32a: {  	s10 =	sld [smem:$0x7DF];
	_ =	sdelay $0x2  }
0x32b: {  	[spmem:s9@s29], [sflag:s2] =	dma.strided [hbm:s10@s30], $0x310, s28, $0x10   }
0x32c: {  	s10 =	sld [smem:$0x7F8];
	_ =	sdelay $0x2  }
0x32d: {  	[spmem:s22] =	stream.linear.scatter [tilespmem:s10], [sflag:$0x1], $0x40, $0x38;
	[tilespmem:$0x12D18] =	vst v63  }
0x32e: {  	s10 =	simm.s32 $0x0  }
0x32f: {  	[spmem:s23] =	stream.linear.scatter [tilespmem:s14], [sflag:$0x1], $0x20, $0x38;
	[tilespmem:$0x12D18] =	vst v63  }
0x330: {  	v3 =	vld [tilespmem:s10+$0x11498]  }
0x331: {  	v4 =	vld [tilespmem:s10+$0x11898];
	_ =	sdelay $0x4  }
0x332: {  	v5 =	vmul.f32 v4, v3;
	v4 =	vld [tilespmem:s10+$0x11C98]  }
0x333: {  	v2 =	vbroadcast v1, $0xB  }
0x334: {  	s11 =	simm.s32 $0x10  }
0x335: {  	s12 =	simm.s32 $0x80;
	v3 =	vld [tilespmem:s11+$0x11498];
	v5 =	vmul.f32 v5, v2  }
.LBB2_24:
0x336: {  	p1 =	sne.s32 s12, $0xFC0;
	v6 =	vld [tilespmem:s11+$0x11898]  }
0x337: {  	v4 =	vadd.f32 v5, v4;
	_ =	sdelay $0x1  }
.Ltmp11:
0x338: {  	[tilespmem:s10+$0x11C98] =	vst v4;
	s10 =	smov.u32 s11;
	(pc) =	sbr.rel @p1 .LBB2_24-.Ltmp11, $4  }
0x339: {  	v4 =	vld [tilespmem:s10+$0x11C98]  }
0x33a: {  	v5 =	vmul.f32 v6, v3  }
0x33b: {  	s11 =	sshra.s32 s12, $0x2  }
0x33c: {  	s12 =	sadd.s32 $0x40, s12;
	v3 =	vld [tilespmem:s11+$0x11498];
	v5 =	vmul.f32 v5, v2  }
0x33d: {  	v6 =	vld [tilespmem:s11+$0x11898]  }
0x33e: {  	v4 =	vadd.f32 v5, v4;
	_ =	sdelay $0x1  }
0x33f: {  	[tilespmem:s10+$0x11C98] =	vst v4  }
0x340: {  	v4 =	vld [tilespmem:s11+$0x11C98]  }
0x341: {  	v3 =	vmul.f32 v6, v3;
	_ =	sdelay $0x1  }
0x342: {  	v2 =	vmul.f32 v3, v2;
	_ =	sdelay $0x1  }
0x343: {  	v2 =	vadd.f32 v2, v4;
	_ =	sdelay $0x1  }
0x344: {  	[tilespmem:s11+$0x11C98] =	vst v2  }
0x345: {  	_ =	swait.ge [sflag:s28], $0x1E90  }
0x346: {  	[sflag:s28] =	ssyncset.done $0x0  }
0x347: {  	[sflag:s28] =	ssyncadd.s32 $0xFFFFE170  }
0x348: {  	_ =	swait.ge [sflag:s28], $0x310  }
0x349: {  	[sflag:s28] =	ssyncset.done $0x0  }
0x34a: {  	[sflag:s28] =	ssyncadd.s32 $0xFFFFFCF0  }
0x34b: {  	_ =	swait.ge [sflag:s28], $0x40  }
0x34c: {  	[sflag:s28] =	ssyncset.done $0x0  }
0x34d: {  	[sflag:s28] =	ssyncadd.s32 $0xFFFFFFC0  }
0x34e: {  	_ =	swait.ge [sflag:s28], $0x20  }
0x34f: {  	[sflag:s28] =	ssyncset.done $0x0  }
0x350: {  	[sflag:s28] =	ssyncadd.s32 $0xFFFFFFE0  }
0x351: {  	[bflag:$0x0] =	sbarrier.arrive $0xFFFF  }
0x352: {  	[tilespmem:s6], [sflag:$0x2] =	stream.indirect.gather [spmem:s7], $0x1, s26, s31, $0xb8;
	[tilespmem:$0x12D18] =	vst v63  }
0x353: {  	_ = 	snop  }
0x354: {  	[tilespmem:s4], [sflag:$0x2] =	stream.indirect.gather [spmem:s8], $0x1, s24, s31, $0xb8;
	[tilespmem:$0x12D18] =	vst v63  }
0x355: {  	_ =	swait.ge [sflag:s5], $0x400  }
0x356: {  	[sflag:s5] =	ssyncset.done $0x0  }
0x357: {  	[sflag:s5] =	ssyncadd.s32 $0xFFFFFC00  }
0x358: {  	_ =	swait.ge [sflag:s5], $0x400  }
0x359: {  	[sflag:s5] =	ssyncset.done $0x0  }
0x35a: {  	[sflag:s5] =	ssyncadd.s32 $0xFFFFFC00  }
0x35b: {  	[bflag:$0x0] =	sbarrier.arrive $0xFFFF  }
0x35c: {  	s12 =	rddreg [dreg:$0x1a]  }
0x35d: {  	[spmem:s3@s29], [sflag:s2] =	dma.strided [hbm:s12@s30], $0x1E90, s28, $0x10   }
0x35e: {  	s10 =	sld [smem:$0x7E0];
	_ =	sdelay $0x2  }
0x35f: {  	[spmem:s9@s29], [sflag:s2] =	dma.strided [hbm:s10@s30], $0x310, s28, $0x10   }
0x360: {  	s10 =	sld [smem:$0x7F9];
	_ =	sdelay $0x2  }
0x361: {  	[spmem:s22] =	stream.linear.scatter [tilespmem:s10], [sflag:$0x1], $0x40, $0x38;
	[tilespmem:$0x12D18] =	vst v63  }
0x362: {  	s10 =	simm.s32 $0x0  }
0x363: {  	[spmem:s23] =	stream.linear.scatter [tilespmem:s17], [sflag:$0x1], $0x20, $0x38;
	[tilespmem:$0x12D18] =	vst v63  }
0x364: {  	v3 =	vld [tilespmem:s10+$0x11498]  }
0x365: {  	v4 =	vld [tilespmem:s10+$0x11898];
	_ =	sdelay $0x4  }
0x366: {  	v5 =	vmul.f32 v4, v3;
	v4 =	vld [tilespmem:s10+$0x11C98]  }
0x367: {  	v2 =	vbroadcast v1, $0xC  }
0x368: {  	s11 =	simm.s32 $0x10  }
0x369: {  	s12 =	simm.s32 $0x80;
	v3 =	vld [tilespmem:s11+$0x11498];
	v5 =	vmul.f32 v5, v2  }
.LBB2_26:
0x36a: {  	p1 =	sne.s32 s12, $0xFC0;
	v6 =	vld [tilespmem:s11+$0x11898]  }
0x36b: {  	v4 =	vadd.f32 v5, v4;
	_ =	sdelay $0x1  }
.Ltmp12:
0x36c: {  	[tilespmem:s10+$0x11C98] =	vst v4;
	s10 =	smov.u32 s11;
	(pc) =	sbr.rel @p1 .LBB2_26-.Ltmp12, $4  }
0x36d: {  	v4 =	vld [tilespmem:s10+$0x11C98]  }
0x36e: {  	v5 =	vmul.f32 v6, v3  }
0x36f: {  	s11 =	sshra.s32 s12, $0x2  }
0x370: {  	s12 =	sadd.s32 $0x40, s12;
	v3 =	vld [tilespmem:s11+$0x11498];
	v5 =	vmul.f32 v5, v2  }
0x371: {  	v6 =	vld [tilespmem:s11+$0x11898]  }
0x372: {  	v4 =	vadd.f32 v5, v4;
	_ =	sdelay $0x1  }
0x373: {  	[tilespmem:s10+$0x11C98] =	vst v4  }
0x374: {  	v4 =	vld [tilespmem:s11+$0x11C98]  }
0x375: {  	v3 =	vmul.f32 v6, v3;
	_ =	sdelay $0x1  }
0x376: {  	v2 =	vmul.f32 v3, v2;
	_ =	sdelay $0x1  }
0x377: {  	v2 =	vadd.f32 v2, v4;
	_ =	sdelay $0x1  }
0x378: {  	[tilespmem:s11+$0x11C98] =	vst v2  }
0x379: {  	_ =	swait.ge [sflag:s28], $0x1E90  }
0x37a: {  	[sflag:s28] =	ssyncset.done $0x0  }
0x37b: {  	[sflag:s28] =	ssyncadd.s32 $0xFFFFE170  }
0x37c: {  	_ =	swait.ge [sflag:s28], $0x310  }
0x37d: {  	[sflag:s28] =	ssyncset.done $0x0  }
0x37e: {  	[sflag:s28] =	ssyncadd.s32 $0xFFFFFCF0  }
0x37f: {  	_ =	swait.ge [sflag:s28], $0x40  }
0x380: {  	[sflag:s28] =	ssyncset.done $0x0  }
0x381: {  	[sflag:s28] =	ssyncadd.s32 $0xFFFFFFC0  }
0x382: {  	_ =	swait.ge [sflag:s28], $0x20  }
0x383: {  	[sflag:s28] =	ssyncset.done $0x0  }
0x384: {  	[sflag:s28] =	ssyncadd.s32 $0xFFFFFFE0  }
0x385: {  	[bflag:$0x0] =	sbarrier.arrive $0xFFFF  }
0x386: {  	[tilespmem:s6], [sflag:$0x2] =	stream.indirect.gather [spmem:s7], $0x1, s26, s31, $0xb8;
	[tilespmem:$0x12D18] =	vst v63  }
0x387: {  	_ = 	snop  }
0x388: {  	[tilespmem:s4], [sflag:$0x2] =	stream.indirect.gather [spmem:s8], $0x1, s24, s31, $0xb8;
	[tilespmem:$0x12D18] =	vst v63  }
0x389: {  	_ =	swait.ge [sflag:s5], $0x400  }
0x38a: {  	[sflag:s5] =	ssyncset.done $0x0  }
0x38b: {  	[sflag:s5] =	ssyncadd.s32 $0xFFFFFC00  }
0x38c: {  	_ =	swait.ge [sflag:s5], $0x400  }
0x38d: {  	[sflag:s5] =	ssyncset.done $0x0  }
0x38e: {  	[sflag:s5] =	ssyncadd.s32 $0xFFFFFC00  }
0x38f: {  	[bflag:$0x0] =	sbarrier.arrive $0xFFFF  }
0x390: {  	s12 =	rddreg [dreg:$0x1b]  }
0x391: {  	[spmem:s3@s29], [sflag:s2] =	dma.strided [hbm:s12@s30], $0x1E90, s28, $0x10   }
0x392: {  	s10 =	sld [smem:$0x7E1];
	_ =	sdelay $0x2  }
0x393: {  	[spmem:s9@s29], [sflag:s2] =	dma.strided [hbm:s10@s30], $0x310, s28, $0x10   }
0x394: {  	s10 =	sld [smem:$0x7FA];
	_ =	sdelay $0x2  }
0x395: {  	[spmem:s22] =	stream.linear.scatter [tilespmem:s10], [sflag:$0x1], $0x40, $0x38;
	[tilespmem:$0x12D18] =	vst v63  }
0x396: {  	s10 =	simm.s32 $0x0  }
0x397: {  	[spmem:s23] =	stream.linear.scatter [tilespmem:s18], [sflag:$0x1], $0x20, $0x38;
	[tilespmem:$0x12D18] =	vst v63  }
0x398: {  	v3 =	vld [tilespmem:s10+$0x11498]  }
0x399: {  	v4 =	vld [tilespmem:s10+$0x11898];
	_ =	sdelay $0x4  }
0x39a: {  	v5 =	vmul.f32 v4, v3;
	v4 =	vld [tilespmem:s10+$0x11C98]  }
0x39b: {  	v2 =	vbroadcast v1, $0xD  }
0x39c: {  	s11 =	simm.s32 $0x10  }
0x39d: {  	s12 =	simm.s32 $0x80;
	v3 =	vld [tilespmem:s11+$0x11498];
	v5 =	vmul.f32 v5, v2  }
.LBB2_28:
0x39e: {  	p1 =	sne.s32 s12, $0xFC0;
	v6 =	vld [tilespmem:s11+$0x11898]  }
0x39f: {  	v4 =	vadd.f32 v5, v4;
	_ =	sdelay $0x1  }
.Ltmp13:
0x3a0: {  	[tilespmem:s10+$0x11C98] =	vst v4;
	s10 =	smov.u32 s11;
	(pc) =	sbr.rel @p1 .LBB2_28-.Ltmp13, $4  }
0x3a1: {  	v4 =	vld [tilespmem:s10+$0x11C98]  }
0x3a2: {  	v5 =	vmul.f32 v6, v3  }
0x3a3: {  	s11 =	sshra.s32 s12, $0x2  }
0x3a4: {  	s12 =	sadd.s32 $0x40, s12;
	v3 =	vld [tilespmem:s11+$0x11498];
	v5 =	vmul.f32 v5, v2  }
0x3a5: {  	v6 =	vld [tilespmem:s11+$0x11898]  }
0x3a6: {  	v4 =	vadd.f32 v5, v4;
	_ =	sdelay $0x1  }
0x3a7: {  	[tilespmem:s10+$0x11C98] =	vst v4  }
0x3a8: {  	v4 =	vld [tilespmem:s11+$0x11C98]  }
0x3a9: {  	v3 =	vmul.f32 v6, v3;
	_ =	sdelay $0x1  }
0x3aa: {  	v2 =	vmul.f32 v3, v2;
	_ =	sdelay $0x1  }
0x3ab: {  	v2 =	vadd.f32 v2, v4;
	_ =	sdelay $0x1  }
0x3ac: {  	[tilespmem:s11+$0x11C98] =	vst v2  }
0x3ad: {  	_ =	swait.ge [sflag:s28], $0x1E90  }
0x3ae: {  	[sflag:s28] =	ssyncset.done $0x0  }
0x3af: {  	[sflag:s28] =	ssyncadd.s32 $0xFFFFE170  }
0x3b0: {  	_ =	swait.ge [sflag:s28], $0x310  }
0x3b1: {  	[sflag:s28] =	ssyncset.done $0x0  }
0x3b2: {  	[sflag:s28] =	ssyncadd.s32 $0xFFFFFCF0  }
0x3b3: {  	_ =	swait.ge [sflag:s28], $0x40  }
0x3b4: {  	[sflag:s28] =	ssyncset.done $0x0  }
0x3b5: {  	[sflag:s28] =	ssyncadd.s32 $0xFFFFFFC0  }
0x3b6: {  	_ =	swait.ge [sflag:s28], $0x20  }
0x3b7: {  	[sflag:s28] =	ssyncset.done $0x0  }
0x3b8: {  	[sflag:s28] =	ssyncadd.s32 $0xFFFFFFE0  }
0x3b9: {  	[bflag:$0x0] =	sbarrier.arrive $0xFFFF  }
0x3ba: {  	[tilespmem:s6], [sflag:$0x2] =	stream.indirect.gather [spmem:s7], $0x1, s26, s31, $0xb8;
	[tilespmem:$0x12D18] =	vst v63  }
0x3bb: {  	_ = 	snop  }
0x3bc: {  	[tilespmem:s4], [sflag:$0x2] =	stream.indirect.gather [spmem:s8], $0x1, s24, s31, $0xb8;
	[tilespmem:$0x12D18] =	vst v63  }
0x3bd: {  	_ =	swait.ge [sflag:s5], $0x400  }
0x3be: {  	[sflag:s5] =	ssyncset.done $0x0  }
0x3bf: {  	[sflag:s5] =	ssyncadd.s32 $0xFFFFFC00  }
0x3c0: {  	_ =	swait.ge [sflag:s5], $0x400  }
0x3c1: {  	[sflag:s5] =	ssyncset.done $0x0  }
0x3c2: {  	[sflag:s5] =	ssyncadd.s32 $0xFFFFFC00  }
0x3c3: {  	[bflag:$0x0] =	sbarrier.arrive $0xFFFF  }
0x3c4: {  	s12 =	rddreg [dreg:$0x1c]  }
0x3c5: {  	[spmem:s3@s29], [sflag:s2] =	dma.strided [hbm:s12@s30], $0x1E90, s28, $0x10   }
0x3c6: {  	s3 =	sld [smem:$0x7E2];
	_ =	sdelay $0x2  }
0x3c7: {  	[spmem:s9@s29], [sflag:s2] =	dma.strided [hbm:s3@s30], $0x310, s28, $0x10   }
0x3c8: {  	s2 =	sld [smem:$0x7FB];
	_ =	sdelay $0x2  }
0x3c9: {  	[spmem:s22] =	stream.linear.scatter [tilespmem:s2], [sflag:$0x1], $0x40, $0x38;
	[tilespmem:$0x12D18] =	vst v63  }
0x3ca: {  	s2 =	simm.s32 $0x0  }
0x3cb: {  	[spmem:s23] =	stream.linear.scatter [tilespmem:s16], [sflag:$0x1], $0x20, $0x38;
	[tilespmem:$0x12D18] =	vst v63  }
0x3cc: {  	v3 =	vld [tilespmem:s2+$0x11498]  }
0x3cd: {  	v4 =	vld [tilespmem:s2+$0x11898];
	_ =	sdelay $0x4  }
0x3ce: {  	v5 =	vmul.f32 v4, v3;
	v4 =	vld [tilespmem:s2+$0x11C98]  }
0x3cf: {  	v2 =	vbroadcast v1, $0xE  }
0x3d0: {  	s3 =	simm.s32 $0x10  }
0x3d1: {  	s9 =	simm.s32 $0x80;
	v3 =	vld [tilespmem:s3+$0x11498];
	v5 =	vmul.f32 v5, v2  }
.LBB2_30:
0x3d2: {  	p1 =	sne.s32 s9, $0xFC0;
	v6 =	vld [tilespmem:s3+$0x11898]  }
0x3d3: {  	v4 =	vadd.f32 v5, v4;
	_ =	sdelay $0x1  }
.Ltmp14:
0x3d4: {  	[tilespmem:s2+$0x11C98] =	vst v4;
	s2 =	smov.u32 s3;
	(pc) =	sbr.rel @p1 .LBB2_30-.Ltmp14, $4  }
0x3d5: {  	v4 =	vld [tilespmem:s2+$0x11C98]  }
0x3d6: {  	v5 =	vmul.f32 v6, v3  }
0x3d7: {  	s3 =	sshra.s32 s9, $0x2  }
0x3d8: {  	s9 =	sadd.s32 $0x40, s9;
	v3 =	vld [tilespmem:s3+$0x11498];
	v5 =	vmul.f32 v5, v2  }
0x3d9: {  	v6 =	vld [tilespmem:s3+$0x11898]  }
0x3da: {  	v4 =	vadd.f32 v5, v4;
	_ =	sdelay $0x1  }
0x3db: {  	[tilespmem:s2+$0x11C98] =	vst v4  }
0x3dc: {  	v4 =	vld [tilespmem:s3+$0x11C98]  }
0x3dd: {  	v3 =	vmul.f32 v6, v3;
	_ =	sdelay $0x1  }
0x3de: {  	v2 =	vmul.f32 v3, v2;
	_ =	sdelay $0x1  }
0x3df: {  	v2 =	vadd.f32 v2, v4;
	_ =	sdelay $0x1  }
0x3e0: {  	[tilespmem:s3+$0x11C98] =	vst v2  }
0x3e1: {  	_ =	swait.ge [sflag:s28], $0x1E90  }
0x3e2: {  	[sflag:s28] =	ssyncset.done $0x0  }
0x3e3: {  	[sflag:s28] =	ssyncadd.s32 $0xFFFFE170  }
0x3e4: {  	_ =	swait.ge [sflag:s28], $0x310  }
0x3e5: {  	[sflag:s28] =	ssyncset.done $0x0  }
0x3e6: {  	[sflag:s28] =	ssyncadd.s32 $0xFFFFFCF0  }
0x3e7: {  	_ =	swait.ge [sflag:s28], $0x40  }
0x3e8: {  	[sflag:s28] =	ssyncset.done $0x0  }
0x3e9: {  	[sflag:s28] =	ssyncadd.s32 $0xFFFFFFC0  }
0x3ea: {  	_ =	swait.ge [sflag:s28], $0x20  }
0x3eb: {  	[sflag:s28] =	ssyncset.done $0x0  }
0x3ec: {  	[sflag:s28] =	ssyncadd.s32 $0xFFFFFFE0  }
0x3ed: {  	[bflag:$0x0] =	sbarrier.arrive $0xFFFF  }
0x3ee: {  	[tilespmem:s6], [sflag:$0x2] =	stream.indirect.gather [spmem:s7], $0x1, s26, s31, $0xb8;
	[tilespmem:$0x12D18] =	vst v63  }
0x3ef: {  	_ = 	snop  }
0x3f0: {  	[tilespmem:s4], [sflag:$0x2] =	stream.indirect.gather [spmem:s8], $0x1, s24, s31, $0xb8;
	[tilespmem:$0x12D18] =	vst v63  }
0x3f1: {  	_ =	swait.ge [sflag:s5], $0x400  }
0x3f2: {  	[sflag:s5] =	ssyncset.done $0x0  }
0x3f3: {  	[sflag:s5] =	ssyncadd.s32 $0xFFFFFC00  }
0x3f4: {  	_ =	swait.ge [sflag:s5], $0x400  }
0x3f5: {  	[sflag:s5] =	ssyncset.done $0x0  }
0x3f6: {  	[sflag:s5] =	ssyncadd.s32 $0xFFFFFC00  }
0x3f7: {  	s2 =	simm.s32 $0x0;
	[bflag:$0x0] =	sbarrier.arrive $0xFFFF  }
0x3f8: {  	v2 =	vld [tilespmem:s2+$0x11498]  }
0x3f9: {  	v3 =	vld [tilespmem:s2+$0x11898];
	_ =	sdelay $0x4  }
0x3fa: {  	v4 =	vmul.f32 v3, v2;
	v3 =	vld [tilespmem:s2+$0x11C98]  }
0x3fb: {  	v1 =	vbroadcast v1, $0xF  }
0x3fc: {  	s3 =	simm.s32 $0x10  }
0x3fd: {  	s9 =	simm.s32 $0x80;
	v2 =	vld [tilespmem:s3+$0x11498];
	v4 =	vmul.f32 v4, v1  }
.LBB2_32:
0x3fe: {  	p1 =	sne.s32 s9, $0xFC0;
	v5 =	vld [tilespmem:s3+$0x11898]  }
0x3ff: {  	v3 =	vadd.f32 v4, v3;
	_ =	sdelay $0x1  }
.Ltmp15:
0x400: {  	[tilespmem:s2+$0x11C98] =	vst v3;
	s2 =	smov.u32 s3;
	(pc) =	sbr.rel @p1 .LBB2_32-.Ltmp15, $4  }
0x401: {  	v3 =	vld [tilespmem:s2+$0x11C98]  }
0x402: {  	v4 =	vmul.f32 v5, v2  }
0x403: {  	s3 =	sshra.s32 s9, $0x2  }
0x404: {  	s9 =	sadd.s32 $0x40, s9;
	v2 =	vld [tilespmem:s3+$0x11498];
	v4 =	vmul.f32 v4, v1  }
0x405: {  	v5 =	vld [tilespmem:s3+$0x11898]  }
0x406: {  	v3 =	vadd.f32 v4, v3;
	_ =	sdelay $0x1  }
0x407: {  	[tilespmem:s2+$0x11C98] =	vst v3  }
0x408: {  	v3 =	vld [tilespmem:s3+$0x11C98]  }
0x409: {  	v2 =	vmul.f32 v5, v2;
	_ =	sdelay $0x1  }
0x40a: {  	v1 =	vmul.f32 v2, v1;
	_ =	sdelay $0x1  }
0x40b: {  	s0 =	sadd.s32 $0x1, s0;
	v1 =	vadd.f32 v1, v3  }
0x40c: {  	p1 =	sne.s32 s0, s21  }
.Ltmp16:
0x40d: {  	s11 =	simm.s32 $0x100;
	s12 =	simm.s32 $0x11C98;
	[tilespmem:s3+$0x11C98] =	vst v1;
	(pc) =	sbr.rel @p1 .LBB2_1-.Ltmp16, $4  }
0x40e: {  	[hbm4b:s20+s30] =	stream.strided.scatter [tilespmem:s12], [sflag:$0x3], $0x400, s11, s30, $0x38;
	[tilespmem:$0x12D18] =	vst v63  }
0x40f: {  	_ =	swait.ge [sflag:s25], $0x400  }
0x410: {  	[sflag:s25] =	ssyncset.done $0x0  }
0x411: {  	[sflag:s25] =	ssyncadd.s32 $0xFFFFFC00  }
0x412: {  	_ =	sfence.sel $0x180000  }
0x413: {  	[bflag:$0x0] =	sbarrier.arrive $0xFFFF  }
0x414: {  	_ =	strace $0x90000047  }
0x415: {  	[bflag:$0x2] =	sbarrier.arrive $0xFFFF  }
0x416: {  	p0 =	sne.s32 s19, $0x0;
	s0 =	rddreg [dreg:$0x9]  }
0x417: {  	s0 =	sadd.s32 @!p0 $0x100000, s0  }
0x418: {  	[sflag:s0] =	ssyncadd.tile.s32 @!p0 $0x1;
	_ =	shalt  }
.Lfunc_end2:
_tile_overlayer_lowered:
.L_overlay_start_2:
0x419: {  	(tag) =	ssettag $0x2  }
0x41a: {  	s0 =	rddreg [dreg:$0x0];
	s2 =	stileid.u32  }
0x41b: {  	s1 =	rddreg [dreg:$0x1];
	p0 =	sne.s32 s2, $0x0  }
0x41c: {  	s3 =	rddreg [dreg:$0x2];
	[bflag:$0x3] =	sbarrier.arrive $0xFFFF;
	s2 =	simm.s32 @!p0 $0x1C03  }
0x41d: {  	[timem:s3], [sflag:s2] =	dma.local @!p0 [hbm:s0], s1  }
0x41e: {  	s0 =	simm.s32 @!p0 $0x3  }
0x41f: {  	_ =	swait.ge @!p0 [sflag:s0], s1  }
0x420: {  	s1 =	ssub.s32 @!p0 $0x0, s1;
	[sflag:s0] =	ssyncset.done @!p0 $0x0  }
0x421: {  	[sflag:s0] =	ssyncadd.s32 @!p0 s1  }
0x422: {  	[bflag:$0x3] =	sbarrier.arrive $0xFFFF  }
0x423: {  	_ =	shalt  }

// kernel: kernel.7.cloned.1.call-start
scs
__scs_entry_jumppad:
0x0: {  	(pc) =	sbr.rel $0x88, $3  }
0x1: {  	(tag) =	ssettag $0x0;
	lr =	simm.s32 $0x1  }
0x2: {  	[smem:$0x3F9B] =	sst lr;
	_ =	strace $0xD0000000  }
0x3: {  	_ = 	snop  }
0x4: {  	_ = 	snop  }
0x5: {  	_ = 	snop  }
0x6: {  	_ = 	snop  }
0x7: {  	_ = 	snop  }
__scs_overlays_trampoline_lowered:
0x8: {  	[smem:$0x3FAA] =	sst s0  }
0x9: {  	[smem:$0x3FAB] =	sst s1  }
0xa: {  	[smem:$0x3FAC] =	sst s2  }
0xb: {  	[smem:$0x3FAD] =	sst s3  }
0xc: {  	[smem:$0x3FAE] =	sst s4  }
0xd: {  	[smem:$0x3FAF] =	sst s5  }
0xe: {  	[smem:$0x3FB0] =	sst s6  }
0xf: {  	[smem:$0x3FB1] =	sst s7  }
0x10: {  	[smem:$0x3FB2] =	sst s8  }
0x11: {  	[smem:$0x3FB3] =	sst s9;
	s0 =	simm.s32 @!p0 $0x0  }
0x12: {  	s1 =	sld [smem:$0x3F99];
	s0 =	simm.s32 @p0 $0x1  }
0x13: {  	[smem:$0x3FB4] =	sst s0;
	s0 =	simm.s32 @!p1 $0x0  }
0x14: {  	s2 =	sld [smem:$0x3F98];
	s0 =	simm.s32 @p1 $0x1  }
0x15: {  	[smem:$0x3FB5] =	sst s0;
	s0 =	simm.s32 @!p2 $0x0  }
0x16: {  	s3 =	sld [smem:$0x3FDB];
	s0 =	simm.s32 @p2 $0x1  }
0x17: {  	s4 =	simm.s32 $0x1BF5;
	[smem:$0x3FB7] =	sst s0  }
0x18: {  	s0 =	sld [smem:$0x3F9A];
	_ =	swait.ge [sflag:s4], $0x0  }
0x19: {  	s7 =	sld [smem:$0x3F9B]  }
0x1a: {  	s8 =	sadd.s32 $0xFFFFE003, lr  }
0x1b: {  	s9 =	sadd.s32 $0xFFFFFEF7, lr;
	s5 =	simm.s32 $0xFFFFFFFF;
	p2 =	slt.u32 s8, $0xFFFFF086  }
0x1c: {  	p1 =	slt.u32 s9, $0xF7A;
	s5 =	simm.s32 @!p2 $0x0  }
0x1d: {  	s5 =	simm.s32 @p1 $0x1;
	p0 =	seq.s32 s7, s2  }
0x1e: {  	s7 =	smul.u32 @!p0 $0xF7A, s2;
	p2 =	seq.s32 @!p0 s5, $0x0  }
0x1f: {  	s9 =	smul.u32 $0xF7A, s1;
	s8 =	simm.s32 @!p0 $0x1BF5;
	p2 =	por !p2, p0  }
0x20: {  	[sflag:s8] =	ssyncset.s32 @!p0 $0xFFFFF086;
	s6 =	sadd.s32 @!p0 s3, s7;
	s7 =	simm.s32 @!p0 $0x108  }
0x21: {  	s3 =	sadd.s32 s3, s9;
	s6 =	sadd.s32 @!p0 $0x88, s6;
	s7 =	simm.s32 @p2 $0x1082  }
0x22: {  	[simem:s7], [sflag:s8] =	dma.local @!p0 [hbm:s6], $0xF7A  }
0x23: {  	s9 =	sor.u32 $0xD0000000, s2;
	s6 =	simm.s32 $0x108;
	_ =	swait.ge @!p0 [sflag:s8], $0x0  }
0x24: {  	s3 =	sadd.s32 $0x88, s3;
	s6 =	simm.s32 @!p1 $0x1082;
	[sflag:s4] =	ssyncset.s32 $0xFFFFF086  }
0x25: {  	[simem:s6], [sflag:s4] =	dma.local [hbm:s3], $0xF7A  }
0x26: {  	[smem:$0x3F9B] =	sst s1;
	(tag) =	ssettag s2;
	_ =	strace s9  }
0x27: {  	s1 =	sld [smem:$0x3FAB]  }
0x28: {  	s2 =	sld [smem:$0x3FAC]  }
0x29: {  	s4 =	sld [smem:$0x3FAE]  }
0x2a: {  	p0 =	seq.s32 s5, $0x0;
	s5 =	sld [smem:$0x3FAF]  }
0x2b: {  	s6 =	sld [smem:$0x3FB0]  }
0x2c: {  	s7 =	sld [smem:$0x3FB1]  }
0x2d: {  	s3 =	simm.s32 $0x108;
	s8 =	sld [smem:$0x3FB2]  }
0x2e: {  	s3 =	simm.s32 @!p0 $0x1082;
	s9 =	sld [smem:$0x3FB3]  }
0x2f: {  	lr =	sadd.s32 s0, s3;
	s0 =	sld [smem:$0x3FAA]  }
0x30: {  	s3 =	sld [smem:$0x3FAD]  }
0x31: {  	[smem:$0x3FB6] =	sst s10  }
0x32: {  	s10 =	sld [smem:$0x3FB4];
	_ =	sdelay $0x3  }
0x33: {  	p0 =	seq.s32 s10, $0x1;
	s10 =	sld [smem:$0x3FB6];
	_ =	sdelay $0x3  }
0x34: {  	[smem:$0x3FB6] =	sst s10  }
0x35: {  	s10 =	sld [smem:$0x3FB5];
	_ =	sdelay $0x3  }
0x36: {  	p1 =	seq.s32 s10, $0x1;
	s10 =	sld [smem:$0x3FB6];
	_ =	sdelay $0x3  }
0x37: {  	[smem:$0x3FB6] =	sst s10  }
0x38: {  	s10 =	sld [smem:$0x3FB7]  }
0x39: {  	_ = 	snop;
	(pc) =	sbr.ind lr, $3  }
0x3a: {  	_ = 	snop  }
0x3b: {  	_ = 	snop  }
0x3c: {  	p2 =	seq.s32 s10, $0x1;
	s10 =	sld [smem:$0x3FB6]  }
0x3d: {  	_ =	shalt  }
0x3e: {  	_ =	shalt  }
0x3f: {  	_ =	shalt  }
0x40: {  	_ =	shalt  }
0x41: {  	_ =	shalt  }
0x42: {  	_ =	shalt  }
0x43: {  	_ =	shalt  }
0x44: {  	_ =	shalt  }
0x45: {  	_ =	shalt  }
0x46: {  	_ =	shalt  }
0x47: {  	_ =	shalt  }
0x48: {  	_ =	shalt  }
0x49: {  	_ =	shalt  }
0x4a: {  	_ =	shalt  }
0x4b: {  	_ =	shalt  }
0x4c: {  	_ =	shalt  }
0x4d: {  	_ =	shalt  }
0x4e: {  	_ =	shalt  }
0x4f: {  	_ =	shalt  }
0x50: {  	_ =	shalt  }
0x51: {  	_ =	shalt  }
0x52: {  	_ =	shalt  }
0x53: {  	_ =	shalt  }
0x54: {  	_ =	shalt  }
0x55: {  	_ =	shalt  }
0x56: {  	_ =	shalt  }
0x57: {  	_ =	shalt  }
0x58: {  	_ =	shalt  }
0x59: {  	_ =	shalt  }
0x5a: {  	_ =	shalt  }
0x5b: {  	_ =	shalt  }
0x5c: {  	_ =	shalt  }
0x5d: {  	_ =	shalt  }
0x5e: {  	_ =	shalt  }
0x5f: {  	_ =	shalt  }
0x60: {  	_ =	shalt  }
0x61: {  	_ =	shalt  }
0x62: {  	_ =	shalt  }
0x63: {  	_ =	shalt  }
0x64: {  	_ =	shalt  }
0x65: {  	_ =	shalt  }
0x66: {  	_ =	shalt  }
0x67: {  	_ =	shalt  }
0x68: {  	_ =	shalt  }
0x69: {  	_ =	shalt  }
0x6a: {  	_ =	shalt  }
0x6b: {  	_ =	shalt  }
0x6c: {  	_ =	shalt  }
0x6d: {  	_ =	shalt  }
0x6e: {  	_ =	shalt  }
0x6f: {  	_ =	shalt  }
0x70: {  	_ =	shalt  }
0x71: {  	_ =	shalt  }
0x72: {  	_ =	shalt  }
0x73: {  	_ =	shalt  }
0x74: {  	_ =	shalt  }
0x75: {  	_ =	shalt  }
0x76: {  	_ =	shalt  }
0x77: {  	_ =	shalt  }
0x78: {  	_ =	shalt  }
0x79: {  	_ =	shalt  }
0x7a: {  	_ =	shalt  }
0x7b: {  	_ =	shalt  }
0x7c: {  	_ =	shalt  }
0x7d: {  	_ =	shalt  }
0x7e: {  	_ =	shalt  }
0x7f: {  	_ =	shalt  }
0x80: {  	_ =	shalt  }
0x81: {  	_ =	shalt  }
0x82: {  	_ =	shalt  }
0x83: {  	_ =	shalt  }
0x84: {  	_ =	shalt  }
0x85: {  	_ =	shalt  }
0x86: {  	_ =	shalt  }
0x87: {  	_ =	shalt  }
.Lfunc_end0:
.L_simem_size_0:
called_computation.1_lowered:
.L_overlay_start_0:
0x88: {  	s2 =	sld [smem:$0x3FD9]  }
0x89: {  	s3 =	sld [smem:$0x3FFE];
	_ =	sdelay $0x1  }
0x8a: {  	s1 =	srdreg.scid  }
0x8b: {  	s0 =	sand.u32 $0x1, s1  }
0x8c: {  	s17 =	sshll.u32 s0, $0xA;
	s2 =	sadd.s32 s3, s2  }
0x8d: {  	s2 =	sadd.s32 s2, s17  }
0x8e: {  	[smem:$0x3FC2] =	sst s2  }
0x8f: {  	_ = 	snop  }
0x90: {  	s2 =	sld [smem:$0x3FD0];
	(tm) =	ssettm $0x1  }
0x91: {  	s18 =	sld [smem:$0x3FFB];
	_ =	sdelay $0x3  }
0x92: {  	_ =	strace s18  }
0x93: {  	s3 =	sld [smem:$0x3FFC];
	_ =	sdelay $0x3  }
0x94: {  	_ =	strace s3  }
0x95: {  	s3 =	sld [smem:$0x3FFD];
	_ =	sdelay $0x3  }
0x96: {  	_ =	strace s3  }
0x97: {  	_ =	strace $0x8FFFFFFF  }
0x98: {  	s19 =	sld [smem:$0x3FDB];
	_ =	sdelay $0x1  }
0x99: {  	s4 =	simm.s32 $_scs_section_size  }
0x9a: {  	s5 =	simm.s32 $_size__tile_overlayer_lowered;
	s6 =	simm.s32 $_tile_overlayer_lowered  }
0x9b: {  	s22 =	simm.s32 $0x1BFF;
	s21 =	sshll.u32 s6, $0x1;
	s3 =	sadd.s32 s4, s19  }
0x9c: {  	s7 =	simm.s32 $0x0;
	s20 =	sshll.u32 s5, $0x1;
	s5 =	sadd.s32 s21, s3  }
0x9d: {  	[timem:s7], [sflag:s22] =	dma.local [hbm:s5], s20  }
0x9e: {  	_ =	swait.ge [sflag:s22], s20  }
0x9f: {  	s4 =	ssub.s32 $0x0, s20;
	[sflag:s22] =	ssyncset.done $0x0  }
0xa0: {  	[sflag:s22] =	ssyncadd.s32 s4;
	_ =	sdelay $0x1  }
0xa1: {  	s23 =	simm.s32 $0x1B8B  }
0xa2: {  	_ =	swait.ge [sflag:s23], $0x1  }
0xa3: {  	[sflag:s23] =	ssyncset.done $0x0  }
0xa4: {  	s25 =	simm.s32 $0x1B8E;
	s24 =	sld [smem:$0x3FFE];
	[sflag:s23] =	ssyncadd.s32 $0xFFFFFFFF  }
0xa5: {  	s26 =	simm.s32 $execute0_lowered;
	[smem:$0x3FD2] =	sst s25  }
0xa6: {  	s5 =	sshll.u32 s26, $0x1;
	_ =	strace $0x80000049;
	[dreg:$0x1] =	wrdreg $0xFFFFFFFF  }
0xa7: {  	s28 =	simm.s32 $_size_execute0_lowered;
	s3 =	sadd.s32 s3, s5;
	[dreg:$0x0] =	wrdreg $0x0  }
0xa8: {  	s5 =	sshll.u32 s28, $0x1;
	[dreg:$0x2] =	wrdreg s3  }
0xa9: {  	[dreg:$0x3] =	wrdreg s5  }
0xaa: {  	[dreg:$0x4] =	wrdreg $0xC0  }
0xab: {  	_ =	task [dreg:s7], $0x5FFFF  }
0xac: {  	[dreg:$0x1] =	wrdreg $0xFFFFFFFF  }
0xad: {  	[dreg:$0x0] =	wrdreg $0x60  }
0xae: {  	[dreg:$0x2] =	wrdreg s24  }
0xaf: {  	[dreg:$0x3] =	wrdreg s2  }
0xb0: {  	[dreg:$0x4] =	wrdreg $0x9  }
0xb1: {  	_ =	task.clear_ibuf [dreg:s7], $0x5FFFF;
	_ =	strace $0x90000049  }
0xb2: {  	s29 =	simm.s32 $0x9;
	_ =	strace $0x8000004B  }
0xb3: {  	_ =	swait.ge [sflag:s29], $0x1  }
0xb4: {  	[sflag:s29] =	ssyncadd.s32 $0xFFFFFFFF  }
0xb5: {  	_ =	strace $0x9000004B  }
0xb6: {  	_ =	sfence  }
0xb7: {  	s30 =	sld [smem:$0x0];
	_ =	sdelay $0x2  }
0xb8: {  	s31 =	sshll.u32 s1, $0xD;
	s1 =	sshrl.u32 s1, $0x2  }
0xb9: {  	s3 =	sand.u32 $0x4000, s31;
	s1 =	sadd.s32 s1, s30  }
0xba: {  	s0 =	sor.u32 s3, s0;
	s1 =	sshll.u32 s1, $0x11  }
0xbb: {  	s0 =	sor.u32 s1, s0  }
0xbc: {  	s0 =	sadd.s32 $0x8F2B, s0  }
0xbd: {  	[sflag:s0] =	ssyncadd.remote.s32 $0x1  }
0xbe: {  	_ =	sfence.sel $0xFFFF  }
0xbf: {  	[dreg:$0x0] =	wrdreg $0xFFFFFFFF;
	(pc) =	sbr.abs _section_cstart, $3  }
0xc0: {  	[dreg:$0x1] =	wrdreg $0xFFFFFFFF  }
0xc1: {  	_ =	task.clear_ibuf [dreg:s7], $0x2FFFF;
	_ =	strace $0x9FFFFFFF  }
0xc2: {  	(tm) =	ssettm $0x7FFFFFFF  }
0xc3: {  	_ =	shalt  }
tec
execute0_lowered:
.L_overlay_start_1:
0x0: {  	(tag) =	ssettag $0x1  }
0x1: {  	s3 =	rddreg [dreg:$0x0]  }
0x2: {  	s6 =	rddreg [dreg:$0x1];
	s2 =	srdreg.scid  }
0x3: {  	s0 =	rddreg [dreg:$0x2];
	s1 =	stileid.u32  }
0x4: {  	s10 =	simm.s32 $0x1;
	s11 =	simm.s32 $0x200;
	s12 =	simm.s32 $0x600  }
0x5: {  	s13 =	simm.s32 $0x400;
	s4 =	sand.u32 $0x1, s2;
	s2 =	simm.s32 $0x0  }
0x6: {  	s5 =	sshll.u32 s1, $0xA;
	s7 =	sshll.u32 s4, $0x9;
	s4 =	ssub.s32 $0x2, s4  }
0x7: {  	[smem:$0x7FF] =	sst s2;
	s5 =	sor.u32 s7, s5;
	s8 =	sshrl.u32 s4, $0x1  }
0x8: {  	_ =	strace $0x8000004A;
	s7 =	sshrl.u32 s5, $0x2;
	s8 =	ssub.s32 s4, s8  }
0x9: {  	s9 =	sshrl.u32 s5, $0x3;
	s7 =	sadd.s32 s7, s3;
	s3 =	sadd.s32 $0x800, s3  }
0xa: {  	s6 =	sadd.s32 s6, s9;
	s9 =	simm.s32 $0x100;
	s4 =	sadd.s32 $0xA00, s7  }
0xb: {  	s5 =	sadd.s32 $0xA10, s7;
	s7 =	smax.u32 s8, $0x1;
	s8 =	simm.s32 $0x80  }
.LBB2_1:
0xc: {  	[tilespmem:s2], [sflag:$0x1] =	stream.strided.gather [hbm4b:s4+s8], $0x200, s9, s8, $0x38;
	[tilespmem:$0x680] =	vst v63  }
0xd: {  	_ =	swait.ge [sflag:s10], $0x200  }
0xe: {  	[sflag:s10] =	ssyncset.done $0x0  }
0xf: {  	[sflag:s10] =	ssyncadd.s32 $0xFFFFFE00  }
0x10: {  	[tilespmem:s11], [sflag:$0x1] =	stream.strided.gather [hbm4b:s5+s8], $0x200, s9, s8, $0x38;
	[tilespmem:$0x680] =	vst v63  }
0x11: {  	_ =	swait.ge [sflag:s10], $0x200  }
0x12: {  	[sflag:s10] =	ssyncset.done $0x0  }
0x13: {  	[sflag:s10] =	ssyncadd.s32 $0xFFFFFE00  }
0x14: {  	[tilespmem:s12], [sflag:$0x1] =	stream.linear.gather [hbm4b:s3+s2], $0x80, $0x38;
	[tilespmem:$0x680] =	vst v63  }
0x15: {  	_ =	swait.ge [sflag:s10], $0x80  }
0x16: {  	[sflag:s10] =	ssyncset.done $0x0  }
0x17: {  	[sflag:s10] =	ssyncadd.s32 $0xFFFFFF80  }
0x18: {  	v0 =	vld [tilespmem:$0x600]  }
0x19: {  	v1 =	vld [tilespmem:$0x0]  }
0x1a: {  	v2 =	vld [tilespmem:$0x200]  }
0x1b: {  	v3 =	vld [tilespmem:$0x10]  }
0x1c: {  	v4 =	vld [tilespmem:$0x210]  }
0x1d: {  	v5 =	vld [tilespmem:$0x20]  }
0x1e: {  	v6 =	vld [tilespmem:$0x220]  }
0x1f: {  	v7 =	vld [tilespmem:$0x30]  }
0x20: {  	v8 =	vld [tilespmem:$0x230]  }
0x21: {  	v9 =	vld [tilespmem:$0x40]  }
0x22: {  	v10 =	vld [tilespmem:$0x240]  }
0x23: {  	v11 =	vld [tilespmem:$0x50]  }
0x24: {  	v12 =	vld [tilespmem:$0x250]  }
0x25: {  	v13 =	vld [tilespmem:$0x60]  }
0x26: {  	v14 =	vld [tilespmem:$0x260]  }
0x27: {  	v15 =	vld [tilespmem:$0x70]  }
0x28: {  	v16 =	vld [tilespmem:$0x270]  }
0x29: {  	v17 =	vld [tilespmem:$0x80]  }
0x2a: {  	v18 =	vld [tilespmem:$0x280]  }
0x2b: {  	v19 =	vld [tilespmem:$0x90]  }
0x2c: {  	v20 =	vld [tilespmem:$0x290]  }
0x2d: {  	v21 =	vld [tilespmem:$0xA0]  }
0x2e: {  	v22 =	vld [tilespmem:$0x2A0]  }
0x2f: {  	v23 =	vld [tilespmem:$0xB0]  }
0x30: {  	v24 =	vld [tilespmem:$0x2B0]  }
0x31: {  	v25 =	vld [tilespmem:$0xC0]  }
0x32: {  	v26 =	vld [tilespmem:$0x2C0]  }
0x33: {  	v27 =	vld [tilespmem:$0xD0]  }
0x34: {  	v28 =	vld [tilespmem:$0x2D0]  }
0x35: {  	v29 =	vld [tilespmem:$0xE0]  }
0x36: {  	v30 =	vld [tilespmem:$0x2E0]  }
0x37: {  	v31 =	vld [tilespmem:$0xF0]  }
0x38: {  	v32 =	vld [tilespmem:$0x2F0]  }
0x39: {  	v33 =	vld [tilespmem:$0x100]  }
0x3a: {  	v34 =	vld [tilespmem:$0x300]  }
0x3b: {  	v35 =	vld [tilespmem:$0x110]  }
0x3c: {  	v36 =	vld [tilespmem:$0x310]  }
0x3d: {  	v37 =	vld [tilespmem:$0x120]  }
0x3e: {  	v45 =	vld [tilespmem:$0x360];
	v1 =	vadd.f32 v2, v1;
	v3 =	vadd.f32 v4, v3  }
0x3f: {  	v48 =	vld [tilespmem:$0x170];
	v5 =	vadd.f32 v6, v5;
	v7 =	vadd.f32 v8, v7  }
0x40: {  	v51 =	vld [tilespmem:$0x370];
	v62 =	vadd.f32 v10, v9;
	v1 =	vadd.f32 v1, v0  }
0x41: {  	v54 =	vld [tilespmem:$0x180];
	v38 =	vadd.f32 v12, v11;
	v3 =	vadd.f32 v3, v0  }
0x42: {  	v57 =	vld [tilespmem:$0x380];
	v40 =	vadd.f32 v14, v13;
	v61 =	vadd.f32 v5, v0;
	[tilespmem:$0x400] =	vst v1  }
0x43: {  	v60 =	vld [tilespmem:$0x190];
	v42 =	vadd.f32 v16, v15;
	v63 =	vadd.f32 v7, v0;
	[tilespmem:$0x410] =	vst v3  }
0x44: {  	v2 =	vld [tilespmem:$0x320];
	v44 =	vadd.f32 v18, v17;
	v39 =	vadd.f32 v62, v0;
	[tilespmem:$0x420] =	vst v61  }
0x45: {  	v4 =	vld [tilespmem:$0x130];
	v47 =	vadd.f32 v20, v19;
	v41 =	vadd.f32 v38, v0;
	[tilespmem:$0x430] =	vst v63  }
0x46: {  	v6 =	vld [tilespmem:$0x330];
	v50 =	vadd.f32 v22, v21;
	v43 =	vadd.f32 v40, v0;
	[tilespmem:$0x440] =	vst v39  }
0x47: {  	v8 =	vld [tilespmem:$0x140];
	v53 =	vadd.f32 v24, v23;
	v46 =	vadd.f32 v42, v0;
	[tilespmem:$0x450] =	vst v41  }
0x48: {  	v9 =	vld [tilespmem:$0x340];
	v56 =	vadd.f32 v26, v25;
	v49 =	vadd.f32 v44, v0;
	[tilespmem:$0x460] =	vst v43  }
0x49: {  	v10 =	vld [tilespmem:$0x150];
	v59 =	vadd.f32 v28, v27;
	v52 =	vadd.f32 v47, v0;
	[tilespmem:$0x470] =	vst v46  }
0x4a: {  	v11 =	vld [tilespmem:$0x350];
	v25 =	vadd.f32 v32, v31;
	v55 =	vadd.f32 v50, v0;
	[tilespmem:$0x480] =	vst v49  }
0x4b: {  	v12 =	vld [tilespmem:$0x160];
	v28 =	vadd.f32 v34, v33;
	v58 =	vadd.f32 v53, v0;
	[tilespmem:$0x490] =	vst v52  }
0x4c: {  	v26 =	vld [tilespmem:$0x1A0];
	v31 =	vadd.f32 v36, v35;
	v24 =	vadd.f32 v59, v0;
	[tilespmem:$0x4A0] =	vst v55  }
0x4d: {  	v32 =	vld [tilespmem:$0x1B0];
	v62 =	vadd.f32 v30, v29;
	v30 =	vadd.f32 v25, v0;
	[tilespmem:$0x4B0] =	vst v58  }
0x4e: {  	v34 =	vld [tilespmem:$0x3B0];
	v33 =	vadd.f32 v28, v0;
	[tilespmem:$0x4D0] =	vst v24  }
0x4f: {  	v36 =	vld [tilespmem:$0x1C0];
	v35 =	vadd.f32 v31, v0;
	[tilespmem:$0x4F0] =	vst v30  }
0x50: {  	v29 =	vld [tilespmem:$0x3A0];
	v47 =	vadd.f32 v51, v48;
	v61 =	vadd.f32 v56, v0;
	[tilespmem:$0x500] =	vst v33  }
0x51: {  	v42 =	vld [tilespmem:$0x1D0];
	v50 =	vadd.f32 v57, v54;
	v27 =	vadd.f32 v62, v0;
	[tilespmem:$0x510] =	vst v35  }
0x52: {  	v48 =	vld [tilespmem:$0x1E0];
	v52 =	vadd.f32 v47, v0;
	v2 =	vadd.f32 v2, v37;
	[tilespmem:$0x4C0] =	vst v61  }
0x53: {  	v51 =	vld [tilespmem:$0x3E0];
	v55 =	vadd.f32 v50, v0;
	v4 =	vadd.f32 v6, v4;
	[tilespmem:$0x4E0] =	vst v27  }
0x54: {  	v54 =	vld [tilespmem:$0x1F0];
	v38 =	vadd.f32 v9, v8;
	[tilespmem:$0x570] =	vst v52;
	v37 =	vadd.f32 v2, v0  }
0x55: {  	v63 =	vld [tilespmem:$0x390];
	v41 =	vadd.f32 v11, v10;
	[tilespmem:$0x580] =	vst v55;
	v40 =	vadd.f32 v4, v0  }
0x56: {  	v39 =	vld [tilespmem:$0x3C0];
	v44 =	vadd.f32 v45, v12;
	v43 =	vadd.f32 v38, v0;
	[tilespmem:$0x520] =	vst v37  }
0x57: {  	v45 =	vld [tilespmem:$0x3D0];
	v58 =	vadd.f32 v34, v32;
	v46 =	vadd.f32 v41, v0;
	[tilespmem:$0x530] =	vst v40  }
0x58: {  	v57 =	vld [tilespmem:$0x3F0];
	v49 =	vadd.f32 v44, v0;
	v56 =	vadd.f32 v29, v26;
	[tilespmem:$0x540] =	vst v43  }
0x59: {  	v3 =	vadd.f32 v58, v0;
	v61 =	vadd.f32 v51, v48;
	[tilespmem:$0x550] =	vst v46  }
0x5a: {  	v53 =	vadd.f32 v63, v60;
	[tilespmem:$0x560] =	vst v49;
	v2 =	vadd.f32 v56, v0  }
0x5b: {  	v59 =	vadd.f32 v39, v36;
	[tilespmem:$0x5B0] =	vst v3;
	v63 =	vadd.f32 v61, v0  }
0x5c: {  	v60 =	vadd.f32 v45, v42;
	v4 =	vadd.f32 v53, v0;
	[tilespmem:$0x5A0] =	vst v2  }
0x5d: {  	v62 =	vadd.f32 v57, v54;
	v1 =	vadd.f32 v59, v0;
	[tilespmem:$0x5E0] =	vst v63  }
0x5e: {  	[tilespmem:$0x590] =	vst v4;
	v4 =	vadd.f32 v60, v0  }
0x5f: {  	[tilespmem:$0x5C0] =	vst v1;
	v0 =	vadd.f32 v62, v0  }
0x60: {  	p0 =	sne.s32 s7, $0x1;
	[tilespmem:$0x5D0] =	vst v4  }
.Ltmp0:
0x61: {  	[tilespmem:$0x5F0] =	vst v0;
	(pc) =	sbr.rel @p0 .LBB2_1-.Ltmp0, $4  }
0x62: {  	[hbm4b:s6+s2] =	stream.linear.scatter [tilespmem:s13], [sflag:$0x1], $0x200, $0x38;
	[tilespmem:$0x680] =	vst v63  }
0x63: {  	_ =	swait.ge [sflag:s10], $0x200  }
0x64: {  	[sflag:s10] =	ssyncset.done $0x0  }
0x65: {  	s7 =	sadd.s32 $0xFFFFFFFF, s7;
	[sflag:s10] =	ssyncadd.s32 $0xFFFFFE00  }
0x66: {  	_ =	sfence.sel $0x180000  }
0x67: {  	[bflag:$0x0] =	sbarrier.arrive $0xFFFF  }
0x68: {  	p0 =	sne.s32 s1, $0x0;
	_ =	strace $0x9000004A  }
0x69: {  	s0 =	sadd.s32 @!p0 $0x100000, s0;
	[bflag:$0x2] =	sbarrier.arrive $0xFFFF  }
0x6a: {  	[sflag:s0] =	ssyncadd.tile.s32 @!p0 $0x1;
	_ =	shalt  }
.Lfunc_end2:
_tile_overlayer_lowered:
.L_overlay_start_2:
0x6b: {  	(tag) =	ssettag $0x2  }
0x6c: {  	s0 =	rddreg [dreg:$0x0];
	s2 =	stileid.u32  }
0x6d: {  	s1 =	rddreg [dreg:$0x1];
	p0 =	sne.s32 s2, $0x0  }
0x6e: {  	s3 =	rddreg [dreg:$0x2];
	[bflag:$0x3] =	sbarrier.arrive $0xFFFF;
	s2 =	simm.s32 @!p0 $0x1C01  }
0x6f: {  	[timem:s3], [sflag:s2] =	dma.local @!p0 [hbm:s0], s1  }
0x70: {  	s0 =	simm.s32 @!p0 $0x1  }
0x71: {  	_ =	swait.ge @!p0 [sflag:s0], s1  }
0x72: {  	s1 =	ssub.s32 @!p0 $0x0, s1;
	[sflag:s0] =	ssyncset.done @!p0 $0x0  }
0x73: {  	[sflag:s0] =	ssyncadd.s32 @!p0 s1  }
0x74: {  	[bflag:$0x3] =	sbarrier.arrive $0xFFFF  }
0x75: {  	_ =	shalt  }

</sc_bundles>
